<compile_context>
chip_gen: v7x
topology: tpu7x:2x2x1
jax: 0.10.2.dev20260603
libtpu: 0.0.44.dev20260713+nightly
codegen_flags: <defaults>
</compile_context>

<pallas_src>
import functools

import jax
import jax.numpy as jnp
from jax import lax
from jax.experimental import pallas as pl
from jax.experimental.pallas import tpu as pltpu
from jax.experimental.pallas import tpu_sc as plsc

N_NODES = 10000
N_EDGES = 320000
D = 128

NC = 2
NS = 16
L = 16
NW = NC * NS
E_PER_W = N_EDGES // NW
CHUNK = 128
N_FULL = E_PER_W // CHUNK
TAIL_E = E_PER_W - N_FULL * CHUNK
DW_CHUNKS = 39
DW_HALF = DW_CHUNKS * CHUNK
DW_REST = E_PER_W - DW_HALF
ROWS_PER_TILE = 624
TAIL_ROWS = N_NODES - ROWS_PER_TILE * NS


def _weight_mul(dwloc, lbase, rows_p, didx_p, n_groups):
    def group_body(g, _):
        off = pl.multiple_of(lbase + g * L, 8)
        dw = dwloc[pl.ds(off, L)]
        didx_p[pl.ds(g * L, L)] = dw & jnp.int32(0xFFFF)
        wv = plsc.bitcast(dw & jnp.int32(-65536), jnp.float32)
        for i in range(L):
            ws = jnp.full((L,), wv[i], jnp.float32)
            e = g * L + i
            for j in range(D // L):
                sl = pl.ds(j * L, L)
                rows_p[e, sl] = rows_p[e, sl] * ws
        return 0
    lax.fori_loop(0, n_groups, group_body, 0)


def _spmm_body(x_hbm, src_hbm, dw_hbm, out_hbm,
               sloc, dwloc, rows0, rows1, trows, didx0, didx1, dtail,
               acc, rsem, gsem0, gsem1, ssem0, ssem1):
    cid = lax.axis_index("c")
    sid = lax.axis_index("s")
    wid = cid * NS + sid
    base_e = wid * E_PER_W

    esl = pl.ds(base_e, E_PER_W)
    dsl = pl.ds(base_e, DW_HALF)
    pltpu.make_async_copy(src_hbm.at[esl], sloc, rsem).start()
    pltpu.make_async_copy(dw_hbm.at[dsl], dwloc.at[pl.ds(0, DW_HALF)], rsem).start()

    def zero_row(i, _):
        for j in range(D // L):
            rows0[i, pl.ds(j * L, L)] = jnp.zeros((L,), jnp.float32)
        return 0
    lax.fori_loop(0, CHUNK, zero_row, 0)
    slab0 = sid * ROWS_PER_TILE

    def zero_copy(k, _):
        off = pl.multiple_of(slab0 + k * CHUNK, 8)
        pltpu.sync_copy(rows0, acc.at[pl.ds(off, CHUNK)])
        return 0
    n_zfull = ROWS_PER_TILE // CHUNK
    z_tail = ROWS_PER_TILE - n_zfull * CHUNK
    lax.fori_loop(0, n_zfull, zero_copy, 0)
    pltpu.sync_copy(rows0.at[pl.ds(0, z_tail)],
                    acc.at[pl.ds(slab0 + n_zfull * CHUNK, z_tail)])

    @pl.when(sid == NS - 1)
    def _zero_tail():
        pltpu.sync_copy(rows0.at[pl.ds(0, TAIL_ROWS)],
                        acc.at[pl.ds(NS * ROWS_PER_TILE, TAIL_ROWS)])
    plsc.subcore_barrier()

    def src_idx(c):
        return sloc.at[pl.ds(pl.multiple_of(c * CHUNK, 8), CHUNK)]

    def gather(c, rows, gsem):
        return pltpu.make_async_copy(x_hbm.at[src_idx(c)], rows, gsem)

    def scatter_start(rows, didx, ssem):
        pltpu.async_copy(rows, acc.at[didx], ssem, add=True)

    def scatter_wait(rows, didx, ssem):
        pltpu.make_async_copy(rows, acc.at[didx], ssem).wait()

    pltpu.make_async_copy(src_hbm.at[esl], sloc, rsem).wait()
    pltpu.make_async_copy(dw_hbm.at[dsl], dwloc.at[pl.ds(0, DW_HALF)], rsem).wait()
    gather(0, rows0, gsem0).start()

    def pipe_body(k, _):
        c0 = 2 * k
        c1 = 2 * k + 1
        gather(c0, rows0, gsem0).wait()

        @pl.when(k >= 1)
        def _():
            scatter_wait(rows1, didx1, ssem1)
        gather(c1, rows1, gsem1).start()
        lb0 = jnp.where(k >= (DW_CHUNKS + 1) // 2, c0 - DW_CHUNKS, c0) * CHUNK
        _weight_mul(dwloc, lb0, rows0, didx0, CHUNK // L)
        scatter_start(rows0, didx0, ssem0)

        @pl.when(k == DW_CHUNKS // 2)
        def _():
            pltpu.sync_copy(dw_hbm.at[pl.ds(base_e + DW_HALF, DW_REST)],
                            dwloc.at[pl.ds(0, DW_REST)])

        gather(c1, rows1, gsem1).wait()
        scatter_wait(rows0, didx0, ssem0)

        @pl.when(k <= N_FULL // 2 - 2)
        def _():
            gather(c1 + 1, rows0, gsem0).start()
        lb1 = jnp.where(k >= DW_CHUNKS // 2, c1 - DW_CHUNKS, c1) * CHUNK
        _weight_mul(dwloc, lb1, rows1, didx1, CHUNK // L)
        scatter_start(rows1, didx1, ssem1)
        return 0

    lax.fori_loop(0, N_FULL // 2, pipe_body, 0)

    pltpu.async_copy(x_hbm.at[sloc.at[pl.ds(N_FULL * CHUNK, TAIL_E)]],
                     trows, gsem0)
    pltpu.make_async_copy(x_hbm.at[sloc.at[pl.ds(N_FULL * CHUNK, TAIL_E)]],
                          trows, gsem0).wait()
    _weight_mul(dwloc, N_FULL * CHUNK - DW_HALF, trows, dtail, TAIL_E // L)
    pltpu.async_copy(trows, acc.at[dtail], ssem0, add=True)
    scatter_wait(rows1, didx1, ssem1)
    pltpu.make_async_copy(trows, acc.at[dtail], ssem0).wait()
    plsc.subcore_barrier()

    sl = pl.ds(slab0, ROWS_PER_TILE)
    pltpu.sync_copy(acc.at[sl], out_hbm.at[cid, sl])

    @pl.when(sid == NS - 1)
    def _flush_tail():
        tl = pl.ds(NS * ROWS_PER_TILE, TAIL_ROWS)
        pltpu.sync_copy(acc.at[tl], out_hbm.at[cid, tl])


_spmm = functools.partial(
    pl.kernel,
    out_type=jax.ShapeDtypeStruct((NC, N_NODES, D), jnp.float32),
    mesh=plsc.VectorSubcoreMesh(core_axis_name="c", subcore_axis_name="s"),
    compiler_params=pltpu.CompilerParams(needs_layout_passes=False),
    scratch_types=[
        pltpu.VMEM((E_PER_W,), jnp.int32),
        pltpu.VMEM((DW_REST,), jnp.int32),
        pltpu.VMEM((CHUNK, D), jnp.float32),
        pltpu.VMEM((CHUNK, D), jnp.float32),
        pltpu.VMEM((TAIL_E, D), jnp.float32),
        pltpu.VMEM((CHUNK,), jnp.int32),
        pltpu.VMEM((CHUNK,), jnp.int32),
        pltpu.VMEM((TAIL_E,), jnp.int32),
        pltpu.VMEM_SHARED((N_NODES, D), jnp.float32),
        pltpu.SemaphoreType.DMA,
        pltpu.SemaphoreType.DMA,
        pltpu.SemaphoreType.DMA,
        pltpu.SemaphoreType.DMA,
        pltpu.SemaphoreType.DMA,
    ],
)(_spmm_body)


def _mm_body(p_ref, w_ref, b_ref, o_ref):
    s = p_ref[0] + p_ref[1]
    o_ref[...] = (
        jnp.dot(s, w_ref[...], preferred_element_type=jnp.float32)
        + b_ref[...]
    )


M_BLK = 1000


def _fused_matmul(partials, W, b):
    return pl.pallas_call(
        _mm_body,
        grid=(N_NODES // M_BLK,),
        in_specs=[
            pl.BlockSpec((NC, M_BLK, D), lambda i: (0, i, 0)),
            pl.BlockSpec((D, D), lambda i: (0, 0)),
            pl.BlockSpec((1, D), lambda i: (0, 0)),
        ],
        out_specs=pl.BlockSpec((M_BLK, D), lambda i: (i, 0)),
        out_shape=jax.ShapeDtypeStruct((N_NODES, D), jnp.float32),
    )(partials, W, b.reshape(1, D))


def kernel(x, edge_index, edge_weight, W, b):
    ei = edge_index.astype(jnp.int32)
    wbits = lax.bitcast_convert_type(
        edge_weight.astype(jnp.bfloat16), jnp.uint16).astype(jnp.int32)
    dw = (wbits << 16) | ei[0]
    partials = _spmm(x, ei[1], dw)
    return _fused_matmul(partials, W, b)

# --- scband reference (transcript-rebuilt; emitter-appended) ---
"""Pipeline reference for scband-gcnconv-21818433863981 (READ-ONLY COPY).

The authoritative reference and input builder live on the scoring server;
editing this copy changes nothing except your own understanding.
"""

import jax, jax.numpy as jnp
import numpy as np

N_NODES = 10000
N_EDGES = 320000
D_IN = 128
D_OUT = 128

def setup_inputs(seed: int = 0) -> dict:
    key = jax.random.key(seed)
    k1, k2, k3, k4 = jax.random.split(key, 4)
    x = jax.random.normal(k1, (N_NODES, D_IN), dtype=jnp.float32)
    edge_index = jax.random.randint(k2, (2, N_EDGES), 0, N_NODES, dtype=jnp.int64)
    edge_weight = jax.random.uniform(k3, (N_EDGES,), dtype=jnp.float32)
    # Glorot-initialized weight, zero bias (matches reset_parameters)
    limit = np.sqrt(6.0 / (D_IN + D_OUT))
    W = jax.random.uniform(k4, (D_IN, D_OUT), dtype=jnp.float32, minval=-limit, maxval=limit)
    b = jnp.zeros((D_OUT,), dtype=jnp.float32)
    return {"x": x, "edge_index": edge_index, "edge_weight": edge_weight, "W": W, "b": b}

def reference(x, edge_index, edge_weight, W, b):
    # x = torch.matmul(x, self.weight)
    h = jnp.matmul(x, W)
    # x = torch.spmm(adj, x): adj is sparse [N, N] with values edge_weight at
    # (edge_index[0]=dst row, edge_index[1]=src col) -> out[dst] += w * h[src]
    dst = edge_index[0]
    src = edge_index[1]
    msg = edge_weight[:, None] * jnp.take(h, src, axis=0)
    out = jnp.zeros((x.shape[0], h.shape[1]), dtype=h.dtype).at[dst].add(msg)
    # + bias
    return out + b

if __name__ == "__main__":
    import jax
    _d = setup_inputs()
    print(jax.jit(kernel)(*tuple(_d.values())))

</pallas_src>

<mosaic_0001>
#map = affine_map<(d0, d1) -> (0, 0)>
#map1 = affine_map<(d0, d1) -> (0)>
#map2 = affine_map<(d0, d1) -> (0, 0, 0)>
module attributes {stable_mosaic.version = 14 : i64} {
  func.func @_spmm_body(%arg0: i32, %arg1: i32, %arg2: memref<10000x128xf32, #tpu.memory_space<hbm>>, %arg3: memref<320000xi32, #tpu.memory_space<hbm>>, %arg4: memref<320000xi32, #tpu.memory_space<hbm>>, %arg5: memref<2x10000x128xf32, #tpu.memory_space<hbm>>, %arg6: memref<10000xi32, #tpu.memory_space<vmem>>, %arg7: memref<5008xi32, #tpu.memory_space<vmem>>, %arg8: memref<128x128xf32, #tpu.memory_space<vmem>>, %arg9: memref<128x128xf32, #tpu.memory_space<vmem>>, %arg10: memref<16x128xf32, #tpu.memory_space<vmem>>, %arg11: memref<128xi32, #tpu.memory_space<vmem>>, %arg12: memref<128xi32, #tpu.memory_space<vmem>>, %arg13: memref<16xi32, #tpu.memory_space<vmem>>, %arg14: memref<10000x128xf32, #tpu.memory_space<vmem_shared>>, %arg15: memref<!tpu.dma_semaphore, #tpu.memory_space<semaphore_mem>>, %arg16: memref<!tpu.dma_semaphore, #tpu.memory_space<semaphore_mem>>, %arg17: memref<!tpu.dma_semaphore, #tpu.memory_space<semaphore_mem>>, %arg18: memref<!tpu.dma_semaphore, #tpu.memory_space<semaphore_mem>>, %arg19: memref<!tpu.dma_semaphore, #tpu.memory_space<semaphore_mem>>) attributes {dimension_semantics = [#tpu.dimension_semantics<core_parallel>, #tpu.dimension_semantics<subcore_parallel>], iteration_bounds = array<i64: 2, 16>, scalar_prefetch = 0 : i64, scratch_operands = 14 : i64, tpu.core_type = #tpu.core_type<sc_vector_subcore>, window_params = [{transform_indices = #map}, {transform_indices = #map1}, {transform_indices = #map1}, {transform_indices = #map2}]} {
    %mul3A = arith.constant 16 : i32
    %mul3A_0 = arith.muli %arg0, %mul3A : i32
    %add3A = arith.addi %mul3A_0, %arg1 : i32
    %mul3A_1 = arith.constant 10000 : i32
    %mul3A_2 = arith.muli %add3A, %mul3A_1 : i32
    %dma_start3A = tpu.memref_slice %arg3[%mul3A_2] : memref<320000xi32, #tpu.memory_space<hbm>> -> memref<10000xi32, #tpu.memory_space<hbm>>
    %dma_start3A_3 = tpu.memref_slice %arg3[%mul3A_2] : memref<320000xi32, #tpu.memory_space<hbm>> -> memref<10000xi32, #tpu.memory_space<hbm>>
    tpu.enqueue_dma source(%dma_start3A_3 : memref<10000xi32, #tpu.memory_space<hbm>>) target(%arg6 : memref<10000xi32, #tpu.memory_space<vmem>>) target_semaphore(%arg15 : memref<!tpu.dma_semaphore, #tpu.memory_space<semaphore_mem>>)
    %dma_start3A_4 = arith.constant 0 : i32
    %dma_start3A_5 = tpu.memref_slice %arg7[%dma_start3A_4] : memref<5008xi32, #tpu.memory_space<vmem>> -> memref<4992xi32, #tpu.memory_space<vmem>>
    %dma_start3A_6 = tpu.memref_slice %arg4[%mul3A_2] : memref<320000xi32, #tpu.memory_space<hbm>> -> memref<4992xi32, #tpu.memory_space<hbm>>
    %dma_start3A_7 = arith.constant 0 : i32
    %dma_start3A_8 = tpu.memref_slice %arg7[%dma_start3A_7] : memref<5008xi32, #tpu.memory_space<vmem>> -> memref<4992xi32, #tpu.memory_space<vmem>>
    %dma_start3A_9 = tpu.memref_slice %arg4[%mul3A_2] : memref<320000xi32, #tpu.memory_space<hbm>> -> memref<4992xi32, #tpu.memory_space<hbm>>
    tpu.enqueue_dma source(%dma_start3A_9 : memref<4992xi32, #tpu.memory_space<hbm>>) target(%dma_start3A_8 : memref<4992xi32, #tpu.memory_space<vmem>>) target_semaphore(%arg15 : memref<!tpu.dma_semaphore, #tpu.memory_space<semaphore_mem>>)
    %scan3A = arith.constant 0 : i32
    %scan3A_10 = arith.constant 0 : i32
    %scan3A_11 = arith.constant 128 : i32
    %scan3A_12 = arith.addi %scan3A_10, %scan3A_11 : i32
    %scan3A_13 = arith.constant 1 : i32
    %scan3A_14 = scf.for %scan3A_1096 = %scan3A_10 to %scan3A_12 step %scan3A_13 iter_args(%scan3A_1097 = %scan3A) -> (i32)  : i32 {
      %broadcast_in_dim3A_1098 = arith.constant 0.000000e+00 : f32
      %broadcast_in_dim3A_1099 = vector.broadcast %broadcast_in_dim3A_1098 : f32 to vector<16xf32>
      %swap3A_1100 = arith.index_cast %scan3A_1096 : i32 to index
      %swap3A_1101 = arith.constant 0 : index
      %swap3A_1102 = tpu.vector_load %arg8[%swap3A_1100, %swap3A_1101] {strides = array<i32>} : memref<128x128xf32, #tpu.memory_space<vmem>>, vector<16xf32>,
      tpu.vector_store %arg8[%swap3A_1100, %swap3A_1101], %broadcast_in_dim3A_1099 {strides = array<i32>} : memref<128x128xf32, #tpu.memory_space<vmem>>, vector<16xf32>,
      %broadcast_in_dim3A_1103 = arith.constant 0.000000e+00 : f32
      %broadcast_in_dim3A_1104 = vector.broadcast %broadcast_in_dim3A_1103 : f32 to vector<16xf32>
      %swap3A_1105 = arith.index_cast %scan3A_1096 : i32 to index
      %swap3A_1106 = arith.constant 16 : index
      %swap3A_1107 = tpu.vector_load %arg8[%swap3A_1105, %swap3A_1106] {strides = array<i32>} : memref<128x128xf32, #tpu.memory_space<vmem>>, vector<16xf32>,
      tpu.vector_store %arg8[%swap3A_1105, %swap3A_1106], %broadcast_in_dim3A_1104 {strides = array<i32>} : memref<128x128xf32, #tpu.memory_space<vmem>>, vector<16xf32>,
      %broadcast_in_dim3A_1108 = arith.constant 0.000000e+00 : f32
      %broadcast_in_dim3A_1109 = vector.broadcast %broadcast_in_dim3A_1108 : f32 to vector<16xf32>
      %swap3A_1110 = arith.index_cast %scan3A_1096 : i32 to index
      %swap3A_1111 = arith.constant 32 : index
      %swap3A_1112 = tpu.vector_load %arg8[%swap3A_1110, %swap3A_1111] {strides = array<i32>} : memref<128x128xf32, #tpu.memory_space<vmem>>, vector<16xf32>,
      tpu.vector_store %arg8[%swap3A_1110, %swap3A_1111], %broadcast_in_dim3A_1109 {strides = array<i32>} : memref<128x128xf32, #tpu.memory_space<vmem>>, vector<16xf32>,
      %broadcast_in_dim3A_1113 = arith.constant 0.000000e+00 : f32
      %broadcast_in_dim3A_1114 = vector.broadcast %broadcast_in_dim3A_1113 : f32 to vector<16xf32>
      %swap3A_1115 = arith.index_cast %scan3A_1096 : i32 to index
      %swap3A_1116 = arith.constant 48 : index
      %swap3A_1117 = tpu.vector_load %arg8[%swap3A_1115, %swap3A_1116] {strides = array<i32>} : memref<128x128xf32, #tpu.memory_space<vmem>>, vector<16xf32>,
      tpu.vector_store %arg8[%swap3A_1115, %swap3A_1116], %broadcast_in_dim3A_1114 {strides = array<i32>} : memref<128x128xf32, #tpu.memory_space<vmem>>, vector<16xf32>,
      %broadcast_in_dim3A_1118 = arith.constant 0.000000e+00 : f32
      %broadcast_in_dim3A_1119 = vector.broadcast %broadcast_in_dim3A_1118 : f32 to vector<16xf32>
      %swap3A_1120 = arith.index_cast %scan3A_1096 : i32 to index
      %swap3A_1121 = arith.constant 64 : index
      %swap3A_1122 = tpu.vector_load %arg8[%swap3A_1120, %swap3A_1121] {strides = array<i32>} : memref<128x128xf32, #tpu.memory_space<vmem>>, vector<16xf32>,
      tpu.vector_store %arg8[%swap3A_1120, %swap3A_1121], %broadcast_in_dim3A_1119 {strides = array<i32>} : memref<128x128xf32, #tpu.memory_space<vmem>>, vector<16xf32>,
      %broadcast_in_dim3A_1123 = arith.constant 0.000000e+00 : f32
      %broadcast_in_dim3A_1124 = vector.broadcast %broadcast_in_dim3A_1123 : f32 to vector<16xf32>
      %swap3A_1125 = arith.index_cast %scan3A_1096 : i32 to index
      %swap3A_1126 = arith.constant 80 : index
      %swap3A_1127 = tpu.vector_load %arg8[%swap3A_1125, %swap3A_1126] {strides = array<i32>} : memref<128x128xf32, #tpu.memory_space<vmem>>, vector<16xf32>,
      tpu.vector_store %arg8[%swap3A_1125, %swap3A_1126], %broadcast_in_dim3A_1124 {strides = array<i32>} : memref<128x128xf32, #tpu.memory_space<vmem>>, vector<16xf32>,
      %broadcast_in_dim3A_1128 = arith.constant 0.000000e+00 : f32
      %broadcast_in_dim3A_1129 = vector.broadcast %broadcast_in_dim3A_1128 : f32 to vector<16xf32>
      %swap3A_1130 = arith.index_cast %scan3A_1096 : i32 to index
      %swap3A_1131 = arith.constant 96 : index
      %swap3A_1132 = tpu.vector_load %arg8[%swap3A_1130, %swap3A_1131] {strides = array<i32>} : memref<128x128xf32, #tpu.memory_space<vmem>>, vector<16xf32>,
      tpu.vector_store %arg8[%swap3A_1130, %swap3A_1131], %broadcast_in_dim3A_1129 {strides = array<i32>} : memref<128x128xf32, #tpu.memory_space<vmem>>, vector<16xf32>,
      %broadcast_in_dim3A_1133 = arith.constant 0.000000e+00 : f32
      %broadcast_in_dim3A_1134 = vector.broadcast %broadcast_in_dim3A_1133 : f32 to vector<16xf32>
      %swap3A_1135 = arith.index_cast %scan3A_1096 : i32 to index
      %swap3A_1136 = arith.constant 112 : index
      %swap3A_1137 = tpu.vector_load %arg8[%swap3A_1135, %swap3A_1136] {strides = array<i32>} : memref<128x128xf32, #tpu.memory_space<vmem>>, vector<16xf32>,
      tpu.vector_store %arg8[%swap3A_1135, %swap3A_1136], %broadcast_in_dim3A_1134 {strides = array<i32>} : memref<128x128xf32, #tpu.memory_space<vmem>>, vector<16xf32>,
      %scan3A_1138 = arith.constant 0 : i32
      scf.yield %scan3A_1138 : i32
    }
    %scan3A_15 = arith.constant 128 : i32
    %mul3A_16 = arith.constant 624 : i32
    %mul3A_17 = arith.muli %arg1, %mul3A_16 : i32
    %scan3A_18 = arith.constant 0 : i32
    %scan3A_19 = arith.constant 0 : i32
    %scan3A_20 = arith.constant 4 : i32
    %scan3A_21 = arith.addi %scan3A_19, %scan3A_20 : i32
    %scan3A_22 = arith.constant 1 : i32
    %scan3A_23 = scf.for %scan3A_1096 = %scan3A_19 to %scan3A_21 step %scan3A_22 iter_args(%scan3A_1097 = %scan3A_18) -> (i32)  : i32 {
      %mul3A_1098 = arith.constant 128 : i32
      %mul3A_1099 = arith.muli %scan3A_1096, %mul3A_1098 : i32
      %add3A_1100 = arith.addi %mul3A_17, %mul3A_1099 : i32
      %multiple_of3A_1101 = tpu.assume_multiple %add3A_1100, 8 : i32
      "tpu.region"() ({
        %run_scoped3A = tpu.sem_alloc : memref<!tpu.dma_semaphore, #tpu.memory_space<semaphore_mem>>
        %dma_start3A_1103 = arith.constant 0 : i32
        %dma_start3A_1104 = tpu.memref_slice %arg14[%multiple_of3A_1101, %dma_start3A_1103] : memref<10000x128xf32, #tpu.memory_space<vmem_shared>> -> memref<128x128xf32, #tpu.memory_space<vmem_shared>>
        %dma_start3A_1105 = arith.constant 0 : i32
        %dma_start3A_1106 = tpu.memref_slice %arg14[%multiple_of3A_1101, %dma_start3A_1105] : memref<10000x128xf32, #tpu.memory_space<vmem_shared>> -> memref<128x128xf32, #tpu.memory_space<vmem_shared>>
        tpu.enqueue_dma source(%arg8 : memref<128x128xf32, #tpu.memory_space<vmem>>) target(%dma_start3A_1106 : memref<128x128xf32, #tpu.memory_space<vmem_shared>>) target_semaphore(%run_scoped3A : memref<!tpu.dma_semaphore, #tpu.memory_space<semaphore_mem>>)
        %dma_wait3A_1107 = arith.constant 0 : i32
        %dma_wait3A_1108 = tpu.memref_slice %arg14[%multiple_of3A_1101, %dma_wait3A_1107] : memref<10000x128xf32, #tpu.memory_space<vmem_shared>> -> memref<128x128xf32, #tpu.memory_space<vmem_shared>>
        %dma_wait3A_1109 = arith.constant 0 : i32
        %dma_wait3A_1110 = tpu.memref_slice %arg14[%multiple_of3A_1101, %dma_wait3A_1109] : memref<10000x128xf32, #tpu.memory_space<vmem_shared>> -> memref<128x128xf32, #tpu.memory_space<vmem_shared>>
        tpu.wait_dma2 semaphore(%run_scoped3A : memref<!tpu.dma_semaphore, #tpu.memory_space<semaphore_mem>>) src(%arg8 : memref<128x128xf32, #tpu.memory_space<vmem>>) dst(%dma_wait3A_1110 : memref<128x128xf32, #tpu.memory_space<vmem_shared>>)
        tpu.yield
      }) : () -> ()
      %scan3A_1102 = arith.constant 0 : i32
      scf.yield %scan3A_1102 : i32
    }
    %scan3A_24 = arith.constant 4 : i32
    %add3A_25 = arith.constant 512 : i32
    %add3A_26 = arith.addi %mul3A_17, %add3A_25 : i32
    "tpu.region"() ({
      %run_scoped3A = tpu.sem_alloc : memref<!tpu.dma_semaphore, #tpu.memory_space<semaphore_mem>>
      %dma_start3A_1096 = arith.constant 0 : i32
      %dma_start3A_1097 = arith.constant 0 : i32
      %dma_start3A_1098 = tpu.memref_slice %arg8[%dma_start3A_1096, %dma_start3A_1097] : memref<128x128xf32, #tpu.memory_space<vmem>> -> memref<112x128xf32, #tpu.memory_space<vmem>>
      %dma_start3A_1099 = arith.constant 0 : i32
      %dma_start3A_1100 = tpu.memref_slice %arg14[%add3A_26, %dma_start3A_1099] : memref<10000x128xf32, #tpu.memory_space<vmem_shared>> -> memref<112x128xf32, #tpu.memory_space<vmem_shared>>
      %dma_start3A_1101 = arith.constant 0 : i32
      %dma_start3A_1102 = tpu.memref_slice %arg14[%add3A_26, %dma_start3A_1101] : memref<10000x128xf32, #tpu.memory_space<vmem_shared>> -> memref<112x128xf32, #tpu.memory_space<vmem_shared>>
      %dma_start3A_1103 = arith.constant 0 : i32
      %dma_start3A_1104 = arith.constant 0 : i32
      %dma_start3A_1105 = tpu.memref_slice %arg8[%dma_start3A_1103, %dma_start3A_1104] : memref<128x128xf32, #tpu.memory_space<vmem>> -> memref<112x128xf32, #tpu.memory_space<vmem>>
      tpu.enqueue_dma source(%dma_start3A_1105 : memref<112x128xf32, #tpu.memory_space<vmem>>) target(%dma_start3A_1102 : memref<112x128xf32, #tpu.memory_space<vmem_shared>>) target_semaphore(%run_scoped3A : memref<!tpu.dma_semaphore, #tpu.memory_space<semaphore_mem>>)
      %dma_wait3A_1106 = arith.constant 0 : i32
      %dma_wait3A_1107 = arith.constant 0 : i32
      %dma_wait3A_1108 = tpu.memref_slice %arg8[%dma_wait3A_1106, %dma_wait3A_1107] : memref<128x128xf32, #tpu.memory_space<vmem>> -> memref<112x128xf32, #tpu.memory_space<vmem>>
      %dma_wait3A_1109 = arith.constant 0 : i32
      %dma_wait3A_1110 = tpu.memref_slice %arg14[%add3A_26, %dma_wait3A_1109] : memref<10000x128xf32, #tpu.memory_space<vmem_shared>> -> memref<112x128xf32, #tpu.memory_space<vmem_shared>>
      %dma_wait3A_1111 = arith.constant 0 : i32
      %dma_wait3A_1112 = tpu.memref_slice %arg14[%add3A_26, %dma_wait3A_1111] : memref<10000x128xf32, #tpu.memory_space<vmem_shared>> -> memref<112x128xf32, #tpu.memory_space<vmem_shared>>
      %dma_wait3A_1113 = arith.constant 0 : i32
      %dma_wait3A_1114 = arith.constant 0 : i32
      %dma_wait3A_1115 = tpu.memref_slice %arg8[%dma_wait3A_1113, %dma_wait3A_1114] : memref<128x128xf32, #tpu.memory_space<vmem>> -> memref<112x128xf32, #tpu.memory_space<vmem>>
      tpu.wait_dma2 semaphore(%run_scoped3A : memref<!tpu.dma_semaphore, #tpu.memory_space<semaphore_mem>>) src(%dma_wait3A_1115 : memref<112x128xf32, #tpu.memory_space<vmem>>) dst(%dma_wait3A_1112 : memref<112x128xf32, #tpu.memory_space<vmem_shared>>)
      tpu.yield
    }) : () -> ()
    %eq3A = arith.constant 15 : i32
    %eq3A_27 = arith.cmpi eq, %arg1, %eq3A : i32
    %convert_element_type3A = arith.extui %eq3A_27 : i1 to i32
    %cond3A = arith.constant 0 : i32
    %cond3A_28 = arith.cmpi ne, %convert_element_type3A, %cond3A : i32
    scf.if %cond3A_28 {
      "tpu.region"() ({
        %run_scoped3A = tpu.sem_alloc : memref<!tpu.dma_semaphore, #tpu.memory_space<semaphore_mem>>
        %dma_start3A_1096 = arith.constant 0 : i32
        %dma_start3A_1097 = arith.constant 0 : i32
        %dma_start3A_1098 = tpu.memref_slice %arg8[%dma_start3A_1096, %dma_start3A_1097] : memref<128x128xf32, #tpu.memory_space<vmem>> -> memref<16x128xf32, #tpu.memory_space<vmem>>
        %dma_start3A_1099 = arith.constant 9984 : i32
        %dma_start3A_1100 = arith.constant 0 : i32
        %dma_start3A_1101 = tpu.memref_slice %arg14[%dma_start3A_1099, %dma_start3A_1100] : memref<10000x128xf32, #tpu.memory_space<vmem_shared>> -> memref<16x128xf32, #tpu.memory_space<vmem_shared>>
        %dma_start3A_1102 = arith.constant 9984 : i32
        %dma_start3A_1103 = arith.constant 0 : i32
        %dma_start3A_1104 = tpu.memref_slice %arg14[%dma_start3A_1102, %dma_start3A_1103] : memref<10000x128xf32, #tpu.memory_space<vmem_shared>> -> memref<16x128xf32, #tpu.memory_space<vmem_shared>>
        %dma_start3A_1105 = arith.constant 0 : i32
        %dma_start3A_1106 = arith.constant 0 : i32
        %dma_start3A_1107 = tpu.memref_slice %arg8[%dma_start3A_1105, %dma_start3A_1106] : memref<128x128xf32, #tpu.memory_space<vmem>> -> memref<16x128xf32, #tpu.memory_space<vmem>>
        tpu.enqueue_dma source(%dma_start3A_1107 : memref<16x128xf32, #tpu.memory_space<vmem>>) target(%dma_start3A_1104 : memref<16x128xf32, #tpu.memory_space<vmem_shared>>) target_semaphore(%run_scoped3A : memref<!tpu.dma_semaphore, #tpu.memory_space<semaphore_mem>>)
        %dma_wait3A_1108 = arith.constant 0 : i32
        %dma_wait3A_1109 = arith.constant 0 : i32
        %dma_wait3A_1110 = tpu.memref_slice %arg8[%dma_wait3A_1108, %dma_wait3A_1109] : memref<128x128xf32, #tpu.memory_space<vmem>> -> memref<16x128xf32, #tpu.memory_space<vmem>>
        %dma_wait3A_1111 = arith.constant 9984 : i32
        %dma_wait3A_1112 = arith.constant 0 : i32
        %dma_wait3A_1113 = tpu.memref_slice %arg14[%dma_wait3A_1111, %dma_wait3A_1112] : memref<10000x128xf32, #tpu.memory_space<vmem_shared>> -> memref<16x128xf32, #tpu.memory_space<vmem_shared>>
        %dma_wait3A_1114 = arith.constant 9984 : i32
        %dma_wait3A_1115 = arith.constant 0 : i32
        %dma_wait3A_1116 = tpu.memref_slice %arg14[%dma_wait3A_1114, %dma_wait3A_1115] : memref<10000x128xf32, #tpu.memory_space<vmem_shared>> -> memref<16x128xf32, #tpu.memory_space<vmem_shared>>
        %dma_wait3A_1117 = arith.constant 0 : i32
        %dma_wait3A_1118 = arith.constant 0 : i32
        %dma_wait3A_1119 = tpu.memref_slice %arg8[%dma_wait3A_1117, %dma_wait3A_1118] : memref<128x128xf32, #tpu.memory_space<vmem>> -> memref<16x128xf32, #tpu.memory_space<vmem>>
        tpu.wait_dma2 semaphore(%run_scoped3A : memref<!tpu.dma_semaphore, #tpu.memory_space<semaphore_mem>>) src(%dma_wait3A_1119 : memref<16x128xf32, #tpu.memory_space<vmem>>) dst(%dma_wait3A_1116 : memref<16x128xf32, #tpu.memory_space<vmem_shared>>)
        tpu.yield
      }) : () -> ()
    } else {
    }
    %barrier3A = arith.constant 0 : index
    tpu.barrier barrier_id(%barrier3A)
    %dma_wait3A = tpu.memref_slice %arg3[%mul3A_2] : memref<320000xi32, #tpu.memory_space<hbm>> -> memref<10000xi32, #tpu.memory_space<hbm>>
    %dma_wait3A_29 = tpu.memref_slice %arg3[%mul3A_2] : memref<320000xi32, #tpu.memory_space<hbm>> -> memref<10000xi32, #tpu.memory_space<hbm>>
    tpu.wait_dma2 semaphore(%arg15 : memref<!tpu.dma_semaphore, #tpu.memory_space<semaphore_mem>>) src(%dma_wait3A_29 : memref<10000xi32, #tpu.memory_space<hbm>>) dst(%arg6 : memref<10000xi32, #tpu.memory_space<vmem>>)
    %dma_wait3A_30 = arith.constant 0 : i32
    %dma_wait3A_31 = tpu.memref_slice %arg7[%dma_wait3A_30] : memref<5008xi32, #tpu.memory_space<vmem>> -> memref<4992xi32, #tpu.memory_space<vmem>>
    %dma_wait3A_32 = tpu.memref_slice %arg4[%mul3A_2] : memref<320000xi32, #tpu.memory_space<hbm>> -> memref<4992xi32, #tpu.memory_space<hbm>>
    %dma_wait3A_33 = arith.constant 0 : i32
    %dma_wait3A_34 = tpu.memref_slice %arg7[%dma_wait3A_33] : memref<5008xi32, #tpu.memory_space<vmem>> -> memref<4992xi32, #tpu.memory_space<vmem>>
    %dma_wait3A_35 = tpu.memref_slice %arg4[%mul3A_2] : memref<320000xi32, #tpu.memory_space<hbm>> -> memref<4992xi32, #tpu.memory_space<hbm>>
    tpu.wait_dma2 semaphore(%arg15 : memref<!tpu.dma_semaphore, #tpu.memory_space<semaphore_mem>>) src(%dma_wait3A_35 : memref<4992xi32, #tpu.memory_space<hbm>>) dst(%dma_wait3A_34 : memref<4992xi32, #tpu.memory_space<vmem>>)
    %multiple_of3A = arith.constant 0 : i32
    %multiple_of3A_36 = tpu.assume_multiple %multiple_of3A, 8 : i32
    %dma_start3A_37 = tpu.memref_slice %arg6[%multiple_of3A_36] : memref<10000xi32, #tpu.memory_space<vmem>> -> memref<128xi32, #tpu.memory_space<vmem>>
    %dma_start3A_38 = arith.constant 0 : i32
    %dma_start3A_39 = arith.constant 0 : i32
    %dma_start3A_40 = tpu.memref_slice %arg2[%dma_start3A_38, %dma_start3A_39] : memref<10000x128xf32, #tpu.memory_space<hbm>> -> memref<10000x128xf32, #tpu.memory_space<hbm>>
    tpu.enqueue_indirect_dma source(%dma_start3A_40 : memref<10000x128xf32, #tpu.memory_space<hbm>>) target(%arg8 : memref<128x128xf32, #tpu.memory_space<vmem>>) offsets(%dma_start3A_37 : memref<128xi32, #tpu.memory_space<vmem>>) semaphore(%arg16 : memref<!tpu.dma_semaphore, #tpu.memory_space<semaphore_mem>>)
    %scan3A_41 = arith.constant 0 : i32
    %scan3A_42 = arith.constant 0 : i32
    %scan3A_43 = arith.constant 39 : i32
    %scan3A_44 = arith.addi %scan3A_42, %scan3A_43 : i32
    %scan3A_45 = arith.constant 1 : i32
    %scan3A_46 = scf.for %scan3A_1096 = %scan3A_42 to %scan3A_44 step %scan3A_45 iter_args(%scan3A_1097 = %scan3A_41) -> (i32)  : i32 {
      %mul3A_1098 = arith.constant 2 : i32
      %mul3A_1099 = arith.muli %mul3A_1098, %scan3A_1096 : i32
      %mul3A_1100 = arith.constant 2 : i32
      %mul3A_1101 = arith.muli %mul3A_1100, %scan3A_1096 : i32
      %add3A_1102 = arith.constant 1 : i32
      %add3A_1103 = arith.addi %mul3A_1101, %add3A_1102 : i32
      %mul3A_1104 = arith.constant 128 : i32
      %mul3A_1105 = arith.muli %mul3A_1099, %mul3A_1104 : i32
      %multiple_of3A_1106 = tpu.assume_multiple %mul3A_1105, 8 : i32
      %dma_wait3A_1107 = tpu.memref_slice %arg6[%multiple_of3A_1106] : memref<10000xi32, #tpu.memory_space<vmem>> -> memref<128xi32, #tpu.memory_space<vmem>>
      %dma_wait3A_1108 = arith.constant 0 : i32
      %dma_wait3A_1109 = arith.constant 0 : i32
      %dma_wait3A_1110 = tpu.memref_slice %arg2[%dma_wait3A_1108, %dma_wait3A_1109] : memref<10000x128xf32, #tpu.memory_space<hbm>> -> memref<10000x128xf32, #tpu.memory_space<hbm>>
      tpu.wait_indirect_dma semaphore(%arg16 : memref<!tpu.dma_semaphore, #tpu.memory_space<semaphore_mem>>) src(%dma_wait3A_1110 : memref<10000x128xf32, #tpu.memory_space<hbm>>) dst(%arg8 : memref<128x128xf32, #tpu.memory_space<vmem>>)
      %ge3A = arith.constant 1 : i32
      %ge3A_1111 = arith.cmpi sge, %scan3A_1096, %ge3A : i32
      %convert_element_type3A_1112 = arith.extui %ge3A_1111 : i1 to i32
      %cond3A_1113 = arith.constant 0 : i32
      %cond3A_1114 = arith.cmpi ne, %convert_element_type3A_1112, %cond3A_1113 : i32
      scf.if %cond3A_1114 {
        %dma_wait3A_1174 = arith.constant 0 : i32
        %dma_wait3A_1175 = arith.constant 0 : i32
        %dma_wait3A_1176 = tpu.memref_slice %arg14[%dma_wait3A_1174, %dma_wait3A_1175] : memref<10000x128xf32, #tpu.memory_space<vmem_shared>> -> memref<10000x128xf32, #tpu.memory_space<vmem_shared>>
        tpu.wait_indirect_dma semaphore(%arg19 : memref<!tpu.dma_semaphore, #tpu.memory_space<semaphore_mem>>) src(%arg9 : memref<128x128xf32, #tpu.memory_space<vmem>>) dst(%dma_wait3A_1176 : memref<10000x128xf32, #tpu.memory_space<vmem_shared>>)
      } else {
      }
      %mul3A_1115 = arith.constant 128 : i32
      %mul3A_1116 = arith.muli %add3A_1103, %mul3A_1115 : i32
      %multiple_of3A_1117 = tpu.assume_multiple %mul3A_1116, 8 : i32
      %dma_start3A_1118 = tpu.memref_slice %arg6[%multiple_of3A_1117] : memref<10000xi32, #tpu.memory_space<vmem>> -> memref<128xi32, #tpu.memory_space<vmem>>
      %dma_start3A_1119 = arith.constant 0 : i32
      %dma_start3A_1120 = arith.constant 0 : i32
      %dma_start3A_1121 = tpu.memref_slice %arg2[%dma_start3A_1119, %dma_start3A_1120] : memref<10000x128xf32, #tpu.memory_space<hbm>> -> memref<10000x128xf32, #tpu.memory_space<hbm>>
      tpu.enqueue_indirect_dma source(%dma_start3A_1121 : memref<10000x128xf32, #tpu.memory_space<hbm>>) target(%arg9 : memref<128x128xf32, #tpu.memory_space<vmem>>) offsets(%dma_start3A_1118 : memref<128xi32, #tpu.memory_space<vmem>>) semaphore(%arg17 : memref<!tpu.dma_semaphore, #tpu.memory_space<semaphore_mem>>)
      %ge3A_1122 = arith.constant 20 : i32
      %ge3A_1123 = arith.cmpi sge, %scan3A_1096, %ge3A_1122 : i32
      %sub3A = arith.constant 39 : i32
      %sub3A_1124 = arith.subi %mul3A_1099, %sub3A : i32
      %select_n3A = arith.select %ge3A_1123, %sub3A_1124, %mul3A_1099 : i32
      %mul3A_1125 = arith.constant 128 : i32
      %mul3A_1126 = arith.muli %select_n3A, %mul3A_1125 : i32
      %scan3A_1127 = arith.constant 0 : i32
      %scan3A_1128 = arith.constant 0 : i32
      %scan3A_1129 = arith.constant 8 : i32
      %scan3A_1130 = arith.addi %scan3A_1128, %scan3A_1129 : i32
      %scan3A_1131 = arith.constant 1 : i32
      %scan3A_1132 = scf.for %scan3A_1174 = %scan3A_1128 to %scan3A_1130 step %scan3A_1131 iter_args(%scan3A_1175 = %scan3A_1127) -> (i32)  : i32 {
        %mul3A_1176 = arith.constant 16 : i32
        %mul3A_1177 = arith.muli %scan3A_1174, %mul3A_1176 : i32
        %add3A_1178 = arith.addi %mul3A_1126, %mul3A_1177 : i32
        %multiple_of3A_1179 = tpu.assume_multiple %add3A_1178, 8 : i32
        %get3A_1180 = arith.index_cast %multiple_of3A_1179 : i32 to index
        %get3A_1181 = tpu.vector_load %arg7[%get3A_1180] {strides = array<i32>} : memref<5008xi32, #tpu.memory_space<vmem>>, vector<16xi32>,
        %and3A_1182 = arith.constant 65535 : i32
        %and3A_1183 = vector.broadcast %and3A_1182 : i32 to vector<16xi32>
        %and3A_1184 = arith.andi %get3A_1181, %and3A_1183 : vector<16xi32>
        %mul3A_1185 = arith.constant 16 : i32
        %mul3A_1186 = arith.muli %scan3A_1174, %mul3A_1185 : i32
        %swap3A_1187 = arith.index_cast %mul3A_1186 : i32 to index
        %swap3A_1188 = tpu.vector_load %arg11[%swap3A_1187] {strides = array<i32>} : memref<128xi32, #tpu.memory_space<vmem>>, vector<16xi32>,
        tpu.vector_store %arg11[%swap3A_1187], %and3A_1184 {strides = array<i32>} : memref<128xi32, #tpu.memory_space<vmem>>, vector<16xi32>,
        %and3A_1189 = arith.constant -65536 : i32
        %and3A_1190 = vector.broadcast %and3A_1189 : i32 to vector<16xi32>
        %and3A_1191 = arith.andi %get3A_1181, %and3A_1190 : vector<16xi32>
        %bitcast3A_1192 = vector.bitcast %and3A_1191 : vector<16xi32> to vector<16xf32>
        %slice3A_1193 = vector.extract_strided_slice %bitcast3A_1192 {offsets = [0], sizes = [1], strides = [1]} : vector<16xf32> to vector<1xf32>
        %squeeze3A_1194 = vector.extract %slice3A_1193[0] : f32 from vector<1xf32>
        %broadcast_in_dim3A_1195 = vector.broadcast %squeeze3A_1194 : f32 to vector<16xf32>
        %mul3A_1196 = arith.constant 16 : i32
        %mul3A_1197 = arith.muli %scan3A_1174, %mul3A_1196 : i32
        %add3A_1198 = arith.constant 0 : i32
        %add3A_1199 = arith.addi %mul3A_1197, %add3A_1198 : i32
        %get3A_1200 = arith.index_cast %add3A_1199 : i32 to index
        %get3A_1201 = arith.constant 0 : index
        %get3A_1202 = tpu.vector_load %arg8[%get3A_1200, %get3A_1201] {strides = array<i32>} : memref<128x128xf32, #tpu.memory_space<vmem>>, vector<16xf32>,
        %mul3A_1203 = arith.mulf %get3A_1202, %broadcast_in_dim3A_1195 : vector<16xf32>
        %swap3A_1204 = arith.index_cast %add3A_1199 : i32 to index
        %swap3A_1205 = arith.constant 0 : index
        %swap3A_1206 = tpu.vector_load %arg8[%swap3A_1204, %swap3A_1205] {strides = array<i32>} : memref<128x128xf32, #tpu.memory_space<vmem>>, vector<16xf32>,
        tpu.vector_store %arg8[%swap3A_1204, %swap3A_1205], %mul3A_1203 {strides = array<i32>} : memref<128x128xf32, #tpu.memory_space<vmem>>, vector<16xf32>,
        %get3A_1207 = arith.index_cast %add3A_1199 : i32 to index
        %get3A_1208 = arith.constant 16 : index
        %get3A_1209 = tpu.vector_load %arg8[%get3A_1207, %get3A_1208] {strides = array<i32>} : memref<128x128xf32, #tpu.memory_space<vmem>>, vector<16xf32>,
        %mul3A_1210 = arith.mulf %get3A_1209, %broadcast_in_dim3A_1195 : vector<16xf32>
        %swap3A_1211 = arith.index_cast %add3A_1199 : i32 to index
        %swap3A_1212 = arith.constant 16 : index
        %swap3A_1213 = tpu.vector_load %arg8[%swap3A_1211, %swap3A_1212] {strides = array<i32>} : memref<128x128xf32, #tpu.memory_space<vmem>>, vector<16xf32>,
        tpu.vector_store %arg8[%swap3A_1211, %swap3A_1212], %mul3A_1210 {strides = array<i32>} : memref<128x128xf32, #tpu.memory_space<vmem>>, vector<16xf32>,
        %get3A_1214 = arith.index_cast %add3A_1199 : i32 to index
        %get3A_1215 = arith.constant 32 : index
        %get3A_1216 = tpu.vector_load %arg8[%get3A_1214, %get3A_1215] {strides = array<i32>} : memref<128x128xf32, #tpu.memory_space<vmem>>, vector<16xf32>,
        %mul3A_1217 = arith.mulf %get3A_1216, %broadcast_in_dim3A_1195 : vector<16xf32>
        %swap3A_1218 = arith.index_cast %add3A_1199 : i32 to index
        %swap3A_1219 = arith.constant 32 : index
        %swap3A_1220 = tpu.vector_load %arg8[%swap3A_1218, %swap3A_1219] {strides = array<i32>} : memref<128x128xf32, #tpu.memory_space<vmem>>, vector<16xf32>,
        tpu.vector_store %arg8[%swap3A_1218, %swap3A_1219], %mul3A_1217 {strides = array<i32>} : memref<128x128xf32, #tpu.memory_space<vmem>>, vector<16xf32>,
        %get3A_1221 = arith.index_cast %add3A_1199 : i32 to index
        %get3A_1222 = arith.constant 48 : index
        %get3A_1223 = tpu.vector_load %arg8[%get3A_1221, %get3A_1222] {strides = array<i32>} : memref<128x128xf32, #tpu.memory_space<vmem>>, vector<16xf32>,
        %mul3A_1224 = arith.mulf %get3A_1223, %broadcast_in_dim3A_1195 : vector<16xf32>
        %swap3A_1225 = arith.index_cast %add3A_1199 : i32 to index
        %swap3A_1226 = arith.constant 48 : index
        %swap3A_1227 = tpu.vector_load %arg8[%swap3A_1225, %swap3A_1226] {strides = array<i32>} : memref<128x128xf32, #tpu.memory_space<vmem>>, vector<16xf32>,
        tpu.vector_store %arg8[%swap3A_1225, %swap3A_1226], %mul3A_1224 {strides = array<i32>} : memref<128x128xf32, #tpu.memory_space<vmem>>, vector<16xf32>,
        %get3A_1228 = arith.index_cast %add3A_1199 : i32 to index
        %get3A_1229 = arith.constant 64 : index
        %get3A_1230 = tpu.vector_load %arg8[%get3A_1228, %get3A_1229] {strides = array<i32>} : memref<128x128xf32, #tpu.memory_space<vmem>>, vector<16xf32>,
        %mul3A_1231 = arith.mulf %get3A_1230, %broadcast_in_dim3A_1195 : vector<16xf32>
        %swap3A_1232 = arith.index_cast %add3A_1199 : i32 to index
        %swap3A_1233 = arith.constant 64 : index
        %swap3A_1234 = tpu.vector_load %arg8[%swap3A_1232, %swap3A_1233] {strides = array<i32>} : memref<128x128xf32, #tpu.memory_space<vmem>>, vector<16xf32>,
        tpu.vector_store %arg8[%swap3A_1232, %swap3A_1233], %mul3A_1231 {strides = array<i32>} : memref<128x128xf32, #tpu.memory_space<vmem>>, vector<16xf32>,
        %get3A_1235 = arith.index_cast %add3A_1199 : i32 to index
        %get3A_1236 = arith.constant 80 : index
        %get3A_1237 = tpu.vector_load %arg8[%get3A_1235, %get3A_1236] {strides = array<i32>} : memref<128x128xf32, #tpu.memory_space<vmem>>, vector<16xf32>,
        %mul3A_1238 = arith.mulf %get3A_1237, %broadcast_in_dim3A_1195 : vector<16xf32>
        %swap3A_1239 = arith.index_cast %add3A_1199 : i32 to index
        %swap3A_1240 = arith.constant 80 : index
        %swap3A_1241 = tpu.vector_load %arg8[%swap3A_1239, %swap3A_1240] {strides = array<i32>} : memref<128x128xf32, #tpu.memory_space<vmem>>, vector<16xf32>,
        tpu.vector_store %arg8[%swap3A_1239, %swap3A_1240], %mul3A_1238 {strides = array<i32>} : memref<128x128xf32, #tpu.memory_space<vmem>>, vector<16xf32>,
        %get3A_1242 = arith.index_cast %add3A_1199 : i32 to index
        %get3A_1243 = arith.constant 96 : index
        %get3A_1244 = tpu.vector_load %arg8[%get3A_1242, %get3A_1243] {strides = array<i32>} : memref<128x128xf32, #tpu.memory_space<vmem>>, vector<16xf32>,
        %mul3A_1245 = arith.mulf %get3A_1244, %broadcast_in_dim3A_1195 : vector<16xf32>
        %swap3A_1246 = arith.index_cast %add3A_1199 : i32 to index
        %swap3A_1247 = arith.constant 96 : index
        %swap3A_1248 = tpu.vector_load %arg8[%swap3A_1246, %swap3A_1247] {strides = array<i32>} : memref<128x128xf32, #tpu.memory_space<vmem>>, vector<16xf32>,
        tpu.vector_store %arg8[%swap3A_1246, %swap3A_1247], %mul3A_1245 {strides = array<i32>} : memref<128x128xf32, #tpu.memory_space<vmem>>, vector<16xf32>,
        %get3A_1249 = arith.index_cast %add3A_1199 : i32 to index
        %get3A_1250 = arith.constant 112 : index
        %get3A_1251 = tpu.vector_load %arg8[%get3A_1249, %get3A_1250] {strides = array<i32>} : memref<128x128xf32, #tpu.memory_space<vmem>>, vector<16xf32>,
        %mul3A_1252 = arith.mulf %get3A_1251, %broadcast_in_dim3A_1195 : vector<16xf32>
        %swap3A_1253 = arith.index_cast %add3A_1199 : i32 to index
        %swap3A_1254 = arith.constant 112 : index
        %swap3A_1255 = tpu.vector_load %arg8[%swap3A_1253, %swap3A_1254] {strides = array<i32>} : memref<128x128xf32, #tpu.memory_space<vmem>>, vector<16xf32>,
        tpu.vector_store %arg8[%swap3A_1253, %swap3A_1254], %mul3A_1252 {strides = array<i32>} : memref<128x128xf32, #tpu.memory_space<vmem>>, vector<16xf32>,
        %slice3A_1256 = vector.extract_strided_slice %bitcast3A_1192 {offsets = [1], sizes = [1], strides = [1]} : vector<16xf32> to vector<1xf32>
        %squeeze3A_1257 = vector.extract %slice3A_1256[0] : f32 from vector<1xf32>
        %broadcast_in_dim3A_1258 = vector.broadcast %squeeze3A_1257 : f32 to vector<16xf32>
        %mul3A_1259 = arith.constant 16 : i32
        %mul3A_1260 = arith.muli %scan3A_1174, %mul3A_1259 : i32
        %add3A_1261 = arith.constant 1 : i32
        %add3A_1262 = arith.addi %mul3A_1260, %add3A_1261 : i32
        %get3A_1263 = arith.index_cast %add3A_1262 : i32 to index
        %get3A_1264 = arith.constant 0 : index
        %get3A_1265 = tpu.vector_load %arg8[%get3A_1263, %get3A_1264] {strides = array<i32>} : memref<128x128xf32, #tpu.memory_space<vmem>>, vector<16xf32>,
        %mul3A_1266 = arith.mulf %get3A_1265, %broadcast_in_dim3A_1258 : vector<16xf32>
        %swap3A_1267 = arith.index_cast %add3A_1262 : i32 to index
        %swap3A_1268 = arith.constant 0 : index
        %swap3A_1269 = tpu.vector_load %arg8[%swap3A_1267, %swap3A_1268] {strides = array<i32>} : memref<128x128xf32, #tpu.memory_space<vmem>>, vector<16xf32>,
        tpu.vector_store %arg8[%swap3A_1267, %swap3A_1268], %mul3A_1266 {strides = array<i32>} : memref<128x128xf32, #tpu.memory_space<vmem>>, vector<16xf32>,
        %get3A_1270 = arith.index_cast %add3A_1262 : i32 to index
        %get3A_1271 = arith.constant 16 : index
        %get3A_1272 = tpu.vector_load %arg8[%get3A_1270, %get3A_1271] {strides = array<i32>} : memref<128x128xf32, #tpu.memory_space<vmem>>, vector<16xf32>,
        %mul3A_1273 = arith.mulf %get3A_1272, %broadcast_in_dim3A_1258 : vector<16xf32>
        %swap3A_1274 = arith.index_cast %add3A_1262 : i32 to index
        %swap3A_1275 = arith.constant 16 : index
        %swap3A_1276 = tpu.vector_load %arg8[%swap3A_1274, %swap3A_1275] {strides = array<i32>} : memref<128x128xf32, #tpu.memory_space<vmem>>, vector<16xf32>,
        tpu.vector_store %arg8[%swap3A_1274, %swap3A_1275], %mul3A_1273 {strides = array<i32>} : memref<128x128xf32, #tpu.memory_space<vmem>>, vector<16xf32>,
        %get3A_1277 = arith.index_cast %add3A_1262 : i32 to index
        %get3A_1278 = arith.constant 32 : index
        %get3A_1279 = tpu.vector_load %arg8[%get3A_1277, %get3A_1278] {strides = array<i32>} : memref<128x128xf32, #tpu.memory_space<vmem>>, vector<16xf32>,
        %mul3A_1280 = arith.mulf %get3A_1279, %broadcast_in_dim3A_1258 : vector<16xf32>
        %swap3A_1281 = arith.index_cast %add3A_1262 : i32 to index
        %swap3A_1282 = arith.constant 32 : index
        %swap3A_1283 = tpu.vector_load %arg8[%swap3A_1281, %swap3A_1282] {strides = array<i32>} : memref<128x128xf32, #tpu.memory_space<vmem>>, vector<16xf32>,
        tpu.vector_store %arg8[%swap3A_1281, %swap3A_1282], %mul3A_1280 {strides = array<i32>} : memref<128x128xf32, #tpu.memory_space<vmem>>, vector<16xf32>,
        %get3A_1284 = arith.index_cast %add3A_1262 : i32 to index
        %get3A_1285 = arith.constant 48 : index
        %get3A_1286 = tpu.vector_load %arg8[%get3A_1284, %get3A_1285] {strides = array<i32>} : memref<128x128xf32, #tpu.memory_space<vmem>>, vector<16xf32>,
        %mul3A_1287 = arith.mulf %get3A_1286, %broadcast_in_dim3A_1258 : vector<16xf32>
        %swap3A_1288 = arith.index_cast %add3A_1262 : i32 to index
        %swap3A_1289 = arith.constant 48 : index
        %swap3A_1290 = tpu.vector_load %arg8[%swap3A_1288, %swap3A_1289] {strides = array<i32>} : memref<128x128xf32, #tpu.memory_space<vmem>>, vector<16xf32>,
        tpu.vector_store %arg8[%swap3A_1288, %swap3A_1289], %mul3A_1287 {strides = array<i32>} : memref<128x128xf32, #tpu.memory_space<vmem>>, vector<16xf32>,
        %get3A_1291 = arith.index_cast %add3A_1262 : i32 to index
        %get3A_1292 = arith.constant 64 : index
        %get3A_1293 = tpu.vector_load %arg8[%get3A_1291, %get3A_1292] {strides = array<i32>} : memref<128x128xf32, #tpu.memory_space<vmem>>, vector<16xf32>,
        %mul3A_1294 = arith.mulf %get3A_1293, %broadcast_in_dim3A_1258 : vector<16xf32>
        %swap3A_1295 = arith.index_cast %add3A_1262 : i32 to index
        %swap3A_1296 = arith.constant 64 : index
        %swap3A_1297 = tpu.vector_load %arg8[%swap3A_1295, %swap3A_1296] {strides = array<i32>} : memref<128x128xf32, #tpu.memory_space<vmem>>, vector<16xf32>,
        tpu.vector_store %arg8[%swap3A_1295, %swap3A_1296], %mul3A_1294 {strides = array<i32>} : memref<128x128xf32, #tpu.memory_space<vmem>>, vector<16xf32>,
        %get3A_1298 = arith.index_cast %add3A_1262 : i32 to index
        %get3A_1299 = arith.constant 80 : index
        %get3A_1300 = tpu.vector_load %arg8[%get3A_1298, %get3A_1299] {strides = array<i32>} : memref<128x128xf32, #tpu.memory_space<vmem>>, vector<16xf32>,
        %mul3A_1301 = arith.mulf %get3A_1300, %broadcast_in_dim3A_1258 : vector<16xf32>
        %swap3A_1302 = arith.index_cast %add3A_1262 : i32 to index
        %swap3A_1303 = arith.constant 80 : index
        %swap3A_1304 = tpu.vector_load %arg8[%swap3A_1302, %swap3A_1303] {strides = array<i32>} : memref<128x128xf32, #tpu.memory_space<vmem>>, vector<16xf32>,
        tpu.vector_store %arg8[%swap3A_1302, %swap3A_1303], %mul3A_1301 {strides = array<i32>} : memref<128x128xf32, #tpu.memory_space<vmem>>, vector<16xf32>,
        %get3A_1305 = arith.index_cast %add3A_1262 : i32 to index
        %get3A_1306 = arith.constant 96 : index
        %get3A_1307 = tpu.vector_load %arg8[%get3A_1305, %get3A_1306] {strides = array<i32>} : memref<128x128xf32, #tpu.memory_space<vmem>>, vector<16xf32>,
        %mul3A_1308 = arith.mulf %get3A_1307, %broadcast_in_dim3A_1258 : vector<16xf32>
        %swap3A_1309 = arith.index_cast %add3A_1262 : i32 to index
        %swap3A_1310 = arith.constant 96 : index
        %swap3A_1311 = tpu.vector_load %arg8[%swap3A_1309, %swap3A_1310] {strides = array<i32>} : memref<128x128xf32, #tpu.memory_space<vmem>>, vector<16xf32>,
        tpu.vector_store %arg8[%swap3A_1309, %swap3A_1310], %mul3A_1308 {strides = array<i32>} : memref<128x128xf32, #tpu.memory_space<vmem>>, vector<16xf32>,
        %get3A_1312 = arith.index_cast %add3A_1262 : i32 to index
        %get3A_1313 = arith.constant 112 : index
        %get3A_1314 = tpu.vector_load %arg8[%get3A_1312, %get3A_1313] {strides = array<i32>} : memref<128x128xf32, #tpu.memory_space<vmem>>, vector<16xf32>,
        %mul3A_1315 = arith.mulf %get3A_1314, %broadcast_in_dim3A_1258 : vector<16xf32>
        %swap3A_1316 = arith.index_cast %add3A_1262 : i32 to index
        %swap3A_1317 = arith.constant 112 : index
        %swap3A_1318 = tpu.vector_load %arg8[%swap3A_1316, %swap3A_1317] {strides = array<i32>} : memref<128x128xf32, #tpu.memory_space<vmem>>, vector<16xf32>,
        tpu.vector_store %arg8[%swap3A_1316, %swap3A_1317], %mul3A_1315 {strides = array<i32>} : memref<128x128xf32, #tpu.memory_space<vmem>>, vector<16xf32>,
        %slice3A_1319 = vector.extract_strided_slice %bitcast3A_1192 {offsets = [2], sizes = [1], strides = [1]} : vector<16xf32> to vector<1xf32>
        %squeeze3A_1320 = vector.extract %slice3A_1319[0] : f32 from vector<1xf32>
        %broadcast_in_dim3A_1321 = vector.broadcast %squeeze3A_1320 : f32 to vector<16xf32>
        %mul3A_1322 = arith.constant 16 : i32
        %mul3A_1323 = arith.muli %scan3A_1174, %mul3A_1322 : i32
        %add3A_1324 = arith.constant 2 : i32
        %add3A_1325 = arith.addi %mul3A_1323, %add3A_1324 : i32
        %get3A_1326 = arith.index_cast %add3A_1325 : i32 to index
        %get3A_1327 = arith.constant 0 : index
        %get3A_1328 = tpu.vector_load %arg8[%get3A_1326, %get3A_1327] {strides = array<i32>} : memref<128x128xf32, #tpu.memory_space<vmem>>, vector<16xf32>,
        %mul3A_1329 = arith.mulf %get3A_1328, %broadcast_in_dim3A_1321 : vector<16xf32>
        %swap3A_1330 = arith.index_cast %add3A_1325 : i32 to index
        %swap3A_1331 = arith.constant 0 : index
        %swap3A_1332 = tpu.vector_load %arg8[%swap3A_1330, %swap3A_1331] {strides = array<i32>} : memref<128x128xf32, #tpu.memory_space<vmem>>, vector<16xf32>,
        tpu.vector_store %arg8[%swap3A_1330, %swap3A_1331], %mul3A_1329 {strides = array<i32>} : memref<128x128xf32, #tpu.memory_space<vmem>>, vector<16xf32>,
        %get3A_1333 = arith.index_cast %add3A_1325 : i32 to index
        %get3A_1334 = arith.constant 16 : index
        %get3A_1335 = tpu.vector_load %arg8[%get3A_1333, %get3A_1334] {strides = array<i32>} : memref<128x128xf32, #tpu.memory_space<vmem>>, vector<16xf32>,
        %mul3A_1336 = arith.mulf %get3A_1335, %broadcast_in_dim3A_1321 : vector<16xf32>
        %swap3A_1337 = arith.index_cast %add3A_1325 : i32 to index
        %swap3A_1338 = arith.constant 16 : index
        %swap3A_1339 = tpu.vector_load %arg8[%swap3A_1337, %swap3A_1338] {strides = array<i32>} : memref<128x128xf32, #tpu.memory_space<vmem>>, vector<16xf32>,
        tpu.vector_store %arg8[%swap3A_1337, %swap3A_1338], %mul3A_1336 {strides = array<i32>} : memref<128x128xf32, #tpu.memory_space<vmem>>, vector<16xf32>,
        %get3A_1340 = arith.index_cast %add3A_1325 : i32 to index
        %get3A_1341 = arith.constant 32 : index
        %get3A_1342 = tpu.vector_load %arg8[%get3A_1340, %get3A_1341] {strides = array<i32>} : memref<128x128xf32, #tpu.memory_space<vmem>>, vector<16xf32>,
        %mul3A_1343 = arith.mulf %get3A_1342, %broadcast_in_dim3A_1321 : vector<16xf32>
        %swap3A_1344 = arith.index_cast %add3A_1325 : i32 to index
        %swap3A_1345 = arith.constant 32 : index
        %swap3A_1346 = tpu.vector_load %arg8[%swap3A_1344, %swap3A_1345] {strides = array<i32>} : memref<128x128xf32, #tpu.memory_space<vmem>>, vector<16xf32>,
        tpu.vector_store %arg8[%swap3A_1344, %swap3A_1345], %mul3A_1343 {strides = array<i32>} : memref<128x128xf32, #tpu.memory_space<vmem>>, vector<16xf32>,
        %get3A_1347 = arith.index_cast %add3A_1325 : i32 to index
        %get3A_1348 = arith.constant 48 : index
        %get3A_1349 = tpu.vector_load %arg8[%get3A_1347, %get3A_1348] {strides = array<i32>} : memref<128x128xf32, #tpu.memory_space<vmem>>, vector<16xf32>,
        %mul3A_1350 = arith.mulf %get3A_1349, %broadcast_in_dim3A_1321 : vector<16xf32>
        %swap3A_1351 = arith.index_cast %add3A_1325 : i32 to index
        %swap3A_1352 = arith.constant 48 : index
        %swap3A_1353 = tpu.vector_load %arg8[%swap3A_1351, %swap3A_1352] {strides = array<i32>} : memref<128x128xf32, #tpu.memory_space<vmem>>, vector<16xf32>,
        tpu.vector_store %arg8[%swap3A_1351, %swap3A_1352], %mul3A_1350 {strides = array<i32>} : memref<128x128xf32, #tpu.memory_space<vmem>>, vector<16xf32>,
        %get3A_1354 = arith.index_cast %add3A_1325 : i32 to index
        %get3A_1355 = arith.constant 64 : index
        %get3A_1356 = tpu.vector_load %arg8[%get3A_1354, %get3A_1355] {strides = array<i32>} : memref<128x128xf32, #tpu.memory_space<vmem>>, vector<16xf32>,
        %mul3A_1357 = arith.mulf %get3A_1356, %broadcast_in_dim3A_1321 : vector<16xf32>
        %swap3A_1358 = arith.index_cast %add3A_1325 : i32 to index
        %swap3A_1359 = arith.constant 64 : index
        %swap3A_1360 = tpu.vector_load %arg8[%swap3A_1358, %swap3A_1359] {strides = array<i32>} : memref<128x128xf32, #tpu.memory_space<vmem>>, vector<16xf32>,
        tpu.vector_store %arg8[%swap3A_1358, %swap3A_1359], %mul3A_1357 {strides = array<i32>} : memref<128x128xf32, #tpu.memory_space<vmem>>, vector<16xf32>,
        %get3A_1361 = arith.index_cast %add3A_1325 : i32 to index
        %get3A_1362 = arith.constant 80 : index
        %get3A_1363 = tpu.vector_load %arg8[%get3A_1361, %get3A_1362] {strides = array<i32>} : memref<128x128xf32, #tpu.memory_space<vmem>>, vector<16xf32>,
        %mul3A_1364 = arith.mulf %get3A_1363, %broadcast_in_dim3A_1321 : vector<16xf32>
        %swap3A_1365 = arith.index_cast %add3A_1325 : i32 to index
        %swap3A_1366 = arith.constant 80 : index
        %swap3A_1367 = tpu.vector_load %arg8[%swap3A_1365, %swap3A_1366] {strides = array<i32>} : memref<128x128xf32, #tpu.memory_space<vmem>>, vector<16xf32>,
        tpu.vector_store %arg8[%swap3A_1365, %swap3A_1366], %mul3A_1364 {strides = array<i32>} : memref<128x128xf32, #tpu.memory_space<vmem>>, vector<16xf32>,
        %get3A_1368 = arith.index_cast %add3A_1325 : i32 to index
        %get3A_1369 = arith.constant 96 : index
        %get3A_1370 = tpu.vector_load %arg8[%get3A_1368, %get3A_1369] {strides = array<i32>} : memref<128x128xf32, #tpu.memory_space<vmem>>, vector<16xf32>,
        %mul3A_1371 = arith.mulf %get3A_1370, %broadcast_in_dim3A_1321 : vector<16xf32>
        %swap3A_1372 = arith.index_cast %add3A_1325 : i32 to index
        %swap3A_1373 = arith.constant 96 : index
        %swap3A_1374 = tpu.vector_load %arg8[%swap3A_1372, %swap3A_1373] {strides = array<i32>} : memref<128x128xf32, #tpu.memory_space<vmem>>, vector<16xf32>,
        tpu.vector_store %arg8[%swap3A_1372, %swap3A_1373], %mul3A_1371 {strides = array<i32>} : memref<128x128xf32, #tpu.memory_space<vmem>>, vector<16xf32>,
        %get3A_1375 = arith.index_cast %add3A_1325 : i32 to index
        %get3A_1376 = arith.constant 112 : index
        %get3A_1377 = tpu.vector_load %arg8[%get3A_1375, %get3A_1376] {strides = array<i32>} : memref<128x128xf32, #tpu.memory_space<vmem>>, vector<16xf32>,
        %mul3A_1378 = arith.mulf %get3A_1377, %broadcast_in_dim3A_1321 : vector<16xf32>
        %swap3A_1379 = arith.index_cast %add3A_1325 : i32 to index
        %swap3A_1380 = arith.constant 112 : index
        %swap3A_1381 = tpu.vector_load %arg8[%swap3A_1379, %swap3A_1380] {strides = array<i32>} : memref<128x128xf32, #tpu.memory_space<vmem>>, vector<16xf32>,
        tpu.vector_store %arg8[%swap3A_1379, %swap3A_1380], %mul3A_1378 {strides = array<i32>} : memref<128x128xf32, #tpu.memory_space<vmem>>, vector<16xf32>,
        %slice3A_1382 = vector.extract_strided_slice %bitcast3A_1192 {offsets = [3], sizes = [1], strides = [1]} : vector<16xf32> to vector<1xf32>
        %squeeze3A_1383 = vector.extract %slice3A_1382[0] : f32 from vector<1xf32>
        %broadcast_in_dim3A_1384 = vector.broadcast %squeeze3A_1383 : f32 to vector<16xf32>
        %mul3A_1385 = arith.constant 16 : i32
        %mul3A_1386 = arith.muli %scan3A_1174, %mul3A_1385 : i32
        %add3A_1387 = arith.constant 3 : i32
        %add3A_1388 = arith.addi %mul3A_1386, %add3A_1387 : i32
        %get3A_1389 = arith.index_cast %add3A_1388 : i32 to index
        %get3A_1390 = arith.constant 0 : index
        %get3A_1391 = tpu.vector_load %arg8[%get3A_1389, %get3A_1390] {strides = array<i32>} : memref<128x128xf32, #tpu.memory_space<vmem>>, vector<16xf32>,
        %mul3A_1392 = arith.mulf %get3A_1391, %broadcast_in_dim3A_1384 : vector<16xf32>
        %swap3A_1393 = arith.index_cast %add3A_1388 : i32 to index
        %swap3A_1394 = arith.constant 0 : index
        %swap3A_1395 = tpu.vector_load %arg8[%swap3A_1393, %swap3A_1394] {strides = array<i32>} : memref<128x128xf32, #tpu.memory_space<vmem>>, vector<16xf32>,
        tpu.vector_store %arg8[%swap3A_1393, %swap3A_1394], %mul3A_1392 {strides = array<i32>} : memref<128x128xf32, #tpu.memory_space<vmem>>, vector<16xf32>,
        %get3A_1396 = arith.index_cast %add3A_1388 : i32 to index
        %get3A_1397 = arith.constant 16 : index
        %get3A_1398 = tpu.vector_load %arg8[%get3A_1396, %get3A_1397] {strides = array<i32>} : memref<128x128xf32, #tpu.memory_space<vmem>>, vector<16xf32>,
        %mul3A_1399 = arith.mulf %get3A_1398, %broadcast_in_dim3A_1384 : vector<16xf32>
        %swap3A_1400 = arith.index_cast %add3A_1388 : i32 to index
        %swap3A_1401 = arith.constant 16 : index
        %swap3A_1402 = tpu.vector_load %arg8[%swap3A_1400, %swap3A_1401] {strides = array<i32>} : memref<128x128xf32, #tpu.memory_space<vmem>>, vector<16xf32>,
        tpu.vector_store %arg8[%swap3A_1400, %swap3A_1401], %mul3A_1399 {strides = array<i32>} : memref<128x128xf32, #tpu.memory_space<vmem>>, vector<16xf32>,
        %get3A_1403 = arith.index_cast %add3A_1388 : i32 to index
        %get3A_1404 = arith.constant 32 : index
        %get3A_1405 = tpu.vector_load %arg8[%get3A_1403, %get3A_1404] {strides = array<i32>} : memref<128x128xf32, #tpu.memory_space<vmem>>, vector<16xf32>,
        %mul3A_1406 = arith.mulf %get3A_1405, %broadcast_in_dim3A_1384 : vector<16xf32>
        %swap3A_1407 = arith.index_cast %add3A_1388 : i32 to index
        %swap3A_1408 = arith.constant 32 : index
        %swap3A_1409 = tpu.vector_load %arg8[%swap3A_1407, %swap3A_1408] {strides = array<i32>} : memref<128x128xf32, #tpu.memory_space<vmem>>, vector<16xf32>,
        tpu.vector_store %arg8[%swap3A_1407, %swap3A_1408], %mul3A_1406 {strides = array<i32>} : memref<128x128xf32, #tpu.memory_space<vmem>>, vector<16xf32>,
        %get3A_1410 = arith.index_cast %add3A_1388 : i32 to index
        %get3A_1411 = arith.constant 48 : index
        %get3A_1412 = tpu.vector_load %arg8[%get3A_1410, %get3A_1411] {strides = array<i32>} : memref<128x128xf32, #tpu.memory_space<vmem>>, vector<16xf32>,
        %mul3A_1413 = arith.mulf %get3A_1412, %broadcast_in_dim3A_1384 : vector<16xf32>
        %swap3A_1414 = arith.index_cast %add3A_1388 : i32 to index
        %swap3A_1415 = arith.constant 48 : index
        %swap3A_1416 = tpu.vector_load %arg8[%swap3A_1414, %swap3A_1415] {strides = array<i32>} : memref<128x128xf32, #tpu.memory_space<vmem>>, vector<16xf32>,
        tpu.vector_store %arg8[%swap3A_1414, %swap3A_1415], %mul3A_1413 {strides = array<i32>} : memref<128x128xf32, #tpu.memory_space<vmem>>, vector<16xf32>,
        %get3A_1417 = arith.index_cast %add3A_1388 : i32 to index
        %get3A_1418 = arith.constant 64 : index
        %get3A_1419 = tpu.vector_load %arg8[%get3A_1417, %get3A_1418] {strides = array<i32>} : memref<128x128xf32, #tpu.memory_space<vmem>>, vector<16xf32>,
        %mul3A_1420 = arith.mulf %get3A_1419, %broadcast_in_dim3A_1384 : vector<16xf32>
        %swap3A_1421 = arith.index_cast %add3A_1388 : i32 to index
        %swap3A_1422 = arith.constant 64 : index
        %swap3A_1423 = tpu.vector_load %arg8[%swap3A_1421, %swap3A_1422] {strides = array<i32>} : memref<128x128xf32, #tpu.memory_space<vmem>>, vector<16xf32>,
        tpu.vector_store %arg8[%swap3A_1421, %swap3A_1422], %mul3A_1420 {strides = array<i32>} : memref<128x128xf32, #tpu.memory_space<vmem>>, vector<16xf32>,
        %get3A_1424 = arith.index_cast %add3A_1388 : i32 to index
        %get3A_1425 = arith.constant 80 : index
        %get3A_1426 = tpu.vector_load %arg8[%get3A_1424, %get3A_1425] {strides = array<i32>} : memref<128x128xf32, #tpu.memory_space<vmem>>, vector<16xf32>,
        %mul3A_1427 = arith.mulf %get3A_1426, %broadcast_in_dim3A_1384 : vector<16xf32>
        %swap3A_1428 = arith.index_cast %add3A_1388 : i32 to index
        %swap3A_1429 = arith.constant 80 : index
        %swap3A_1430 = tpu.vector_load %arg8[%swap3A_1428, %swap3A_1429] {strides = array<i32>} : memref<128x128xf32, #tpu.memory_space<vmem>>, vector<16xf32>,
        tpu.vector_store %arg8[%swap3A_1428, %swap3A_1429], %mul3A_1427 {strides = array<i32>} : memref<128x128xf32, #tpu.memory_space<vmem>>, vector<16xf32>,
        %get3A_1431 = arith.index_cast %add3A_1388 : i32 to index
        %get3A_1432 = arith.constant 96 : index
        %get3A_1433 = tpu.vector_load %arg8[%get3A_1431, %get3A_1432] {strides = array<i32>} : memref<128x128xf32, #tpu.memory_space<vmem>>, vector<16xf32>,
        %mul3A_1434 = arith.mulf %get3A_1433, %broadcast_in_dim3A_1384 : vector<16xf32>
        %swap3A_1435 = arith.index_cast %add3A_1388 : i32 to index
        %swap3A_1436 = arith.constant 96 : index
        %swap3A_1437 = tpu.vector_load %arg8[%swap3A_1435, %swap3A_1436] {strides = array<i32>} : memref<128x128xf32, #tpu.memory_space<vmem>>, vector<16xf32>,
        tpu.vector_store %arg8[%swap3A_1435, %swap3A_1436], %mul3A_1434 {strides = array<i32>} : memref<128x128xf32, #tpu.memory_space<vmem>>, vector<16xf32>,
        %get3A_1438 = arith.index_cast %add3A_1388 : i32 to index
        %get3A_1439 = arith.constant 112 : index
        %get3A_1440 = tpu.vector_load %arg8[%get3A_1438, %get3A_1439] {strides = array<i32>} : memref<128x128xf32, #tpu.memory_space<vmem>>, vector<16xf32>,
        %mul3A_1441 = arith.mulf %get3A_1440, %broadcast_in_dim3A_1384 : vector<16xf32>
        %swap3A_1442 = arith.index_cast %add3A_1388 : i32 to index
        %swap3A_1443 = arith.constant 112 : index
        %swap3A_1444 = tpu.vector_load %arg8[%swap3A_1442, %swap3A_1443] {strides = array<i32>} : memref<128x128xf32, #tpu.memory_space<vmem>>, vector<16xf32>,
        tpu.vector_store %arg8[%swap3A_1442, %swap3A_1443], %mul3A_1441 {strides = array<i32>} : memref<128x128xf32, #tpu.memory_space<vmem>>, vector<16xf32>,
        %slice3A_1445 = vector.extract_strided_slice %bitcast3A_1192 {offsets = [4], sizes = [1], strides = [1]} : vector<16xf32> to vector<1xf32>
        %squeeze3A_1446 = vector.extract %slice3A_1445[0] : f32 from vector<1xf32>
        %broadcast_in_dim3A_1447 = vector.broadcast %squeeze3A_1446 : f32 to vector<16xf32>
        %mul3A_1448 = arith.constant 16 : i32
        %mul3A_1449 = arith.muli %scan3A_1174, %mul3A_1448 : i32
        %add3A_1450 = arith.constant 4 : i32
        %add3A_1451 = arith.addi %mul3A_1449, %add3A_1450 : i32
        %get3A_1452 = arith.index_cast %add3A_1451 : i32 to index
        %get3A_1453 = arith.constant 0 : index
        %get3A_1454 = tpu.vector_load %arg8[%get3A_1452, %get3A_1453] {strides = array<i32>} : memref<128x128xf32, #tpu.memory_space<vmem>>, vector<16xf32>,
        %mul3A_1455 = arith.mulf %get3A_1454, %broadcast_in_dim3A_1447 : vector<16xf32>
        %swap3A_1456 = arith.index_cast %add3A_1451 : i32 to index
        %swap3A_1457 = arith.constant 0 : index
        %swap3A_1458 = tpu.vector_load %arg8[%swap3A_1456, %swap3A_1457] {strides = array<i32>} : memref<128x128xf32, #tpu.memory_space<vmem>>, vector<16xf32>,
        tpu.vector_store %arg8[%swap3A_1456, %swap3A_1457], %mul3A_1455 {strides = array<i32>} : memref<128x128xf32, #tpu.memory_space<vmem>>, vector<16xf32>,
        %get3A_1459 = arith.index_cast %add3A_1451 : i32 to index
        %get3A_1460 = arith.constant 16 : index
        %get3A_1461 = tpu.vector_load %arg8[%get3A_1459, %get3A_1460] {strides = array<i32>} : memref<128x128xf32, #tpu.memory_space<vmem>>, vector<16xf32>,
        %mul3A_1462 = arith.mulf %get3A_1461, %broadcast_in_dim3A_1447 : vector<16xf32>
        %swap3A_1463 = arith.index_cast %add3A_1451 : i32 to index
        %swap3A_1464 = arith.constant 16 : index
        %swap3A_1465 = tpu.vector_load %arg8[%swap3A_1463, %swap3A_1464] {strides = array<i32>} : memref<128x128xf32, #tpu.memory_space<vmem>>, vector<16xf32>,
        tpu.vector_store %arg8[%swap3A_1463, %swap3A_1464], %mul3A_1462 {strides = array<i32>} : memref<128x128xf32, #tpu.memory_space<vmem>>, vector<16xf32>,
        %get3A_1466 = arith.index_cast %add3A_1451 : i32 to index
        %get3A_1467 = arith.constant 32 : index
        %get3A_1468 = tpu.vector_load %arg8[%get3A_1466, %get3A_1467] {strides = array<i32>} : memref<128x128xf32, #tpu.memory_space<vmem>>, vector<16xf32>,
        %mul3A_1469 = arith.mulf %get3A_1468, %broadcast_in_dim3A_1447 : vector<16xf32>
        %swap3A_1470 = arith.index_cast %add3A_1451 : i32 to index
        %swap3A_1471 = arith.constant 32 : index
        %swap3A_1472 = tpu.vector_load %arg8[%swap3A_1470, %swap3A_1471] {strides = array<i32>} : memref<128x128xf32, #tpu.memory_space<vmem>>, vector<16xf32>,
        tpu.vector_store %arg8[%swap3A_1470, %swap3A_1471], %mul3A_1469 {strides = array<i32>} : memref<128x128xf32, #tpu.memory_space<vmem>>, vector<16xf32>,
        %get3A_1473 = arith.index_cast %add3A_1451 : i32 to index
        %get3A_1474 = arith.constant 48 : index
        %get3A_1475 = tpu.vector_load %arg8[%get3A_1473, %get3A_1474] {strides = array<i32>} : memref<128x128xf32, #tpu.memory_space<vmem>>, vector<16xf32>,
        %mul3A_1476 = arith.mulf %get3A_1475, %broadcast_in_dim3A_1447 : vector<16xf32>
        %swap3A_1477 = arith.index_cast %add3A_1451 : i32 to index
        %swap3A_1478 = arith.constant 48 : index
        %swap3A_1479 = tpu.vector_load %arg8[%swap3A_1477, %swap3A_1478] {strides = array<i32>} : memref<128x128xf32, #tpu.memory_space<vmem>>, vector<16xf32>,
        tpu.vector_store %arg8[%swap3A_1477, %swap3A_1478], %mul3A_1476 {strides = array<i32>} : memref<128x128xf32, #tpu.memory_space<vmem>>, vector<16xf32>,
        %get3A_1480 = arith.index_cast %add3A_1451 : i32 to index
        %get3A_1481 = arith.constant 64 : index
        %get3A_1482 = tpu.vector_load %arg8[%get3A_1480, %get3A_1481] {strides = array<i32>} : memref<128x128xf32, #tpu.memory_space<vmem>>, vector<16xf32>,
        %mul3A_1483 = arith.mulf %get3A_1482, %broadcast_in_dim3A_1447 : vector<16xf32>
        %swap3A_1484 = arith.index_cast %add3A_1451 : i32 to index
        %swap3A_1485 = arith.constant 64 : index
        %swap3A_1486 = tpu.vector_load %arg8[%swap3A_1484, %swap3A_1485] {strides = array<i32>} : memref<128x128xf32, #tpu.memory_space<vmem>>, vector<16xf32>,
        tpu.vector_store %arg8[%swap3A_1484, %swap3A_1485], %mul3A_1483 {strides = array<i32>} : memref<128x128xf32, #tpu.memory_space<vmem>>, vector<16xf32>,
        %get3A_1487 = arith.index_cast %add3A_1451 : i32 to index
        %get3A_1488 = arith.constant 80 : index
        %get3A_1489 = tpu.vector_load %arg8[%get3A_1487, %get3A_1488] {strides = array<i32>} : memref<128x128xf32, #tpu.memory_space<vmem>>, vector<16xf32>,
        %mul3A_1490 = arith.mulf %get3A_1489, %broadcast_in_dim3A_1447 : vector<16xf32>
        %swap3A_1491 = arith.index_cast %add3A_1451 : i32 to index
        %swap3A_1492 = arith.constant 80 : index
        %swap3A_1493 = tpu.vector_load %arg8[%swap3A_1491, %swap3A_1492] {strides = array<i32>} : memref<128x128xf32, #tpu.memory_space<vmem>>, vector<16xf32>,
        tpu.vector_store %arg8[%swap3A_1491, %swap3A_1492], %mul3A_1490 {strides = array<i32>} : memref<128x128xf32, #tpu.memory_space<vmem>>, vector<16xf32>,
        %get3A_1494 = arith.index_cast %add3A_1451 : i32 to index
        %get3A_1495 = arith.constant 96 : index
        %get3A_1496 = tpu.vector_load %arg8[%get3A_1494, %get3A_1495] {strides = array<i32>} : memref<128x128xf32, #tpu.memory_space<vmem>>, vector<16xf32>,
        %mul3A_1497 = arith.mulf %get3A_1496, %broadcast_in_dim3A_1447 : vector<16xf32>
        %swap3A_1498 = arith.index_cast %add3A_1451 : i32 to index
        %swap3A_1499 = arith.constant 96 : index
        %swap3A_1500 = tpu.vector_load %arg8[%swap3A_1498, %swap3A_1499] {strides = array<i32>} : memref<128x128xf32, #tpu.memory_space<vmem>>, vector<16xf32>,
        tpu.vector_store %arg8[%swap3A_1498, %swap3A_1499], %mul3A_1497 {strides = array<i32>} : memref<128x128xf32, #tpu.memory_space<vmem>>, vector<16xf32>,
        %get3A_1501 = arith.index_cast %add3A_1451 : i32 to index
        %get3A_1502 = arith.constant 112 : index
        %get3A_1503 = tpu.vector_load %arg8[%get3A_1501, %get3A_1502] {strides = array<i32>} : memref<128x128xf32, #tpu.memory_space<vmem>>, vector<16xf32>,
        %mul3A_1504 = arith.mulf %get3A_1503, %broadcast_in_dim3A_1447 : vector<16xf32>
        %swap3A_1505 = arith.index_cast %add3A_1451 : i32 to index
        %swap3A_1506 = arith.constant 112 : index
        %swap3A_1507 = tpu.vector_load %arg8[%swap3A_1505, %swap3A_1506] {strides = array<i32>} : memref<128x128xf32, #tpu.memory_space<vmem>>, vector<16xf32>,
        tpu.vector_store %arg8[%swap3A_1505, %swap3A_1506], %mul3A_1504 {strides = array<i32>} : memref<128x128xf32, #tpu.memory_space<vmem>>, vector<16xf32>,
        %slice3A_1508 = vector.extract_strided_slice %bitcast3A_1192 {offsets = [5], sizes = [1], strides = [1]} : vector<16xf32> to vector<1xf32>
        %squeeze3A_1509 = vector.extract %slice3A_1508[0] : f32 from vector<1xf32>
        %broadcast_in_dim3A_1510 = vector.broadcast %squeeze3A_1509 : f32 to vector<16xf32>
        %mul3A_1511 = arith.constant 16 : i32
        %mul3A_1512 = arith.muli %scan3A_1174, %mul3A_1511 : i32
        %add3A_1513 = arith.constant 5 : i32
        %add3A_1514 = arith.addi %mul3A_1512, %add3A_1513 : i32
        %get3A_1515 = arith.index_cast %add3A_1514 : i32 to index
        %get3A_1516 = arith.constant 0 : index
        %get3A_1517 = tpu.vector_load %arg8[%get3A_1515, %get3A_1516] {strides = array<i32>} : memref<128x128xf32, #tpu.memory_space<vmem>>, vector<16xf32>,
        %mul3A_1518 = arith.mulf %get3A_1517, %broadcast_in_dim3A_1510 : vector<16xf32>
        %swap3A_1519 = arith.index_cast %add3A_1514 : i32 to index
        %swap3A_1520 = arith.constant 0 : index
        %swap3A_1521 = tpu.vector_load %arg8[%swap3A_1519, %swap3A_1520] {strides = array<i32>} : memref<128x128xf32, #tpu.memory_space<vmem>>, vector<16xf32>,
        tpu.vector_store %arg8[%swap3A_1519, %swap3A_1520], %mul3A_1518 {strides = array<i32>} : memref<128x128xf32, #tpu.memory_space<vmem>>, vector<16xf32>,
        %get3A_1522 = arith.index_cast %add3A_1514 : i32 to index
        %get3A_1523 = arith.constant 16 : index
        %get3A_1524 = tpu.vector_load %arg8[%get3A_1522, %get3A_1523] {strides = array<i32>} : memref<128x128xf32, #tpu.memory_space<vmem>>, vector<16xf32>,
        %mul3A_1525 = arith.mulf %get3A_1524, %broadcast_in_dim3A_1510 : vector<16xf32>
        %swap3A_1526 = arith.index_cast %add3A_1514 : i32 to index
        %swap3A_1527 = arith.constant 16 : index
        %swap3A_1528 = tpu.vector_load %arg8[%swap3A_1526, %swap3A_1527] {strides = array<i32>} : memref<128x128xf32, #tpu.memory_space<vmem>>, vector<16xf32>,
        tpu.vector_store %arg8[%swap3A_1526, %swap3A_1527], %mul3A_1525 {strides = array<i32>} : memref<128x128xf32, #tpu.memory_space<vmem>>, vector<16xf32>,
        %get3A_1529 = arith.index_cast %add3A_1514 : i32 to index
        %get3A_1530 = arith.constant 32 : index
        %get3A_1531 = tpu.vector_load %arg8[%get3A_1529, %get3A_1530] {strides = array<i32>} : memref<128x128xf32, #tpu.memory_space<vmem>>, vector<16xf32>,
        %mul3A_1532 = arith.mulf %get3A_1531, %broadcast_in_dim3A_1510 : vector<16xf32>
        %swap3A_1533 = arith.index_cast %add3A_1514 : i32 to index
        %swap3A_1534 = arith.constant 32 : index
        %swap3A_1535 = tpu.vector_load %arg8[%swap3A_1533, %swap3A_1534] {strides = array<i32>} : memref<128x128xf32, #tpu.memory_space<vmem>>, vector<16xf32>,
        tpu.vector_store %arg8[%swap3A_1533, %swap3A_1534], %mul3A_1532 {strides = array<i32>} : memref<128x128xf32, #tpu.memory_space<vmem>>, vector<16xf32>,
        %get3A_1536 = arith.index_cast %add3A_1514 : i32 to index
        %get3A_1537 = arith.constant 48 : index
        %get3A_1538 = tpu.vector_load %arg8[%get3A_1536, %get3A_1537] {strides = array<i32>} : memref<128x128xf32, #tpu.memory_space<vmem>>, vector<16xf32>,
        %mul3A_1539 = arith.mulf %get3A_1538, %broadcast_in_dim3A_1510 : vector<16xf32>
        %swap3A_1540 = arith.index_cast %add3A_1514 : i32 to index
        %swap3A_1541 = arith.constant 48 : index
        %swap3A_1542 = tpu.vector_load %arg8[%swap3A_1540, %swap3A_1541] {strides = array<i32>} : memref<128x128xf32, #tpu.memory_space<vmem>>, vector<16xf32>,
        tpu.vector_store %arg8[%swap3A_1540, %swap3A_1541], %mul3A_1539 {strides = array<i32>} : memref<128x128xf32, #tpu.memory_space<vmem>>, vector<16xf32>,
        %get3A_1543 = arith.index_cast %add3A_1514 : i32 to index
        %get3A_1544 = arith.constant 64 : index
        %get3A_1545 = tpu.vector_load %arg8[%get3A_1543, %get3A_1544] {strides = array<i32>} : memref<128x128xf32, #tpu.memory_space<vmem>>, vector<16xf32>,
        %mul3A_1546 = arith.mulf %get3A_1545, %broadcast_in_dim3A_1510 : vector<16xf32>
        %swap3A_1547 = arith.index_cast %add3A_1514 : i32 to index
        %swap3A_1548 = arith.constant 64 : index
        %swap3A_1549 = tpu.vector_load %arg8[%swap3A_1547, %swap3A_1548] {strides = array<i32>} : memref<128x128xf32, #tpu.memory_space<vmem>>, vector<16xf32>,
        tpu.vector_store %arg8[%swap3A_1547, %swap3A_1548], %mul3A_1546 {strides = array<i32>} : memref<128x128xf32, #tpu.memory_space<vmem>>, vector<16xf32>,
        %get3A_1550 = arith.index_cast %add3A_1514 : i32 to index
        %get3A_1551 = arith.constant 80 : index
        %get3A_1552 = tpu.vector_load %arg8[%get3A_1550, %get3A_1551] {strides = array<i32>} : memref<128x128xf32, #tpu.memory_space<vmem>>, vector<16xf32>,
        %mul3A_1553 = arith.mulf %get3A_1552, %broadcast_in_dim3A_1510 : vector<16xf32>
        %swap3A_1554 = arith.index_cast %add3A_1514 : i32 to index
        %swap3A_1555 = arith.constant 80 : index
        %swap3A_1556 = tpu.vector_load %arg8[%swap3A_1554, %swap3A_1555] {strides = array<i32>} : memref<128x128xf32, #tpu.memory_space<vmem>>, vector<16xf32>,
        tpu.vector_store %arg8[%swap3A_1554, %swap3A_1555], %mul3A_1553 {strides = array<i32>} : memref<128x128xf32, #tpu.memory_space<vmem>>, vector<16xf32>,
        %get3A_1557 = arith.index_cast %add3A_1514 : i32 to index
        %get3A_1558 = arith.constant 96 : index
        %get3A_1559 = tpu.vector_load %arg8[%get3A_1557, %get3A_1558] {strides = array<i32>} : memref<128x128xf32, #tpu.memory_space<vmem>>, vector<16xf32>,
        %mul3A_1560 = arith.mulf %get3A_1559, %broadcast_in_dim3A_1510 : vector<16xf32>
        %swap3A_1561 = arith.index_cast %add3A_1514 : i32 to index
        %swap3A_1562 = arith.constant 96 : index
        %swap3A_1563 = tpu.vector_load %arg8[%swap3A_1561, %swap3A_1562] {strides = array<i32>} : memref<128x128xf32, #tpu.memory_space<vmem>>, vector<16xf32>,
        tpu.vector_store %arg8[%swap3A_1561, %swap3A_1562], %mul3A_1560 {strides = array<i32>} : memref<128x128xf32, #tpu.memory_space<vmem>>, vector<16xf32>,
        %get3A_1564 = arith.index_cast %add3A_1514 : i32 to index
        %get3A_1565 = arith.constant 112 : index
        %get3A_1566 = tpu.vector_load %arg8[%get3A_1564, %get3A_1565] {strides = array<i32>} : memref<128x128xf32, #tpu.memory_space<vmem>>, vector<16xf32>,
        %mul3A_1567 = arith.mulf %get3A_1566, %broadcast_in_dim3A_1510 : vector<16xf32>
        %swap3A_1568 = arith.index_cast %add3A_1514 : i32 to index
        %swap3A_1569 = arith.constant 112 : index
        %swap3A_1570 = tpu.vector_load %arg8[%swap3A_1568, %swap3A_1569] {strides = array<i32>} : memref<128x128xf32, #tpu.memory_space<vmem>>, vector<16xf32>,
        tpu.vector_store %arg8[%swap3A_1568, %swap3A_1569], %mul3A_1567 {strides = array<i32>} : memref<128x128xf32, #tpu.memory_space<vmem>>, vector<16xf32>,
        %slice3A_1571 = vector.extract_strided_slice %bitcast3A_1192 {offsets = [6], sizes = [1], strides = [1]} : vector<16xf32> to vector<1xf32>
        %squeeze3A_1572 = vector.extract %slice3A_1571[0] : f32 from vector<1xf32>
        %broadcast_in_dim3A_1573 = vector.broadcast %squeeze3A_1572 : f32 to vector<16xf32>
        %mul3A_1574 = arith.constant 16 : i32
        %mul3A_1575 = arith.muli %scan3A_1174, %mul3A_1574 : i32
        %add3A_1576 = arith.constant 6 : i32
        %add3A_1577 = arith.addi %mul3A_1575, %add3A_1576 : i32
        %get3A_1578 = arith.index_cast %add3A_1577 : i32 to index
        %get3A_1579 = arith.constant 0 : index
        %get3A_1580 = tpu.vector_load %arg8[%get3A_1578, %get3A_1579] {strides = array<i32>} : memref<128x128xf32, #tpu.memory_space<vmem>>, vector<16xf32>,
        %mul3A_1581 = arith.mulf %get3A_1580, %broadcast_in_dim3A_1573 : vector<16xf32>
        %swap3A_1582 = arith.index_cast %add3A_1577 : i32 to index
        %swap3A_1583 = arith.constant 0 : index
        %swap3A_1584 = tpu.vector_load %arg8[%swap3A_1582, %swap3A_1583] {strides = array<i32>} : memref<128x128xf32, #tpu.memory_space<vmem>>, vector<16xf32>,
        tpu.vector_store %arg8[%swap3A_1582, %swap3A_1583], %mul3A_1581 {strides = array<i32>} : memref<128x128xf32, #tpu.memory_space<vmem>>, vector<16xf32>,
        %get3A_1585 = arith.index_cast %add3A_1577 : i32 to index
        %get3A_1586 = arith.constant 16 : index
        %get3A_1587 = tpu.vector_load %arg8[%get3A_1585, %get3A_1586] {strides = array<i32>} : memref<128x128xf32, #tpu.memory_space<vmem>>, vector<16xf32>,
        %mul3A_1588 = arith.mulf %get3A_1587, %broadcast_in_dim3A_1573 : vector<16xf32>
        %swap3A_1589 = arith.index_cast %add3A_1577 : i32 to index
        %swap3A_1590 = arith.constant 16 : index
        %swap3A_1591 = tpu.vector_load %arg8[%swap3A_1589, %swap3A_1590] {strides = array<i32>} : memref<128x128xf32, #tpu.memory_space<vmem>>, vector<16xf32>,
        tpu.vector_store %arg8[%swap3A_1589, %swap3A_1590], %mul3A_1588 {strides = array<i32>} : memref<128x128xf32, #tpu.memory_space<vmem>>, vector<16xf32>,
        %get3A_1592 = arith.index_cast %add3A_1577 : i32 to index
        %get3A_1593 = arith.constant 32 : index
        %get3A_1594 = tpu.vector_load %arg8[%get3A_1592, %get3A_1593] {strides = array<i32>} : memref<128x128xf32, #tpu.memory_space<vmem>>, vector<16xf32>,
        %mul3A_1595 = arith.mulf %get3A_1594, %broadcast_in_dim3A_1573 : vector<16xf32>
        %swap3A_1596 = arith.index_cast %add3A_1577 : i32 to index
        %swap3A_1597 = arith.constant 32 : index
        %swap3A_1598 = tpu.vector_load %arg8[%swap3A_1596, %swap3A_1597] {strides = array<i32>} : memref<128x128xf32, #tpu.memory_space<vmem>>, vector<16xf32>,
        tpu.vector_store %arg8[%swap3A_1596, %swap3A_1597], %mul3A_1595 {strides = array<i32>} : memref<128x128xf32, #tpu.memory_space<vmem>>, vector<16xf32>,
        %get3A_1599 = arith.index_cast %add3A_1577 : i32 to index
        %get3A_1600 = arith.constant 48 : index
        %get3A_1601 = tpu.vector_load %arg8[%get3A_1599, %get3A_1600] {strides = array<i32>} : memref<128x128xf32, #tpu.memory_space<vmem>>, vector<16xf32>,
        %mul3A_1602 = arith.mulf %get3A_1601, %broadcast_in_dim3A_1573 : vector<16xf32>
        %swap3A_1603 = arith.index_cast %add3A_1577 : i32 to index
        %swap3A_1604 = arith.constant 48 : index
        %swap3A_1605 = tpu.vector_load %arg8[%swap3A_1603, %swap3A_1604] {strides = array<i32>} : memref<128x128xf32, #tpu.memory_space<vmem>>, vector<16xf32>,
        tpu.vector_store %arg8[%swap3A_1603, %swap3A_1604], %mul3A_1602 {strides = array<i32>} : memref<128x128xf32, #tpu.memory_space<vmem>>, vector<16xf32>,
        %get3A_1606 = arith.index_cast %add3A_1577 : i32 to index
        %get3A_1607 = arith.constant 64 : index
        %get3A_1608 = tpu.vector_load %arg8[%get3A_1606, %get3A_1607] {strides = array<i32>} : memref<128x128xf32, #tpu.memory_space<vmem>>, vector<16xf32>,
        %mul3A_1609 = arith.mulf %get3A_1608, %broadcast_in_dim3A_1573 : vector<16xf32>
        %swap3A_1610 = arith.index_cast %add3A_1577 : i32 to index
        %swap3A_1611 = arith.constant 64 : index
        %swap3A_1612 = tpu.vector_load %arg8[%swap3A_1610, %swap3A_1611] {strides = array<i32>} : memref<128x128xf32, #tpu.memory_space<vmem>>, vector<16xf32>,
        tpu.vector_store %arg8[%swap3A_1610, %swap3A_1611], %mul3A_1609 {strides = array<i32>} : memref<128x128xf32, #tpu.memory_space<vmem>>, vector<16xf32>,
        %get3A_1613 = arith.index_cast %add3A_1577 : i32 to index
        %get3A_1614 = arith.constant 80 : index
        %get3A_1615 = tpu.vector_load %arg8[%get3A_1613, %get3A_1614] {strides = array<i32>} : memref<128x128xf32, #tpu.memory_space<vmem>>, vector<16xf32>,
        %mul3A_1616 = arith.mulf %get3A_1615, %broadcast_in_dim3A_1573 : vector<16xf32>
        %swap3A_1617 = arith.index_cast %add3A_1577 : i32 to index
        %swap3A_1618 = arith.constant 80 : index
        %swap3A_1619 = tpu.vector_load %arg8[%swap3A_1617, %swap3A_1618] {strides = array<i32>} : memref<128x128xf32, #tpu.memory_space<vmem>>, vector<16xf32>,
        tpu.vector_store %arg8[%swap3A_1617, %swap3A_1618], %mul3A_1616 {strides = array<i32>} : memref<128x128xf32, #tpu.memory_space<vmem>>, vector<16xf32>,
        %get3A_1620 = arith.index_cast %add3A_1577 : i32 to index
        %get3A_1621 = arith.constant 96 : index
        %get3A_1622 = tpu.vector_load %arg8[%get3A_1620, %get3A_1621] {strides = array<i32>} : memref<128x128xf32, #tpu.memory_space<vmem>>, vector<16xf32>,
        %mul3A_1623 = arith.mulf %get3A_1622, %broadcast_in_dim3A_1573 : vector<16xf32>
        %swap3A_1624 = arith.index_cast %add3A_1577 : i32 to index
        %swap3A_1625 = arith.constant 96 : index
        %swap3A_1626 = tpu.vector_load %arg8[%swap3A_1624, %swap3A_1625] {strides = array<i32>} : memref<128x128xf32, #tpu.memory_space<vmem>>, vector<16xf32>,
        tpu.vector_store %arg8[%swap3A_1624, %swap3A_1625], %mul3A_1623 {strides = array<i32>} : memref<128x128xf32, #tpu.memory_space<vmem>>, vector<16xf32>,
        %get3A_1627 = arith.index_cast %add3A_1577 : i32 to index
        %get3A_1628 = arith.constant 112 : index
        %get3A_1629 = tpu.vector_load %arg8[%get3A_1627, %get3A_1628] {strides = array<i32>} : memref<128x128xf32, #tpu.memory_space<vmem>>, vector<16xf32>,
        %mul3A_1630 = arith.mulf %get3A_1629, %broadcast_in_dim3A_1573 : vector<16xf32>
        %swap3A_1631 = arith.index_cast %add3A_1577 : i32 to index
        %swap3A_1632 = arith.constant 112 : index
        %swap3A_1633 = tpu.vector_load %arg8[%swap3A_1631, %swap3A_1632] {strides = array<i32>} : memref<128x128xf32, #tpu.memory_space<vmem>>, vector<16xf32>,
        tpu.vector_store %arg8[%swap3A_1631, %swap3A_1632], %mul3A_1630 {strides = array<i32>} : memref<128x128xf32, #tpu.memory_space<vmem>>, vector<16xf32>,
        %slice3A_1634 = vector.extract_strided_slice %bitcast3A_1192 {offsets = [7], sizes = [1], strides = [1]} : vector<16xf32> to vector<1xf32>
        %squeeze3A_1635 = vector.extract %slice3A_1634[0] : f32 from vector<1xf32>
        %broadcast_in_dim3A_1636 = vector.broadcast %squeeze3A_1635 : f32 to vector<16xf32>
        %mul3A_1637 = arith.constant 16 : i32
        %mul3A_1638 = arith.muli %scan3A_1174, %mul3A_1637 : i32
        %add3A_1639 = arith.constant 7 : i32
        %add3A_1640 = arith.addi %mul3A_1638, %add3A_1639 : i32
        %get3A_1641 = arith.index_cast %add3A_1640 : i32 to index
        %get3A_1642 = arith.constant 0 : index
        %get3A_1643 = tpu.vector_load %arg8[%get3A_1641, %get3A_1642] {strides = array<i32>} : memref<128x128xf32, #tpu.memory_space<vmem>>, vector<16xf32>,
        %mul3A_1644 = arith.mulf %get3A_1643, %broadcast_in_dim3A_1636 : vector<16xf32>
        %swap3A_1645 = arith.index_cast %add3A_1640 : i32 to index
        %swap3A_1646 = arith.constant 0 : index
        %swap3A_1647 = tpu.vector_load %arg8[%swap3A_1645, %swap3A_1646] {strides = array<i32>} : memref<128x128xf32, #tpu.memory_space<vmem>>, vector<16xf32>,
        tpu.vector_store %arg8[%swap3A_1645, %swap3A_1646], %mul3A_1644 {strides = array<i32>} : memref<128x128xf32, #tpu.memory_space<vmem>>, vector<16xf32>,
        %get3A_1648 = arith.index_cast %add3A_1640 : i32 to index
        %get3A_1649 = arith.constant 16 : index
        %get3A_1650 = tpu.vector_load %arg8[%get3A_1648, %get3A_1649] {strides = array<i32>} : memref<128x128xf32, #tpu.memory_space<vmem>>, vector<16xf32>,
        %mul3A_1651 = arith.mulf %get3A_1650, %broadcast_in_dim3A_1636 : vector<16xf32>
        %swap3A_1652 = arith.index_cast %add3A_1640 : i32 to index
        %swap3A_1653 = arith.constant 16 : index
        %swap3A_1654 = tpu.vector_load %arg8[%swap3A_1652, %swap3A_1653] {strides = array<i32>} : memref<128x128xf32, #tpu.memory_space<vmem>>, vector<16xf32>,
        tpu.vector_store %arg8[%swap3A_1652, %swap3A_1653], %mul3A_1651 {strides = array<i32>} : memref<128x128xf32, #tpu.memory_space<vmem>>, vector<16xf32>,
        %get3A_1655 = arith.index_cast %add3A_1640 : i32 to index
        %get3A_1656 = arith.constant 32 : index
        %get3A_1657 = tpu.vector_load %arg8[%get3A_1655, %get3A_1656] {strides = array<i32>} : memref<128x128xf32, #tpu.memory_space<vmem>>, vector<16xf32>,
        %mul3A_1658 = arith.mulf %get3A_1657, %broadcast_in_dim3A_1636 : vector<16xf32>
        %swap3A_1659 = arith.index_cast %add3A_1640 : i32 to index
        %swap3A_1660 = arith.constant 32 : index
        %swap3A_1661 = tpu.vector_load %arg8[%swap3A_1659, %swap3A_1660] {strides = array<i32>} : memref<128x128xf32, #tpu.memory_space<vmem>>, vector<16xf32>,
        tpu.vector_store %arg8[%swap3A_1659, %swap3A_1660], %mul3A_1658 {strides = array<i32>} : memref<128x128xf32, #tpu.memory_space<vmem>>, vector<16xf32>,
        %get3A_1662 = arith.index_cast %add3A_1640 : i32 to index
        %get3A_1663 = arith.constant 48 : index
        %get3A_1664 = tpu.vector_load %arg8[%get3A_1662, %get3A_1663] {strides = array<i32>} : memref<128x128xf32, #tpu.memory_space<vmem>>, vector<16xf32>,
        %mul3A_1665 = arith.mulf %get3A_1664, %broadcast_in_dim3A_1636 : vector<16xf32>
        %swap3A_1666 = arith.index_cast %add3A_1640 : i32 to index
        %swap3A_1667 = arith.constant 48 : index
        %swap3A_1668 = tpu.vector_load %arg8[%swap3A_1666, %swap3A_1667] {strides = array<i32>} : memref<128x128xf32, #tpu.memory_space<vmem>>, vector<16xf32>,
        tpu.vector_store %arg8[%swap3A_1666, %swap3A_1667], %mul3A_1665 {strides = array<i32>} : memref<128x128xf32, #tpu.memory_space<vmem>>, vector<16xf32>,
        %get3A_1669 = arith.index_cast %add3A_1640 : i32 to index
        %get3A_1670 = arith.constant 64 : index
        %get3A_1671 = tpu.vector_load %arg8[%get3A_1669, %get3A_1670] {strides = array<i32>} : memref<128x128xf32, #tpu.memory_space<vmem>>, vector<16xf32>,
        %mul3A_1672 = arith.mulf %get3A_1671, %broadcast_in_dim3A_1636 : vector<16xf32>
        %swap3A_1673 = arith.index_cast %add3A_1640 : i32 to index
        %swap3A_1674 = arith.constant 64 : index
        %swap3A_1675 = tpu.vector_load %arg8[%swap3A_1673, %swap3A_1674] {strides = array<i32>} : memref<128x128xf32, #tpu.memory_space<vmem>>, vector<16xf32>,
        tpu.vector_store %arg8[%swap3A_1673, %swap3A_1674], %mul3A_1672 {strides = array<i32>} : memref<128x128xf32, #tpu.memory_space<vmem>>, vector<16xf32>,
        %get3A_1676 = arith.index_cast %add3A_1640 : i32 to index
        %get3A_1677 = arith.constant 80 : index
        %get3A_1678 = tpu.vector_load %arg8[%get3A_1676, %get3A_1677] {strides = array<i32>} : memref<128x128xf32, #tpu.memory_space<vmem>>, vector<16xf32>,
        %mul3A_1679 = arith.mulf %get3A_1678, %broadcast_in_dim3A_1636 : vector<16xf32>
        %swap3A_1680 = arith.index_cast %add3A_1640 : i32 to index
        %swap3A_1681 = arith.constant 80 : index
        %swap3A_1682 = tpu.vector_load %arg8[%swap3A_1680, %swap3A_1681] {strides = array<i32>} : memref<128x128xf32, #tpu.memory_space<vmem>>, vector<16xf32>,
        tpu.vector_store %arg8[%swap3A_1680, %swap3A_1681], %mul3A_1679 {strides = array<i32>} : memref<128x128xf32, #tpu.memory_space<vmem>>, vector<16xf32>,
        %get3A_1683 = arith.index_cast %add3A_1640 : i32 to index
        %get3A_1684 = arith.constant 96 : index
        %get3A_1685 = tpu.vector_load %arg8[%get3A_1683, %get3A_1684] {strides = array<i32>} : memref<128x128xf32, #tpu.memory_space<vmem>>, vector<16xf32>,
        %mul3A_1686 = arith.mulf %get3A_1685, %broadcast_in_dim3A_1636 : vector<16xf32>
        %swap3A_1687 = arith.index_cast %add3A_1640 : i32 to index
        %swap3A_1688 = arith.constant 96 : index
        %swap3A_1689 = tpu.vector_load %arg8[%swap3A_1687, %swap3A_1688] {strides = array<i32>} : memref<128x128xf32, #tpu.memory_space<vmem>>, vector<16xf32>,
        tpu.vector_store %arg8[%swap3A_1687, %swap3A_1688], %mul3A_1686 {strides = array<i32>} : memref<128x128xf32, #tpu.memory_space<vmem>>, vector<16xf32>,
        %get3A_1690 = arith.index_cast %add3A_1640 : i32 to index
        %get3A_1691 = arith.constant 112 : index
        %get3A_1692 = tpu.vector_load %arg8[%get3A_1690, %get3A_1691] {strides = array<i32>} : memref<128x128xf32, #tpu.memory_space<vmem>>, vector<16xf32>,
        %mul3A_1693 = arith.mulf %get3A_1692, %broadcast_in_dim3A_1636 : vector<16xf32>
        %swap3A_1694 = arith.index_cast %add3A_1640 : i32 to index
        %swap3A_1695 = arith.constant 112 : index
        %swap3A_1696 = tpu.vector_load %arg8[%swap3A_1694, %swap3A_1695] {strides = array<i32>} : memref<128x128xf32, #tpu.memory_space<vmem>>, vector<16xf32>,
        tpu.vector_store %arg8[%swap3A_1694, %swap3A_1695], %mul3A_1693 {strides = array<i32>} : memref<128x128xf32, #tpu.memory_space<vmem>>, vector<16xf32>,
        %slice3A_1697 = vector.extract_strided_slice %bitcast3A_1192 {offsets = [8], sizes = [1], strides = [1]} : vector<16xf32> to vector<1xf32>
        %squeeze3A_1698 = vector.extract %slice3A_1697[0] : f32 from vector<1xf32>
        %broadcast_in_dim3A_1699 = vector.broadcast %squeeze3A_1698 : f32 to vector<16xf32>
        %mul3A_1700 = arith.constant 16 : i32
        %mul3A_1701 = arith.muli %scan3A_1174, %mul3A_1700 : i32
        %add3A_1702 = arith.constant 8 : i32
        %add3A_1703 = arith.addi %mul3A_1701, %add3A_1702 : i32
        %get3A_1704 = arith.index_cast %add3A_1703 : i32 to index
        %get3A_1705 = arith.constant 0 : index
        %get3A_1706 = tpu.vector_load %arg8[%get3A_1704, %get3A_1705] {strides = array<i32>} : memref<128x128xf32, #tpu.memory_space<vmem>>, vector<16xf32>,
        %mul3A_1707 = arith.mulf %get3A_1706, %broadcast_in_dim3A_1699 : vector<16xf32>
        %swap3A_1708 = arith.index_cast %add3A_1703 : i32 to index
        %swap3A_1709 = arith.constant 0 : index
        %swap3A_1710 = tpu.vector_load %arg8[%swap3A_1708, %swap3A_1709] {strides = array<i32>} : memref<128x128xf32, #tpu.memory_space<vmem>>, vector<16xf32>,
        tpu.vector_store %arg8[%swap3A_1708, %swap3A_1709], %mul3A_1707 {strides = array<i32>} : memref<128x128xf32, #tpu.memory_space<vmem>>, vector<16xf32>,
        %get3A_1711 = arith.index_cast %add3A_1703 : i32 to index
        %get3A_1712 = arith.constant 16 : index
        %get3A_1713 = tpu.vector_load %arg8[%get3A_1711, %get3A_1712] {strides = array<i32>} : memref<128x128xf32, #tpu.memory_space<vmem>>, vector<16xf32>,
        %mul3A_1714 = arith.mulf %get3A_1713, %broadcast_in_dim3A_1699 : vector<16xf32>
        %swap3A_1715 = arith.index_cast %add3A_1703 : i32 to index
        %swap3A_1716 = arith.constant 16 : index
        %swap3A_1717 = tpu.vector_load %arg8[%swap3A_1715, %swap3A_1716] {strides = array<i32>} : memref<128x128xf32, #tpu.memory_space<vmem>>, vector<16xf32>,
        tpu.vector_store %arg8[%swap3A_1715, %swap3A_1716], %mul3A_1714 {strides = array<i32>} : memref<128x128xf32, #tpu.memory_space<vmem>>, vector<16xf32>,
        %get3A_1718 = arith.index_cast %add3A_1703 : i32 to index
        %get3A_1719 = arith.constant 32 : index
        %get3A_1720 = tpu.vector_load %arg8[%get3A_1718, %get3A_1719] {strides = array<i32>} : memref<128x128xf32, #tpu.memory_space<vmem>>, vector<16xf32>,
        %mul3A_1721 = arith.mulf %get3A_1720, %broadcast_in_dim3A_1699 : vector<16xf32>
        %swap3A_1722 = arith.index_cast %add3A_1703 : i32 to index
        %swap3A_1723 = arith.constant 32 : index
        %swap3A_1724 = tpu.vector_load %arg8[%swap3A_1722, %swap3A_1723] {strides = array<i32>} : memref<128x128xf32, #tpu.memory_space<vmem>>, vector<16xf32>,
        tpu.vector_store %arg8[%swap3A_1722, %swap3A_1723], %mul3A_1721 {strides = array<i32>} : memref<128x128xf32, #tpu.memory_space<vmem>>, vector<16xf32>,
        %get3A_1725 = arith.index_cast %add3A_1703 : i32 to index
        %get3A_1726 = arith.constant 48 : index
        %get3A_1727 = tpu.vector_load %arg8[%get3A_1725, %get3A_1726] {strides = array<i32>} : memref<128x128xf32, #tpu.memory_space<vmem>>, vector<16xf32>,
        %mul3A_1728 = arith.mulf %get3A_1727, %broadcast_in_dim3A_1699 : vector<16xf32>
        %swap3A_1729 = arith.index_cast %add3A_1703 : i32 to index
        %swap3A_1730 = arith.constant 48 : index
        %swap3A_1731 = tpu.vector_load %arg8[%swap3A_1729, %swap3A_1730] {strides = array<i32>} : memref<128x128xf32, #tpu.memory_space<vmem>>, vector<16xf32>,
        tpu.vector_store %arg8[%swap3A_1729, %swap3A_1730], %mul3A_1728 {strides = array<i32>} : memref<128x128xf32, #tpu.memory_space<vmem>>, vector<16xf32>,
        %get3A_1732 = arith.index_cast %add3A_1703 : i32 to index
        %get3A_1733 = arith.constant 64 : index
        %get3A_1734 = tpu.vector_load %arg8[%get3A_1732, %get3A_1733] {strides = array<i32>} : memref<128x128xf32, #tpu.memory_space<vmem>>, vector<16xf32>,
        %mul3A_1735 = arith.mulf %get3A_1734, %broadcast_in_dim3A_1699 : vector<16xf32>
        %swap3A_1736 = arith.index_cast %add3A_1703 : i32 to index
        %swap3A_1737 = arith.constant 64 : index
        %swap3A_1738 = tpu.vector_load %arg8[%swap3A_1736, %swap3A_1737] {strides = array<i32>} : memref<128x128xf32, #tpu.memory_space<vmem>>, vector<16xf32>,
        tpu.vector_store %arg8[%swap3A_1736, %swap3A_1737], %mul3A_1735 {strides = array<i32>} : memref<128x128xf32, #tpu.memory_space<vmem>>, vector<16xf32>,
        %get3A_1739 = arith.index_cast %add3A_1703 : i32 to index
        %get3A_1740 = arith.constant 80 : index
        %get3A_1741 = tpu.vector_load %arg8[%get3A_1739, %get3A_1740] {strides = array<i32>} : memref<128x128xf32, #tpu.memory_space<vmem>>, vector<16xf32>,
        %mul3A_1742 = arith.mulf %get3A_1741, %broadcast_in_dim3A_1699 : vector<16xf32>
        %swap3A_1743 = arith.index_cast %add3A_1703 : i32 to index
        %swap3A_1744 = arith.constant 80 : index
        %swap3A_1745 = tpu.vector_load %arg8[%swap3A_1743, %swap3A_1744] {strides = array<i32>} : memref<128x128xf32, #tpu.memory_space<vmem>>, vector<16xf32>,
        tpu.vector_store %arg8[%swap3A_1743, %swap3A_1744], %mul3A_1742 {strides = array<i32>} : memref<128x128xf32, #tpu.memory_space<vmem>>, vector<16xf32>,
        %get3A_1746 = arith.index_cast %add3A_1703 : i32 to index
        %get3A_1747 = arith.constant 96 : index
        %get3A_1748 = tpu.vector_load %arg8[%get3A_1746, %get3A_1747] {strides = array<i32>} : memref<128x128xf32, #tpu.memory_space<vmem>>, vector<16xf32>,
        %mul3A_1749 = arith.mulf %get3A_1748, %broadcast_in_dim3A_1699 : vector<16xf32>
        %swap3A_1750 = arith.index_cast %add3A_1703 : i32 to index
        %swap3A_1751 = arith.constant 96 : index
        %swap3A_1752 = tpu.vector_load %arg8[%swap3A_1750, %swap3A_1751] {strides = array<i32>} : memref<128x128xf32, #tpu.memory_space<vmem>>, vector<16xf32>,
        tpu.vector_store %arg8[%swap3A_1750, %swap3A_1751], %mul3A_1749 {strides = array<i32>} : memref<128x128xf32, #tpu.memory_space<vmem>>, vector<16xf32>,
        %get3A_1753 = arith.index_cast %add3A_1703 : i32 to index
        %get3A_1754 = arith.constant 112 : index
        %get3A_1755 = tpu.vector_load %arg8[%get3A_1753, %get3A_1754] {strides = array<i32>} : memref<128x128xf32, #tpu.memory_space<vmem>>, vector<16xf32>,
        %mul3A_1756 = arith.mulf %get3A_1755, %broadcast_in_dim3A_1699 : vector<16xf32>
        %swap3A_1757 = arith.index_cast %add3A_1703 : i32 to index
        %swap3A_1758 = arith.constant 112 : index
        %swap3A_1759 = tpu.vector_load %arg8[%swap3A_1757, %swap3A_1758] {strides = array<i32>} : memref<128x128xf32, #tpu.memory_space<vmem>>, vector<16xf32>,
        tpu.vector_store %arg8[%swap3A_1757, %swap3A_1758], %mul3A_1756 {strides = array<i32>} : memref<128x128xf32, #tpu.memory_space<vmem>>, vector<16xf32>,
        %slice3A_1760 = vector.extract_strided_slice %bitcast3A_1192 {offsets = [9], sizes = [1], strides = [1]} : vector<16xf32> to vector<1xf32>
        %squeeze3A_1761 = vector.extract %slice3A_1760[0] : f32 from vector<1xf32>
        %broadcast_in_dim3A_1762 = vector.broadcast %squeeze3A_1761 : f32 to vector<16xf32>
        %mul3A_1763 = arith.constant 16 : i32
        %mul3A_1764 = arith.muli %scan3A_1174, %mul3A_1763 : i32
        %add3A_1765 = arith.constant 9 : i32
        %add3A_1766 = arith.addi %mul3A_1764, %add3A_1765 : i32
        %get3A_1767 = arith.index_cast %add3A_1766 : i32 to index
        %get3A_1768 = arith.constant 0 : index
        %get3A_1769 = tpu.vector_load %arg8[%get3A_1767, %get3A_1768] {strides = array<i32>} : memref<128x128xf32, #tpu.memory_space<vmem>>, vector<16xf32>,
        %mul3A_1770 = arith.mulf %get3A_1769, %broadcast_in_dim3A_1762 : vector<16xf32>
        %swap3A_1771 = arith.index_cast %add3A_1766 : i32 to index
        %swap3A_1772 = arith.constant 0 : index
        %swap3A_1773 = tpu.vector_load %arg8[%swap3A_1771, %swap3A_1772] {strides = array<i32>} : memref<128x128xf32, #tpu.memory_space<vmem>>, vector<16xf32>,
        tpu.vector_store %arg8[%swap3A_1771, %swap3A_1772], %mul3A_1770 {strides = array<i32>} : memref<128x128xf32, #tpu.memory_space<vmem>>, vector<16xf32>,
        %get3A_1774 = arith.index_cast %add3A_1766 : i32 to index
        %get3A_1775 = arith.constant 16 : index
        %get3A_1776 = tpu.vector_load %arg8[%get3A_1774, %get3A_1775] {strides = array<i32>} : memref<128x128xf32, #tpu.memory_space<vmem>>, vector<16xf32>,
        %mul3A_1777 = arith.mulf %get3A_1776, %broadcast_in_dim3A_1762 : vector<16xf32>
        %swap3A_1778 = arith.index_cast %add3A_1766 : i32 to index
        %swap3A_1779 = arith.constant 16 : index
        %swap3A_1780 = tpu.vector_load %arg8[%swap3A_1778, %swap3A_1779] {strides = array<i32>} : memref<128x128xf32, #tpu.memory_space<vmem>>, vector<16xf32>,
        tpu.vector_store %arg8[%swap3A_1778, %swap3A_1779], %mul3A_1777 {strides = array<i32>} : memref<128x128xf32, #tpu.memory_space<vmem>>, vector<16xf32>,
        %get3A_1781 = arith.index_cast %add3A_1766 : i32 to index
        %get3A_1782 = arith.constant 32 : index
        %get3A_1783 = tpu.vector_load %arg8[%get3A_1781, %get3A_1782] {strides = array<i32>} : memref<128x128xf32, #tpu.memory_space<vmem>>, vector<16xf32>,
        %mul3A_1784 = arith.mulf %get3A_1783, %broadcast_in_dim3A_1762 : vector<16xf32>
        %swap3A_1785 = arith.index_cast %add3A_1766 : i32 to index
        %swap3A_1786 = arith.constant 32 : index
        %swap3A_1787 = tpu.vector_load %arg8[%swap3A_1785, %swap3A_1786] {strides = array<i32>} : memref<128x128xf32, #tpu.memory_space<vmem>>, vector<16xf32>,
        tpu.vector_store %arg8[%swap3A_1785, %swap3A_1786], %mul3A_1784 {strides = array<i32>} : memref<128x128xf32, #tpu.memory_space<vmem>>, vector<16xf32>,
        %get3A_1788 = arith.index_cast %add3A_1766 : i32 to index
        %get3A_1789 = arith.constant 48 : index
        %get3A_1790 = tpu.vector_load %arg8[%get3A_1788, %get3A_1789] {strides = array<i32>} : memref<128x128xf32, #tpu.memory_space<vmem>>, vector<16xf32>,
        %mul3A_1791 = arith.mulf %get3A_1790, %broadcast_in_dim3A_1762 : vector<16xf32>
        %swap3A_1792 = arith.index_cast %add3A_1766 : i32 to index
        %swap3A_1793 = arith.constant 48 : index
        %swap3A_1794 = tpu.vector_load %arg8[%swap3A_1792, %swap3A_1793] {strides = array<i32>} : memref<128x128xf32, #tpu.memory_space<vmem>>, vector<16xf32>,
        tpu.vector_store %arg8[%swap3A_1792, %swap3A_1793], %mul3A_1791 {strides = array<i32>} : memref<128x128xf32, #tpu.memory_space<vmem>>, vector<16xf32>,
        %get3A_1795 = arith.index_cast %add3A_1766 : i32 to index
        %get3A_1796 = arith.constant 64 : index
        %get3A_1797 = tpu.vector_load %arg8[%get3A_1795, %get3A_1796] {strides = array<i32>} : memref<128x128xf32, #tpu.memory_space<vmem>>, vector<16xf32>,
        %mul3A_1798 = arith.mulf %get3A_1797, %broadcast_in_dim3A_1762 : vector<16xf32>
        %swap3A_1799 = arith.index_cast %add3A_1766 : i32 to index
        %swap3A_1800 = arith.constant 64 : index
        %swap3A_1801 = tpu.vector_load %arg8[%swap3A_1799, %swap3A_1800] {strides = array<i32>} : memref<128x128xf32, #tpu.memory_space<vmem>>, vector<16xf32>,
        tpu.vector_store %arg8[%swap3A_1799, %swap3A_1800], %mul3A_1798 {strides = array<i32>} : memref<128x128xf32, #tpu.memory_space<vmem>>, vector<16xf32>,
        %get3A_1802 = arith.index_cast %add3A_1766 : i32 to index
        %get3A_1803 = arith.constant 80 : index
        %get3A_1804 = tpu.vector_load %arg8[%get3A_1802, %get3A_1803] {strides = array<i32>} : memref<128x128xf32, #tpu.memory_space<vmem>>, vector<16xf32>,
        %mul3A_1805 = arith.mulf %get3A_1804, %broadcast_in_dim3A_1762 : vector<16xf32>
        %swap3A_1806 = arith.index_cast %add3A_1766 : i32 to index
        %swap3A_1807 = arith.constant 80 : index
        %swap3A_1808 = tpu.vector_load %arg8[%swap3A_1806, %swap3A_1807] {strides = array<i32>} : memref<128x128xf32, #tpu.memory_space<vmem>>, vector<16xf32>,
        tpu.vector_store %arg8[%swap3A_1806, %swap3A_1807], %mul3A_1805 {strides = array<i32>} : memref<128x128xf32, #tpu.memory_space<vmem>>, vector<16xf32>,
        %get3A_1809 = arith.index_cast %add3A_1766 : i32 to index
        %get3A_1810 = arith.constant 96 : index
        %get3A_1811 = tpu.vector_load %arg8[%get3A_1809, %get3A_1810] {strides = array<i32>} : memref<128x128xf32, #tpu.memory_space<vmem>>, vector<16xf32>,
        %mul3A_1812 = arith.mulf %get3A_1811, %broadcast_in_dim3A_1762 : vector<16xf32>
        %swap3A_1813 = arith.index_cast %add3A_1766 : i32 to index
        %swap3A_1814 = arith.constant 96 : index
        %swap3A_1815 = tpu.vector_load %arg8[%swap3A_1813, %swap3A_1814] {strides = array<i32>} : memref<128x128xf32, #tpu.memory_space<vmem>>, vector<16xf32>,
        tpu.vector_store %arg8[%swap3A_1813, %swap3A_1814], %mul3A_1812 {strides = array<i32>} : memref<128x128xf32, #tpu.memory_space<vmem>>, vector<16xf32>,
        %get3A_1816 = arith.index_cast %add3A_1766 : i32 to index
        %get3A_1817 = arith.constant 112 : index
        %get3A_1818 = tpu.vector_load %arg8[%get3A_1816, %get3A_1817] {strides = array<i32>} : memref<128x128xf32, #tpu.memory_space<vmem>>, vector<16xf32>,
        %mul3A_1819 = arith.mulf %get3A_1818, %broadcast_in_dim3A_1762 : vector<16xf32>
        %swap3A_1820 = arith.index_cast %add3A_1766 : i32 to index
        %swap3A_1821 = arith.constant 112 : index
        %swap3A_1822 = tpu.vector_load %arg8[%swap3A_1820, %swap3A_1821] {strides = array<i32>} : memref<128x128xf32, #tpu.memory_space<vmem>>, vector<16xf32>,
        tpu.vector_store %arg8[%swap3A_1820, %swap3A_1821], %mul3A_1819 {strides = array<i32>} : memref<128x128xf32, #tpu.memory_space<vmem>>, vector<16xf32>,
        %slice3A_1823 = vector.extract_strided_slice %bitcast3A_1192 {offsets = [10], sizes = [1], strides = [1]} : vector<16xf32> to vector<1xf32>
        %squeeze3A_1824 = vector.extract %slice3A_1823[0] : f32 from vector<1xf32>
        %broadcast_in_dim3A_1825 = vector.broadcast %squeeze3A_1824 : f32 to vector<16xf32>
        %mul3A_1826 = arith.constant 16 : i32
        %mul3A_1827 = arith.muli %scan3A_1174, %mul3A_1826 : i32
        %add3A_1828 = arith.constant 10 : i32
        %add3A_1829 = arith.addi %mul3A_1827, %add3A_1828 : i32
        %get3A_1830 = arith.index_cast %add3A_1829 : i32 to index
        %get3A_1831 = arith.constant 0 : index
        %get3A_1832 = tpu.vector_load %arg8[%get3A_1830, %get3A_1831] {strides = array<i32>} : memref<128x128xf32, #tpu.memory_space<vmem>>, vector<16xf32>,
        %mul3A_1833 = arith.mulf %get3A_1832, %broadcast_in_dim3A_1825 : vector<16xf32>
        %swap3A_1834 = arith.index_cast %add3A_1829 : i32 to index
        %swap3A_1835 = arith.constant 0 : index
        %swap3A_1836 = tpu.vector_load %arg8[%swap3A_1834, %swap3A_1835] {strides = array<i32>} : memref<128x128xf32, #tpu.memory_space<vmem>>, vector<16xf32>,
        tpu.vector_store %arg8[%swap3A_1834, %swap3A_1835], %mul3A_1833 {strides = array<i32>} : memref<128x128xf32, #tpu.memory_space<vmem>>, vector<16xf32>,
        %get3A_1837 = arith.index_cast %add3A_1829 : i32 to index
        %get3A_1838 = arith.constant 16 : index
        %get3A_1839 = tpu.vector_load %arg8[%get3A_1837, %get3A_1838] {strides = array<i32>} : memref<128x128xf32, #tpu.memory_space<vmem>>, vector<16xf32>,
        %mul3A_1840 = arith.mulf %get3A_1839, %broadcast_in_dim3A_1825 : vector<16xf32>
        %swap3A_1841 = arith.index_cast %add3A_1829 : i32 to index
        %swap3A_1842 = arith.constant 16 : index
        %swap3A_1843 = tpu.vector_load %arg8[%swap3A_1841, %swap3A_1842] {strides = array<i32>} : memref<128x128xf32, #tpu.memory_space<vmem>>, vector<16xf32>,
        tpu.vector_store %arg8[%swap3A_1841, %swap3A_1842], %mul3A_1840 {strides = array<i32>} : memref<128x128xf32, #tpu.memory_space<vmem>>, vector<16xf32>,
        %get3A_1844 = arith.index_cast %add3A_1829 : i32 to index
        %get3A_1845 = arith.constant 32 : index
        %get3A_1846 = tpu.vector_load %arg8[%get3A_1844, %get3A_1845] {strides = array<i32>} : memref<128x128xf32, #tpu.memory_space<vmem>>, vector<16xf32>,
        %mul3A_1847 = arith.mulf %get3A_1846, %broadcast_in_dim3A_1825 : vector<16xf32>
        %swap3A_1848 = arith.index_cast %add3A_1829 : i32 to index
        %swap3A_1849 = arith.constant 32 : index
        %swap3A_1850 = tpu.vector_load %arg8[%swap3A_1848, %swap3A_1849] {strides = array<i32>} : memref<128x128xf32, #tpu.memory_space<vmem>>, vector<16xf32>,
        tpu.vector_store %arg8[%swap3A_1848, %swap3A_1849], %mul3A_1847 {strides = array<i32>} : memref<128x128xf32, #tpu.memory_space<vmem>>, vector<16xf32>,
        %get3A_1851 = arith.index_cast %add3A_1829 : i32 to index
        %get3A_1852 = arith.constant 48 : index
        %get3A_1853 = tpu.vector_load %arg8[%get3A_1851, %get3A_1852] {strides = array<i32>} : memref<128x128xf32, #tpu.memory_space<vmem>>, vector<16xf32>,
        %mul3A_1854 = arith.mulf %get3A_1853, %broadcast_in_dim3A_1825 : vector<16xf32>
        %swap3A_1855 = arith.index_cast %add3A_1829 : i32 to index
        %swap3A_1856 = arith.constant 48 : index
        %swap3A_1857 = tpu.vector_load %arg8[%swap3A_1855, %swap3A_1856] {strides = array<i32>} : memref<128x128xf32, #tpu.memory_space<vmem>>, vector<16xf32>,
        tpu.vector_store %arg8[%swap3A_1855, %swap3A_1856], %mul3A_1854 {strides = array<i32>} : memref<128x128xf32, #tpu.memory_space<vmem>>, vector<16xf32>,
        %get3A_1858 = arith.index_cast %add3A_1829 : i32 to index
        %get3A_1859 = arith.constant 64 : index
        %get3A_1860 = tpu.vector_load %arg8[%get3A_1858, %get3A_1859] {strides = array<i32>} : memref<128x128xf32, #tpu.memory_space<vmem>>, vector<16xf32>,
        %mul3A_1861 = arith.mulf %get3A_1860, %broadcast_in_dim3A_1825 : vector<16xf32>
        %swap3A_1862 = arith.index_cast %add3A_1829 : i32 to index
        %swap3A_1863 = arith.constant 64 : index
        %swap3A_1864 = tpu.vector_load %arg8[%swap3A_1862, %swap3A_1863] {strides = array<i32>} : memref<128x128xf32, #tpu.memory_space<vmem>>, vector<16xf32>,
        tpu.vector_store %arg8[%swap3A_1862, %swap3A_1863], %mul3A_1861 {strides = array<i32>} : memref<128x128xf32, #tpu.memory_space<vmem>>, vector<16xf32>,
        %get3A_1865 = arith.index_cast %add3A_1829 : i32 to index
        %get3A_1866 = arith.constant 80 : index
        %get3A_1867 = tpu.vector_load %arg8[%get3A_1865, %get3A_1866] {strides = array<i32>} : memref<128x128xf32, #tpu.memory_space<vmem>>, vector<16xf32>,
        %mul3A_1868 = arith.mulf %get3A_1867, %broadcast_in_dim3A_1825 : vector<16xf32>
        %swap3A_1869 = arith.index_cast %add3A_1829 : i32 to index
        %swap3A_1870 = arith.constant 80 : index
        %swap3A_1871 = tpu.vector_load %arg8[%swap3A_1869, %swap3A_1870] {strides = array<i32>} : memref<128x128xf32, #tpu.memory_space<vmem>>, vector<16xf32>,
        tpu.vector_store %arg8[%swap3A_1869, %swap3A_1870], %mul3A_1868 {strides = array<i32>} : memref<128x128xf32, #tpu.memory_space<vmem>>, vector<16xf32>,
        %get3A_1872 = arith.index_cast %add3A_1829 : i32 to index
        %get3A_1873 = arith.constant 96 : index
        %get3A_1874 = tpu.vector_load %arg8[%get3A_1872, %get3A_1873] {strides = array<i32>} : memref<128x128xf32, #tpu.memory_space<vmem>>, vector<16xf32>,
        %mul3A_1875 = arith.mulf %get3A_1874, %broadcast_in_dim3A_1825 : vector<16xf32>
        %swap3A_1876 = arith.index_cast %add3A_1829 : i32 to index
        %swap3A_1877 = arith.constant 96 : index
        %swap3A_1878 = tpu.vector_load %arg8[%swap3A_1876, %swap3A_1877] {strides = array<i32>} : memref<128x128xf32, #tpu.memory_space<vmem>>, vector<16xf32>,
        tpu.vector_store %arg8[%swap3A_1876, %swap3A_1877], %mul3A_1875 {strides = array<i32>} : memref<128x128xf32, #tpu.memory_space<vmem>>, vector<16xf32>,
        %get3A_1879 = arith.index_cast %add3A_1829 : i32 to index
        %get3A_1880 = arith.constant 112 : index
        %get3A_1881 = tpu.vector_load %arg8[%get3A_1879, %get3A_1880] {strides = array<i32>} : memref<128x128xf32, #tpu.memory_space<vmem>>, vector<16xf32>,
        %mul3A_1882 = arith.mulf %get3A_1881, %broadcast_in_dim3A_1825 : vector<16xf32>
        %swap3A_1883 = arith.index_cast %add3A_1829 : i32 to index
        %swap3A_1884 = arith.constant 112 : index
        %swap3A_1885 = tpu.vector_load %arg8[%swap3A_1883, %swap3A_1884] {strides = array<i32>} : memref<128x128xf32, #tpu.memory_space<vmem>>, vector<16xf32>,
        tpu.vector_store %arg8[%swap3A_1883, %swap3A_1884], %mul3A_1882 {strides = array<i32>} : memref<128x128xf32, #tpu.memory_space<vmem>>, vector<16xf32>,
        %slice3A_1886 = vector.extract_strided_slice %bitcast3A_1192 {offsets = [11], sizes = [1], strides = [1]} : vector<16xf32> to vector<1xf32>
        %squeeze3A_1887 = vector.extract %slice3A_1886[0] : f32 from vector<1xf32>
        %broadcast_in_dim3A_1888 = vector.broadcast %squeeze3A_1887 : f32 to vector<16xf32>
        %mul3A_1889 = arith.constant 16 : i32
        %mul3A_1890 = arith.muli %scan3A_1174, %mul3A_1889 : i32
        %add3A_1891 = arith.constant 11 : i32
        %add3A_1892 = arith.addi %mul3A_1890, %add3A_1891 : i32
        %get3A_1893 = arith.index_cast %add3A_1892 : i32 to index
        %get3A_1894 = arith.constant 0 : index
        %get3A_1895 = tpu.vector_load %arg8[%get3A_1893, %get3A_1894] {strides = array<i32>} : memref<128x128xf32, #tpu.memory_space<vmem>>, vector<16xf32>,
        %mul3A_1896 = arith.mulf %get3A_1895, %broadcast_in_dim3A_1888 : vector<16xf32>
        %swap3A_1897 = arith.index_cast %add3A_1892 : i32 to index
        %swap3A_1898 = arith.constant 0 : index
        %swap3A_1899 = tpu.vector_load %arg8[%swap3A_1897, %swap3A_1898] {strides = array<i32>} : memref<128x128xf32, #tpu.memory_space<vmem>>, vector<16xf32>,
        tpu.vector_store %arg8[%swap3A_1897, %swap3A_1898], %mul3A_1896 {strides = array<i32>} : memref<128x128xf32, #tpu.memory_space<vmem>>, vector<16xf32>,
        %get3A_1900 = arith.index_cast %add3A_1892 : i32 to index
        %get3A_1901 = arith.constant 16 : index
        %get3A_1902 = tpu.vector_load %arg8[%get3A_1900, %get3A_1901] {strides = array<i32>} : memref<128x128xf32, #tpu.memory_space<vmem>>, vector<16xf32>,
        %mul3A_1903 = arith.mulf %get3A_1902, %broadcast_in_dim3A_1888 : vector<16xf32>
        %swap3A_1904 = arith.index_cast %add3A_1892 : i32 to index
        %swap3A_1905 = arith.constant 16 : index
        %swap3A_1906 = tpu.vector_load %arg8[%swap3A_1904, %swap3A_1905] {strides = array<i32>} : memref<128x128xf32, #tpu.memory_space<vmem>>, vector<16xf32>,
        tpu.vector_store %arg8[%swap3A_1904, %swap3A_1905], %mul3A_1903 {strides = array<i32>} : memref<128x128xf32, #tpu.memory_space<vmem>>, vector<16xf32>,
        %get3A_1907 = arith.index_cast %add3A_1892 : i32 to index
        %get3A_1908 = arith.constant 32 : index
        %get3A_1909 = tpu.vector_load %arg8[%get3A_1907, %get3A_1908] {strides = array<i32>} : memref<128x128xf32, #tpu.memory_space<vmem>>, vector<16xf32>,
        %mul3A_1910 = arith.mulf %get3A_1909, %broadcast_in_dim3A_1888 : vector<16xf32>
        %swap3A_1911 = arith.index_cast %add3A_1892 : i32 to index
        %swap3A_1912 = arith.constant 32 : index
        %swap3A_1913 = tpu.vector_load %arg8[%swap3A_1911, %swap3A_1912] {strides = array<i32>} : memref<128x128xf32, #tpu.memory_space<vmem>>, vector<16xf32>,
        tpu.vector_store %arg8[%swap3A_1911, %swap3A_1912], %mul3A_1910 {strides = array<i32>} : memref<128x128xf32, #tpu.memory_space<vmem>>, vector<16xf32>,
        %get3A_1914 = arith.index_cast %add3A_1892 : i32 to index
        %get3A_1915 = arith.constant 48 : index
        %get3A_1916 = tpu.vector_load %arg8[%get3A_1914, %get3A_1915] {strides = array<i32>} : memref<128x128xf32, #tpu.memory_space<vmem>>, vector<16xf32>,
        %mul3A_1917 = arith.mulf %get3A_1916, %broadcast_in_dim3A_1888 : vector<16xf32>
        %swap3A_1918 = arith.index_cast %add3A_1892 : i32 to index
        %swap3A_1919 = arith.constant 48 : index
        %swap3A_1920 = tpu.vector_load %arg8[%swap3A_1918, %swap3A_1919] {strides = array<i32>} : memref<128x128xf32, #tpu.memory_space<vmem>>, vector<16xf32>,
        tpu.vector_store %arg8[%swap3A_1918, %swap3A_1919], %mul3A_1917 {strides = array<i32>} : memref<128x128xf32, #tpu.memory_space<vmem>>, vector<16xf32>,
        %get3A_1921 = arith.index_cast %add3A_1892 : i32 to index
        %get3A_1922 = arith.constant 64 : index
        %get3A_1923 = tpu.vector_load %arg8[%get3A_1921, %get3A_1922] {strides = array<i32>} : memref<128x128xf32, #tpu.memory_space<vmem>>, vector<16xf32>,
        %mul3A_1924 = arith.mulf %get3A_1923, %broadcast_in_dim3A_1888 : vector<16xf32>
        %swap3A_1925 = arith.index_cast %add3A_1892 : i32 to index
        %swap3A_1926 = arith.constant 64 : index
        %swap3A_1927 = tpu.vector_load %arg8[%swap3A_1925, %swap3A_1926] {strides = array<i32>} : memref<128x128xf32, #tpu.memory_space<vmem>>, vector<16xf32>,
        tpu.vector_store %arg8[%swap3A_1925, %swap3A_1926], %mul3A_1924 {strides = array<i32>} : memref<128x128xf32, #tpu.memory_space<vmem>>, vector<16xf32>,
        %get3A_1928 = arith.index_cast %add3A_1892 : i32 to index
        %get3A_1929 = arith.constant 80 : index
        %get3A_1930 = tpu.vector_load %arg8[%get3A_1928, %get3A_1929] {strides = array<i32>} : memref<128x128xf32, #tpu.memory_space<vmem>>, vector<16xf32>,
        %mul3A_1931 = arith.mulf %get3A_1930, %broadcast_in_dim3A_1888 : vector<16xf32>
        %swap3A_1932 = arith.index_cast %add3A_1892 : i32 to index
        %swap3A_1933 = arith.constant 80 : index
        %swap3A_1934 = tpu.vector_load %arg8[%swap3A_1932, %swap3A_1933] {strides = array<i32>} : memref<128x128xf32, #tpu.memory_space<vmem>>, vector<16xf32>,
        tpu.vector_store %arg8[%swap3A_1932, %swap3A_1933], %mul3A_1931 {strides = array<i32>} : memref<128x128xf32, #tpu.memory_space<vmem>>, vector<16xf32>,
        %get3A_1935 = arith.index_cast %add3A_1892 : i32 to index
        %get3A_1936 = arith.constant 96 : index
        %get3A_1937 = tpu.vector_load %arg8[%get3A_1935, %get3A_1936] {strides = array<i32>} : memref<128x128xf32, #tpu.memory_space<vmem>>, vector<16xf32>,
        %mul3A_1938 = arith.mulf %get3A_1937, %broadcast_in_dim3A_1888 : vector<16xf32>
        %swap3A_1939 = arith.index_cast %add3A_1892 : i32 to index
        %swap3A_1940 = arith.constant 96 : index
        %swap3A_1941 = tpu.vector_load %arg8[%swap3A_1939, %swap3A_1940] {strides = array<i32>} : memref<128x128xf32, #tpu.memory_space<vmem>>, vector<16xf32>,
        tpu.vector_store %arg8[%swap3A_1939, %swap3A_1940], %mul3A_1938 {strides = array<i32>} : memref<128x128xf32, #tpu.memory_space<vmem>>, vector<16xf32>,
        %get3A_1942 = arith.index_cast %add3A_1892 : i32 to index
        %get3A_1943 = arith.constant 112 : index
        %get3A_1944 = tpu.vector_load %arg8[%get3A_1942, %get3A_1943] {strides = array<i32>} : memref<128x128xf32, #tpu.memory_space<vmem>>, vector<16xf32>,
        %mul3A_1945 = arith.mulf %get3A_1944, %broadcast_in_dim3A_1888 : vector<16xf32>
        %swap3A_1946 = arith.index_cast %add3A_1892 : i32 to index
        %swap3A_1947 = arith.constant 112 : index
        %swap3A_1948 = tpu.vector_load %arg8[%swap3A_1946, %swap3A_1947] {strides = array<i32>} : memref<128x128xf32, #tpu.memory_space<vmem>>, vector<16xf32>,
        tpu.vector_store %arg8[%swap3A_1946, %swap3A_1947], %mul3A_1945 {strides = array<i32>} : memref<128x128xf32, #tpu.memory_space<vmem>>, vector<16xf32>,
        %slice3A_1949 = vector.extract_strided_slice %bitcast3A_1192 {offsets = [12], sizes = [1], strides = [1]} : vector<16xf32> to vector<1xf32>
        %squeeze3A_1950 = vector.extract %slice3A_1949[0] : f32 from vector<1xf32>
        %broadcast_in_dim3A_1951 = vector.broadcast %squeeze3A_1950 : f32 to vector<16xf32>
        %mul3A_1952 = arith.constant 16 : i32
        %mul3A_1953 = arith.muli %scan3A_1174, %mul3A_1952 : i32
        %add3A_1954 = arith.constant 12 : i32
        %add3A_1955 = arith.addi %mul3A_1953, %add3A_1954 : i32
        %get3A_1956 = arith.index_cast %add3A_1955 : i32 to index
        %get3A_1957 = arith.constant 0 : index
        %get3A_1958 = tpu.vector_load %arg8[%get3A_1956, %get3A_1957] {strides = array<i32>} : memref<128x128xf32, #tpu.memory_space<vmem>>, vector<16xf32>,
        %mul3A_1959 = arith.mulf %get3A_1958, %broadcast_in_dim3A_1951 : vector<16xf32>
        %swap3A_1960 = arith.index_cast %add3A_1955 : i32 to index
        %swap3A_1961 = arith.constant 0 : index
        %swap3A_1962 = tpu.vector_load %arg8[%swap3A_1960, %swap3A_1961] {strides = array<i32>} : memref<128x128xf32, #tpu.memory_space<vmem>>, vector<16xf32>,
        tpu.vector_store %arg8[%swap3A_1960, %swap3A_1961], %mul3A_1959 {strides = array<i32>} : memref<128x128xf32, #tpu.memory_space<vmem>>, vector<16xf32>,
        %get3A_1963 = arith.index_cast %add3A_1955 : i32 to index
        %get3A_1964 = arith.constant 16 : index
        %get3A_1965 = tpu.vector_load %arg8[%get3A_1963, %get3A_1964] {strides = array<i32>} : memref<128x128xf32, #tpu.memory_space<vmem>>, vector<16xf32>,
        %mul3A_1966 = arith.mulf %get3A_1965, %broadcast_in_dim3A_1951 : vector<16xf32>
        %swap3A_1967 = arith.index_cast %add3A_1955 : i32 to index
        %swap3A_1968 = arith.constant 16 : index
        %swap3A_1969 = tpu.vector_load %arg8[%swap3A_1967, %swap3A_1968] {strides = array<i32>} : memref<128x128xf32, #tpu.memory_space<vmem>>, vector<16xf32>,
        tpu.vector_store %arg8[%swap3A_1967, %swap3A_1968], %mul3A_1966 {strides = array<i32>} : memref<128x128xf32, #tpu.memory_space<vmem>>, vector<16xf32>,
        %get3A_1970 = arith.index_cast %add3A_1955 : i32 to index
        %get3A_1971 = arith.constant 32 : index
        %get3A_1972 = tpu.vector_load %arg8[%get3A_1970, %get3A_1971] {strides = array<i32>} : memref<128x128xf32, #tpu.memory_space<vmem>>, vector<16xf32>,
        %mul3A_1973 = arith.mulf %get3A_1972, %broadcast_in_dim3A_1951 : vector<16xf32>
        %swap3A_1974 = arith.index_cast %add3A_1955 : i32 to index
        %swap3A_1975 = arith.constant 32 : index
        %swap3A_1976 = tpu.vector_load %arg8[%swap3A_1974, %swap3A_1975] {strides = array<i32>} : memref<128x128xf32, #tpu.memory_space<vmem>>, vector<16xf32>,
        tpu.vector_store %arg8[%swap3A_1974, %swap3A_1975], %mul3A_1973 {strides = array<i32>} : memref<128x128xf32, #tpu.memory_space<vmem>>, vector<16xf32>,
        %get3A_1977 = arith.index_cast %add3A_1955 : i32 to index
        %get3A_1978 = arith.constant 48 : index
        %get3A_1979 = tpu.vector_load %arg8[%get3A_1977, %get3A_1978] {strides = array<i32>} : memref<128x128xf32, #tpu.memory_space<vmem>>, vector<16xf32>,
        %mul3A_1980 = arith.mulf %get3A_1979, %broadcast_in_dim3A_1951 : vector<16xf32>
        %swap3A_1981 = arith.index_cast %add3A_1955 : i32 to index
        %swap3A_1982 = arith.constant 48 : index
        %swap3A_1983 = tpu.vector_load %arg8[%swap3A_1981, %swap3A_1982] {strides = array<i32>} : memref<128x128xf32, #tpu.memory_space<vmem>>, vector<16xf32>,
        tpu.vector_store %arg8[%swap3A_1981, %swap3A_1982], %mul3A_1980 {strides = array<i32>} : memref<128x128xf32, #tpu.memory_space<vmem>>, vector<16xf32>,
        %get3A_1984 = arith.index_cast %add3A_1955 : i32 to index
        %get3A_1985 = arith.constant 64 : index
        %get3A_1986 = tpu.vector_load %arg8[%get3A_1984, %get3A_1985] {strides = array<i32>} : memref<128x128xf32, #tpu.memory_space<vmem>>, vector<16xf32>,
        %mul3A_1987 = arith.mulf %get3A_1986, %broadcast_in_dim3A_1951 : vector<16xf32>
        %swap3A_1988 = arith.index_cast %add3A_1955 : i32 to index
        %swap3A_1989 = arith.constant 64 : index
        %swap3A_1990 = tpu.vector_load %arg8[%swap3A_1988, %swap3A_1989] {strides = array<i32>} : memref<128x128xf32, #tpu.memory_space<vmem>>, vector<16xf32>,
        tpu.vector_store %arg8[%swap3A_1988, %swap3A_1989], %mul3A_1987 {strides = array<i32>} : memref<128x128xf32, #tpu.memory_space<vmem>>, vector<16xf32>,
        %get3A_1991 = arith.index_cast %add3A_1955 : i32 to index
        %get3A_1992 = arith.constant 80 : index
        %get3A_1993 = tpu.vector_load %arg8[%get3A_1991, %get3A_1992] {strides = array<i32>} : memref<128x128xf32, #tpu.memory_space<vmem>>, vector<16xf32>,
        %mul3A_1994 = arith.mulf %get3A_1993, %broadcast_in_dim3A_1951 : vector<16xf32>
        %swap3A_1995 = arith.index_cast %add3A_1955 : i32 to index
        %swap3A_1996 = arith.constant 80 : index
        %swap3A_1997 = tpu.vector_load %arg8[%swap3A_1995, %swap3A_1996] {strides = array<i32>} : memref<128x128xf32, #tpu.memory_space<vmem>>, vector<16xf32>,
        tpu.vector_store %arg8[%swap3A_1995, %swap3A_1996], %mul3A_1994 {strides = array<i32>} : memref<128x128xf32, #tpu.memory_space<vmem>>, vector<16xf32>,
        %get3A_1998 = arith.index_cast %add3A_1955 : i32 to index
        %get3A_1999 = arith.constant 96 : index
        %get3A_2000 = tpu.vector_load %arg8[%get3A_1998, %get3A_1999] {strides = array<i32>} : memref<128x128xf32, #tpu.memory_space<vmem>>, vector<16xf32>,
        %mul3A_2001 = arith.mulf %get3A_2000, %broadcast_in_dim3A_1951 : vector<16xf32>
        %swap3A_2002 = arith.index_cast %add3A_1955 : i32 to index
        %swap3A_2003 = arith.constant 96 : index
        %swap3A_2004 = tpu.vector_load %arg8[%swap3A_2002, %swap3A_2003] {strides = array<i32>} : memref<128x128xf32, #tpu.memory_space<vmem>>, vector<16xf32>,
        tpu.vector_store %arg8[%swap3A_2002, %swap3A_2003], %mul3A_2001 {strides = array<i32>} : memref<128x128xf32, #tpu.memory_space<vmem>>, vector<16xf32>,
        %get3A_2005 = arith.index_cast %add3A_1955 : i32 to index
        %get3A_2006 = arith.constant 112 : index
        %get3A_2007 = tpu.vector_load %arg8[%get3A_2005, %get3A_2006] {strides = array<i32>} : memref<128x128xf32, #tpu.memory_space<vmem>>, vector<16xf32>,
        %mul3A_2008 = arith.mulf %get3A_2007, %broadcast_in_dim3A_1951 : vector<16xf32>
        %swap3A_2009 = arith.index_cast %add3A_1955 : i32 to index
        %swap3A_2010 = arith.constant 112 : index
        %swap3A_2011 = tpu.vector_load %arg8[%swap3A_2009, %swap3A_2010] {strides = array<i32>} : memref<128x128xf32, #tpu.memory_space<vmem>>, vector<16xf32>,
        tpu.vector_store %arg8[%swap3A_2009, %swap3A_2010], %mul3A_2008 {strides = array<i32>} : memref<128x128xf32, #tpu.memory_space<vmem>>, vector<16xf32>,
        %slice3A_2012 = vector.extract_strided_slice %bitcast3A_1192 {offsets = [13], sizes = [1], strides = [1]} : vector<16xf32> to vector<1xf32>
        %squeeze3A_2013 = vector.extract %slice3A_2012[0] : f32 from vector<1xf32>
        %broadcast_in_dim3A_2014 = vector.broadcast %squeeze3A_2013 : f32 to vector<16xf32>
        %mul3A_2015 = arith.constant 16 : i32
        %mul3A_2016 = arith.muli %scan3A_1174, %mul3A_2015 : i32
        %add3A_2017 = arith.constant 13 : i32
        %add3A_2018 = arith.addi %mul3A_2016, %add3A_2017 : i32
        %get3A_2019 = arith.index_cast %add3A_2018 : i32 to index
        %get3A_2020 = arith.constant 0 : index
        %get3A_2021 = tpu.vector_load %arg8[%get3A_2019, %get3A_2020] {strides = array<i32>} : memref<128x128xf32, #tpu.memory_space<vmem>>, vector<16xf32>,
        %mul3A_2022 = arith.mulf %get3A_2021, %broadcast_in_dim3A_2014 : vector<16xf32>
        %swap3A_2023 = arith.index_cast %add3A_2018 : i32 to index
        %swap3A_2024 = arith.constant 0 : index
        %swap3A_2025 = tpu.vector_load %arg8[%swap3A_2023, %swap3A_2024] {strides = array<i32>} : memref<128x128xf32, #tpu.memory_space<vmem>>, vector<16xf32>,
        tpu.vector_store %arg8[%swap3A_2023, %swap3A_2024], %mul3A_2022 {strides = array<i32>} : memref<128x128xf32, #tpu.memory_space<vmem>>, vector<16xf32>,
        %get3A_2026 = arith.index_cast %add3A_2018 : i32 to index
        %get3A_2027 = arith.constant 16 : index
        %get3A_2028 = tpu.vector_load %arg8[%get3A_2026, %get3A_2027] {strides = array<i32>} : memref<128x128xf32, #tpu.memory_space<vmem>>, vector<16xf32>,
        %mul3A_2029 = arith.mulf %get3A_2028, %broadcast_in_dim3A_2014 : vector<16xf32>
        %swap3A_2030 = arith.index_cast %add3A_2018 : i32 to index
        %swap3A_2031 = arith.constant 16 : index
        %swap3A_2032 = tpu.vector_load %arg8[%swap3A_2030, %swap3A_2031] {strides = array<i32>} : memref<128x128xf32, #tpu.memory_space<vmem>>, vector<16xf32>,
        tpu.vector_store %arg8[%swap3A_2030, %swap3A_2031], %mul3A_2029 {strides = array<i32>} : memref<128x128xf32, #tpu.memory_space<vmem>>, vector<16xf32>,
        %get3A_2033 = arith.index_cast %add3A_2018 : i32 to index
        %get3A_2034 = arith.constant 32 : index
        %get3A_2035 = tpu.vector_load %arg8[%get3A_2033, %get3A_2034] {strides = array<i32>} : memref<128x128xf32, #tpu.memory_space<vmem>>, vector<16xf32>,
        %mul3A_2036 = arith.mulf %get3A_2035, %broadcast_in_dim3A_2014 : vector<16xf32>
        %swap3A_2037 = arith.index_cast %add3A_2018 : i32 to index
        %swap3A_2038 = arith.constant 32 : index
        %swap3A_2039 = tpu.vector_load %arg8[%swap3A_2037, %swap3A_2038] {strides = array<i32>} : memref<128x128xf32, #tpu.memory_space<vmem>>, vector<16xf32>,
        tpu.vector_store %arg8[%swap3A_2037, %swap3A_2038], %mul3A_2036 {strides = array<i32>} : memref<128x128xf32, #tpu.memory_space<vmem>>, vector<16xf32>,
        %get3A_2040 = arith.index_cast %add3A_2018 : i32 to index
        %get3A_2041 = arith.constant 48 : index
        %get3A_2042 = tpu.vector_load %arg8[%get3A_2040, %get3A_2041] {strides = array<i32>} : memref<128x128xf32, #tpu.memory_space<vmem>>, vector<16xf32>,
        %mul3A_2043 = arith.mulf %get3A_2042, %broadcast_in_dim3A_2014 : vector<16xf32>
        %swap3A_2044 = arith.index_cast %add3A_2018 : i32 to index
        %swap3A_2045 = arith.constant 48 : index
        %swap3A_2046 = tpu.vector_load %arg8[%swap3A_2044, %swap3A_2045] {strides = array<i32>} : memref<128x128xf32, #tpu.memory_space<vmem>>, vector<16xf32>,
        tpu.vector_store %arg8[%swap3A_2044, %swap3A_2045], %mul3A_2043 {strides = array<i32>} : memref<128x128xf32, #tpu.memory_space<vmem>>, vector<16xf32>,
        %get3A_2047 = arith.index_cast %add3A_2018 : i32 to index
        %get3A_2048 = arith.constant 64 : index
        %get3A_2049 = tpu.vector_load %arg8[%get3A_2047, %get3A_2048] {strides = array<i32>} : memref<128x128xf32, #tpu.memory_space<vmem>>, vector<16xf32>,
        %mul3A_2050 = arith.mulf %get3A_2049, %broadcast_in_dim3A_2014 : vector<16xf32>
        %swap3A_2051 = arith.index_cast %add3A_2018 : i32 to index
        %swap3A_2052 = arith.constant 64 : index
        %swap3A_2053 = tpu.vector_load %arg8[%swap3A_2051, %swap3A_2052] {strides = array<i32>} : memref<128x128xf32, #tpu.memory_space<vmem>>, vector<16xf32>,
        tpu.vector_store %arg8[%swap3A_2051, %swap3A_2052], %mul3A_2050 {strides = array<i32>} : memref<128x128xf32, #tpu.memory_space<vmem>>, vector<16xf32>,
        %get3A_2054 = arith.index_cast %add3A_2018 : i32 to index
        %get3A_2055 = arith.constant 80 : index
        %get3A_2056 = tpu.vector_load %arg8[%get3A_2054, %get3A_2055] {strides = array<i32>} : memref<128x128xf32, #tpu.memory_space<vmem>>, vector<16xf32>,
        %mul3A_2057 = arith.mulf %get3A_2056, %broadcast_in_dim3A_2014 : vector<16xf32>
        %swap3A_2058 = arith.index_cast %add3A_2018 : i32 to index
        %swap3A_2059 = arith.constant 80 : index
        %swap3A_2060 = tpu.vector_load %arg8[%swap3A_2058, %swap3A_2059] {strides = array<i32>} : memref<128x128xf32, #tpu.memory_space<vmem>>, vector<16xf32>,
        tpu.vector_store %arg8[%swap3A_2058, %swap3A_2059], %mul3A_2057 {strides = array<i32>} : memref<128x128xf32, #tpu.memory_space<vmem>>, vector<16xf32>,
        %get3A_2061 = arith.index_cast %add3A_2018 : i32 to index
        %get3A_2062 = arith.constant 96 : index
        %get3A_2063 = tpu.vector_load %arg8[%get3A_2061, %get3A_2062] {strides = array<i32>} : memref<128x128xf32, #tpu.memory_space<vmem>>, vector<16xf32>,
        %mul3A_2064 = arith.mulf %get3A_2063, %broadcast_in_dim3A_2014 : vector<16xf32>
        %swap3A_2065 = arith.index_cast %add3A_2018 : i32 to index
        %swap3A_2066 = arith.constant 96 : index
        %swap3A_2067 = tpu.vector_load %arg8[%swap3A_2065, %swap3A_2066] {strides = array<i32>} : memref<128x128xf32, #tpu.memory_space<vmem>>, vector<16xf32>,
        tpu.vector_store %arg8[%swap3A_2065, %swap3A_2066], %mul3A_2064 {strides = array<i32>} : memref<128x128xf32, #tpu.memory_space<vmem>>, vector<16xf32>,
        %get3A_2068 = arith.index_cast %add3A_2018 : i32 to index
        %get3A_2069 = arith.constant 112 : index
        %get3A_2070 = tpu.vector_load %arg8[%get3A_2068, %get3A_2069] {strides = array<i32>} : memref<128x128xf32, #tpu.memory_space<vmem>>, vector<16xf32>,
        %mul3A_2071 = arith.mulf %get3A_2070, %broadcast_in_dim3A_2014 : vector<16xf32>
        %swap3A_2072 = arith.index_cast %add3A_2018 : i32 to index
        %swap3A_2073 = arith.constant 112 : index
        %swap3A_2074 = tpu.vector_load %arg8[%swap3A_2072, %swap3A_2073] {strides = array<i32>} : memref<128x128xf32, #tpu.memory_space<vmem>>, vector<16xf32>,
        tpu.vector_store %arg8[%swap3A_2072, %swap3A_2073], %mul3A_2071 {strides = array<i32>} : memref<128x128xf32, #tpu.memory_space<vmem>>, vector<16xf32>,
        %slice3A_2075 = vector.extract_strided_slice %bitcast3A_1192 {offsets = [14], sizes = [1], strides = [1]} : vector<16xf32> to vector<1xf32>
        %squeeze3A_2076 = vector.extract %slice3A_2075[0] : f32 from vector<1xf32>
        %broadcast_in_dim3A_2077 = vector.broadcast %squeeze3A_2076 : f32 to vector<16xf32>
        %mul3A_2078 = arith.constant 16 : i32
        %mul3A_2079 = arith.muli %scan3A_1174, %mul3A_2078 : i32
        %add3A_2080 = arith.constant 14 : i32
        %add3A_2081 = arith.addi %mul3A_2079, %add3A_2080 : i32
        %get3A_2082 = arith.index_cast %add3A_2081 : i32 to index
        %get3A_2083 = arith.constant 0 : index
        %get3A_2084 = tpu.vector_load %arg8[%get3A_2082, %get3A_2083] {strides = array<i32>} : memref<128x128xf32, #tpu.memory_space<vmem>>, vector<16xf32>,
        %mul3A_2085 = arith.mulf %get3A_2084, %broadcast_in_dim3A_2077 : vector<16xf32>
        %swap3A_2086 = arith.index_cast %add3A_2081 : i32 to index
        %swap3A_2087 = arith.constant 0 : index
        %swap3A_2088 = tpu.vector_load %arg8[%swap3A_2086, %swap3A_2087] {strides = array<i32>} : memref<128x128xf32, #tpu.memory_space<vmem>>, vector<16xf32>,
        tpu.vector_store %arg8[%swap3A_2086, %swap3A_2087], %mul3A_2085 {strides = array<i32>} : memref<128x128xf32, #tpu.memory_space<vmem>>, vector<16xf32>,
        %get3A_2089 = arith.index_cast %add3A_2081 : i32 to index
        %get3A_2090 = arith.constant 16 : index
        %get3A_2091 = tpu.vector_load %arg8[%get3A_2089, %get3A_2090] {strides = array<i32>} : memref<128x128xf32, #tpu.memory_space<vmem>>, vector<16xf32>,
        %mul3A_2092 = arith.mulf %get3A_2091, %broadcast_in_dim3A_2077 : vector<16xf32>
        %swap3A_2093 = arith.index_cast %add3A_2081 : i32 to index
        %swap3A_2094 = arith.constant 16 : index
        %swap3A_2095 = tpu.vector_load %arg8[%swap3A_2093, %swap3A_2094] {strides = array<i32>} : memref<128x128xf32, #tpu.memory_space<vmem>>, vector<16xf32>,
        tpu.vector_store %arg8[%swap3A_2093, %swap3A_2094], %mul3A_2092 {strides = array<i32>} : memref<128x128xf32, #tpu.memory_space<vmem>>, vector<16xf32>,
        %get3A_2096 = arith.index_cast %add3A_2081 : i32 to index
        %get3A_2097 = arith.constant 32 : index
        %get3A_2098 = tpu.vector_load %arg8[%get3A_2096, %get3A_2097] {strides = array<i32>} : memref<128x128xf32, #tpu.memory_space<vmem>>, vector<16xf32>,
        %mul3A_2099 = arith.mulf %get3A_2098, %broadcast_in_dim3A_2077 : vector<16xf32>
        %swap3A_2100 = arith.index_cast %add3A_2081 : i32 to index
        %swap3A_2101 = arith.constant 32 : index
        %swap3A_2102 = tpu.vector_load %arg8[%swap3A_2100, %swap3A_2101] {strides = array<i32>} : memref<128x128xf32, #tpu.memory_space<vmem>>, vector<16xf32>,
        tpu.vector_store %arg8[%swap3A_2100, %swap3A_2101], %mul3A_2099 {strides = array<i32>} : memref<128x128xf32, #tpu.memory_space<vmem>>, vector<16xf32>,
        %get3A_2103 = arith.index_cast %add3A_2081 : i32 to index
        %get3A_2104 = arith.constant 48 : index
        %get3A_2105 = tpu.vector_load %arg8[%get3A_2103, %get3A_2104] {strides = array<i32>} : memref<128x128xf32, #tpu.memory_space<vmem>>, vector<16xf32>,
        %mul3A_2106 = arith.mulf %get3A_2105, %broadcast_in_dim3A_2077 : vector<16xf32>
        %swap3A_2107 = arith.index_cast %add3A_2081 : i32 to index
        %swap3A_2108 = arith.constant 48 : index
        %swap3A_2109 = tpu.vector_load %arg8[%swap3A_2107, %swap3A_2108] {strides = array<i32>} : memref<128x128xf32, #tpu.memory_space<vmem>>, vector<16xf32>,
        tpu.vector_store %arg8[%swap3A_2107, %swap3A_2108], %mul3A_2106 {strides = array<i32>} : memref<128x128xf32, #tpu.memory_space<vmem>>, vector<16xf32>,
        %get3A_2110 = arith.index_cast %add3A_2081 : i32 to index
        %get3A_2111 = arith.constant 64 : index
        %get3A_2112 = tpu.vector_load %arg8[%get3A_2110, %get3A_2111] {strides = array<i32>} : memref<128x128xf32, #tpu.memory_space<vmem>>, vector<16xf32>,
        %mul3A_2113 = arith.mulf %get3A_2112, %broadcast_in_dim3A_2077 : vector<16xf32>
        %swap3A_2114 = arith.index_cast %add3A_2081 : i32 to index
        %swap3A_2115 = arith.constant 64 : index
        %swap3A_2116 = tpu.vector_load %arg8[%swap3A_2114, %swap3A_2115] {strides = array<i32>} : memref<128x128xf32, #tpu.memory_space<vmem>>, vector<16xf32>,
        tpu.vector_store %arg8[%swap3A_2114, %swap3A_2115], %mul3A_2113 {strides = array<i32>} : memref<128x128xf32, #tpu.memory_space<vmem>>, vector<16xf32>,
        %get3A_2117 = arith.index_cast %add3A_2081 : i32 to index
        %get3A_2118 = arith.constant 80 : index
        %get3A_2119 = tpu.vector_load %arg8[%get3A_2117, %get3A_2118] {strides = array<i32>} : memref<128x128xf32, #tpu.memory_space<vmem>>, vector<16xf32>,
        %mul3A_2120 = arith.mulf %get3A_2119, %broadcast_in_dim3A_2077 : vector<16xf32>
        %swap3A_2121 = arith.index_cast %add3A_2081 : i32 to index
        %swap3A_2122 = arith.constant 80 : index
        %swap3A_2123 = tpu.vector_load %arg8[%swap3A_2121, %swap3A_2122] {strides = array<i32>} : memref<128x128xf32, #tpu.memory_space<vmem>>, vector<16xf32>,
        tpu.vector_store %arg8[%swap3A_2121, %swap3A_2122], %mul3A_2120 {strides = array<i32>} : memref<128x128xf32, #tpu.memory_space<vmem>>, vector<16xf32>,
        %get3A_2124 = arith.index_cast %add3A_2081 : i32 to index
        %get3A_2125 = arith.constant 96 : index
        %get3A_2126 = tpu.vector_load %arg8[%get3A_2124, %get3A_2125] {strides = array<i32>} : memref<128x128xf32, #tpu.memory_space<vmem>>, vector<16xf32>,
        %mul3A_2127 = arith.mulf %get3A_2126, %broadcast_in_dim3A_2077 : vector<16xf32>
        %swap3A_2128 = arith.index_cast %add3A_2081 : i32 to index
        %swap3A_2129 = arith.constant 96 : index
        %swap3A_2130 = tpu.vector_load %arg8[%swap3A_2128, %swap3A_2129] {strides = array<i32>} : memref<128x128xf32, #tpu.memory_space<vmem>>, vector<16xf32>,
        tpu.vector_store %arg8[%swap3A_2128, %swap3A_2129], %mul3A_2127 {strides = array<i32>} : memref<128x128xf32, #tpu.memory_space<vmem>>, vector<16xf32>,
        %get3A_2131 = arith.index_cast %add3A_2081 : i32 to index
        %get3A_2132 = arith.constant 112 : index
        %get3A_2133 = tpu.vector_load %arg8[%get3A_2131, %get3A_2132] {strides = array<i32>} : memref<128x128xf32, #tpu.memory_space<vmem>>, vector<16xf32>,
        %mul3A_2134 = arith.mulf %get3A_2133, %broadcast_in_dim3A_2077 : vector<16xf32>
        %swap3A_2135 = arith.index_cast %add3A_2081 : i32 to index
        %swap3A_2136 = arith.constant 112 : index
        %swap3A_2137 = tpu.vector_load %arg8[%swap3A_2135, %swap3A_2136] {strides = array<i32>} : memref<128x128xf32, #tpu.memory_space<vmem>>, vector<16xf32>,
        tpu.vector_store %arg8[%swap3A_2135, %swap3A_2136], %mul3A_2134 {strides = array<i32>} : memref<128x128xf32, #tpu.memory_space<vmem>>, vector<16xf32>,
        %slice3A_2138 = vector.extract_strided_slice %bitcast3A_1192 {offsets = [15], sizes = [1], strides = [1]} : vector<16xf32> to vector<1xf32>
        %squeeze3A_2139 = vector.extract %slice3A_2138[0] : f32 from vector<1xf32>
        %broadcast_in_dim3A_2140 = vector.broadcast %squeeze3A_2139 : f32 to vector<16xf32>
        %mul3A_2141 = arith.constant 16 : i32
        %mul3A_2142 = arith.muli %scan3A_1174, %mul3A_2141 : i32
        %add3A_2143 = arith.constant 15 : i32
        %add3A_2144 = arith.addi %mul3A_2142, %add3A_2143 : i32
        %get3A_2145 = arith.index_cast %add3A_2144 : i32 to index
        %get3A_2146 = arith.constant 0 : index
        %get3A_2147 = tpu.vector_load %arg8[%get3A_2145, %get3A_2146] {strides = array<i32>} : memref<128x128xf32, #tpu.memory_space<vmem>>, vector<16xf32>,
        %mul3A_2148 = arith.mulf %get3A_2147, %broadcast_in_dim3A_2140 : vector<16xf32>
        %swap3A_2149 = arith.index_cast %add3A_2144 : i32 to index
        %swap3A_2150 = arith.constant 0 : index
        %swap3A_2151 = tpu.vector_load %arg8[%swap3A_2149, %swap3A_2150] {strides = array<i32>} : memref<128x128xf32, #tpu.memory_space<vmem>>, vector<16xf32>,
        tpu.vector_store %arg8[%swap3A_2149, %swap3A_2150], %mul3A_2148 {strides = array<i32>} : memref<128x128xf32, #tpu.memory_space<vmem>>, vector<16xf32>,
        %get3A_2152 = arith.index_cast %add3A_2144 : i32 to index
        %get3A_2153 = arith.constant 16 : index
        %get3A_2154 = tpu.vector_load %arg8[%get3A_2152, %get3A_2153] {strides = array<i32>} : memref<128x128xf32, #tpu.memory_space<vmem>>, vector<16xf32>,
        %mul3A_2155 = arith.mulf %get3A_2154, %broadcast_in_dim3A_2140 : vector<16xf32>
        %swap3A_2156 = arith.index_cast %add3A_2144 : i32 to index
        %swap3A_2157 = arith.constant 16 : index
        %swap3A_2158 = tpu.vector_load %arg8[%swap3A_2156, %swap3A_2157] {strides = array<i32>} : memref<128x128xf32, #tpu.memory_space<vmem>>, vector<16xf32>,
        tpu.vector_store %arg8[%swap3A_2156, %swap3A_2157], %mul3A_2155 {strides = array<i32>} : memref<128x128xf32, #tpu.memory_space<vmem>>, vector<16xf32>,
        %get3A_2159 = arith.index_cast %add3A_2144 : i32 to index
        %get3A_2160 = arith.constant 32 : index
        %get3A_2161 = tpu.vector_load %arg8[%get3A_2159, %get3A_2160] {strides = array<i32>} : memref<128x128xf32, #tpu.memory_space<vmem>>, vector<16xf32>,
        %mul3A_2162 = arith.mulf %get3A_2161, %broadcast_in_dim3A_2140 : vector<16xf32>
        %swap3A_2163 = arith.index_cast %add3A_2144 : i32 to index
        %swap3A_2164 = arith.constant 32 : index
        %swap3A_2165 = tpu.vector_load %arg8[%swap3A_2163, %swap3A_2164] {strides = array<i32>} : memref<128x128xf32, #tpu.memory_space<vmem>>, vector<16xf32>,
        tpu.vector_store %arg8[%swap3A_2163, %swap3A_2164], %mul3A_2162 {strides = array<i32>} : memref<128x128xf32, #tpu.memory_space<vmem>>, vector<16xf32>,
        %get3A_2166 = arith.index_cast %add3A_2144 : i32 to index
        %get3A_2167 = arith.constant 48 : index
        %get3A_2168 = tpu.vector_load %arg8[%get3A_2166, %get3A_2167] {strides = array<i32>} : memref<128x128xf32, #tpu.memory_space<vmem>>, vector<16xf32>,
        %mul3A_2169 = arith.mulf %get3A_2168, %broadcast_in_dim3A_2140 : vector<16xf32>
        %swap3A_2170 = arith.index_cast %add3A_2144 : i32 to index
        %swap3A_2171 = arith.constant 48 : index
        %swap3A_2172 = tpu.vector_load %arg8[%swap3A_2170, %swap3A_2171] {strides = array<i32>} : memref<128x128xf32, #tpu.memory_space<vmem>>, vector<16xf32>,
        tpu.vector_store %arg8[%swap3A_2170, %swap3A_2171], %mul3A_2169 {strides = array<i32>} : memref<128x128xf32, #tpu.memory_space<vmem>>, vector<16xf32>,
        %get3A_2173 = arith.index_cast %add3A_2144 : i32 to index
        %get3A_2174 = arith.constant 64 : index
        %get3A_2175 = tpu.vector_load %arg8[%get3A_2173, %get3A_2174] {strides = array<i32>} : memref<128x128xf32, #tpu.memory_space<vmem>>, vector<16xf32>,
        %mul3A_2176 = arith.mulf %get3A_2175, %broadcast_in_dim3A_2140 : vector<16xf32>
        %swap3A_2177 = arith.index_cast %add3A_2144 : i32 to index
        %swap3A_2178 = arith.constant 64 : index
        %swap3A_2179 = tpu.vector_load %arg8[%swap3A_2177, %swap3A_2178] {strides = array<i32>} : memref<128x128xf32, #tpu.memory_space<vmem>>, vector<16xf32>,
        tpu.vector_store %arg8[%swap3A_2177, %swap3A_2178], %mul3A_2176 {strides = array<i32>} : memref<128x128xf32, #tpu.memory_space<vmem>>, vector<16xf32>,
        %get3A_2180 = arith.index_cast %add3A_2144 : i32 to index
        %get3A_2181 = arith.constant 80 : index
        %get3A_2182 = tpu.vector_load %arg8[%get3A_2180, %get3A_2181] {strides = array<i32>} : memref<128x128xf32, #tpu.memory_space<vmem>>, vector<16xf32>,
        %mul3A_2183 = arith.mulf %get3A_2182, %broadcast_in_dim3A_2140 : vector<16xf32>
        %swap3A_2184 = arith.index_cast %add3A_2144 : i32 to index
        %swap3A_2185 = arith.constant 80 : index
        %swap3A_2186 = tpu.vector_load %arg8[%swap3A_2184, %swap3A_2185] {strides = array<i32>} : memref<128x128xf32, #tpu.memory_space<vmem>>, vector<16xf32>,
        tpu.vector_store %arg8[%swap3A_2184, %swap3A_2185], %mul3A_2183 {strides = array<i32>} : memref<128x128xf32, #tpu.memory_space<vmem>>, vector<16xf32>,
        %get3A_2187 = arith.index_cast %add3A_2144 : i32 to index
        %get3A_2188 = arith.constant 96 : index
        %get3A_2189 = tpu.vector_load %arg8[%get3A_2187, %get3A_2188] {strides = array<i32>} : memref<128x128xf32, #tpu.memory_space<vmem>>, vector<16xf32>,
        %mul3A_2190 = arith.mulf %get3A_2189, %broadcast_in_dim3A_2140 : vector<16xf32>
        %swap3A_2191 = arith.index_cast %add3A_2144 : i32 to index
        %swap3A_2192 = arith.constant 96 : index
        %swap3A_2193 = tpu.vector_load %arg8[%swap3A_2191, %swap3A_2192] {strides = array<i32>} : memref<128x128xf32, #tpu.memory_space<vmem>>, vector<16xf32>,
        tpu.vector_store %arg8[%swap3A_2191, %swap3A_2192], %mul3A_2190 {strides = array<i32>} : memref<128x128xf32, #tpu.memory_space<vmem>>, vector<16xf32>,
        %get3A_2194 = arith.index_cast %add3A_2144 : i32 to index
        %get3A_2195 = arith.constant 112 : index
        %get3A_2196 = tpu.vector_load %arg8[%get3A_2194, %get3A_2195] {strides = array<i32>} : memref<128x128xf32, #tpu.memory_space<vmem>>, vector<16xf32>,
        %mul3A_2197 = arith.mulf %get3A_2196, %broadcast_in_dim3A_2140 : vector<16xf32>
        %swap3A_2198 = arith.index_cast %add3A_2144 : i32 to index
        %swap3A_2199 = arith.constant 112 : index
        %swap3A_2200 = tpu.vector_load %arg8[%swap3A_2198, %swap3A_2199] {strides = array<i32>} : memref<128x128xf32, #tpu.memory_space<vmem>>, vector<16xf32>,
        tpu.vector_store %arg8[%swap3A_2198, %swap3A_2199], %mul3A_2197 {strides = array<i32>} : memref<128x128xf32, #tpu.memory_space<vmem>>, vector<16xf32>,
        %scan3A_2201 = arith.constant 0 : i32
        scf.yield %scan3A_2201 : i32
      }
      %scan3A_1133 = arith.constant 8 : i32
      %dma_start3A_1134 = arith.constant 0 : i32
      %dma_start3A_1135 = arith.constant 0 : i32
      %dma_start3A_1136 = tpu.memref_slice %arg14[%dma_start3A_1134, %dma_start3A_1135] : memref<10000x128xf32, #tpu.memory_space<vmem_shared>> -> memref<10000x128xf32, #tpu.memory_space<vmem_shared>>
      tpu.enqueue_indirect_dma source(%arg8 : memref<128x128xf32, #tpu.memory_space<vmem>>) target(%dma_start3A_1136 : memref<10000x128xf32, #tpu.memory_space<vmem_shared>>) offsets(%arg11 : memref<128xi32, #tpu.memory_space<vmem>>) semaphore(%arg18 : memref<!tpu.dma_semaphore, #tpu.memory_space<semaphore_mem>>) {add = true}
      %eq3A_1137 = arith.constant 19 : i32
      %eq3A_1138 = arith.cmpi eq, %scan3A_1096, %eq3A_1137 : i32
      %convert_element_type3A_1139 = arith.extui %eq3A_1138 : i1 to i32
      %cond3A_1140 = arith.constant 0 : i32
      %cond3A_1141 = arith.cmpi ne, %convert_element_type3A_1139, %cond3A_1140 : i32
      scf.if %cond3A_1141 {
        %add3A_1174 = arith.constant 4992 : i32
        %add3A_1175 = arith.addi %mul3A_2, %add3A_1174 : i32
        "tpu.region"() ({
          %run_scoped3A = tpu.sem_alloc : memref<!tpu.dma_semaphore, #tpu.memory_space<semaphore_mem>>
          %dma_start3A_1176 = arith.constant 0 : i32
          %dma_start3A_1177 = tpu.memref_slice %arg7[%dma_start3A_1176] : memref<5008xi32, #tpu.memory_space<vmem>> -> memref<5008xi32, #tpu.memory_space<vmem>>
          %dma_start3A_1178 = tpu.memref_slice %arg4[%add3A_1175] : memref<320000xi32, #tpu.memory_space<hbm>> -> memref<5008xi32, #tpu.memory_space<hbm>>
          %dma_start3A_1179 = arith.constant 0 : i32
          %dma_start3A_1180 = tpu.memref_slice %arg7[%dma_start3A_1179] : memref<5008xi32, #tpu.memory_space<vmem>> -> memref<5008xi32, #tpu.memory_space<vmem>>
          %dma_start3A_1181 = tpu.memref_slice %arg4[%add3A_1175] : memref<320000xi32, #tpu.memory_space<hbm>> -> memref<5008xi32, #tpu.memory_space<hbm>>
          tpu.enqueue_dma source(%dma_start3A_1181 : memref<5008xi32, #tpu.memory_space<hbm>>) target(%dma_start3A_1180 : memref<5008xi32, #tpu.memory_space<vmem>>) target_semaphore(%run_scoped3A : memref<!tpu.dma_semaphore, #tpu.memory_space<semaphore_mem>>)
          %dma_wait3A_1182 = arith.constant 0 : i32
          %dma_wait3A_1183 = tpu.memref_slice %arg7[%dma_wait3A_1182] : memref<5008xi32, #tpu.memory_space<vmem>> -> memref<5008xi32, #tpu.memory_space<vmem>>
          %dma_wait3A_1184 = tpu.memref_slice %arg4[%add3A_1175] : memref<320000xi32, #tpu.memory_space<hbm>> -> memref<5008xi32, #tpu.memory_space<hbm>>
          %dma_wait3A_1185 = arith.constant 0 : i32
          %dma_wait3A_1186 = tpu.memref_slice %arg7[%dma_wait3A_1185] : memref<5008xi32, #tpu.memory_space<vmem>> -> memref<5008xi32, #tpu.memory_space<vmem>>
          %dma_wait3A_1187 = tpu.memref_slice %arg4[%add3A_1175] : memref<320000xi32, #tpu.memory_space<hbm>> -> memref<5008xi32, #tpu.memory_space<hbm>>
          tpu.wait_dma2 semaphore(%run_scoped3A : memref<!tpu.dma_semaphore, #tpu.memory_space<semaphore_mem>>) src(%dma_wait3A_1187 : memref<5008xi32, #tpu.memory_space<hbm>>) dst(%dma_wait3A_1186 : memref<5008xi32, #tpu.memory_space<vmem>>)
          tpu.yield
        }) : () -> ()
      } else {
      }
      %mul3A_1142 = arith.constant 128 : i32
      %mul3A_1143 = arith.muli %add3A_1103, %mul3A_1142 : i32
      %multiple_of3A_1144 = tpu.assume_multiple %mul3A_1143, 8 : i32
      %dma_wait3A_1145 = tpu.memref_slice %arg6[%multiple_of3A_1144] : memref<10000xi32, #tpu.memory_space<vmem>> -> memref<128xi32, #tpu.memory_space<vmem>>
      %dma_wait3A_1146 = arith.constant 0 : i32
      %dma_wait3A_1147 = arith.constant 0 : i32
      %dma_wait3A_1148 = tpu.memref_slice %arg2[%dma_wait3A_1146, %dma_wait3A_1147] : memref<10000x128xf32, #tpu.memory_space<hbm>> -> memref<10000x128xf32, #tpu.memory_space<hbm>>
      tpu.wait_indirect_dma semaphore(%arg17 : memref<!tpu.dma_semaphore, #tpu.memory_space<semaphore_mem>>) src(%dma_wait3A_1148 : memref<10000x128xf32, #tpu.memory_space<hbm>>) dst(%arg9 : memref<128x128xf32, #tpu.memory_space<vmem>>)
      %dma_wait3A_1149 = arith.constant 0 : i32
      %dma_wait3A_1150 = arith.constant 0 : i32
      %dma_wait3A_1151 = tpu.memref_slice %arg14[%dma_wait3A_1149, %dma_wait3A_1150] : memref<10000x128xf32, #tpu.memory_space<vmem_shared>> -> memref<10000x128xf32, #tpu.memory_space<vmem_shared>>
      tpu.wait_indirect_dma semaphore(%arg18 : memref<!tpu.dma_semaphore, #tpu.memory_space<semaphore_mem>>) src(%arg8 : memref<128x128xf32, #tpu.memory_space<vmem>>) dst(%dma_wait3A_1151 : memref<10000x128xf32, #tpu.memory_space<vmem_shared>>)
      %le3A = arith.constant 37 : i32
      %le3A_1152 = arith.cmpi sle, %scan3A_1096, %le3A : i32
      %convert_element_type3A_1153 = arith.extui %le3A_1152 : i1 to i32
      %cond3A_1154 = arith.constant 0 : i32
      %cond3A_1155 = arith.cmpi ne, %convert_element_type3A_1153, %cond3A_1154 : i32
      scf.if %cond3A_1155 {
        %add3A_1174 = arith.constant 1 : i32
        %add3A_1175 = arith.addi %add3A_1103, %add3A_1174 : i32
        %mul3A_1176 = arith.constant 128 : i32
        %mul3A_1177 = arith.muli %add3A_1175, %mul3A_1176 : i32
        %multiple_of3A_1178 = tpu.assume_multiple %mul3A_1177, 8 : i32
        %dma_start3A_1179 = tpu.memref_slice %arg6[%multiple_of3A_1178] : memref<10000xi32, #tpu.memory_space<vmem>> -> memref<128xi32, #tpu.memory_space<vmem>>
        %dma_start3A_1180 = arith.constant 0 : i32
        %dma_start3A_1181 = arith.constant 0 : i32
        %dma_start3A_1182 = tpu.memref_slice %arg2[%dma_start3A_1180, %dma_start3A_1181] : memref<10000x128xf32, #tpu.memory_space<hbm>> -> memref<10000x128xf32, #tpu.memory_space<hbm>>
        tpu.enqueue_indirect_dma source(%dma_start3A_1182 : memref<10000x128xf32, #tpu.memory_space<hbm>>) target(%arg8 : memref<128x128xf32, #tpu.memory_space<vmem>>) offsets(%dma_start3A_1179 : memref<128xi32, #tpu.memory_space<vmem>>) semaphore(%arg16 : memref<!tpu.dma_semaphore, #tpu.memory_space<semaphore_mem>>)
      } else {
      }
      %ge3A_1156 = arith.constant 19 : i32
      %ge3A_1157 = arith.cmpi sge, %scan3A_1096, %ge3A_1156 : i32
      %sub3A_1158 = arith.constant 39 : i32
      %sub3A_1159 = arith.subi %add3A_1103, %sub3A_1158 : i32
      %select_n3A_1160 = arith.select %ge3A_1157, %sub3A_1159, %add3A_1103 : i32
      %mul3A_1161 = arith.constant 128 : i32
      %mul3A_1162 = arith.muli %select_n3A_1160, %mul3A_1161 : i32
      %scan3A_1163 = arith.constant 0 : i32
      %scan3A_1164 = arith.constant 0 : i32
      %scan3A_1165 = arith.constant 8 : i32
      %scan3A_1166 = arith.addi %scan3A_1164, %scan3A_1165 : i32
      %scan3A_1167 = arith.constant 1 : i32
      %scan3A_1168 = scf.for %scan3A_1174 = %scan3A_1164 to %scan3A_1166 step %scan3A_1167 iter_args(%scan3A_1175 = %scan3A_1163) -> (i32)  : i32 {
        %mul3A_1176 = arith.constant 16 : i32
        %mul3A_1177 = arith.muli %scan3A_1174, %mul3A_1176 : i32
        %add3A_1178 = arith.addi %mul3A_1162, %mul3A_1177 : i32
        %multiple_of3A_1179 = tpu.assume_multiple %add3A_1178, 8 : i32
        %get3A_1180 = arith.index_cast %multiple_of3A_1179 : i32 to index
        %get3A_1181 = tpu.vector_load %arg7[%get3A_1180] {strides = array<i32>} : memref<5008xi32, #tpu.memory_space<vmem>>, vector<16xi32>,
        %and3A_1182 = arith.constant 65535 : i32
        %and3A_1183 = vector.broadcast %and3A_1182 : i32 to vector<16xi32>
        %and3A_1184 = arith.andi %get3A_1181, %and3A_1183 : vector<16xi32>
        %mul3A_1185 = arith.constant 16 : i32
        %mul3A_1186 = arith.muli %scan3A_1174, %mul3A_1185 : i32
        %swap3A_1187 = arith.index_cast %mul3A_1186 : i32 to index
        %swap3A_1188 = tpu.vector_load %arg12[%swap3A_1187] {strides = array<i32>} : memref<128xi32, #tpu.memory_space<vmem>>, vector<16xi32>,
        tpu.vector_store %arg12[%swap3A_1187], %and3A_1184 {strides = array<i32>} : memref<128xi32, #tpu.memory_space<vmem>>, vector<16xi32>,
        %and3A_1189 = arith.constant -65536 : i32
        %and3A_1190 = vector.broadcast %and3A_1189 : i32 to vector<16xi32>
        %and3A_1191 = arith.andi %get3A_1181, %and3A_1190 : vector<16xi32>
        %bitcast3A_1192 = vector.bitcast %and3A_1191 : vector<16xi32> to vector<16xf32>
        %slice3A_1193 = vector.extract_strided_slice %bitcast3A_1192 {offsets = [0], sizes = [1], strides = [1]} : vector<16xf32> to vector<1xf32>
        %squeeze3A_1194 = vector.extract %slice3A_1193[0] : f32 from vector<1xf32>
        %broadcast_in_dim3A_1195 = vector.broadcast %squeeze3A_1194 : f32 to vector<16xf32>
        %mul3A_1196 = arith.constant 16 : i32
        %mul3A_1197 = arith.muli %scan3A_1174, %mul3A_1196 : i32
        %add3A_1198 = arith.constant 0 : i32
        %add3A_1199 = arith.addi %mul3A_1197, %add3A_1198 : i32
        %get3A_1200 = arith.index_cast %add3A_1199 : i32 to index
        %get3A_1201 = arith.constant 0 : index
        %get3A_1202 = tpu.vector_load %arg9[%get3A_1200, %get3A_1201] {strides = array<i32>} : memref<128x128xf32, #tpu.memory_space<vmem>>, vector<16xf32>,
        %mul3A_1203 = arith.mulf %get3A_1202, %broadcast_in_dim3A_1195 : vector<16xf32>
        %swap3A_1204 = arith.index_cast %add3A_1199 : i32 to index
        %swap3A_1205 = arith.constant 0 : index
        %swap3A_1206 = tpu.vector_load %arg9[%swap3A_1204, %swap3A_1205] {strides = array<i32>} : memref<128x128xf32, #tpu.memory_space<vmem>>, vector<16xf32>,
        tpu.vector_store %arg9[%swap3A_1204, %swap3A_1205], %mul3A_1203 {strides = array<i32>} : memref<128x128xf32, #tpu.memory_space<vmem>>, vector<16xf32>,
        %get3A_1207 = arith.index_cast %add3A_1199 : i32 to index
        %get3A_1208 = arith.constant 16 : index
        %get3A_1209 = tpu.vector_load %arg9[%get3A_1207, %get3A_1208] {strides = array<i32>} : memref<128x128xf32, #tpu.memory_space<vmem>>, vector<16xf32>,
        %mul3A_1210 = arith.mulf %get3A_1209, %broadcast_in_dim3A_1195 : vector<16xf32>
        %swap3A_1211 = arith.index_cast %add3A_1199 : i32 to index
        %swap3A_1212 = arith.constant 16 : index
        %swap3A_1213 = tpu.vector_load %arg9[%swap3A_1211, %swap3A_1212] {strides = array<i32>} : memref<128x128xf32, #tpu.memory_space<vmem>>, vector<16xf32>,
        tpu.vector_store %arg9[%swap3A_1211, %swap3A_1212], %mul3A_1210 {strides = array<i32>} : memref<128x128xf32, #tpu.memory_space<vmem>>, vector<16xf32>,
        %get3A_1214 = arith.index_cast %add3A_1199 : i32 to index
        %get3A_1215 = arith.constant 32 : index
        %get3A_1216 = tpu.vector_load %arg9[%get3A_1214, %get3A_1215] {strides = array<i32>} : memref<128x128xf32, #tpu.memory_space<vmem>>, vector<16xf32>,
        %mul3A_1217 = arith.mulf %get3A_1216, %broadcast_in_dim3A_1195 : vector<16xf32>
        %swap3A_1218 = arith.index_cast %add3A_1199 : i32 to index
        %swap3A_1219 = arith.constant 32 : index
        %swap3A_1220 = tpu.vector_load %arg9[%swap3A_1218, %swap3A_1219] {strides = array<i32>} : memref<128x128xf32, #tpu.memory_space<vmem>>, vector<16xf32>,
        tpu.vector_store %arg9[%swap3A_1218, %swap3A_1219], %mul3A_1217 {strides = array<i32>} : memref<128x128xf32, #tpu.memory_space<vmem>>, vector<16xf32>,
        %get3A_1221 = arith.index_cast %add3A_1199 : i32 to index
        %get3A_1222 = arith.constant 48 : index
        %get3A_1223 = tpu.vector_load %arg9[%get3A_1221, %get3A_1222] {strides = array<i32>} : memref<128x128xf32, #tpu.memory_space<vmem>>, vector<16xf32>,
        %mul3A_1224 = arith.mulf %get3A_1223, %broadcast_in_dim3A_1195 : vector<16xf32>
        %swap3A_1225 = arith.index_cast %add3A_1199 : i32 to index
        %swap3A_1226 = arith.constant 48 : index
        %swap3A_1227 = tpu.vector_load %arg9[%swap3A_1225, %swap3A_1226] {strides = array<i32>} : memref<128x128xf32, #tpu.memory_space<vmem>>, vector<16xf32>,
        tpu.vector_store %arg9[%swap3A_1225, %swap3A_1226], %mul3A_1224 {strides = array<i32>} : memref<128x128xf32, #tpu.memory_space<vmem>>, vector<16xf32>,
        %get3A_1228 = arith.index_cast %add3A_1199 : i32 to index
        %get3A_1229 = arith.constant 64 : index
        %get3A_1230 = tpu.vector_load %arg9[%get3A_1228, %get3A_1229] {strides = array<i32>} : memref<128x128xf32, #tpu.memory_space<vmem>>, vector<16xf32>,
        %mul3A_1231 = arith.mulf %get3A_1230, %broadcast_in_dim3A_1195 : vector<16xf32>
        %swap3A_1232 = arith.index_cast %add3A_1199 : i32 to index
        %swap3A_1233 = arith.constant 64 : index
        %swap3A_1234 = tpu.vector_load %arg9[%swap3A_1232, %swap3A_1233] {strides = array<i32>} : memref<128x128xf32, #tpu.memory_space<vmem>>, vector<16xf32>,
        tpu.vector_store %arg9[%swap3A_1232, %swap3A_1233], %mul3A_1231 {strides = array<i32>} : memref<128x128xf32, #tpu.memory_space<vmem>>, vector<16xf32>,
        %get3A_1235 = arith.index_cast %add3A_1199 : i32 to index
        %get3A_1236 = arith.constant 80 : index
        %get3A_1237 = tpu.vector_load %arg9[%get3A_1235, %get3A_1236] {strides = array<i32>} : memref<128x128xf32, #tpu.memory_space<vmem>>, vector<16xf32>,
        %mul3A_1238 = arith.mulf %get3A_1237, %broadcast_in_dim3A_1195 : vector<16xf32>
        %swap3A_1239 = arith.index_cast %add3A_1199 : i32 to index
        %swap3A_1240 = arith.constant 80 : index
        %swap3A_1241 = tpu.vector_load %arg9[%swap3A_1239, %swap3A_1240] {strides = array<i32>} : memref<128x128xf32, #tpu.memory_space<vmem>>, vector<16xf32>,
        tpu.vector_store %arg9[%swap3A_1239, %swap3A_1240], %mul3A_1238 {strides = array<i32>} : memref<128x128xf32, #tpu.memory_space<vmem>>, vector<16xf32>,
        %get3A_1242 = arith.index_cast %add3A_1199 : i32 to index
        %get3A_1243 = arith.constant 96 : index
        %get3A_1244 = tpu.vector_load %arg9[%get3A_1242, %get3A_1243] {strides = array<i32>} : memref<128x128xf32, #tpu.memory_space<vmem>>, vector<16xf32>,
        %mul3A_1245 = arith.mulf %get3A_1244, %broadcast_in_dim3A_1195 : vector<16xf32>
        %swap3A_1246 = arith.index_cast %add3A_1199 : i32 to index
        %swap3A_1247 = arith.constant 96 : index
        %swap3A_1248 = tpu.vector_load %arg9[%swap3A_1246, %swap3A_1247] {strides = array<i32>} : memref<128x128xf32, #tpu.memory_space<vmem>>, vector<16xf32>,
        tpu.vector_store %arg9[%swap3A_1246, %swap3A_1247], %mul3A_1245 {strides = array<i32>} : memref<128x128xf32, #tpu.memory_space<vmem>>, vector<16xf32>,
        %get3A_1249 = arith.index_cast %add3A_1199 : i32 to index
        %get3A_1250 = arith.constant 112 : index
        %get3A_1251 = tpu.vector_load %arg9[%get3A_1249, %get3A_1250] {strides = array<i32>} : memref<128x128xf32, #tpu.memory_space<vmem>>, vector<16xf32>,
        %mul3A_1252 = arith.mulf %get3A_1251, %broadcast_in_dim3A_1195 : vector<16xf32>
        %swap3A_1253 = arith.index_cast %add3A_1199 : i32 to index
        %swap3A_1254 = arith.constant 112 : index
        %swap3A_1255 = tpu.vector_load %arg9[%swap3A_1253, %swap3A_1254] {strides = array<i32>} : memref<128x128xf32, #tpu.memory_space<vmem>>, vector<16xf32>,
        tpu.vector_store %arg9[%swap3A_1253, %swap3A_1254], %mul3A_1252 {strides = array<i32>} : memref<128x128xf32, #tpu.memory_space<vmem>>, vector<16xf32>,
        %slice3A_1256 = vector.extract_strided_slice %bitcast3A_1192 {offsets = [1], sizes = [1], strides = [1]} : vector<16xf32> to vector<1xf32>
        %squeeze3A_1257 = vector.extract %slice3A_1256[0] : f32 from vector<1xf32>
        %broadcast_in_dim3A_1258 = vector.broadcast %squeeze3A_1257 : f32 to vector<16xf32>
        %mul3A_1259 = arith.constant 16 : i32
        %mul3A_1260 = arith.muli %scan3A_1174, %mul3A_1259 : i32
        %add3A_1261 = arith.constant 1 : i32
        %add3A_1262 = arith.addi %mul3A_1260, %add3A_1261 : i32
        %get3A_1263 = arith.index_cast %add3A_1262 : i32 to index
        %get3A_1264 = arith.constant 0 : index
        %get3A_1265 = tpu.vector_load %arg9[%get3A_1263, %get3A_1264] {strides = array<i32>} : memref<128x128xf32, #tpu.memory_space<vmem>>, vector<16xf32>,
        %mul3A_1266 = arith.mulf %get3A_1265, %broadcast_in_dim3A_1258 : vector<16xf32>
        %swap3A_1267 = arith.index_cast %add3A_1262 : i32 to index
        %swap3A_1268 = arith.constant 0 : index
        %swap3A_1269 = tpu.vector_load %arg9[%swap3A_1267, %swap3A_1268] {strides = array<i32>} : memref<128x128xf32, #tpu.memory_space<vmem>>, vector<16xf32>,
        tpu.vector_store %arg9[%swap3A_1267, %swap3A_1268], %mul3A_1266 {strides = array<i32>} : memref<128x128xf32, #tpu.memory_space<vmem>>, vector<16xf32>,
        %get3A_1270 = arith.index_cast %add3A_1262 : i32 to index
        %get3A_1271 = arith.constant 16 : index
        %get3A_1272 = tpu.vector_load %arg9[%get3A_1270, %get3A_1271] {strides = array<i32>} : memref<128x128xf32, #tpu.memory_space<vmem>>, vector<16xf32>,
        %mul3A_1273 = arith.mulf %get3A_1272, %broadcast_in_dim3A_1258 : vector<16xf32>
        %swap3A_1274 = arith.index_cast %add3A_1262 : i32 to index
        %swap3A_1275 = arith.constant 16 : index
        %swap3A_1276 = tpu.vector_load %arg9[%swap3A_1274, %swap3A_1275] {strides = array<i32>} : memref<128x128xf32, #tpu.memory_space<vmem>>, vector<16xf32>,
        tpu.vector_store %arg9[%swap3A_1274, %swap3A_1275], %mul3A_1273 {strides = array<i32>} : memref<128x128xf32, #tpu.memory_space<vmem>>, vector<16xf32>,
        %get3A_1277 = arith.index_cast %add3A_1262 : i32 to index
        %get3A_1278 = arith.constant 32 : index
        %get3A_1279 = tpu.vector_load %arg9[%get3A_1277, %get3A_1278] {strides = array<i32>} : memref<128x128xf32, #tpu.memory_space<vmem>>, vector<16xf32>,
        %mul3A_1280 = arith.mulf %get3A_1279, %broadcast_in_dim3A_1258 : vector<16xf32>
        %swap3A_1281 = arith.index_cast %add3A_1262 : i32 to index
        %swap3A_1282 = arith.constant 32 : index
        %swap3A_1283 = tpu.vector_load %arg9[%swap3A_1281, %swap3A_1282] {strides = array<i32>} : memref<128x128xf32, #tpu.memory_space<vmem>>, vector<16xf32>,
        tpu.vector_store %arg9[%swap3A_1281, %swap3A_1282], %mul3A_1280 {strides = array<i32>} : memref<128x128xf32, #tpu.memory_space<vmem>>, vector<16xf32>,
        %get3A_1284 = arith.index_cast %add3A_1262 : i32 to index
        %get3A_1285 = arith.constant 48 : index
        %get3A_1286 = tpu.vector_load %arg9[%get3A_1284, %get3A_1285] {strides = array<i32>} : memref<128x128xf32, #tpu.memory_space<vmem>>, vector<16xf32>,
        %mul3A_1287 = arith.mulf %get3A_1286, %broadcast_in_dim3A_1258 : vector<16xf32>
        %swap3A_1288 = arith.index_cast %add3A_1262 : i32 to index
        %swap3A_1289 = arith.constant 48 : index
        %swap3A_1290 = tpu.vector_load %arg9[%swap3A_1288, %swap3A_1289] {strides = array<i32>} : memref<128x128xf32, #tpu.memory_space<vmem>>, vector<16xf32>,
        tpu.vector_store %arg9[%swap3A_1288, %swap3A_1289], %mul3A_1287 {strides = array<i32>} : memref<128x128xf32, #tpu.memory_space<vmem>>, vector<16xf32>,
        %get3A_1291 = arith.index_cast %add3A_1262 : i32 to index
        %get3A_1292 = arith.constant 64 : index
        %get3A_1293 = tpu.vector_load %arg9[%get3A_1291, %get3A_1292] {strides = array<i32>} : memref<128x128xf32, #tpu.memory_space<vmem>>, vector<16xf32>,
        %mul3A_1294 = arith.mulf %get3A_1293, %broadcast_in_dim3A_1258 : vector<16xf32>
        %swap3A_1295 = arith.index_cast %add3A_1262 : i32 to index
        %swap3A_1296 = arith.constant 64 : index
        %swap3A_1297 = tpu.vector_load %arg9[%swap3A_1295, %swap3A_1296] {strides = array<i32>} : memref<128x128xf32, #tpu.memory_space<vmem>>, vector<16xf32>,
        tpu.vector_store %arg9[%swap3A_1295, %swap3A_1296], %mul3A_1294 {strides = array<i32>} : memref<128x128xf32, #tpu.memory_space<vmem>>, vector<16xf32>,
        %get3A_1298 = arith.index_cast %add3A_1262 : i32 to index
        %get3A_1299 = arith.constant 80 : index
        %get3A_1300 = tpu.vector_load %arg9[%get3A_1298, %get3A_1299] {strides = array<i32>} : memref<128x128xf32, #tpu.memory_space<vmem>>, vector<16xf32>,
        %mul3A_1301 = arith.mulf %get3A_1300, %broadcast_in_dim3A_1258 : vector<16xf32>
        %swap3A_1302 = arith.index_cast %add3A_1262 : i32 to index
        %swap3A_1303 = arith.constant 80 : index
        %swap3A_1304 = tpu.vector_load %arg9[%swap3A_1302, %swap3A_1303] {strides = array<i32>} : memref<128x128xf32, #tpu.memory_space<vmem>>, vector<16xf32>,
        tpu.vector_store %arg9[%swap3A_1302, %swap3A_1303], %mul3A_1301 {strides = array<i32>} : memref<128x128xf32, #tpu.memory_space<vmem>>, vector<16xf32>,
        %get3A_1305 = arith.index_cast %add3A_1262 : i32 to index
        %get3A_1306 = arith.constant 96 : index
        %get3A_1307 = tpu.vector_load %arg9[%get3A_1305, %get3A_1306] {strides = array<i32>} : memref<128x128xf32, #tpu.memory_space<vmem>>, vector<16xf32>,
        %mul3A_1308 = arith.mulf %get3A_1307, %broadcast_in_dim3A_1258 : vector<16xf32>
        %swap3A_1309 = arith.index_cast %add3A_1262 : i32 to index
        %swap3A_1310 = arith.constant 96 : index
        %swap3A_1311 = tpu.vector_load %arg9[%swap3A_1309, %swap3A_1310] {strides = array<i32>} : memref<128x128xf32, #tpu.memory_space<vmem>>, vector<16xf32>,
        tpu.vector_store %arg9[%swap3A_1309, %swap3A_1310], %mul3A_1308 {strides = array<i32>} : memref<128x128xf32, #tpu.memory_space<vmem>>, vector<16xf32>,
        %get3A_1312 = arith.index_cast %add3A_1262 : i32 to index
        %get3A_1313 = arith.constant 112 : index
        %get3A_1314 = tpu.vector_load %arg9[%get3A_1312, %get3A_1313] {strides = array<i32>} : memref<128x128xf32, #tpu.memory_space<vmem>>, vector<16xf32>,
        %mul3A_1315 = arith.mulf %get3A_1314, %broadcast_in_dim3A_1258 : vector<16xf32>
        %swap3A_1316 = arith.index_cast %add3A_1262 : i32 to index
        %swap3A_1317 = arith.constant 112 : index
        %swap3A_1318 = tpu.vector_load %arg9[%swap3A_1316, %swap3A_1317] {strides = array<i32>} : memref<128x128xf32, #tpu.memory_space<vmem>>, vector<16xf32>,
        tpu.vector_store %arg9[%swap3A_1316, %swap3A_1317], %mul3A_1315 {strides = array<i32>} : memref<128x128xf32, #tpu.memory_space<vmem>>, vector<16xf32>,
        %slice3A_1319 = vector.extract_strided_slice %bitcast3A_1192 {offsets = [2], sizes = [1], strides = [1]} : vector<16xf32> to vector<1xf32>
        %squeeze3A_1320 = vector.extract %slice3A_1319[0] : f32 from vector<1xf32>
        %broadcast_in_dim3A_1321 = vector.broadcast %squeeze3A_1320 : f32 to vector<16xf32>
        %mul3A_1322 = arith.constant 16 : i32
        %mul3A_1323 = arith.muli %scan3A_1174, %mul3A_1322 : i32
        %add3A_1324 = arith.constant 2 : i32
        %add3A_1325 = arith.addi %mul3A_1323, %add3A_1324 : i32
        %get3A_1326 = arith.index_cast %add3A_1325 : i32 to index
        %get3A_1327 = arith.constant 0 : index
        %get3A_1328 = tpu.vector_load %arg9[%get3A_1326, %get3A_1327] {strides = array<i32>} : memref<128x128xf32, #tpu.memory_space<vmem>>, vector<16xf32>,
        %mul3A_1329 = arith.mulf %get3A_1328, %broadcast_in_dim3A_1321 : vector<16xf32>
        %swap3A_1330 = arith.index_cast %add3A_1325 : i32 to index
        %swap3A_1331 = arith.constant 0 : index
        %swap3A_1332 = tpu.vector_load %arg9[%swap3A_1330, %swap3A_1331] {strides = array<i32>} : memref<128x128xf32, #tpu.memory_space<vmem>>, vector<16xf32>,
        tpu.vector_store %arg9[%swap3A_1330, %swap3A_1331], %mul3A_1329 {strides = array<i32>} : memref<128x128xf32, #tpu.memory_space<vmem>>, vector<16xf32>,
        %get3A_1333 = arith.index_cast %add3A_1325 : i32 to index
        %get3A_1334 = arith.constant 16 : index
        %get3A_1335 = tpu.vector_load %arg9[%get3A_1333, %get3A_1334] {strides = array<i32>} : memref<128x128xf32, #tpu.memory_space<vmem>>, vector<16xf32>,
        %mul3A_1336 = arith.mulf %get3A_1335, %broadcast_in_dim3A_1321 : vector<16xf32>
        %swap3A_1337 = arith.index_cast %add3A_1325 : i32 to index
        %swap3A_1338 = arith.constant 16 : index
        %swap3A_1339 = tpu.vector_load %arg9[%swap3A_1337, %swap3A_1338] {strides = array<i32>} : memref<128x128xf32, #tpu.memory_space<vmem>>, vector<16xf32>,
        tpu.vector_store %arg9[%swap3A_1337, %swap3A_1338], %mul3A_1336 {strides = array<i32>} : memref<128x128xf32, #tpu.memory_space<vmem>>, vector<16xf32>,
        %get3A_1340 = arith.index_cast %add3A_1325 : i32 to index
        %get3A_1341 = arith.constant 32 : index
        %get3A_1342 = tpu.vector_load %arg9[%get3A_1340, %get3A_1341] {strides = array<i32>} : memref<128x128xf32, #tpu.memory_space<vmem>>, vector<16xf32>,
        %mul3A_1343 = arith.mulf %get3A_1342, %broadcast_in_dim3A_1321 : vector<16xf32>
        %swap3A_1344 = arith.index_cast %add3A_1325 : i32 to index
        %swap3A_1345 = arith.constant 32 : index
        %swap3A_1346 = tpu.vector_load %arg9[%swap3A_1344, %swap3A_1345] {strides = array<i32>} : memref<128x128xf32, #tpu.memory_space<vmem>>, vector<16xf32>,
        tpu.vector_store %arg9[%swap3A_1344, %swap3A_1345], %mul3A_1343 {strides = array<i32>} : memref<128x128xf32, #tpu.memory_space<vmem>>, vector<16xf32>,
        %get3A_1347 = arith.index_cast %add3A_1325 : i32 to index
        %get3A_1348 = arith.constant 48 : index
        %get3A_1349 = tpu.vector_load %arg9[%get3A_1347, %get3A_1348] {strides = array<i32>} : memref<128x128xf32, #tpu.memory_space<vmem>>, vector<16xf32>,
        %mul3A_1350 = arith.mulf %get3A_1349, %broadcast_in_dim3A_1321 : vector<16xf32>
        %swap3A_1351 = arith.index_cast %add3A_1325 : i32 to index
        %swap3A_1352 = arith.constant 48 : index
        %swap3A_1353 = tpu.vector_load %arg9[%swap3A_1351, %swap3A_1352] {strides = array<i32>} : memref<128x128xf32, #tpu.memory_space<vmem>>, vector<16xf32>,
        tpu.vector_store %arg9[%swap3A_1351, %swap3A_1352], %mul3A_1350 {strides = array<i32>} : memref<128x128xf32, #tpu.memory_space<vmem>>, vector<16xf32>,
        %get3A_1354 = arith.index_cast %add3A_1325 : i32 to index
        %get3A_1355 = arith.constant 64 : index
        %get3A_1356 = tpu.vector_load %arg9[%get3A_1354, %get3A_1355] {strides = array<i32>} : memref<128x128xf32, #tpu.memory_space<vmem>>, vector<16xf32>,
        %mul3A_1357 = arith.mulf %get3A_1356, %broadcast_in_dim3A_1321 : vector<16xf32>
        %swap3A_1358 = arith.index_cast %add3A_1325 : i32 to index
        %swap3A_1359 = arith.constant 64 : index
        %swap3A_1360 = tpu.vector_load %arg9[%swap3A_1358, %swap3A_1359] {strides = array<i32>} : memref<128x128xf32, #tpu.memory_space<vmem>>, vector<16xf32>,
        tpu.vector_store %arg9[%swap3A_1358, %swap3A_1359], %mul3A_1357 {strides = array<i32>} : memref<128x128xf32, #tpu.memory_space<vmem>>, vector<16xf32>,
        %get3A_1361 = arith.index_cast %add3A_1325 : i32 to index
        %get3A_1362 = arith.constant 80 : index
        %get3A_1363 = tpu.vector_load %arg9[%get3A_1361, %get3A_1362] {strides = array<i32>} : memref<128x128xf32, #tpu.memory_space<vmem>>, vector<16xf32>,
        %mul3A_1364 = arith.mulf %get3A_1363, %broadcast_in_dim3A_1321 : vector<16xf32>
        %swap3A_1365 = arith.index_cast %add3A_1325 : i32 to index
        %swap3A_1366 = arith.constant 80 : index
        %swap3A_1367 = tpu.vector_load %arg9[%swap3A_1365, %swap3A_1366] {strides = array<i32>} : memref<128x128xf32, #tpu.memory_space<vmem>>, vector<16xf32>,
        tpu.vector_store %arg9[%swap3A_1365, %swap3A_1366], %mul3A_1364 {strides = array<i32>} : memref<128x128xf32, #tpu.memory_space<vmem>>, vector<16xf32>,
        %get3A_1368 = arith.index_cast %add3A_1325 : i32 to index
        %get3A_1369 = arith.constant 96 : index
        %get3A_1370 = tpu.vector_load %arg9[%get3A_1368, %get3A_1369] {strides = array<i32>} : memref<128x128xf32, #tpu.memory_space<vmem>>, vector<16xf32>,
        %mul3A_1371 = arith.mulf %get3A_1370, %broadcast_in_dim3A_1321 : vector<16xf32>
        %swap3A_1372 = arith.index_cast %add3A_1325 : i32 to index
        %swap3A_1373 = arith.constant 96 : index
        %swap3A_1374 = tpu.vector_load %arg9[%swap3A_1372, %swap3A_1373] {strides = array<i32>} : memref<128x128xf32, #tpu.memory_space<vmem>>, vector<16xf32>,
        tpu.vector_store %arg9[%swap3A_1372, %swap3A_1373], %mul3A_1371 {strides = array<i32>} : memref<128x128xf32, #tpu.memory_space<vmem>>, vector<16xf32>,
        %get3A_1375 = arith.index_cast %add3A_1325 : i32 to index
        %get3A_1376 = arith.constant 112 : index
        %get3A_1377 = tpu.vector_load %arg9[%get3A_1375, %get3A_1376] {strides = array<i32>} : memref<128x128xf32, #tpu.memory_space<vmem>>, vector<16xf32>,
        %mul3A_1378 = arith.mulf %get3A_1377, %broadcast_in_dim3A_1321 : vector<16xf32>
        %swap3A_1379 = arith.index_cast %add3A_1325 : i32 to index
        %swap3A_1380 = arith.constant 112 : index
        %swap3A_1381 = tpu.vector_load %arg9[%swap3A_1379, %swap3A_1380] {strides = array<i32>} : memref<128x128xf32, #tpu.memory_space<vmem>>, vector<16xf32>,
        tpu.vector_store %arg9[%swap3A_1379, %swap3A_1380], %mul3A_1378 {strides = array<i32>} : memref<128x128xf32, #tpu.memory_space<vmem>>, vector<16xf32>,
        %slice3A_1382 = vector.extract_strided_slice %bitcast3A_1192 {offsets = [3], sizes = [1], strides = [1]} : vector<16xf32> to vector<1xf32>
        %squeeze3A_1383 = vector.extract %slice3A_1382[0] : f32 from vector<1xf32>
        %broadcast_in_dim3A_1384 = vector.broadcast %squeeze3A_1383 : f32 to vector<16xf32>
        %mul3A_1385 = arith.constant 16 : i32
        %mul3A_1386 = arith.muli %scan3A_1174, %mul3A_1385 : i32
        %add3A_1387 = arith.constant 3 : i32
        %add3A_1388 = arith.addi %mul3A_1386, %add3A_1387 : i32
        %get3A_1389 = arith.index_cast %add3A_1388 : i32 to index
        %get3A_1390 = arith.constant 0 : index
        %get3A_1391 = tpu.vector_load %arg9[%get3A_1389, %get3A_1390] {strides = array<i32>} : memref<128x128xf32, #tpu.memory_space<vmem>>, vector<16xf32>,
        %mul3A_1392 = arith.mulf %get3A_1391, %broadcast_in_dim3A_1384 : vector<16xf32>
        %swap3A_1393 = arith.index_cast %add3A_1388 : i32 to index
        %swap3A_1394 = arith.constant 0 : index
        %swap3A_1395 = tpu.vector_load %arg9[%swap3A_1393, %swap3A_1394] {strides = array<i32>} : memref<128x128xf32, #tpu.memory_space<vmem>>, vector<16xf32>,
        tpu.vector_store %arg9[%swap3A_1393, %swap3A_1394], %mul3A_1392 {strides = array<i32>} : memref<128x128xf32, #tpu.memory_space<vmem>>, vector<16xf32>,
        %get3A_1396 = arith.index_cast %add3A_1388 : i32 to index
        %get3A_1397 = arith.constant 16 : index
        %get3A_1398 = tpu.vector_load %arg9[%get3A_1396, %get3A_1397] {strides = array<i32>} : memref<128x128xf32, #tpu.memory_space<vmem>>, vector<16xf32>,
        %mul3A_1399 = arith.mulf %get3A_1398, %broadcast_in_dim3A_1384 : vector<16xf32>
        %swap3A_1400 = arith.index_cast %add3A_1388 : i32 to index
        %swap3A_1401 = arith.constant 16 : index
        %swap3A_1402 = tpu.vector_load %arg9[%swap3A_1400, %swap3A_1401] {strides = array<i32>} : memref<128x128xf32, #tpu.memory_space<vmem>>, vector<16xf32>,
        tpu.vector_store %arg9[%swap3A_1400, %swap3A_1401], %mul3A_1399 {strides = array<i32>} : memref<128x128xf32, #tpu.memory_space<vmem>>, vector<16xf32>,
        %get3A_1403 = arith.index_cast %add3A_1388 : i32 to index
        %get3A_1404 = arith.constant 32 : index
        %get3A_1405 = tpu.vector_load %arg9[%get3A_1403, %get3A_1404] {strides = array<i32>} : memref<128x128xf32, #tpu.memory_space<vmem>>, vector<16xf32>,
        %mul3A_1406 = arith.mulf %get3A_1405, %broadcast_in_dim3A_1384 : vector<16xf32>
        %swap3A_1407 = arith.index_cast %add3A_1388 : i32 to index
        %swap3A_1408 = arith.constant 32 : index
        %swap3A_1409 = tpu.vector_load %arg9[%swap3A_1407, %swap3A_1408] {strides = array<i32>} : memref<128x128xf32, #tpu.memory_space<vmem>>, vector<16xf32>,
        tpu.vector_store %arg9[%swap3A_1407, %swap3A_1408], %mul3A_1406 {strides = array<i32>} : memref<128x128xf32, #tpu.memory_space<vmem>>, vector<16xf32>,
        %get3A_1410 = arith.index_cast %add3A_1388 : i32 to index
        %get3A_1411 = arith.constant 48 : index
        %get3A_1412 = tpu.vector_load %arg9[%get3A_1410, %get3A_1411] {strides = array<i32>} : memref<128x128xf32, #tpu.memory_space<vmem>>, vector<16xf32>,
        %mul3A_1413 = arith.mulf %get3A_1412, %broadcast_in_dim3A_1384 : vector<16xf32>
        %swap3A_1414 = arith.index_cast %add3A_1388 : i32 to index
        %swap3A_1415 = arith.constant 48 : index
        %swap3A_1416 = tpu.vector_load %arg9[%swap3A_1414, %swap3A_1415] {strides = array<i32>} : memref<128x128xf32, #tpu.memory_space<vmem>>, vector<16xf32>,
        tpu.vector_store %arg9[%swap3A_1414, %swap3A_1415], %mul3A_1413 {strides = array<i32>} : memref<128x128xf32, #tpu.memory_space<vmem>>, vector<16xf32>,
        %get3A_1417 = arith.index_cast %add3A_1388 : i32 to index
        %get3A_1418 = arith.constant 64 : index
        %get3A_1419 = tpu.vector_load %arg9[%get3A_1417, %get3A_1418] {strides = array<i32>} : memref<128x128xf32, #tpu.memory_space<vmem>>, vector<16xf32>,
        %mul3A_1420 = arith.mulf %get3A_1419, %broadcast_in_dim3A_1384 : vector<16xf32>
        %swap3A_1421 = arith.index_cast %add3A_1388 : i32 to index
        %swap3A_1422 = arith.constant 64 : index
        %swap3A_1423 = tpu.vector_load %arg9[%swap3A_1421, %swap3A_1422] {strides = array<i32>} : memref<128x128xf32, #tpu.memory_space<vmem>>, vector<16xf32>,
        tpu.vector_store %arg9[%swap3A_1421, %swap3A_1422], %mul3A_1420 {strides = array<i32>} : memref<128x128xf32, #tpu.memory_space<vmem>>, vector<16xf32>,
        %get3A_1424 = arith.index_cast %add3A_1388 : i32 to index
        %get3A_1425 = arith.constant 80 : index
        %get3A_1426 = tpu.vector_load %arg9[%get3A_1424, %get3A_1425] {strides = array<i32>} : memref<128x128xf32, #tpu.memory_space<vmem>>, vector<16xf32>,
        %mul3A_1427 = arith.mulf %get3A_1426, %broadcast_in_dim3A_1384 : vector<16xf32>
        %swap3A_1428 = arith.index_cast %add3A_1388 : i32 to index
        %swap3A_1429 = arith.constant 80 : index
        %swap3A_1430 = tpu.vector_load %arg9[%swap3A_1428, %swap3A_1429] {strides = array<i32>} : memref<128x128xf32, #tpu.memory_space<vmem>>, vector<16xf32>,
        tpu.vector_store %arg9[%swap3A_1428, %swap3A_1429], %mul3A_1427 {strides = array<i32>} : memref<128x128xf32, #tpu.memory_space<vmem>>, vector<16xf32>,
        %get3A_1431 = arith.index_cast %add3A_1388 : i32 to index
        %get3A_1432 = arith.constant 96 : index
        %get3A_1433 = tpu.vector_load %arg9[%get3A_1431, %get3A_1432] {strides = array<i32>} : memref<128x128xf32, #tpu.memory_space<vmem>>, vector<16xf32>,
        %mul3A_1434 = arith.mulf %get3A_1433, %broadcast_in_dim3A_1384 : vector<16xf32>
        %swap3A_1435 = arith.index_cast %add3A_1388 : i32 to index
        %swap3A_1436 = arith.constant 96 : index
        %swap3A_1437 = tpu.vector_load %arg9[%swap3A_1435, %swap3A_1436] {strides = array<i32>} : memref<128x128xf32, #tpu.memory_space<vmem>>, vector<16xf32>,
        tpu.vector_store %arg9[%swap3A_1435, %swap3A_1436], %mul3A_1434 {strides = array<i32>} : memref<128x128xf32, #tpu.memory_space<vmem>>, vector<16xf32>,
        %get3A_1438 = arith.index_cast %add3A_1388 : i32 to index
        %get3A_1439 = arith.constant 112 : index
        %get3A_1440 = tpu.vector_load %arg9[%get3A_1438, %get3A_1439] {strides = array<i32>} : memref<128x128xf32, #tpu.memory_space<vmem>>, vector<16xf32>,
        %mul3A_1441 = arith.mulf %get3A_1440, %broadcast_in_dim3A_1384 : vector<16xf32>
        %swap3A_1442 = arith.index_cast %add3A_1388 : i32 to index
        %swap3A_1443 = arith.constant 112 : index
        %swap3A_1444 = tpu.vector_load %arg9[%swap3A_1442, %swap3A_1443] {strides = array<i32>} : memref<128x128xf32, #tpu.memory_space<vmem>>, vector<16xf32>,
        tpu.vector_store %arg9[%swap3A_1442, %swap3A_1443], %mul3A_1441 {strides = array<i32>} : memref<128x128xf32, #tpu.memory_space<vmem>>, vector<16xf32>,
        %slice3A_1445 = vector.extract_strided_slice %bitcast3A_1192 {offsets = [4], sizes = [1], strides = [1]} : vector<16xf32> to vector<1xf32>
        %squeeze3A_1446 = vector.extract %slice3A_1445[0] : f32 from vector<1xf32>
        %broadcast_in_dim3A_1447 = vector.broadcast %squeeze3A_1446 : f32 to vector<16xf32>
        %mul3A_1448 = arith.constant 16 : i32
        %mul3A_1449 = arith.muli %scan3A_1174, %mul3A_1448 : i32
        %add3A_1450 = arith.constant 4 : i32
        %add3A_1451 = arith.addi %mul3A_1449, %add3A_1450 : i32
        %get3A_1452 = arith.index_cast %add3A_1451 : i32 to index
        %get3A_1453 = arith.constant 0 : index
        %get3A_1454 = tpu.vector_load %arg9[%get3A_1452, %get3A_1453] {strides = array<i32>} : memref<128x128xf32, #tpu.memory_space<vmem>>, vector<16xf32>,
        %mul3A_1455 = arith.mulf %get3A_1454, %broadcast_in_dim3A_1447 : vector<16xf32>
        %swap3A_1456 = arith.index_cast %add3A_1451 : i32 to index
        %swap3A_1457 = arith.constant 0 : index
        %swap3A_1458 = tpu.vector_load %arg9[%swap3A_1456, %swap3A_1457] {strides = array<i32>} : memref<128x128xf32, #tpu.memory_space<vmem>>, vector<16xf32>,
        tpu.vector_store %arg9[%swap3A_1456, %swap3A_1457], %mul3A_1455 {strides = array<i32>} : memref<128x128xf32, #tpu.memory_space<vmem>>, vector<16xf32>,
        %get3A_1459 = arith.index_cast %add3A_1451 : i32 to index
        %get3A_1460 = arith.constant 16 : index
        %get3A_1461 = tpu.vector_load %arg9[%get3A_1459, %get3A_1460] {strides = array<i32>} : memref<128x128xf32, #tpu.memory_space<vmem>>, vector<16xf32>,
        %mul3A_1462 = arith.mulf %get3A_1461, %broadcast_in_dim3A_1447 : vector<16xf32>
        %swap3A_1463 = arith.index_cast %add3A_1451 : i32 to index
        %swap3A_1464 = arith.constant 16 : index
        %swap3A_1465 = tpu.vector_load %arg9[%swap3A_1463, %swap3A_1464] {strides = array<i32>} : memref<128x128xf32, #tpu.memory_space<vmem>>, vector<16xf32>,
        tpu.vector_store %arg9[%swap3A_1463, %swap3A_1464], %mul3A_1462 {strides = array<i32>} : memref<128x128xf32, #tpu.memory_space<vmem>>, vector<16xf32>,
        %get3A_1466 = arith.index_cast %add3A_1451 : i32 to index
        %get3A_1467 = arith.constant 32 : index
        %get3A_1468 = tpu.vector_load %arg9[%get3A_1466, %get3A_1467] {strides = array<i32>} : memref<128x128xf32, #tpu.memory_space<vmem>>, vector<16xf32>,
        %mul3A_1469 = arith.mulf %get3A_1468, %broadcast_in_dim3A_1447 : vector<16xf32>
        %swap3A_1470 = arith.index_cast %add3A_1451 : i32 to index
        %swap3A_1471 = arith.constant 32 : index
        %swap3A_1472 = tpu.vector_load %arg9[%swap3A_1470, %swap3A_1471] {strides = array<i32>} : memref<128x128xf32, #tpu.memory_space<vmem>>, vector<16xf32>,
        tpu.vector_store %arg9[%swap3A_1470, %swap3A_1471], %mul3A_1469 {strides = array<i32>} : memref<128x128xf32, #tpu.memory_space<vmem>>, vector<16xf32>,
        %get3A_1473 = arith.index_cast %add3A_1451 : i32 to index
        %get3A_1474 = arith.constant 48 : index
        %get3A_1475 = tpu.vector_load %arg9[%get3A_1473, %get3A_1474] {strides = array<i32>} : memref<128x128xf32, #tpu.memory_space<vmem>>, vector<16xf32>,
        %mul3A_1476 = arith.mulf %get3A_1475, %broadcast_in_dim3A_1447 : vector<16xf32>
        %swap3A_1477 = arith.index_cast %add3A_1451 : i32 to index
        %swap3A_1478 = arith.constant 48 : index
        %swap3A_1479 = tpu.vector_load %arg9[%swap3A_1477, %swap3A_1478] {strides = array<i32>} : memref<128x128xf32, #tpu.memory_space<vmem>>, vector<16xf32>,
        tpu.vector_store %arg9[%swap3A_1477, %swap3A_1478], %mul3A_1476 {strides = array<i32>} : memref<128x128xf32, #tpu.memory_space<vmem>>, vector<16xf32>,
        %get3A_1480 = arith.index_cast %add3A_1451 : i32 to index
        %get3A_1481 = arith.constant 64 : index
        %get3A_1482 = tpu.vector_load %arg9[%get3A_1480, %get3A_1481] {strides = array<i32>} : memref<128x128xf32, #tpu.memory_space<vmem>>, vector<16xf32>,
        %mul3A_1483 = arith.mulf %get3A_1482, %broadcast_in_dim3A_1447 : vector<16xf32>
        %swap3A_1484 = arith.index_cast %add3A_1451 : i32 to index
        %swap3A_1485 = arith.constant 64 : index
        %swap3A_1486 = tpu.vector_load %arg9[%swap3A_1484, %swap3A_1485] {strides = array<i32>} : memref<128x128xf32, #tpu.memory_space<vmem>>, vector<16xf32>,
        tpu.vector_store %arg9[%swap3A_1484, %swap3A_1485], %mul3A_1483 {strides = array<i32>} : memref<128x128xf32, #tpu.memory_space<vmem>>, vector<16xf32>,
        %get3A_1487 = arith.index_cast %add3A_1451 : i32 to index
        %get3A_1488 = arith.constant 80 : index
        %get3A_1489 = tpu.vector_load %arg9[%get3A_1487, %get3A_1488] {strides = array<i32>} : memref<128x128xf32, #tpu.memory_space<vmem>>, vector<16xf32>,
        %mul3A_1490 = arith.mulf %get3A_1489, %broadcast_in_dim3A_1447 : vector<16xf32>
        %swap3A_1491 = arith.index_cast %add3A_1451 : i32 to index
        %swap3A_1492 = arith.constant 80 : index
        %swap3A_1493 = tpu.vector_load %arg9[%swap3A_1491, %swap3A_1492] {strides = array<i32>} : memref<128x128xf32, #tpu.memory_space<vmem>>, vector<16xf32>,
        tpu.vector_store %arg9[%swap3A_1491, %swap3A_1492], %mul3A_1490 {strides = array<i32>} : memref<128x128xf32, #tpu.memory_space<vmem>>, vector<16xf32>,
        %get3A_1494 = arith.index_cast %add3A_1451 : i32 to index
        %get3A_1495 = arith.constant 96 : index
        %get3A_1496 = tpu.vector_load %arg9[%get3A_1494, %get3A_1495] {strides = array<i32>} : memref<128x128xf32, #tpu.memory_space<vmem>>, vector<16xf32>,
        %mul3A_1497 = arith.mulf %get3A_1496, %broadcast_in_dim3A_1447 : vector<16xf32>
        %swap3A_1498 = arith.index_cast %add3A_1451 : i32 to index
        %swap3A_1499 = arith.constant 96 : index
        %swap3A_1500 = tpu.vector_load %arg9[%swap3A_1498, %swap3A_1499] {strides = array<i32>} : memref<128x128xf32, #tpu.memory_space<vmem>>, vector<16xf32>,
        tpu.vector_store %arg9[%swap3A_1498, %swap3A_1499], %mul3A_1497 {strides = array<i32>} : memref<128x128xf32, #tpu.memory_space<vmem>>, vector<16xf32>,
        %get3A_1501 = arith.index_cast %add3A_1451 : i32 to index
        %get3A_1502 = arith.constant 112 : index
        %get3A_1503 = tpu.vector_load %arg9[%get3A_1501, %get3A_1502] {strides = array<i32>} : memref<128x128xf32, #tpu.memory_space<vmem>>, vector<16xf32>,
        %mul3A_1504 = arith.mulf %get3A_1503, %broadcast_in_dim3A_1447 : vector<16xf32>
        %swap3A_1505 = arith.index_cast %add3A_1451 : i32 to index
        %swap3A_1506 = arith.constant 112 : index
        %swap3A_1507 = tpu.vector_load %arg9[%swap3A_1505, %swap3A_1506] {strides = array<i32>} : memref<128x128xf32, #tpu.memory_space<vmem>>, vector<16xf32>,
        tpu.vector_store %arg9[%swap3A_1505, %swap3A_1506], %mul3A_1504 {strides = array<i32>} : memref<128x128xf32, #tpu.memory_space<vmem>>, vector<16xf32>,
        %slice3A_1508 = vector.extract_strided_slice %bitcast3A_1192 {offsets = [5], sizes = [1], strides = [1]} : vector<16xf32> to vector<1xf32>
        %squeeze3A_1509 = vector.extract %slice3A_1508[0] : f32 from vector<1xf32>
        %broadcast_in_dim3A_1510 = vector.broadcast %squeeze3A_1509 : f32 to vector<16xf32>
        %mul3A_1511 = arith.constant 16 : i32
        %mul3A_1512 = arith.muli %scan3A_1174, %mul3A_1511 : i32
        %add3A_1513 = arith.constant 5 : i32
        %add3A_1514 = arith.addi %mul3A_1512, %add3A_1513 : i32
        %get3A_1515 = arith.index_cast %add3A_1514 : i32 to index
        %get3A_1516 = arith.constant 0 : index
        %get3A_1517 = tpu.vector_load %arg9[%get3A_1515, %get3A_1516] {strides = array<i32>} : memref<128x128xf32, #tpu.memory_space<vmem>>, vector<16xf32>,
        %mul3A_1518 = arith.mulf %get3A_1517, %broadcast_in_dim3A_1510 : vector<16xf32>
        %swap3A_1519 = arith.index_cast %add3A_1514 : i32 to index
        %swap3A_1520 = arith.constant 0 : index
        %swap3A_1521 = tpu.vector_load %arg9[%swap3A_1519, %swap3A_1520] {strides = array<i32>} : memref<128x128xf32, #tpu.memory_space<vmem>>, vector<16xf32>,
        tpu.vector_store %arg9[%swap3A_1519, %swap3A_1520], %mul3A_1518 {strides = array<i32>} : memref<128x128xf32, #tpu.memory_space<vmem>>, vector<16xf32>,
        %get3A_1522 = arith.index_cast %add3A_1514 : i32 to index
        %get3A_1523 = arith.constant 16 : index
        %get3A_1524 = tpu.vector_load %arg9[%get3A_1522, %get3A_1523] {strides = array<i32>} : memref<128x128xf32, #tpu.memory_space<vmem>>, vector<16xf32>,
        %mul3A_1525 = arith.mulf %get3A_1524, %broadcast_in_dim3A_1510 : vector<16xf32>
        %swap3A_1526 = arith.index_cast %add3A_1514 : i32 to index
        %swap3A_1527 = arith.constant 16 : index
        %swap3A_1528 = tpu.vector_load %arg9[%swap3A_1526, %swap3A_1527] {strides = array<i32>} : memref<128x128xf32, #tpu.memory_space<vmem>>, vector<16xf32>,
        tpu.vector_store %arg9[%swap3A_1526, %swap3A_1527], %mul3A_1525 {strides = array<i32>} : memref<128x128xf32, #tpu.memory_space<vmem>>, vector<16xf32>,
        %get3A_1529 = arith.index_cast %add3A_1514 : i32 to index
        %get3A_1530 = arith.constant 32 : index
        %get3A_1531 = tpu.vector_load %arg9[%get3A_1529, %get3A_1530] {strides = array<i32>} : memref<128x128xf32, #tpu.memory_space<vmem>>, vector<16xf32>,
        %mul3A_1532 = arith.mulf %get3A_1531, %broadcast_in_dim3A_1510 : vector<16xf32>
        %swap3A_1533 = arith.index_cast %add3A_1514 : i32 to index
        %swap3A_1534 = arith.constant 32 : index
        %swap3A_1535 = tpu.vector_load %arg9[%swap3A_1533, %swap3A_1534] {strides = array<i32>} : memref<128x128xf32, #tpu.memory_space<vmem>>, vector<16xf32>,
        tpu.vector_store %arg9[%swap3A_1533, %swap3A_1534], %mul3A_1532 {strides = array<i32>} : memref<128x128xf32, #tpu.memory_space<vmem>>, vector<16xf32>,
        %get3A_1536 = arith.index_cast %add3A_1514 : i32 to index
        %get3A_1537 = arith.constant 48 : index
        %get3A_1538 = tpu.vector_load %arg9[%get3A_1536, %get3A_1537] {strides = array<i32>} : memref<128x128xf32, #tpu.memory_space<vmem>>, vector<16xf32>,
        %mul3A_1539 = arith.mulf %get3A_1538, %broadcast_in_dim3A_1510 : vector<16xf32>
        %swap3A_1540 = arith.index_cast %add3A_1514 : i32 to index
        %swap3A_1541 = arith.constant 48 : index
        %swap3A_1542 = tpu.vector_load %arg9[%swap3A_1540, %swap3A_1541] {strides = array<i32>} : memref<128x128xf32, #tpu.memory_space<vmem>>, vector<16xf32>,
        tpu.vector_store %arg9[%swap3A_1540, %swap3A_1541], %mul3A_1539 {strides = array<i32>} : memref<128x128xf32, #tpu.memory_space<vmem>>, vector<16xf32>,
        %get3A_1543 = arith.index_cast %add3A_1514 : i32 to index
        %get3A_1544 = arith.constant 64 : index
        %get3A_1545 = tpu.vector_load %arg9[%get3A_1543, %get3A_1544] {strides = array<i32>} : memref<128x128xf32, #tpu.memory_space<vmem>>, vector<16xf32>,
        %mul3A_1546 = arith.mulf %get3A_1545, %broadcast_in_dim3A_1510 : vector<16xf32>
        %swap3A_1547 = arith.index_cast %add3A_1514 : i32 to index
        %swap3A_1548 = arith.constant 64 : index
        %swap3A_1549 = tpu.vector_load %arg9[%swap3A_1547, %swap3A_1548] {strides = array<i32>} : memref<128x128xf32, #tpu.memory_space<vmem>>, vector<16xf32>,
        tpu.vector_store %arg9[%swap3A_1547, %swap3A_1548], %mul3A_1546 {strides = array<i32>} : memref<128x128xf32, #tpu.memory_space<vmem>>, vector<16xf32>,
        %get3A_1550 = arith.index_cast %add3A_1514 : i32 to index
        %get3A_1551 = arith.constant 80 : index
        %get3A_1552 = tpu.vector_load %arg9[%get3A_1550, %get3A_1551] {strides = array<i32>} : memref<128x128xf32, #tpu.memory_space<vmem>>, vector<16xf32>,
        %mul3A_1553 = arith.mulf %get3A_1552, %broadcast_in_dim3A_1510 : vector<16xf32>
        %swap3A_1554 = arith.index_cast %add3A_1514 : i32 to index
        %swap3A_1555 = arith.constant 80 : index
        %swap3A_1556 = tpu.vector_load %arg9[%swap3A_1554, %swap3A_1555] {strides = array<i32>} : memref<128x128xf32, #tpu.memory_space<vmem>>, vector<16xf32>,
        tpu.vector_store %arg9[%swap3A_1554, %swap3A_1555], %mul3A_1553 {strides = array<i32>} : memref<128x128xf32, #tpu.memory_space<vmem>>, vector<16xf32>,
        %get3A_1557 = arith.index_cast %add3A_1514 : i32 to index
        %get3A_1558 = arith.constant 96 : index
        %get3A_1559 = tpu.vector_load %arg9[%get3A_1557, %get3A_1558] {strides = array<i32>} : memref<128x128xf32, #tpu.memory_space<vmem>>, vector<16xf32>,
        %mul3A_1560 = arith.mulf %get3A_1559, %broadcast_in_dim3A_1510 : vector<16xf32>
        %swap3A_1561 = arith.index_cast %add3A_1514 : i32 to index
        %swap3A_1562 = arith.constant 96 : index
        %swap3A_1563 = tpu.vector_load %arg9[%swap3A_1561, %swap3A_1562] {strides = array<i32>} : memref<128x128xf32, #tpu.memory_space<vmem>>, vector<16xf32>,
        tpu.vector_store %arg9[%swap3A_1561, %swap3A_1562], %mul3A_1560 {strides = array<i32>} : memref<128x128xf32, #tpu.memory_space<vmem>>, vector<16xf32>,
        %get3A_1564 = arith.index_cast %add3A_1514 : i32 to index
        %get3A_1565 = arith.constant 112 : index
        %get3A_1566 = tpu.vector_load %arg9[%get3A_1564, %get3A_1565] {strides = array<i32>} : memref<128x128xf32, #tpu.memory_space<vmem>>, vector<16xf32>,
        %mul3A_1567 = arith.mulf %get3A_1566, %broadcast_in_dim3A_1510 : vector<16xf32>
        %swap3A_1568 = arith.index_cast %add3A_1514 : i32 to index
        %swap3A_1569 = arith.constant 112 : index
        %swap3A_1570 = tpu.vector_load %arg9[%swap3A_1568, %swap3A_1569] {strides = array<i32>} : memref<128x128xf32, #tpu.memory_space<vmem>>, vector<16xf32>,
        tpu.vector_store %arg9[%swap3A_1568, %swap3A_1569], %mul3A_1567 {strides = array<i32>} : memref<128x128xf32, #tpu.memory_space<vmem>>, vector<16xf32>,
        %slice3A_1571 = vector.extract_strided_slice %bitcast3A_1192 {offsets = [6], sizes = [1], strides = [1]} : vector<16xf32> to vector<1xf32>
        %squeeze3A_1572 = vector.extract %slice3A_1571[0] : f32 from vector<1xf32>
        %broadcast_in_dim3A_1573 = vector.broadcast %squeeze3A_1572 : f32 to vector<16xf32>
        %mul3A_1574 = arith.constant 16 : i32
        %mul3A_1575 = arith.muli %scan3A_1174, %mul3A_1574 : i32
        %add3A_1576 = arith.constant 6 : i32
        %add3A_1577 = arith.addi %mul3A_1575, %add3A_1576 : i32
        %get3A_1578 = arith.index_cast %add3A_1577 : i32 to index
        %get3A_1579 = arith.constant 0 : index
        %get3A_1580 = tpu.vector_load %arg9[%get3A_1578, %get3A_1579] {strides = array<i32>} : memref<128x128xf32, #tpu.memory_space<vmem>>, vector<16xf32>,
        %mul3A_1581 = arith.mulf %get3A_1580, %broadcast_in_dim3A_1573 : vector<16xf32>
        %swap3A_1582 = arith.index_cast %add3A_1577 : i32 to index
        %swap3A_1583 = arith.constant 0 : index
        %swap3A_1584 = tpu.vector_load %arg9[%swap3A_1582, %swap3A_1583] {strides = array<i32>} : memref<128x128xf32, #tpu.memory_space<vmem>>, vector<16xf32>,
        tpu.vector_store %arg9[%swap3A_1582, %swap3A_1583], %mul3A_1581 {strides = array<i32>} : memref<128x128xf32, #tpu.memory_space<vmem>>, vector<16xf32>,
        %get3A_1585 = arith.index_cast %add3A_1577 : i32 to index
        %get3A_1586 = arith.constant 16 : index
        %get3A_1587 = tpu.vector_load %arg9[%get3A_1585, %get3A_1586] {strides = array<i32>} : memref<128x128xf32, #tpu.memory_space<vmem>>, vector<16xf32>,
        %mul3A_1588 = arith.mulf %get3A_1587, %broadcast_in_dim3A_1573 : vector<16xf32>
        %swap3A_1589 = arith.index_cast %add3A_1577 : i32 to index
        %swap3A_1590 = arith.constant 16 : index
        %swap3A_1591 = tpu.vector_load %arg9[%swap3A_1589, %swap3A_1590] {strides = array<i32>} : memref<128x128xf32, #tpu.memory_space<vmem>>, vector<16xf32>,
        tpu.vector_store %arg9[%swap3A_1589, %swap3A_1590], %mul3A_1588 {strides = array<i32>} : memref<128x128xf32, #tpu.memory_space<vmem>>, vector<16xf32>,
        %get3A_1592 = arith.index_cast %add3A_1577 : i32 to index
        %get3A_1593 = arith.constant 32 : index
        %get3A_1594 = tpu.vector_load %arg9[%get3A_1592, %get3A_1593] {strides = array<i32>} : memref<128x128xf32, #tpu.memory_space<vmem>>, vector<16xf32>,
        %mul3A_1595 = arith.mulf %get3A_1594, %broadcast_in_dim3A_1573 : vector<16xf32>
        %swap3A_1596 = arith.index_cast %add3A_1577 : i32 to index
        %swap3A_1597 = arith.constant 32 : index
        %swap3A_1598 = tpu.vector_load %arg9[%swap3A_1596, %swap3A_1597] {strides = array<i32>} : memref<128x128xf32, #tpu.memory_space<vmem>>, vector<16xf32>,
        tpu.vector_store %arg9[%swap3A_1596, %swap3A_1597], %mul3A_1595 {strides = array<i32>} : memref<128x128xf32, #tpu.memory_space<vmem>>, vector<16xf32>,
        %get3A_1599 = arith.index_cast %add3A_1577 : i32 to index
        %get3A_1600 = arith.constant 48 : index
        %get3A_1601 = tpu.vector_load %arg9[%get3A_1599, %get3A_1600] {strides = array<i32>} : memref<128x128xf32, #tpu.memory_space<vmem>>, vector<16xf32>,
        %mul3A_1602 = arith.mulf %get3A_1601, %broadcast_in_dim3A_1573 : vector<16xf32>
        %swap3A_1603 = arith.index_cast %add3A_1577 : i32 to index
        %swap3A_1604 = arith.constant 48 : index
        %swap3A_1605 = tpu.vector_load %arg9[%swap3A_1603, %swap3A_1604] {strides = array<i32>} : memref<128x128xf32, #tpu.memory_space<vmem>>, vector<16xf32>,
        tpu.vector_store %arg9[%swap3A_1603, %swap3A_1604], %mul3A_1602 {strides = array<i32>} : memref<128x128xf32, #tpu.memory_space<vmem>>, vector<16xf32>,
        %get3A_1606 = arith.index_cast %add3A_1577 : i32 to index
        %get3A_1607 = arith.constant 64 : index
        %get3A_1608 = tpu.vector_load %arg9[%get3A_1606, %get3A_1607] {strides = array<i32>} : memref<128x128xf32, #tpu.memory_space<vmem>>, vector<16xf32>,
        %mul3A_1609 = arith.mulf %get3A_1608, %broadcast_in_dim3A_1573 : vector<16xf32>
        %swap3A_1610 = arith.index_cast %add3A_1577 : i32 to index
        %swap3A_1611 = arith.constant 64 : index
        %swap3A_1612 = tpu.vector_load %arg9[%swap3A_1610, %swap3A_1611] {strides = array<i32>} : memref<128x128xf32, #tpu.memory_space<vmem>>, vector<16xf32>,
        tpu.vector_store %arg9[%swap3A_1610, %swap3A_1611], %mul3A_1609 {strides = array<i32>} : memref<128x128xf32, #tpu.memory_space<vmem>>, vector<16xf32>,
        %get3A_1613 = arith.index_cast %add3A_1577 : i32 to index
        %get3A_1614 = arith.constant 80 : index
        %get3A_1615 = tpu.vector_load %arg9[%get3A_1613, %get3A_1614] {strides = array<i32>} : memref<128x128xf32, #tpu.memory_space<vmem>>, vector<16xf32>,
        %mul3A_1616 = arith.mulf %get3A_1615, %broadcast_in_dim3A_1573 : vector<16xf32>
        %swap3A_1617 = arith.index_cast %add3A_1577 : i32 to index
        %swap3A_1618 = arith.constant 80 : index
        %swap3A_1619 = tpu.vector_load %arg9[%swap3A_1617, %swap3A_1618] {strides = array<i32>} : memref<128x128xf32, #tpu.memory_space<vmem>>, vector<16xf32>,
        tpu.vector_store %arg9[%swap3A_1617, %swap3A_1618], %mul3A_1616 {strides = array<i32>} : memref<128x128xf32, #tpu.memory_space<vmem>>, vector<16xf32>,
        %get3A_1620 = arith.index_cast %add3A_1577 : i32 to index
        %get3A_1621 = arith.constant 96 : index
        %get3A_1622 = tpu.vector_load %arg9[%get3A_1620, %get3A_1621] {strides = array<i32>} : memref<128x128xf32, #tpu.memory_space<vmem>>, vector<16xf32>,
        %mul3A_1623 = arith.mulf %get3A_1622, %broadcast_in_dim3A_1573 : vector<16xf32>
        %swap3A_1624 = arith.index_cast %add3A_1577 : i32 to index
        %swap3A_1625 = arith.constant 96 : index
        %swap3A_1626 = tpu.vector_load %arg9[%swap3A_1624, %swap3A_1625] {strides = array<i32>} : memref<128x128xf32, #tpu.memory_space<vmem>>, vector<16xf32>,
        tpu.vector_store %arg9[%swap3A_1624, %swap3A_1625], %mul3A_1623 {strides = array<i32>} : memref<128x128xf32, #tpu.memory_space<vmem>>, vector<16xf32>,
        %get3A_1627 = arith.index_cast %add3A_1577 : i32 to index
        %get3A_1628 = arith.constant 112 : index
        %get3A_1629 = tpu.vector_load %arg9[%get3A_1627, %get3A_1628] {strides = array<i32>} : memref<128x128xf32, #tpu.memory_space<vmem>>, vector<16xf32>,
        %mul3A_1630 = arith.mulf %get3A_1629, %broadcast_in_dim3A_1573 : vector<16xf32>
        %swap3A_1631 = arith.index_cast %add3A_1577 : i32 to index
        %swap3A_1632 = arith.constant 112 : index
        %swap3A_1633 = tpu.vector_load %arg9[%swap3A_1631, %swap3A_1632] {strides = array<i32>} : memref<128x128xf32, #tpu.memory_space<vmem>>, vector<16xf32>,
        tpu.vector_store %arg9[%swap3A_1631, %swap3A_1632], %mul3A_1630 {strides = array<i32>} : memref<128x128xf32, #tpu.memory_space<vmem>>, vector<16xf32>,
        %slice3A_1634 = vector.extract_strided_slice %bitcast3A_1192 {offsets = [7], sizes = [1], strides = [1]} : vector<16xf32> to vector<1xf32>
        %squeeze3A_1635 = vector.extract %slice3A_1634[0] : f32 from vector<1xf32>
        %broadcast_in_dim3A_1636 = vector.broadcast %squeeze3A_1635 : f32 to vector<16xf32>
        %mul3A_1637 = arith.constant 16 : i32
        %mul3A_1638 = arith.muli %scan3A_1174, %mul3A_1637 : i32
        %add3A_1639 = arith.constant 7 : i32
        %add3A_1640 = arith.addi %mul3A_1638, %add3A_1639 : i32
        %get3A_1641 = arith.index_cast %add3A_1640 : i32 to index
        %get3A_1642 = arith.constant 0 : index
        %get3A_1643 = tpu.vector_load %arg9[%get3A_1641, %get3A_1642] {strides = array<i32>} : memref<128x128xf32, #tpu.memory_space<vmem>>, vector<16xf32>,
        %mul3A_1644 = arith.mulf %get3A_1643, %broadcast_in_dim3A_1636 : vector<16xf32>
        %swap3A_1645 = arith.index_cast %add3A_1640 : i32 to index
        %swap3A_1646 = arith.constant 0 : index
        %swap3A_1647 = tpu.vector_load %arg9[%swap3A_1645, %swap3A_1646] {strides = array<i32>} : memref<128x128xf32, #tpu.memory_space<vmem>>, vector<16xf32>,
        tpu.vector_store %arg9[%swap3A_1645, %swap3A_1646], %mul3A_1644 {strides = array<i32>} : memref<128x128xf32, #tpu.memory_space<vmem>>, vector<16xf32>,
        %get3A_1648 = arith.index_cast %add3A_1640 : i32 to index
        %get3A_1649 = arith.constant 16 : index
        %get3A_1650 = tpu.vector_load %arg9[%get3A_1648, %get3A_1649] {strides = array<i32>} : memref<128x128xf32, #tpu.memory_space<vmem>>, vector<16xf32>,
        %mul3A_1651 = arith.mulf %get3A_1650, %broadcast_in_dim3A_1636 : vector<16xf32>
        %swap3A_1652 = arith.index_cast %add3A_1640 : i32 to index
        %swap3A_1653 = arith.constant 16 : index
        %swap3A_1654 = tpu.vector_load %arg9[%swap3A_1652, %swap3A_1653] {strides = array<i32>} : memref<128x128xf32, #tpu.memory_space<vmem>>, vector<16xf32>,
        tpu.vector_store %arg9[%swap3A_1652, %swap3A_1653], %mul3A_1651 {strides = array<i32>} : memref<128x128xf32, #tpu.memory_space<vmem>>, vector<16xf32>,
        %get3A_1655 = arith.index_cast %add3A_1640 : i32 to index
        %get3A_1656 = arith.constant 32 : index
        %get3A_1657 = tpu.vector_load %arg9[%get3A_1655, %get3A_1656] {strides = array<i32>} : memref<128x128xf32, #tpu.memory_space<vmem>>, vector<16xf32>,
        %mul3A_1658 = arith.mulf %get3A_1657, %broadcast_in_dim3A_1636 : vector<16xf32>
        %swap3A_1659 = arith.index_cast %add3A_1640 : i32 to index
        %swap3A_1660 = arith.constant 32 : index
        %swap3A_1661 = tpu.vector_load %arg9[%swap3A_1659, %swap3A_1660] {strides = array<i32>} : memref<128x128xf32, #tpu.memory_space<vmem>>, vector<16xf32>,
        tpu.vector_store %arg9[%swap3A_1659, %swap3A_1660], %mul3A_1658 {strides = array<i32>} : memref<128x128xf32, #tpu.memory_space<vmem>>, vector<16xf32>,
        %get3A_1662 = arith.index_cast %add3A_1640 : i32 to index
        %get3A_1663 = arith.constant 48 : index
        %get3A_1664 = tpu.vector_load %arg9[%get3A_1662, %get3A_1663] {strides = array<i32>} : memref<128x128xf32, #tpu.memory_space<vmem>>, vector<16xf32>,
        %mul3A_1665 = arith.mulf %get3A_1664, %broadcast_in_dim3A_1636 : vector<16xf32>
        %swap3A_1666 = arith.index_cast %add3A_1640 : i32 to index
        %swap3A_1667 = arith.constant 48 : index
        %swap3A_1668 = tpu.vector_load %arg9[%swap3A_1666, %swap3A_1667] {strides = array<i32>} : memref<128x128xf32, #tpu.memory_space<vmem>>, vector<16xf32>,
        tpu.vector_store %arg9[%swap3A_1666, %swap3A_1667], %mul3A_1665 {strides = array<i32>} : memref<128x128xf32, #tpu.memory_space<vmem>>, vector<16xf32>,
        %get3A_1669 = arith.index_cast %add3A_1640 : i32 to index
        %get3A_1670 = arith.constant 64 : index
        %get3A_1671 = tpu.vector_load %arg9[%get3A_1669, %get3A_1670] {strides = array<i32>} : memref<128x128xf32, #tpu.memory_space<vmem>>, vector<16xf32>,
        %mul3A_1672 = arith.mulf %get3A_1671, %broadcast_in_dim3A_1636 : vector<16xf32>
        %swap3A_1673 = arith.index_cast %add3A_1640 : i32 to index
        %swap3A_1674 = arith.constant 64 : index
        %swap3A_1675 = tpu.vector_load %arg9[%swap3A_1673, %swap3A_1674] {strides = array<i32>} : memref<128x128xf32, #tpu.memory_space<vmem>>, vector<16xf32>,
        tpu.vector_store %arg9[%swap3A_1673, %swap3A_1674], %mul3A_1672 {strides = array<i32>} : memref<128x128xf32, #tpu.memory_space<vmem>>, vector<16xf32>,
        %get3A_1676 = arith.index_cast %add3A_1640 : i32 to index
        %get3A_1677 = arith.constant 80 : index
        %get3A_1678 = tpu.vector_load %arg9[%get3A_1676, %get3A_1677] {strides = array<i32>} : memref<128x128xf32, #tpu.memory_space<vmem>>, vector<16xf32>,
        %mul3A_1679 = arith.mulf %get3A_1678, %broadcast_in_dim3A_1636 : vector<16xf32>
        %swap3A_1680 = arith.index_cast %add3A_1640 : i32 to index
        %swap3A_1681 = arith.constant 80 : index
        %swap3A_1682 = tpu.vector_load %arg9[%swap3A_1680, %swap3A_1681] {strides = array<i32>} : memref<128x128xf32, #tpu.memory_space<vmem>>, vector<16xf32>,
        tpu.vector_store %arg9[%swap3A_1680, %swap3A_1681], %mul3A_1679 {strides = array<i32>} : memref<128x128xf32, #tpu.memory_space<vmem>>, vector<16xf32>,
        %get3A_1683 = arith.index_cast %add3A_1640 : i32 to index
        %get3A_1684 = arith.constant 96 : index
        %get3A_1685 = tpu.vector_load %arg9[%get3A_1683, %get3A_1684] {strides = array<i32>} : memref<128x128xf32, #tpu.memory_space<vmem>>, vector<16xf32>,
        %mul3A_1686 = arith.mulf %get3A_1685, %broadcast_in_dim3A_1636 : vector<16xf32>
        %swap3A_1687 = arith.index_cast %add3A_1640 : i32 to index
        %swap3A_1688 = arith.constant 96 : index
        %swap3A_1689 = tpu.vector_load %arg9[%swap3A_1687, %swap3A_1688] {strides = array<i32>} : memref<128x128xf32, #tpu.memory_space<vmem>>, vector<16xf32>,
        tpu.vector_store %arg9[%swap3A_1687, %swap3A_1688], %mul3A_1686 {strides = array<i32>} : memref<128x128xf32, #tpu.memory_space<vmem>>, vector<16xf32>,
        %get3A_1690 = arith.index_cast %add3A_1640 : i32 to index
        %get3A_1691 = arith.constant 112 : index
        %get3A_1692 = tpu.vector_load %arg9[%get3A_1690, %get3A_1691] {strides = array<i32>} : memref<128x128xf32, #tpu.memory_space<vmem>>, vector<16xf32>,
        %mul3A_1693 = arith.mulf %get3A_1692, %broadcast_in_dim3A_1636 : vector<16xf32>
        %swap3A_1694 = arith.index_cast %add3A_1640 : i32 to index
        %swap3A_1695 = arith.constant 112 : index
        %swap3A_1696 = tpu.vector_load %arg9[%swap3A_1694, %swap3A_1695] {strides = array<i32>} : memref<128x128xf32, #tpu.memory_space<vmem>>, vector<16xf32>,
        tpu.vector_store %arg9[%swap3A_1694, %swap3A_1695], %mul3A_1693 {strides = array<i32>} : memref<128x128xf32, #tpu.memory_space<vmem>>, vector<16xf32>,
        %slice3A_1697 = vector.extract_strided_slice %bitcast3A_1192 {offsets = [8], sizes = [1], strides = [1]} : vector<16xf32> to vector<1xf32>
        %squeeze3A_1698 = vector.extract %slice3A_1697[0] : f32 from vector<1xf32>
        %broadcast_in_dim3A_1699 = vector.broadcast %squeeze3A_1698 : f32 to vector<16xf32>
        %mul3A_1700 = arith.constant 16 : i32
        %mul3A_1701 = arith.muli %scan3A_1174, %mul3A_1700 : i32
        %add3A_1702 = arith.constant 8 : i32
        %add3A_1703 = arith.addi %mul3A_1701, %add3A_1702 : i32
        %get3A_1704 = arith.index_cast %add3A_1703 : i32 to index
        %get3A_1705 = arith.constant 0 : index
        %get3A_1706 = tpu.vector_load %arg9[%get3A_1704, %get3A_1705] {strides = array<i32>} : memref<128x128xf32, #tpu.memory_space<vmem>>, vector<16xf32>,
        %mul3A_1707 = arith.mulf %get3A_1706, %broadcast_in_dim3A_1699 : vector<16xf32>
        %swap3A_1708 = arith.index_cast %add3A_1703 : i32 to index
        %swap3A_1709 = arith.constant 0 : index
        %swap3A_1710 = tpu.vector_load %arg9[%swap3A_1708, %swap3A_1709] {strides = array<i32>} : memref<128x128xf32, #tpu.memory_space<vmem>>, vector<16xf32>,
        tpu.vector_store %arg9[%swap3A_1708, %swap3A_1709], %mul3A_1707 {strides = array<i32>} : memref<128x128xf32, #tpu.memory_space<vmem>>, vector<16xf32>,
        %get3A_1711 = arith.index_cast %add3A_1703 : i32 to index
        %get3A_1712 = arith.constant 16 : index
        %get3A_1713 = tpu.vector_load %arg9[%get3A_1711, %get3A_1712] {strides = array<i32>} : memref<128x128xf32, #tpu.memory_space<vmem>>, vector<16xf32>,
        %mul3A_1714 = arith.mulf %get3A_1713, %broadcast_in_dim3A_1699 : vector<16xf32>
        %swap3A_1715 = arith.index_cast %add3A_1703 : i32 to index
        %swap3A_1716 = arith.constant 16 : index
        %swap3A_1717 = tpu.vector_load %arg9[%swap3A_1715, %swap3A_1716] {strides = array<i32>} : memref<128x128xf32, #tpu.memory_space<vmem>>, vector<16xf32>,
        tpu.vector_store %arg9[%swap3A_1715, %swap3A_1716], %mul3A_1714 {strides = array<i32>} : memref<128x128xf32, #tpu.memory_space<vmem>>, vector<16xf32>,
        %get3A_1718 = arith.index_cast %add3A_1703 : i32 to index
        %get3A_1719 = arith.constant 32 : index
        %get3A_1720 = tpu.vector_load %arg9[%get3A_1718, %get3A_1719] {strides = array<i32>} : memref<128x128xf32, #tpu.memory_space<vmem>>, vector<16xf32>,
        %mul3A_1721 = arith.mulf %get3A_1720, %broadcast_in_dim3A_1699 : vector<16xf32>
        %swap3A_1722 = arith.index_cast %add3A_1703 : i32 to index
        %swap3A_1723 = arith.constant 32 : index
        %swap3A_1724 = tpu.vector_load %arg9[%swap3A_1722, %swap3A_1723] {strides = array<i32>} : memref<128x128xf32, #tpu.memory_space<vmem>>, vector<16xf32>,
        tpu.vector_store %arg9[%swap3A_1722, %swap3A_1723], %mul3A_1721 {strides = array<i32>} : memref<128x128xf32, #tpu.memory_space<vmem>>, vector<16xf32>,
        %get3A_1725 = arith.index_cast %add3A_1703 : i32 to index
        %get3A_1726 = arith.constant 48 : index
        %get3A_1727 = tpu.vector_load %arg9[%get3A_1725, %get3A_1726] {strides = array<i32>} : memref<128x128xf32, #tpu.memory_space<vmem>>, vector<16xf32>,
        %mul3A_1728 = arith.mulf %get3A_1727, %broadcast_in_dim3A_1699 : vector<16xf32>
        %swap3A_1729 = arith.index_cast %add3A_1703 : i32 to index
        %swap3A_1730 = arith.constant 48 : index
        %swap3A_1731 = tpu.vector_load %arg9[%swap3A_1729, %swap3A_1730] {strides = array<i32>} : memref<128x128xf32, #tpu.memory_space<vmem>>, vector<16xf32>,
        tpu.vector_store %arg9[%swap3A_1729, %swap3A_1730], %mul3A_1728 {strides = array<i32>} : memref<128x128xf32, #tpu.memory_space<vmem>>, vector<16xf32>,
        %get3A_1732 = arith.index_cast %add3A_1703 : i32 to index
        %get3A_1733 = arith.constant 64 : index
        %get3A_1734 = tpu.vector_load %arg9[%get3A_1732, %get3A_1733] {strides = array<i32>} : memref<128x128xf32, #tpu.memory_space<vmem>>, vector<16xf32>,
        %mul3A_1735 = arith.mulf %get3A_1734, %broadcast_in_dim3A_1699 : vector<16xf32>
        %swap3A_1736 = arith.index_cast %add3A_1703 : i32 to index
        %swap3A_1737 = arith.constant 64 : index
        %swap3A_1738 = tpu.vector_load %arg9[%swap3A_1736, %swap3A_1737] {strides = array<i32>} : memref<128x128xf32, #tpu.memory_space<vmem>>, vector<16xf32>,
        tpu.vector_store %arg9[%swap3A_1736, %swap3A_1737], %mul3A_1735 {strides = array<i32>} : memref<128x128xf32, #tpu.memory_space<vmem>>, vector<16xf32>,
        %get3A_1739 = arith.index_cast %add3A_1703 : i32 to index
        %get3A_1740 = arith.constant 80 : index
        %get3A_1741 = tpu.vector_load %arg9[%get3A_1739, %get3A_1740] {strides = array<i32>} : memref<128x128xf32, #tpu.memory_space<vmem>>, vector<16xf32>,
        %mul3A_1742 = arith.mulf %get3A_1741, %broadcast_in_dim3A_1699 : vector<16xf32>
        %swap3A_1743 = arith.index_cast %add3A_1703 : i32 to index
        %swap3A_1744 = arith.constant 80 : index
        %swap3A_1745 = tpu.vector_load %arg9[%swap3A_1743, %swap3A_1744] {strides = array<i32>} : memref<128x128xf32, #tpu.memory_space<vmem>>, vector<16xf32>,
        tpu.vector_store %arg9[%swap3A_1743, %swap3A_1744], %mul3A_1742 {strides = array<i32>} : memref<128x128xf32, #tpu.memory_space<vmem>>, vector<16xf32>,
        %get3A_1746 = arith.index_cast %add3A_1703 : i32 to index
        %get3A_1747 = arith.constant 96 : index
        %get3A_1748 = tpu.vector_load %arg9[%get3A_1746, %get3A_1747] {strides = array<i32>} : memref<128x128xf32, #tpu.memory_space<vmem>>, vector<16xf32>,
        %mul3A_1749 = arith.mulf %get3A_1748, %broadcast_in_dim3A_1699 : vector<16xf32>
        %swap3A_1750 = arith.index_cast %add3A_1703 : i32 to index
        %swap3A_1751 = arith.constant 96 : index
        %swap3A_1752 = tpu.vector_load %arg9[%swap3A_1750, %swap3A_1751] {strides = array<i32>} : memref<128x128xf32, #tpu.memory_space<vmem>>, vector<16xf32>,
        tpu.vector_store %arg9[%swap3A_1750, %swap3A_1751], %mul3A_1749 {strides = array<i32>} : memref<128x128xf32, #tpu.memory_space<vmem>>, vector<16xf32>,
        %get3A_1753 = arith.index_cast %add3A_1703 : i32 to index
        %get3A_1754 = arith.constant 112 : index
        %get3A_1755 = tpu.vector_load %arg9[%get3A_1753, %get3A_1754] {strides = array<i32>} : memref<128x128xf32, #tpu.memory_space<vmem>>, vector<16xf32>,
        %mul3A_1756 = arith.mulf %get3A_1755, %broadcast_in_dim3A_1699 : vector<16xf32>
        %swap3A_1757 = arith.index_cast %add3A_1703 : i32 to index
        %swap3A_1758 = arith.constant 112 : index
        %swap3A_1759 = tpu.vector_load %arg9[%swap3A_1757, %swap3A_1758] {strides = array<i32>} : memref<128x128xf32, #tpu.memory_space<vmem>>, vector<16xf32>,
        tpu.vector_store %arg9[%swap3A_1757, %swap3A_1758], %mul3A_1756 {strides = array<i32>} : memref<128x128xf32, #tpu.memory_space<vmem>>, vector<16xf32>,
        %slice3A_1760 = vector.extract_strided_slice %bitcast3A_1192 {offsets = [9], sizes = [1], strides = [1]} : vector<16xf32> to vector<1xf32>
        %squeeze3A_1761 = vector.extract %slice3A_1760[0] : f32 from vector<1xf32>
        %broadcast_in_dim3A_1762 = vector.broadcast %squeeze3A_1761 : f32 to vector<16xf32>
        %mul3A_1763 = arith.constant 16 : i32
        %mul3A_1764 = arith.muli %scan3A_1174, %mul3A_1763 : i32
        %add3A_1765 = arith.constant 9 : i32
        %add3A_1766 = arith.addi %mul3A_1764, %add3A_1765 : i32
        %get3A_1767 = arith.index_cast %add3A_1766 : i32 to index
        %get3A_1768 = arith.constant 0 : index
        %get3A_1769 = tpu.vector_load %arg9[%get3A_1767, %get3A_1768] {strides = array<i32>} : memref<128x128xf32, #tpu.memory_space<vmem>>, vector<16xf32>,
        %mul3A_1770 = arith.mulf %get3A_1769, %broadcast_in_dim3A_1762 : vector<16xf32>
        %swap3A_1771 = arith.index_cast %add3A_1766 : i32 to index
        %swap3A_1772 = arith.constant 0 : index
        %swap3A_1773 = tpu.vector_load %arg9[%swap3A_1771, %swap3A_1772] {strides = array<i32>} : memref<128x128xf32, #tpu.memory_space<vmem>>, vector<16xf32>,
        tpu.vector_store %arg9[%swap3A_1771, %swap3A_1772], %mul3A_1770 {strides = array<i32>} : memref<128x128xf32, #tpu.memory_space<vmem>>, vector<16xf32>,
        %get3A_1774 = arith.index_cast %add3A_1766 : i32 to index
        %get3A_1775 = arith.constant 16 : index
        %get3A_1776 = tpu.vector_load %arg9[%get3A_1774, %get3A_1775] {strides = array<i32>} : memref<128x128xf32, #tpu.memory_space<vmem>>, vector<16xf32>,
        %mul3A_1777 = arith.mulf %get3A_1776, %broadcast_in_dim3A_1762 : vector<16xf32>
        %swap3A_1778 = arith.index_cast %add3A_1766 : i32 to index
        %swap3A_1779 = arith.constant 16 : index
        %swap3A_1780 = tpu.vector_load %arg9[%swap3A_1778, %swap3A_1779] {strides = array<i32>} : memref<128x128xf32, #tpu.memory_space<vmem>>, vector<16xf32>,
        tpu.vector_store %arg9[%swap3A_1778, %swap3A_1779], %mul3A_1777 {strides = array<i32>} : memref<128x128xf32, #tpu.memory_space<vmem>>, vector<16xf32>,
        %get3A_1781 = arith.index_cast %add3A_1766 : i32 to index
        %get3A_1782 = arith.constant 32 : index
        %get3A_1783 = tpu.vector_load %arg9[%get3A_1781, %get3A_1782] {strides = array<i32>} : memref<128x128xf32, #tpu.memory_space<vmem>>, vector<16xf32>,
        %mul3A_1784 = arith.mulf %get3A_1783, %broadcast_in_dim3A_1762 : vector<16xf32>
        %swap3A_1785 = arith.index_cast %add3A_1766 : i32 to index
        %swap3A_1786 = arith.constant 32 : index
        %swap3A_1787 = tpu.vector_load %arg9[%swap3A_1785, %swap3A_1786] {strides = array<i32>} : memref<128x128xf32, #tpu.memory_space<vmem>>, vector<16xf32>,
        tpu.vector_store %arg9[%swap3A_1785, %swap3A_1786], %mul3A_1784 {strides = array<i32>} : memref<128x128xf32, #tpu.memory_space<vmem>>, vector<16xf32>,
        %get3A_1788 = arith.index_cast %add3A_1766 : i32 to index
        %get3A_1789 = arith.constant 48 : index
        %get3A_1790 = tpu.vector_load %arg9[%get3A_1788, %get3A_1789] {strides = array<i32>} : memref<128x128xf32, #tpu.memory_space<vmem>>, vector<16xf32>,
        %mul3A_1791 = arith.mulf %get3A_1790, %broadcast_in_dim3A_1762 : vector<16xf32>
        %swap3A_1792 = arith.index_cast %add3A_1766 : i32 to index
        %swap3A_1793 = arith.constant 48 : index
        %swap3A_1794 = tpu.vector_load %arg9[%swap3A_1792, %swap3A_1793] {strides = array<i32>} : memref<128x128xf32, #tpu.memory_space<vmem>>, vector<16xf32>,
        tpu.vector_store %arg9[%swap3A_1792, %swap3A_1793], %mul3A_1791 {strides = array<i32>} : memref<128x128xf32, #tpu.memory_space<vmem>>, vector<16xf32>,
        %get3A_1795 = arith.index_cast %add3A_1766 : i32 to index
        %get3A_1796 = arith.constant 64 : index
        %get3A_1797 = tpu.vector_load %arg9[%get3A_1795, %get3A_1796] {strides = array<i32>} : memref<128x128xf32, #tpu.memory_space<vmem>>, vector<16xf32>,
        %mul3A_1798 = arith.mulf %get3A_1797, %broadcast_in_dim3A_1762 : vector<16xf32>
        %swap3A_1799 = arith.index_cast %add3A_1766 : i32 to index
        %swap3A_1800 = arith.constant 64 : index
        %swap3A_1801 = tpu.vector_load %arg9[%swap3A_1799, %swap3A_1800] {strides = array<i32>} : memref<128x128xf32, #tpu.memory_space<vmem>>, vector<16xf32>,
        tpu.vector_store %arg9[%swap3A_1799, %swap3A_1800], %mul3A_1798 {strides = array<i32>} : memref<128x128xf32, #tpu.memory_space<vmem>>, vector<16xf32>,
        %get3A_1802 = arith.index_cast %add3A_1766 : i32 to index
        %get3A_1803 = arith.constant 80 : index
        %get3A_1804 = tpu.vector_load %arg9[%get3A_1802, %get3A_1803] {strides = array<i32>} : memref<128x128xf32, #tpu.memory_space<vmem>>, vector<16xf32>,
        %mul3A_1805 = arith.mulf %get3A_1804, %broadcast_in_dim3A_1762 : vector<16xf32>
        %swap3A_1806 = arith.index_cast %add3A_1766 : i32 to index
        %swap3A_1807 = arith.constant 80 : index
        %swap3A_1808 = tpu.vector_load %arg9[%swap3A_1806, %swap3A_1807] {strides = array<i32>} : memref<128x128xf32, #tpu.memory_space<vmem>>, vector<16xf32>,
        tpu.vector_store %arg9[%swap3A_1806, %swap3A_1807], %mul3A_1805 {strides = array<i32>} : memref<128x128xf32, #tpu.memory_space<vmem>>, vector<16xf32>,
        %get3A_1809 = arith.index_cast %add3A_1766 : i32 to index
        %get3A_1810 = arith.constant 96 : index
        %get3A_1811 = tpu.vector_load %arg9[%get3A_1809, %get3A_1810] {strides = array<i32>} : memref<128x128xf32, #tpu.memory_space<vmem>>, vector<16xf32>,
        %mul3A_1812 = arith.mulf %get3A_1811, %broadcast_in_dim3A_1762 : vector<16xf32>
        %swap3A_1813 = arith.index_cast %add3A_1766 : i32 to index
        %swap3A_1814 = arith.constant 96 : index
        %swap3A_1815 = tpu.vector_load %arg9[%swap3A_1813, %swap3A_1814] {strides = array<i32>} : memref<128x128xf32, #tpu.memory_space<vmem>>, vector<16xf32>,
        tpu.vector_store %arg9[%swap3A_1813, %swap3A_1814], %mul3A_1812 {strides = array<i32>} : memref<128x128xf32, #tpu.memory_space<vmem>>, vector<16xf32>,
        %get3A_1816 = arith.index_cast %add3A_1766 : i32 to index
        %get3A_1817 = arith.constant 112 : index
        %get3A_1818 = tpu.vector_load %arg9[%get3A_1816, %get3A_1817] {strides = array<i32>} : memref<128x128xf32, #tpu.memory_space<vmem>>, vector<16xf32>,
        %mul3A_1819 = arith.mulf %get3A_1818, %broadcast_in_dim3A_1762 : vector<16xf32>
        %swap3A_1820 = arith.index_cast %add3A_1766 : i32 to index
        %swap3A_1821 = arith.constant 112 : index
        %swap3A_1822 = tpu.vector_load %arg9[%swap3A_1820, %swap3A_1821] {strides = array<i32>} : memref<128x128xf32, #tpu.memory_space<vmem>>, vector<16xf32>,
        tpu.vector_store %arg9[%swap3A_1820, %swap3A_1821], %mul3A_1819 {strides = array<i32>} : memref<128x128xf32, #tpu.memory_space<vmem>>, vector<16xf32>,
        %slice3A_1823 = vector.extract_strided_slice %bitcast3A_1192 {offsets = [10], sizes = [1], strides = [1]} : vector<16xf32> to vector<1xf32>
        %squeeze3A_1824 = vector.extract %slice3A_1823[0] : f32 from vector<1xf32>
        %broadcast_in_dim3A_1825 = vector.broadcast %squeeze3A_1824 : f32 to vector<16xf32>
        %mul3A_1826 = arith.constant 16 : i32
        %mul3A_1827 = arith.muli %scan3A_1174, %mul3A_1826 : i32
        %add3A_1828 = arith.constant 10 : i32
        %add3A_1829 = arith.addi %mul3A_1827, %add3A_1828 : i32
        %get3A_1830 = arith.index_cast %add3A_1829 : i32 to index
        %get3A_1831 = arith.constant 0 : index
        %get3A_1832 = tpu.vector_load %arg9[%get3A_1830, %get3A_1831] {strides = array<i32>} : memref<128x128xf32, #tpu.memory_space<vmem>>, vector<16xf32>,
        %mul3A_1833 = arith.mulf %get3A_1832, %broadcast_in_dim3A_1825 : vector<16xf32>
        %swap3A_1834 = arith.index_cast %add3A_1829 : i32 to index
        %swap3A_1835 = arith.constant 0 : index
        %swap3A_1836 = tpu.vector_load %arg9[%swap3A_1834, %swap3A_1835] {strides = array<i32>} : memref<128x128xf32, #tpu.memory_space<vmem>>, vector<16xf32>,
        tpu.vector_store %arg9[%swap3A_1834, %swap3A_1835], %mul3A_1833 {strides = array<i32>} : memref<128x128xf32, #tpu.memory_space<vmem>>, vector<16xf32>,
        %get3A_1837 = arith.index_cast %add3A_1829 : i32 to index
        %get3A_1838 = arith.constant 16 : index
        %get3A_1839 = tpu.vector_load %arg9[%get3A_1837, %get3A_1838] {strides = array<i32>} : memref<128x128xf32, #tpu.memory_space<vmem>>, vector<16xf32>,
        %mul3A_1840 = arith.mulf %get3A_1839, %broadcast_in_dim3A_1825 : vector<16xf32>
        %swap3A_1841 = arith.index_cast %add3A_1829 : i32 to index
        %swap3A_1842 = arith.constant 16 : index
        %swap3A_1843 = tpu.vector_load %arg9[%swap3A_1841, %swap3A_1842] {strides = array<i32>} : memref<128x128xf32, #tpu.memory_space<vmem>>, vector<16xf32>,
        tpu.vector_store %arg9[%swap3A_1841, %swap3A_1842], %mul3A_1840 {strides = array<i32>} : memref<128x128xf32, #tpu.memory_space<vmem>>, vector<16xf32>,
        %get3A_1844 = arith.index_cast %add3A_1829 : i32 to index
        %get3A_1845 = arith.constant 32 : index
        %get3A_1846 = tpu.vector_load %arg9[%get3A_1844, %get3A_1845] {strides = array<i32>} : memref<128x128xf32, #tpu.memory_space<vmem>>, vector<16xf32>,
        %mul3A_1847 = arith.mulf %get3A_1846, %broadcast_in_dim3A_1825 : vector<16xf32>
        %swap3A_1848 = arith.index_cast %add3A_1829 : i32 to index
        %swap3A_1849 = arith.constant 32 : index
        %swap3A_1850 = tpu.vector_load %arg9[%swap3A_1848, %swap3A_1849] {strides = array<i32>} : memref<128x128xf32, #tpu.memory_space<vmem>>, vector<16xf32>,
        tpu.vector_store %arg9[%swap3A_1848, %swap3A_1849], %mul3A_1847 {strides = array<i32>} : memref<128x128xf32, #tpu.memory_space<vmem>>, vector<16xf32>,
        %get3A_1851 = arith.index_cast %add3A_1829 : i32 to index
        %get3A_1852 = arith.constant 48 : index
        %get3A_1853 = tpu.vector_load %arg9[%get3A_1851, %get3A_1852] {strides = array<i32>} : memref<128x128xf32, #tpu.memory_space<vmem>>, vector<16xf32>,
        %mul3A_1854 = arith.mulf %get3A_1853, %broadcast_in_dim3A_1825 : vector<16xf32>
        %swap3A_1855 = arith.index_cast %add3A_1829 : i32 to index
        %swap3A_1856 = arith.constant 48 : index
        %swap3A_1857 = tpu.vector_load %arg9[%swap3A_1855, %swap3A_1856] {strides = array<i32>} : memref<128x128xf32, #tpu.memory_space<vmem>>, vector<16xf32>,
        tpu.vector_store %arg9[%swap3A_1855, %swap3A_1856], %mul3A_1854 {strides = array<i32>} : memref<128x128xf32, #tpu.memory_space<vmem>>, vector<16xf32>,
        %get3A_1858 = arith.index_cast %add3A_1829 : i32 to index
        %get3A_1859 = arith.constant 64 : index
        %get3A_1860 = tpu.vector_load %arg9[%get3A_1858, %get3A_1859] {strides = array<i32>} : memref<128x128xf32, #tpu.memory_space<vmem>>, vector<16xf32>,
        %mul3A_1861 = arith.mulf %get3A_1860, %broadcast_in_dim3A_1825 : vector<16xf32>
        %swap3A_1862 = arith.index_cast %add3A_1829 : i32 to index
        %swap3A_1863 = arith.constant 64 : index
        %swap3A_1864 = tpu.vector_load %arg9[%swap3A_1862, %swap3A_1863] {strides = array<i32>} : memref<128x128xf32, #tpu.memory_space<vmem>>, vector<16xf32>,
        tpu.vector_store %arg9[%swap3A_1862, %swap3A_1863], %mul3A_1861 {strides = array<i32>} : memref<128x128xf32, #tpu.memory_space<vmem>>, vector<16xf32>,
        %get3A_1865 = arith.index_cast %add3A_1829 : i32 to index
        %get3A_1866 = arith.constant 80 : index
        %get3A_1867 = tpu.vector_load %arg9[%get3A_1865, %get3A_1866] {strides = array<i32>} : memref<128x128xf32, #tpu.memory_space<vmem>>, vector<16xf32>,
        %mul3A_1868 = arith.mulf %get3A_1867, %broadcast_in_dim3A_1825 : vector<16xf32>
        %swap3A_1869 = arith.index_cast %add3A_1829 : i32 to index
        %swap3A_1870 = arith.constant 80 : index
        %swap3A_1871 = tpu.vector_load %arg9[%swap3A_1869, %swap3A_1870] {strides = array<i32>} : memref<128x128xf32, #tpu.memory_space<vmem>>, vector<16xf32>,
        tpu.vector_store %arg9[%swap3A_1869, %swap3A_1870], %mul3A_1868 {strides = array<i32>} : memref<128x128xf32, #tpu.memory_space<vmem>>, vector<16xf32>,
        %get3A_1872 = arith.index_cast %add3A_1829 : i32 to index
        %get3A_1873 = arith.constant 96 : index
        %get3A_1874 = tpu.vector_load %arg9[%get3A_1872, %get3A_1873] {strides = array<i32>} : memref<128x128xf32, #tpu.memory_space<vmem>>, vector<16xf32>,
        %mul3A_1875 = arith.mulf %get3A_1874, %broadcast_in_dim3A_1825 : vector<16xf32>
        %swap3A_1876 = arith.index_cast %add3A_1829 : i32 to index
        %swap3A_1877 = arith.constant 96 : index
        %swap3A_1878 = tpu.vector_load %arg9[%swap3A_1876, %swap3A_1877] {strides = array<i32>} : memref<128x128xf32, #tpu.memory_space<vmem>>, vector<16xf32>,
        tpu.vector_store %arg9[%swap3A_1876, %swap3A_1877], %mul3A_1875 {strides = array<i32>} : memref<128x128xf32, #tpu.memory_space<vmem>>, vector<16xf32>,
        %get3A_1879 = arith.index_cast %add3A_1829 : i32 to index
        %get3A_1880 = arith.constant 112 : index
        %get3A_1881 = tpu.vector_load %arg9[%get3A_1879, %get3A_1880] {strides = array<i32>} : memref<128x128xf32, #tpu.memory_space<vmem>>, vector<16xf32>,
        %mul3A_1882 = arith.mulf %get3A_1881, %broadcast_in_dim3A_1825 : vector<16xf32>
        %swap3A_1883 = arith.index_cast %add3A_1829 : i32 to index
        %swap3A_1884 = arith.constant 112 : index
        %swap3A_1885 = tpu.vector_load %arg9[%swap3A_1883, %swap3A_1884] {strides = array<i32>} : memref<128x128xf32, #tpu.memory_space<vmem>>, vector<16xf32>,
        tpu.vector_store %arg9[%swap3A_1883, %swap3A_1884], %mul3A_1882 {strides = array<i32>} : memref<128x128xf32, #tpu.memory_space<vmem>>, vector<16xf32>,
        %slice3A_1886 = vector.extract_strided_slice %bitcast3A_1192 {offsets = [11], sizes = [1], strides = [1]} : vector<16xf32> to vector<1xf32>
        %squeeze3A_1887 = vector.extract %slice3A_1886[0] : f32 from vector<1xf32>
        %broadcast_in_dim3A_1888 = vector.broadcast %squeeze3A_1887 : f32 to vector<16xf32>
        %mul3A_1889 = arith.constant 16 : i32
        %mul3A_1890 = arith.muli %scan3A_1174, %mul3A_1889 : i32
        %add3A_1891 = arith.constant 11 : i32
        %add3A_1892 = arith.addi %mul3A_1890, %add3A_1891 : i32
        %get3A_1893 = arith.index_cast %add3A_1892 : i32 to index
        %get3A_1894 = arith.constant 0 : index
        %get3A_1895 = tpu.vector_load %arg9[%get3A_1893, %get3A_1894] {strides = array<i32>} : memref<128x128xf32, #tpu.memory_space<vmem>>, vector<16xf32>,
        %mul3A_1896 = arith.mulf %get3A_1895, %broadcast_in_dim3A_1888 : vector<16xf32>
        %swap3A_1897 = arith.index_cast %add3A_1892 : i32 to index
        %swap3A_1898 = arith.constant 0 : index
        %swap3A_1899 = tpu.vector_load %arg9[%swap3A_1897, %swap3A_1898] {strides = array<i32>} : memref<128x128xf32, #tpu.memory_space<vmem>>, vector<16xf32>,
        tpu.vector_store %arg9[%swap3A_1897, %swap3A_1898], %mul3A_1896 {strides = array<i32>} : memref<128x128xf32, #tpu.memory_space<vmem>>, vector<16xf32>,
        %get3A_1900 = arith.index_cast %add3A_1892 : i32 to index
        %get3A_1901 = arith.constant 16 : index
        %get3A_1902 = tpu.vector_load %arg9[%get3A_1900, %get3A_1901] {strides = array<i32>} : memref<128x128xf32, #tpu.memory_space<vmem>>, vector<16xf32>,
        %mul3A_1903 = arith.mulf %get3A_1902, %broadcast_in_dim3A_1888 : vector<16xf32>
        %swap3A_1904 = arith.index_cast %add3A_1892 : i32 to index
        %swap3A_1905 = arith.constant 16 : index
        %swap3A_1906 = tpu.vector_load %arg9[%swap3A_1904, %swap3A_1905] {strides = array<i32>} : memref<128x128xf32, #tpu.memory_space<vmem>>, vector<16xf32>,
        tpu.vector_store %arg9[%swap3A_1904, %swap3A_1905], %mul3A_1903 {strides = array<i32>} : memref<128x128xf32, #tpu.memory_space<vmem>>, vector<16xf32>,
        %get3A_1907 = arith.index_cast %add3A_1892 : i32 to index
        %get3A_1908 = arith.constant 32 : index
        %get3A_1909 = tpu.vector_load %arg9[%get3A_1907, %get3A_1908] {strides = array<i32>} : memref<128x128xf32, #tpu.memory_space<vmem>>, vector<16xf32>,
        %mul3A_1910 = arith.mulf %get3A_1909, %broadcast_in_dim3A_1888 : vector<16xf32>
        %swap3A_1911 = arith.index_cast %add3A_1892 : i32 to index
        %swap3A_1912 = arith.constant 32 : index
        %swap3A_1913 = tpu.vector_load %arg9[%swap3A_1911, %swap3A_1912] {strides = array<i32>} : memref<128x128xf32, #tpu.memory_space<vmem>>, vector<16xf32>,
        tpu.vector_store %arg9[%swap3A_1911, %swap3A_1912], %mul3A_1910 {strides = array<i32>} : memref<128x128xf32, #tpu.memory_space<vmem>>, vector<16xf32>,
        %get3A_1914 = arith.index_cast %add3A_1892 : i32 to index
        %get3A_1915 = arith.constant 48 : index
        %get3A_1916 = tpu.vector_load %arg9[%get3A_1914, %get3A_1915] {strides = array<i32>} : memref<128x128xf32, #tpu.memory_space<vmem>>, vector<16xf32>,
        %mul3A_1917 = arith.mulf %get3A_1916, %broadcast_in_dim3A_1888 : vector<16xf32>
        %swap3A_1918 = arith.index_cast %add3A_1892 : i32 to index
        %swap3A_1919 = arith.constant 48 : index
        %swap3A_1920 = tpu.vector_load %arg9[%swap3A_1918, %swap3A_1919] {strides = array<i32>} : memref<128x128xf32, #tpu.memory_space<vmem>>, vector<16xf32>,
        tpu.vector_store %arg9[%swap3A_1918, %swap3A_1919], %mul3A_1917 {strides = array<i32>} : memref<128x128xf32, #tpu.memory_space<vmem>>, vector<16xf32>,
        %get3A_1921 = arith.index_cast %add3A_1892 : i32 to index
        %get3A_1922 = arith.constant 64 : index
        %get3A_1923 = tpu.vector_load %arg9[%get3A_1921, %get3A_1922] {strides = array<i32>} : memref<128x128xf32, #tpu.memory_space<vmem>>, vector<16xf32>,
        %mul3A_1924 = arith.mulf %get3A_1923, %broadcast_in_dim3A_1888 : vector<16xf32>
        %swap3A_1925 = arith.index_cast %add3A_1892 : i32 to index
        %swap3A_1926 = arith.constant 64 : index
        %swap3A_1927 = tpu.vector_load %arg9[%swap3A_1925, %swap3A_1926] {strides = array<i32>} : memref<128x128xf32, #tpu.memory_space<vmem>>, vector<16xf32>,
        tpu.vector_store %arg9[%swap3A_1925, %swap3A_1926], %mul3A_1924 {strides = array<i32>} : memref<128x128xf32, #tpu.memory_space<vmem>>, vector<16xf32>,
        %get3A_1928 = arith.index_cast %add3A_1892 : i32 to index
        %get3A_1929 = arith.constant 80 : index
        %get3A_1930 = tpu.vector_load %arg9[%get3A_1928, %get3A_1929] {strides = array<i32>} : memref<128x128xf32, #tpu.memory_space<vmem>>, vector<16xf32>,
        %mul3A_1931 = arith.mulf %get3A_1930, %broadcast_in_dim3A_1888 : vector<16xf32>
        %swap3A_1932 = arith.index_cast %add3A_1892 : i32 to index
        %swap3A_1933 = arith.constant 80 : index
        %swap3A_1934 = tpu.vector_load %arg9[%swap3A_1932, %swap3A_1933] {strides = array<i32>} : memref<128x128xf32, #tpu.memory_space<vmem>>, vector<16xf32>,
        tpu.vector_store %arg9[%swap3A_1932, %swap3A_1933], %mul3A_1931 {strides = array<i32>} : memref<128x128xf32, #tpu.memory_space<vmem>>, vector<16xf32>,
        %get3A_1935 = arith.index_cast %add3A_1892 : i32 to index
        %get3A_1936 = arith.constant 96 : index
        %get3A_1937 = tpu.vector_load %arg9[%get3A_1935, %get3A_1936] {strides = array<i32>} : memref<128x128xf32, #tpu.memory_space<vmem>>, vector<16xf32>,
        %mul3A_1938 = arith.mulf %get3A_1937, %broadcast_in_dim3A_1888 : vector<16xf32>
        %swap3A_1939 = arith.index_cast %add3A_1892 : i32 to index
        %swap3A_1940 = arith.constant 96 : index
        %swap3A_1941 = tpu.vector_load %arg9[%swap3A_1939, %swap3A_1940] {strides = array<i32>} : memref<128x128xf32, #tpu.memory_space<vmem>>, vector<16xf32>,
        tpu.vector_store %arg9[%swap3A_1939, %swap3A_1940], %mul3A_1938 {strides = array<i32>} : memref<128x128xf32, #tpu.memory_space<vmem>>, vector<16xf32>,
        %get3A_1942 = arith.index_cast %add3A_1892 : i32 to index
        %get3A_1943 = arith.constant 112 : index
        %get3A_1944 = tpu.vector_load %arg9[%get3A_1942, %get3A_1943] {strides = array<i32>} : memref<128x128xf32, #tpu.memory_space<vmem>>, vector<16xf32>,
        %mul3A_1945 = arith.mulf %get3A_1944, %broadcast_in_dim3A_1888 : vector<16xf32>
        %swap3A_1946 = arith.index_cast %add3A_1892 : i32 to index
        %swap3A_1947 = arith.constant 112 : index
        %swap3A_1948 = tpu.vector_load %arg9[%swap3A_1946, %swap3A_1947] {strides = array<i32>} : memref<128x128xf32, #tpu.memory_space<vmem>>, vector<16xf32>,
        tpu.vector_store %arg9[%swap3A_1946, %swap3A_1947], %mul3A_1945 {strides = array<i32>} : memref<128x128xf32, #tpu.memory_space<vmem>>, vector<16xf32>,
        %slice3A_1949 = vector.extract_strided_slice %bitcast3A_1192 {offsets = [12], sizes = [1], strides = [1]} : vector<16xf32> to vector<1xf32>
        %squeeze3A_1950 = vector.extract %slice3A_1949[0] : f32 from vector<1xf32>
        %broadcast_in_dim3A_1951 = vector.broadcast %squeeze3A_1950 : f32 to vector<16xf32>
        %mul3A_1952 = arith.constant 16 : i32
        %mul3A_1953 = arith.muli %scan3A_1174, %mul3A_1952 : i32
        %add3A_1954 = arith.constant 12 : i32
        %add3A_1955 = arith.addi %mul3A_1953, %add3A_1954 : i32
        %get3A_1956 = arith.index_cast %add3A_1955 : i32 to index
        %get3A_1957 = arith.constant 0 : index
        %get3A_1958 = tpu.vector_load %arg9[%get3A_1956, %get3A_1957] {strides = array<i32>} : memref<128x128xf32, #tpu.memory_space<vmem>>, vector<16xf32>,
        %mul3A_1959 = arith.mulf %get3A_1958, %broadcast_in_dim3A_1951 : vector<16xf32>
        %swap3A_1960 = arith.index_cast %add3A_1955 : i32 to index
        %swap3A_1961 = arith.constant 0 : index
        %swap3A_1962 = tpu.vector_load %arg9[%swap3A_1960, %swap3A_1961] {strides = array<i32>} : memref<128x128xf32, #tpu.memory_space<vmem>>, vector<16xf32>,
        tpu.vector_store %arg9[%swap3A_1960, %swap3A_1961], %mul3A_1959 {strides = array<i32>} : memref<128x128xf32, #tpu.memory_space<vmem>>, vector<16xf32>,
        %get3A_1963 = arith.index_cast %add3A_1955 : i32 to index
        %get3A_1964 = arith.constant 16 : index
        %get3A_1965 = tpu.vector_load %arg9[%get3A_1963, %get3A_1964] {strides = array<i32>} : memref<128x128xf32, #tpu.memory_space<vmem>>, vector<16xf32>,
        %mul3A_1966 = arith.mulf %get3A_1965, %broadcast_in_dim3A_1951 : vector<16xf32>
        %swap3A_1967 = arith.index_cast %add3A_1955 : i32 to index
        %swap3A_1968 = arith.constant 16 : index
        %swap3A_1969 = tpu.vector_load %arg9[%swap3A_1967, %swap3A_1968] {strides = array<i32>} : memref<128x128xf32, #tpu.memory_space<vmem>>, vector<16xf32>,
        tpu.vector_store %arg9[%swap3A_1967, %swap3A_1968], %mul3A_1966 {strides = array<i32>} : memref<128x128xf32, #tpu.memory_space<vmem>>, vector<16xf32>,
        %get3A_1970 = arith.index_cast %add3A_1955 : i32 to index
        %get3A_1971 = arith.constant 32 : index
        %get3A_1972 = tpu.vector_load %arg9[%get3A_1970, %get3A_1971] {strides = array<i32>} : memref<128x128xf32, #tpu.memory_space<vmem>>, vector<16xf32>,
        %mul3A_1973 = arith.mulf %get3A_1972, %broadcast_in_dim3A_1951 : vector<16xf32>
        %swap3A_1974 = arith.index_cast %add3A_1955 : i32 to index
        %swap3A_1975 = arith.constant 32 : index
        %swap3A_1976 = tpu.vector_load %arg9[%swap3A_1974, %swap3A_1975] {strides = array<i32>} : memref<128x128xf32, #tpu.memory_space<vmem>>, vector<16xf32>,
        tpu.vector_store %arg9[%swap3A_1974, %swap3A_1975], %mul3A_1973 {strides = array<i32>} : memref<128x128xf32, #tpu.memory_space<vmem>>, vector<16xf32>,
        %get3A_1977 = arith.index_cast %add3A_1955 : i32 to index
        %get3A_1978 = arith.constant 48 : index
        %get3A_1979 = tpu.vector_load %arg9[%get3A_1977, %get3A_1978] {strides = array<i32>} : memref<128x128xf32, #tpu.memory_space<vmem>>, vector<16xf32>,
        %mul3A_1980 = arith.mulf %get3A_1979, %broadcast_in_dim3A_1951 : vector<16xf32>
        %swap3A_1981 = arith.index_cast %add3A_1955 : i32 to index
        %swap3A_1982 = arith.constant 48 : index
        %swap3A_1983 = tpu.vector_load %arg9[%swap3A_1981, %swap3A_1982] {strides = array<i32>} : memref<128x128xf32, #tpu.memory_space<vmem>>, vector<16xf32>,
        tpu.vector_store %arg9[%swap3A_1981, %swap3A_1982], %mul3A_1980 {strides = array<i32>} : memref<128x128xf32, #tpu.memory_space<vmem>>, vector<16xf32>,
        %get3A_1984 = arith.index_cast %add3A_1955 : i32 to index
        %get3A_1985 = arith.constant 64 : index
        %get3A_1986 = tpu.vector_load %arg9[%get3A_1984, %get3A_1985] {strides = array<i32>} : memref<128x128xf32, #tpu.memory_space<vmem>>, vector<16xf32>,
        %mul3A_1987 = arith.mulf %get3A_1986, %broadcast_in_dim3A_1951 : vector<16xf32>
        %swap3A_1988 = arith.index_cast %add3A_1955 : i32 to index
        %swap3A_1989 = arith.constant 64 : index
        %swap3A_1990 = tpu.vector_load %arg9[%swap3A_1988, %swap3A_1989] {strides = array<i32>} : memref<128x128xf32, #tpu.memory_space<vmem>>, vector<16xf32>,
        tpu.vector_store %arg9[%swap3A_1988, %swap3A_1989], %mul3A_1987 {strides = array<i32>} : memref<128x128xf32, #tpu.memory_space<vmem>>, vector<16xf32>,
        %get3A_1991 = arith.index_cast %add3A_1955 : i32 to index
        %get3A_1992 = arith.constant 80 : index
        %get3A_1993 = tpu.vector_load %arg9[%get3A_1991, %get3A_1992] {strides = array<i32>} : memref<128x128xf32, #tpu.memory_space<vmem>>, vector<16xf32>,
        %mul3A_1994 = arith.mulf %get3A_1993, %broadcast_in_dim3A_1951 : vector<16xf32>
        %swap3A_1995 = arith.index_cast %add3A_1955 : i32 to index
        %swap3A_1996 = arith.constant 80 : index
        %swap3A_1997 = tpu.vector_load %arg9[%swap3A_1995, %swap3A_1996] {strides = array<i32>} : memref<128x128xf32, #tpu.memory_space<vmem>>, vector<16xf32>,
        tpu.vector_store %arg9[%swap3A_1995, %swap3A_1996], %mul3A_1994 {strides = array<i32>} : memref<128x128xf32, #tpu.memory_space<vmem>>, vector<16xf32>,
        %get3A_1998 = arith.index_cast %add3A_1955 : i32 to index
        %get3A_1999 = arith.constant 96 : index
        %get3A_2000 = tpu.vector_load %arg9[%get3A_1998, %get3A_1999] {strides = array<i32>} : memref<128x128xf32, #tpu.memory_space<vmem>>, vector<16xf32>,
        %mul3A_2001 = arith.mulf %get3A_2000, %broadcast_in_dim3A_1951 : vector<16xf32>
        %swap3A_2002 = arith.index_cast %add3A_1955 : i32 to index
        %swap3A_2003 = arith.constant 96 : index
        %swap3A_2004 = tpu.vector_load %arg9[%swap3A_2002, %swap3A_2003] {strides = array<i32>} : memref<128x128xf32, #tpu.memory_space<vmem>>, vector<16xf32>,
        tpu.vector_store %arg9[%swap3A_2002, %swap3A_2003], %mul3A_2001 {strides = array<i32>} : memref<128x128xf32, #tpu.memory_space<vmem>>, vector<16xf32>,
        %get3A_2005 = arith.index_cast %add3A_1955 : i32 to index
        %get3A_2006 = arith.constant 112 : index
        %get3A_2007 = tpu.vector_load %arg9[%get3A_2005, %get3A_2006] {strides = array<i32>} : memref<128x128xf32, #tpu.memory_space<vmem>>, vector<16xf32>,
        %mul3A_2008 = arith.mulf %get3A_2007, %broadcast_in_dim3A_1951 : vector<16xf32>
        %swap3A_2009 = arith.index_cast %add3A_1955 : i32 to index
        %swap3A_2010 = arith.constant 112 : index
        %swap3A_2011 = tpu.vector_load %arg9[%swap3A_2009, %swap3A_2010] {strides = array<i32>} : memref<128x128xf32, #tpu.memory_space<vmem>>, vector<16xf32>,
        tpu.vector_store %arg9[%swap3A_2009, %swap3A_2010], %mul3A_2008 {strides = array<i32>} : memref<128x128xf32, #tpu.memory_space<vmem>>, vector<16xf32>,
        %slice3A_2012 = vector.extract_strided_slice %bitcast3A_1192 {offsets = [13], sizes = [1], strides = [1]} : vector<16xf32> to vector<1xf32>
        %squeeze3A_2013 = vector.extract %slice3A_2012[0] : f32 from vector<1xf32>
        %broadcast_in_dim3A_2014 = vector.broadcast %squeeze3A_2013 : f32 to vector<16xf32>
        %mul3A_2015 = arith.constant 16 : i32
        %mul3A_2016 = arith.muli %scan3A_1174, %mul3A_2015 : i32
        %add3A_2017 = arith.constant 13 : i32
        %add3A_2018 = arith.addi %mul3A_2016, %add3A_2017 : i32
        %get3A_2019 = arith.index_cast %add3A_2018 : i32 to index
        %get3A_2020 = arith.constant 0 : index
        %get3A_2021 = tpu.vector_load %arg9[%get3A_2019, %get3A_2020] {strides = array<i32>} : memref<128x128xf32, #tpu.memory_space<vmem>>, vector<16xf32>,
        %mul3A_2022 = arith.mulf %get3A_2021, %broadcast_in_dim3A_2014 : vector<16xf32>
        %swap3A_2023 = arith.index_cast %add3A_2018 : i32 to index
        %swap3A_2024 = arith.constant 0 : index
        %swap3A_2025 = tpu.vector_load %arg9[%swap3A_2023, %swap3A_2024] {strides = array<i32>} : memref<128x128xf32, #tpu.memory_space<vmem>>, vector<16xf32>,
        tpu.vector_store %arg9[%swap3A_2023, %swap3A_2024], %mul3A_2022 {strides = array<i32>} : memref<128x128xf32, #tpu.memory_space<vmem>>, vector<16xf32>,
        %get3A_2026 = arith.index_cast %add3A_2018 : i32 to index
        %get3A_2027 = arith.constant 16 : index
        %get3A_2028 = tpu.vector_load %arg9[%get3A_2026, %get3A_2027] {strides = array<i32>} : memref<128x128xf32, #tpu.memory_space<vmem>>, vector<16xf32>,
        %mul3A_2029 = arith.mulf %get3A_2028, %broadcast_in_dim3A_2014 : vector<16xf32>
        %swap3A_2030 = arith.index_cast %add3A_2018 : i32 to index
        %swap3A_2031 = arith.constant 16 : index
        %swap3A_2032 = tpu.vector_load %arg9[%swap3A_2030, %swap3A_2031] {strides = array<i32>} : memref<128x128xf32, #tpu.memory_space<vmem>>, vector<16xf32>,
        tpu.vector_store %arg9[%swap3A_2030, %swap3A_2031], %mul3A_2029 {strides = array<i32>} : memref<128x128xf32, #tpu.memory_space<vmem>>, vector<16xf32>,
        %get3A_2033 = arith.index_cast %add3A_2018 : i32 to index
        %get3A_2034 = arith.constant 32 : index
        %get3A_2035 = tpu.vector_load %arg9[%get3A_2033, %get3A_2034] {strides = array<i32>} : memref<128x128xf32, #tpu.memory_space<vmem>>, vector<16xf32>,
        %mul3A_2036 = arith.mulf %get3A_2035, %broadcast_in_dim3A_2014 : vector<16xf32>
        %swap3A_2037 = arith.index_cast %add3A_2018 : i32 to index
        %swap3A_2038 = arith.constant 32 : index
        %swap3A_2039 = tpu.vector_load %arg9[%swap3A_2037, %swap3A_2038] {strides = array<i32>} : memref<128x128xf32, #tpu.memory_space<vmem>>, vector<16xf32>,
        tpu.vector_store %arg9[%swap3A_2037, %swap3A_2038], %mul3A_2036 {strides = array<i32>} : memref<128x128xf32, #tpu.memory_space<vmem>>, vector<16xf32>,
        %get3A_2040 = arith.index_cast %add3A_2018 : i32 to index
        %get3A_2041 = arith.constant 48 : index
        %get3A_2042 = tpu.vector_load %arg9[%get3A_2040, %get3A_2041] {strides = array<i32>} : memref<128x128xf32, #tpu.memory_space<vmem>>, vector<16xf32>,
        %mul3A_2043 = arith.mulf %get3A_2042, %broadcast_in_dim3A_2014 : vector<16xf32>
        %swap3A_2044 = arith.index_cast %add3A_2018 : i32 to index
        %swap3A_2045 = arith.constant 48 : index
        %swap3A_2046 = tpu.vector_load %arg9[%swap3A_2044, %swap3A_2045] {strides = array<i32>} : memref<128x128xf32, #tpu.memory_space<vmem>>, vector<16xf32>,
        tpu.vector_store %arg9[%swap3A_2044, %swap3A_2045], %mul3A_2043 {strides = array<i32>} : memref<128x128xf32, #tpu.memory_space<vmem>>, vector<16xf32>,
        %get3A_2047 = arith.index_cast %add3A_2018 : i32 to index
        %get3A_2048 = arith.constant 64 : index
        %get3A_2049 = tpu.vector_load %arg9[%get3A_2047, %get3A_2048] {strides = array<i32>} : memref<128x128xf32, #tpu.memory_space<vmem>>, vector<16xf32>,
        %mul3A_2050 = arith.mulf %get3A_2049, %broadcast_in_dim3A_2014 : vector<16xf32>
        %swap3A_2051 = arith.index_cast %add3A_2018 : i32 to index
        %swap3A_2052 = arith.constant 64 : index
        %swap3A_2053 = tpu.vector_load %arg9[%swap3A_2051, %swap3A_2052] {strides = array<i32>} : memref<128x128xf32, #tpu.memory_space<vmem>>, vector<16xf32>,
        tpu.vector_store %arg9[%swap3A_2051, %swap3A_2052], %mul3A_2050 {strides = array<i32>} : memref<128x128xf32, #tpu.memory_space<vmem>>, vector<16xf32>,
        %get3A_2054 = arith.index_cast %add3A_2018 : i32 to index
        %get3A_2055 = arith.constant 80 : index
        %get3A_2056 = tpu.vector_load %arg9[%get3A_2054, %get3A_2055] {strides = array<i32>} : memref<128x128xf32, #tpu.memory_space<vmem>>, vector<16xf32>,
        %mul3A_2057 = arith.mulf %get3A_2056, %broadcast_in_dim3A_2014 : vector<16xf32>
        %swap3A_2058 = arith.index_cast %add3A_2018 : i32 to index
        %swap3A_2059 = arith.constant 80 : index
        %swap3A_2060 = tpu.vector_load %arg9[%swap3A_2058, %swap3A_2059] {strides = array<i32>} : memref<128x128xf32, #tpu.memory_space<vmem>>, vector<16xf32>,
        tpu.vector_store %arg9[%swap3A_2058, %swap3A_2059], %mul3A_2057 {strides = array<i32>} : memref<128x128xf32, #tpu.memory_space<vmem>>, vector<16xf32>,
        %get3A_2061 = arith.index_cast %add3A_2018 : i32 to index
        %get3A_2062 = arith.constant 96 : index
        %get3A_2063 = tpu.vector_load %arg9[%get3A_2061, %get3A_2062] {strides = array<i32>} : memref<128x128xf32, #tpu.memory_space<vmem>>, vector<16xf32>,
        %mul3A_2064 = arith.mulf %get3A_2063, %broadcast_in_dim3A_2014 : vector<16xf32>
        %swap3A_2065 = arith.index_cast %add3A_2018 : i32 to index
        %swap3A_2066 = arith.constant 96 : index
        %swap3A_2067 = tpu.vector_load %arg9[%swap3A_2065, %swap3A_2066] {strides = array<i32>} : memref<128x128xf32, #tpu.memory_space<vmem>>, vector<16xf32>,
        tpu.vector_store %arg9[%swap3A_2065, %swap3A_2066], %mul3A_2064 {strides = array<i32>} : memref<128x128xf32, #tpu.memory_space<vmem>>, vector<16xf32>,
        %get3A_2068 = arith.index_cast %add3A_2018 : i32 to index
        %get3A_2069 = arith.constant 112 : index
        %get3A_2070 = tpu.vector_load %arg9[%get3A_2068, %get3A_2069] {strides = array<i32>} : memref<128x128xf32, #tpu.memory_space<vmem>>, vector<16xf32>,
        %mul3A_2071 = arith.mulf %get3A_2070, %broadcast_in_dim3A_2014 : vector<16xf32>
        %swap3A_2072 = arith.index_cast %add3A_2018 : i32 to index
        %swap3A_2073 = arith.constant 112 : index
        %swap3A_2074 = tpu.vector_load %arg9[%swap3A_2072, %swap3A_2073] {strides = array<i32>} : memref<128x128xf32, #tpu.memory_space<vmem>>, vector<16xf32>,
        tpu.vector_store %arg9[%swap3A_2072, %swap3A_2073], %mul3A_2071 {strides = array<i32>} : memref<128x128xf32, #tpu.memory_space<vmem>>, vector<16xf32>,
        %slice3A_2075 = vector.extract_strided_slice %bitcast3A_1192 {offsets = [14], sizes = [1], strides = [1]} : vector<16xf32> to vector<1xf32>
        %squeeze3A_2076 = vector.extract %slice3A_2075[0] : f32 from vector<1xf32>
        %broadcast_in_dim3A_2077 = vector.broadcast %squeeze3A_2076 : f32 to vector<16xf32>
        %mul3A_2078 = arith.constant 16 : i32
        %mul3A_2079 = arith.muli %scan3A_1174, %mul3A_2078 : i32
        %add3A_2080 = arith.constant 14 : i32
        %add3A_2081 = arith.addi %mul3A_2079, %add3A_2080 : i32
        %get3A_2082 = arith.index_cast %add3A_2081 : i32 to index
        %get3A_2083 = arith.constant 0 : index
        %get3A_2084 = tpu.vector_load %arg9[%get3A_2082, %get3A_2083] {strides = array<i32>} : memref<128x128xf32, #tpu.memory_space<vmem>>, vector<16xf32>,
        %mul3A_2085 = arith.mulf %get3A_2084, %broadcast_in_dim3A_2077 : vector<16xf32>
        %swap3A_2086 = arith.index_cast %add3A_2081 : i32 to index
        %swap3A_2087 = arith.constant 0 : index
        %swap3A_2088 = tpu.vector_load %arg9[%swap3A_2086, %swap3A_2087] {strides = array<i32>} : memref<128x128xf32, #tpu.memory_space<vmem>>, vector<16xf32>,
        tpu.vector_store %arg9[%swap3A_2086, %swap3A_2087], %mul3A_2085 {strides = array<i32>} : memref<128x128xf32, #tpu.memory_space<vmem>>, vector<16xf32>,
        %get3A_2089 = arith.index_cast %add3A_2081 : i32 to index
        %get3A_2090 = arith.constant 16 : index
        %get3A_2091 = tpu.vector_load %arg9[%get3A_2089, %get3A_2090] {strides = array<i32>} : memref<128x128xf32, #tpu.memory_space<vmem>>, vector<16xf32>,
        %mul3A_2092 = arith.mulf %get3A_2091, %broadcast_in_dim3A_2077 : vector<16xf32>
        %swap3A_2093 = arith.index_cast %add3A_2081 : i32 to index
        %swap3A_2094 = arith.constant 16 : index
        %swap3A_2095 = tpu.vector_load %arg9[%swap3A_2093, %swap3A_2094] {strides = array<i32>} : memref<128x128xf32, #tpu.memory_space<vmem>>, vector<16xf32>,
        tpu.vector_store %arg9[%swap3A_2093, %swap3A_2094], %mul3A_2092 {strides = array<i32>} : memref<128x128xf32, #tpu.memory_space<vmem>>, vector<16xf32>,
        %get3A_2096 = arith.index_cast %add3A_2081 : i32 to index
        %get3A_2097 = arith.constant 32 : index
        %get3A_2098 = tpu.vector_load %arg9[%get3A_2096, %get3A_2097] {strides = array<i32>} : memref<128x128xf32, #tpu.memory_space<vmem>>, vector<16xf32>,
        %mul3A_2099 = arith.mulf %get3A_2098, %broadcast_in_dim3A_2077 : vector<16xf32>
        %swap3A_2100 = arith.index_cast %add3A_2081 : i32 to index
        %swap3A_2101 = arith.constant 32 : index
        %swap3A_2102 = tpu.vector_load %arg9[%swap3A_2100, %swap3A_2101] {strides = array<i32>} : memref<128x128xf32, #tpu.memory_space<vmem>>, vector<16xf32>,
        tpu.vector_store %arg9[%swap3A_2100, %swap3A_2101], %mul3A_2099 {strides = array<i32>} : memref<128x128xf32, #tpu.memory_space<vmem>>, vector<16xf32>,
        %get3A_2103 = arith.index_cast %add3A_2081 : i32 to index
        %get3A_2104 = arith.constant 48 : index
        %get3A_2105 = tpu.vector_load %arg9[%get3A_2103, %get3A_2104] {strides = array<i32>} : memref<128x128xf32, #tpu.memory_space<vmem>>, vector<16xf32>,
        %mul3A_2106 = arith.mulf %get3A_2105, %broadcast_in_dim3A_2077 : vector<16xf32>
        %swap3A_2107 = arith.index_cast %add3A_2081 : i32 to index
        %swap3A_2108 = arith.constant 48 : index
        %swap3A_2109 = tpu.vector_load %arg9[%swap3A_2107, %swap3A_2108] {strides = array<i32>} : memref<128x128xf32, #tpu.memory_space<vmem>>, vector<16xf32>,
        tpu.vector_store %arg9[%swap3A_2107, %swap3A_2108], %mul3A_2106 {strides = array<i32>} : memref<128x128xf32, #tpu.memory_space<vmem>>, vector<16xf32>,
        %get3A_2110 = arith.index_cast %add3A_2081 : i32 to index
        %get3A_2111 = arith.constant 64 : index
        %get3A_2112 = tpu.vector_load %arg9[%get3A_2110, %get3A_2111] {strides = array<i32>} : memref<128x128xf32, #tpu.memory_space<vmem>>, vector<16xf32>,
        %mul3A_2113 = arith.mulf %get3A_2112, %broadcast_in_dim3A_2077 : vector<16xf32>
        %swap3A_2114 = arith.index_cast %add3A_2081 : i32 to index
        %swap3A_2115 = arith.constant 64 : index
        %swap3A_2116 = tpu.vector_load %arg9[%swap3A_2114, %swap3A_2115] {strides = array<i32>} : memref<128x128xf32, #tpu.memory_space<vmem>>, vector<16xf32>,
        tpu.vector_store %arg9[%swap3A_2114, %swap3A_2115], %mul3A_2113 {strides = array<i32>} : memref<128x128xf32, #tpu.memory_space<vmem>>, vector<16xf32>,
        %get3A_2117 = arith.index_cast %add3A_2081 : i32 to index
        %get3A_2118 = arith.constant 80 : index
        %get3A_2119 = tpu.vector_load %arg9[%get3A_2117, %get3A_2118] {strides = array<i32>} : memref<128x128xf32, #tpu.memory_space<vmem>>, vector<16xf32>,
        %mul3A_2120 = arith.mulf %get3A_2119, %broadcast_in_dim3A_2077 : vector<16xf32>
        %swap3A_2121 = arith.index_cast %add3A_2081 : i32 to index
        %swap3A_2122 = arith.constant 80 : index
        %swap3A_2123 = tpu.vector_load %arg9[%swap3A_2121, %swap3A_2122] {strides = array<i32>} : memref<128x128xf32, #tpu.memory_space<vmem>>, vector<16xf32>,
        tpu.vector_store %arg9[%swap3A_2121, %swap3A_2122], %mul3A_2120 {strides = array<i32>} : memref<128x128xf32, #tpu.memory_space<vmem>>, vector<16xf32>,
        %get3A_2124 = arith.index_cast %add3A_2081 : i32 to index
        %get3A_2125 = arith.constant 96 : index
        %get3A_2126 = tpu.vector_load %arg9[%get3A_2124, %get3A_2125] {strides = array<i32>} : memref<128x128xf32, #tpu.memory_space<vmem>>, vector<16xf32>,
        %mul3A_2127 = arith.mulf %get3A_2126, %broadcast_in_dim3A_2077 : vector<16xf32>
        %swap3A_2128 = arith.index_cast %add3A_2081 : i32 to index
        %swap3A_2129 = arith.constant 96 : index
        %swap3A_2130 = tpu.vector_load %arg9[%swap3A_2128, %swap3A_2129] {strides = array<i32>} : memref<128x128xf32, #tpu.memory_space<vmem>>, vector<16xf32>,
        tpu.vector_store %arg9[%swap3A_2128, %swap3A_2129], %mul3A_2127 {strides = array<i32>} : memref<128x128xf32, #tpu.memory_space<vmem>>, vector<16xf32>,
        %get3A_2131 = arith.index_cast %add3A_2081 : i32 to index
        %get3A_2132 = arith.constant 112 : index
        %get3A_2133 = tpu.vector_load %arg9[%get3A_2131, %get3A_2132] {strides = array<i32>} : memref<128x128xf32, #tpu.memory_space<vmem>>, vector<16xf32>,
        %mul3A_2134 = arith.mulf %get3A_2133, %broadcast_in_dim3A_2077 : vector<16xf32>
        %swap3A_2135 = arith.index_cast %add3A_2081 : i32 to index
        %swap3A_2136 = arith.constant 112 : index
        %swap3A_2137 = tpu.vector_load %arg9[%swap3A_2135, %swap3A_2136] {strides = array<i32>} : memref<128x128xf32, #tpu.memory_space<vmem>>, vector<16xf32>,
        tpu.vector_store %arg9[%swap3A_2135, %swap3A_2136], %mul3A_2134 {strides = array<i32>} : memref<128x128xf32, #tpu.memory_space<vmem>>, vector<16xf32>,
        %slice3A_2138 = vector.extract_strided_slice %bitcast3A_1192 {offsets = [15], sizes = [1], strides = [1]} : vector<16xf32> to vector<1xf32>
        %squeeze3A_2139 = vector.extract %slice3A_2138[0] : f32 from vector<1xf32>
        %broadcast_in_dim3A_2140 = vector.broadcast %squeeze3A_2139 : f32 to vector<16xf32>
        %mul3A_2141 = arith.constant 16 : i32
        %mul3A_2142 = arith.muli %scan3A_1174, %mul3A_2141 : i32
        %add3A_2143 = arith.constant 15 : i32
        %add3A_2144 = arith.addi %mul3A_2142, %add3A_2143 : i32
        %get3A_2145 = arith.index_cast %add3A_2144 : i32 to index
        %get3A_2146 = arith.constant 0 : index
        %get3A_2147 = tpu.vector_load %arg9[%get3A_2145, %get3A_2146] {strides = array<i32>} : memref<128x128xf32, #tpu.memory_space<vmem>>, vector<16xf32>,
        %mul3A_2148 = arith.mulf %get3A_2147, %broadcast_in_dim3A_2140 : vector<16xf32>
        %swap3A_2149 = arith.index_cast %add3A_2144 : i32 to index
        %swap3A_2150 = arith.constant 0 : index
        %swap3A_2151 = tpu.vector_load %arg9[%swap3A_2149, %swap3A_2150] {strides = array<i32>} : memref<128x128xf32, #tpu.memory_space<vmem>>, vector<16xf32>,
        tpu.vector_store %arg9[%swap3A_2149, %swap3A_2150], %mul3A_2148 {strides = array<i32>} : memref<128x128xf32, #tpu.memory_space<vmem>>, vector<16xf32>,
        %get3A_2152 = arith.index_cast %add3A_2144 : i32 to index
        %get3A_2153 = arith.constant 16 : index
        %get3A_2154 = tpu.vector_load %arg9[%get3A_2152, %get3A_2153] {strides = array<i32>} : memref<128x128xf32, #tpu.memory_space<vmem>>, vector<16xf32>,
        %mul3A_2155 = arith.mulf %get3A_2154, %broadcast_in_dim3A_2140 : vector<16xf32>
        %swap3A_2156 = arith.index_cast %add3A_2144 : i32 to index
        %swap3A_2157 = arith.constant 16 : index
        %swap3A_2158 = tpu.vector_load %arg9[%swap3A_2156, %swap3A_2157] {strides = array<i32>} : memref<128x128xf32, #tpu.memory_space<vmem>>, vector<16xf32>,
        tpu.vector_store %arg9[%swap3A_2156, %swap3A_2157], %mul3A_2155 {strides = array<i32>} : memref<128x128xf32, #tpu.memory_space<vmem>>, vector<16xf32>,
        %get3A_2159 = arith.index_cast %add3A_2144 : i32 to index
        %get3A_2160 = arith.constant 32 : index
        %get3A_2161 = tpu.vector_load %arg9[%get3A_2159, %get3A_2160] {strides = array<i32>} : memref<128x128xf32, #tpu.memory_space<vmem>>, vector<16xf32>,
        %mul3A_2162 = arith.mulf %get3A_2161, %broadcast_in_dim3A_2140 : vector<16xf32>
        %swap3A_2163 = arith.index_cast %add3A_2144 : i32 to index
        %swap3A_2164 = arith.constant 32 : index
        %swap3A_2165 = tpu.vector_load %arg9[%swap3A_2163, %swap3A_2164] {strides = array<i32>} : memref<128x128xf32, #tpu.memory_space<vmem>>, vector<16xf32>,
        tpu.vector_store %arg9[%swap3A_2163, %swap3A_2164], %mul3A_2162 {strides = array<i32>} : memref<128x128xf32, #tpu.memory_space<vmem>>, vector<16xf32>,
        %get3A_2166 = arith.index_cast %add3A_2144 : i32 to index
        %get3A_2167 = arith.constant 48 : index
        %get3A_2168 = tpu.vector_load %arg9[%get3A_2166, %get3A_2167] {strides = array<i32>} : memref<128x128xf32, #tpu.memory_space<vmem>>, vector<16xf32>,
        %mul3A_2169 = arith.mulf %get3A_2168, %broadcast_in_dim3A_2140 : vector<16xf32>
        %swap3A_2170 = arith.index_cast %add3A_2144 : i32 to index
        %swap3A_2171 = arith.constant 48 : index
        %swap3A_2172 = tpu.vector_load %arg9[%swap3A_2170, %swap3A_2171] {strides = array<i32>} : memref<128x128xf32, #tpu.memory_space<vmem>>, vector<16xf32>,
        tpu.vector_store %arg9[%swap3A_2170, %swap3A_2171], %mul3A_2169 {strides = array<i32>} : memref<128x128xf32, #tpu.memory_space<vmem>>, vector<16xf32>,
        %get3A_2173 = arith.index_cast %add3A_2144 : i32 to index
        %get3A_2174 = arith.constant 64 : index
        %get3A_2175 = tpu.vector_load %arg9[%get3A_2173, %get3A_2174] {strides = array<i32>} : memref<128x128xf32, #tpu.memory_space<vmem>>, vector<16xf32>,
        %mul3A_2176 = arith.mulf %get3A_2175, %broadcast_in_dim3A_2140 : vector<16xf32>
        %swap3A_2177 = arith.index_cast %add3A_2144 : i32 to index
        %swap3A_2178 = arith.constant 64 : index
        %swap3A_2179 = tpu.vector_load %arg9[%swap3A_2177, %swap3A_2178] {strides = array<i32>} : memref<128x128xf32, #tpu.memory_space<vmem>>, vector<16xf32>,
        tpu.vector_store %arg9[%swap3A_2177, %swap3A_2178], %mul3A_2176 {strides = array<i32>} : memref<128x128xf32, #tpu.memory_space<vmem>>, vector<16xf32>,
        %get3A_2180 = arith.index_cast %add3A_2144 : i32 to index
        %get3A_2181 = arith.constant 80 : index
        %get3A_2182 = tpu.vector_load %arg9[%get3A_2180, %get3A_2181] {strides = array<i32>} : memref<128x128xf32, #tpu.memory_space<vmem>>, vector<16xf32>,
        %mul3A_2183 = arith.mulf %get3A_2182, %broadcast_in_dim3A_2140 : vector<16xf32>
        %swap3A_2184 = arith.index_cast %add3A_2144 : i32 to index
        %swap3A_2185 = arith.constant 80 : index
        %swap3A_2186 = tpu.vector_load %arg9[%swap3A_2184, %swap3A_2185] {strides = array<i32>} : memref<128x128xf32, #tpu.memory_space<vmem>>, vector<16xf32>,
        tpu.vector_store %arg9[%swap3A_2184, %swap3A_2185], %mul3A_2183 {strides = array<i32>} : memref<128x128xf32, #tpu.memory_space<vmem>>, vector<16xf32>,
        %get3A_2187 = arith.index_cast %add3A_2144 : i32 to index
        %get3A_2188 = arith.constant 96 : index
        %get3A_2189 = tpu.vector_load %arg9[%get3A_2187, %get3A_2188] {strides = array<i32>} : memref<128x128xf32, #tpu.memory_space<vmem>>, vector<16xf32>,
        %mul3A_2190 = arith.mulf %get3A_2189, %broadcast_in_dim3A_2140 : vector<16xf32>
        %swap3A_2191 = arith.index_cast %add3A_2144 : i32 to index
        %swap3A_2192 = arith.constant 96 : index
        %swap3A_2193 = tpu.vector_load %arg9[%swap3A_2191, %swap3A_2192] {strides = array<i32>} : memref<128x128xf32, #tpu.memory_space<vmem>>, vector<16xf32>,
        tpu.vector_store %arg9[%swap3A_2191, %swap3A_2192], %mul3A_2190 {strides = array<i32>} : memref<128x128xf32, #tpu.memory_space<vmem>>, vector<16xf32>,
        %get3A_2194 = arith.index_cast %add3A_2144 : i32 to index
        %get3A_2195 = arith.constant 112 : index
        %get3A_2196 = tpu.vector_load %arg9[%get3A_2194, %get3A_2195] {strides = array<i32>} : memref<128x128xf32, #tpu.memory_space<vmem>>, vector<16xf32>,
        %mul3A_2197 = arith.mulf %get3A_2196, %broadcast_in_dim3A_2140 : vector<16xf32>
        %swap3A_2198 = arith.index_cast %add3A_2144 : i32 to index
        %swap3A_2199 = arith.constant 112 : index
        %swap3A_2200 = tpu.vector_load %arg9[%swap3A_2198, %swap3A_2199] {strides = array<i32>} : memref<128x128xf32, #tpu.memory_space<vmem>>, vector<16xf32>,
        tpu.vector_store %arg9[%swap3A_2198, %swap3A_2199], %mul3A_2197 {strides = array<i32>} : memref<128x128xf32, #tpu.memory_space<vmem>>, vector<16xf32>,
        %scan3A_2201 = arith.constant 0 : i32
        scf.yield %scan3A_2201 : i32
      }
      %scan3A_1169 = arith.constant 8 : i32
      %dma_start3A_1170 = arith.constant 0 : i32
      %dma_start3A_1171 = arith.constant 0 : i32
      %dma_start3A_1172 = tpu.memref_slice %arg14[%dma_start3A_1170, %dma_start3A_1171] : memref<10000x128xf32, #tpu.memory_space<vmem_shared>> -> memref<10000x128xf32, #tpu.memory_space<vmem_shared>>
      tpu.enqueue_indirect_dma source(%arg9 : memref<128x128xf32, #tpu.memory_space<vmem>>) target(%dma_start3A_1172 : memref<10000x128xf32, #tpu.memory_space<vmem_shared>>) offsets(%arg12 : memref<128xi32, #tpu.memory_space<vmem>>) semaphore(%arg19 : memref<!tpu.dma_semaphore, #tpu.memory_space<semaphore_mem>>) {add = true}
      %scan3A_1173 = arith.constant 0 : i32
      scf.yield %scan3A_1173 : i32
    }
    %scan3A_47 = arith.constant 39 : i32
    %dma_start3A_48 = arith.constant 9984 : i32
    %dma_start3A_49 = tpu.memref_slice %arg6[%dma_start3A_48] : memref<10000xi32, #tpu.memory_space<vmem>> -> memref<16xi32, #tpu.memory_space<vmem>>
    %dma_start3A_50 = arith.constant 0 : i32
    %dma_start3A_51 = arith.constant 0 : i32
    %dma_start3A_52 = tpu.memref_slice %arg2[%dma_start3A_50, %dma_start3A_51] : memref<10000x128xf32, #tpu.memory_space<hbm>> -> memref<10000x128xf32, #tpu.memory_space<hbm>>
    tpu.enqueue_indirect_dma source(%dma_start3A_52 : memref<10000x128xf32, #tpu.memory_space<hbm>>) target(%arg10 : memref<16x128xf32, #tpu.memory_space<vmem>>) offsets(%dma_start3A_49 : memref<16xi32, #tpu.memory_space<vmem>>) semaphore(%arg16 : memref<!tpu.dma_semaphore, #tpu.memory_space<semaphore_mem>>)
    %dma_wait3A_53 = arith.constant 9984 : i32
    %dma_wait3A_54 = tpu.memref_slice %arg6[%dma_wait3A_53] : memref<10000xi32, #tpu.memory_space<vmem>> -> memref<16xi32, #tpu.memory_space<vmem>>
    %dma_wait3A_55 = arith.constant 0 : i32
    %dma_wait3A_56 = arith.constant 0 : i32
    %dma_wait3A_57 = tpu.memref_slice %arg2[%dma_wait3A_55, %dma_wait3A_56] : memref<10000x128xf32, #tpu.memory_space<hbm>> -> memref<10000x128xf32, #tpu.memory_space<hbm>>
    tpu.wait_indirect_dma semaphore(%arg16 : memref<!tpu.dma_semaphore, #tpu.memory_space<semaphore_mem>>) src(%dma_wait3A_57 : memref<10000x128xf32, #tpu.memory_space<hbm>>) dst(%arg10 : memref<16x128xf32, #tpu.memory_space<vmem>>)
    %scan3A_58 = arith.constant 0 : i32
    %scan3A_59 = arith.constant 0 : i32
    %mul3A_60 = arith.constant 16 : i32
    %mul3A_61 = arith.muli %scan3A_59, %mul3A_60 : i32
    %add3A_62 = arith.constant 4992 : i32
    %add3A_63 = arith.addi %add3A_62, %mul3A_61 : i32
    %multiple_of3A_64 = tpu.assume_multiple %add3A_63, 8 : i32
    %get3A = arith.index_cast %multiple_of3A_64 : i32 to index
    %get3A_65 = tpu.vector_load %arg7[%get3A] {strides = array<i32>} : memref<5008xi32, #tpu.memory_space<vmem>>, vector<16xi32>,
    %and3A = arith.constant 65535 : i32
    %and3A_66 = vector.broadcast %and3A : i32 to vector<16xi32>
    %and3A_67 = arith.andi %get3A_65, %and3A_66 : vector<16xi32>
    %mul3A_68 = arith.constant 16 : i32
    %mul3A_69 = arith.muli %scan3A_59, %mul3A_68 : i32
    %swap3A = arith.index_cast %mul3A_69 : i32 to index
    %swap3A_70 = tpu.vector_load %arg13[%swap3A] {strides = array<i32>} : memref<16xi32, #tpu.memory_space<vmem>>, vector<16xi32>,
    tpu.vector_store %arg13[%swap3A], %and3A_67 {strides = array<i32>} : memref<16xi32, #tpu.memory_space<vmem>>, vector<16xi32>,
    %and3A_71 = arith.constant -65536 : i32
    %and3A_72 = vector.broadcast %and3A_71 : i32 to vector<16xi32>
    %and3A_73 = arith.andi %get3A_65, %and3A_72 : vector<16xi32>
    %bitcast3A = vector.bitcast %and3A_73 : vector<16xi32> to vector<16xf32>
    %slice3A = vector.extract_strided_slice %bitcast3A {offsets = [0], sizes = [1], strides = [1]} : vector<16xf32> to vector<1xf32>
    %squeeze3A = vector.extract %slice3A[0] : f32 from vector<1xf32>
    %broadcast_in_dim3A = vector.broadcast %squeeze3A : f32 to vector<16xf32>
    %mul3A_74 = arith.constant 16 : i32
    %mul3A_75 = arith.muli %scan3A_59, %mul3A_74 : i32
    %add3A_76 = arith.constant 0 : i32
    %add3A_77 = arith.addi %mul3A_75, %add3A_76 : i32
    %get3A_78 = arith.index_cast %add3A_77 : i32 to index
    %get3A_79 = arith.constant 0 : index
    %get3A_80 = tpu.vector_load %arg10[%get3A_78, %get3A_79] {strides = array<i32>} : memref<16x128xf32, #tpu.memory_space<vmem>>, vector<16xf32>,
    %mul3A_81 = arith.mulf %get3A_80, %broadcast_in_dim3A : vector<16xf32>
    %swap3A_82 = arith.index_cast %add3A_77 : i32 to index
    %swap3A_83 = arith.constant 0 : index
    %swap3A_84 = tpu.vector_load %arg10[%swap3A_82, %swap3A_83] {strides = array<i32>} : memref<16x128xf32, #tpu.memory_space<vmem>>, vector<16xf32>,
    tpu.vector_store %arg10[%swap3A_82, %swap3A_83], %mul3A_81 {strides = array<i32>} : memref<16x128xf32, #tpu.memory_space<vmem>>, vector<16xf32>,
    %get3A_85 = arith.index_cast %add3A_77 : i32 to index
    %get3A_86 = arith.constant 16 : index
    %get3A_87 = tpu.vector_load %arg10[%get3A_85, %get3A_86] {strides = array<i32>} : memref<16x128xf32, #tpu.memory_space<vmem>>, vector<16xf32>,
    %mul3A_88 = arith.mulf %get3A_87, %broadcast_in_dim3A : vector<16xf32>
    %swap3A_89 = arith.index_cast %add3A_77 : i32 to index
    %swap3A_90 = arith.constant 16 : index
    %swap3A_91 = tpu.vector_load %arg10[%swap3A_89, %swap3A_90] {strides = array<i32>} : memref<16x128xf32, #tpu.memory_space<vmem>>, vector<16xf32>,
    tpu.vector_store %arg10[%swap3A_89, %swap3A_90], %mul3A_88 {strides = array<i32>} : memref<16x128xf32, #tpu.memory_space<vmem>>, vector<16xf32>,
    %get3A_92 = arith.index_cast %add3A_77 : i32 to index
    %get3A_93 = arith.constant 32 : index
    %get3A_94 = tpu.vector_load %arg10[%get3A_92, %get3A_93] {strides = array<i32>} : memref<16x128xf32, #tpu.memory_space<vmem>>, vector<16xf32>,
    %mul3A_95 = arith.mulf %get3A_94, %broadcast_in_dim3A : vector<16xf32>
    %swap3A_96 = arith.index_cast %add3A_77 : i32 to index
    %swap3A_97 = arith.constant 32 : index
    %swap3A_98 = tpu.vector_load %arg10[%swap3A_96, %swap3A_97] {strides = array<i32>} : memref<16x128xf32, #tpu.memory_space<vmem>>, vector<16xf32>,
    tpu.vector_store %arg10[%swap3A_96, %swap3A_97], %mul3A_95 {strides = array<i32>} : memref<16x128xf32, #tpu.memory_space<vmem>>, vector<16xf32>,
    %get3A_99 = arith.index_cast %add3A_77 : i32 to index
    %get3A_100 = arith.constant 48 : index
    %get3A_101 = tpu.vector_load %arg10[%get3A_99, %get3A_100] {strides = array<i32>} : memref<16x128xf32, #tpu.memory_space<vmem>>, vector<16xf32>,
    %mul3A_102 = arith.mulf %get3A_101, %broadcast_in_dim3A : vector<16xf32>
    %swap3A_103 = arith.index_cast %add3A_77 : i32 to index
    %swap3A_104 = arith.constant 48 : index
    %swap3A_105 = tpu.vector_load %arg10[%swap3A_103, %swap3A_104] {strides = array<i32>} : memref<16x128xf32, #tpu.memory_space<vmem>>, vector<16xf32>,
    tpu.vector_store %arg10[%swap3A_103, %swap3A_104], %mul3A_102 {strides = array<i32>} : memref<16x128xf32, #tpu.memory_space<vmem>>, vector<16xf32>,
    %get3A_106 = arith.index_cast %add3A_77 : i32 to index
    %get3A_107 = arith.constant 64 : index
    %get3A_108 = tpu.vector_load %arg10[%get3A_106, %get3A_107] {strides = array<i32>} : memref<16x128xf32, #tpu.memory_space<vmem>>, vector<16xf32>,
    %mul3A_109 = arith.mulf %get3A_108, %broadcast_in_dim3A : vector<16xf32>
    %swap3A_110 = arith.index_cast %add3A_77 : i32 to index
    %swap3A_111 = arith.constant 64 : index
    %swap3A_112 = tpu.vector_load %arg10[%swap3A_110, %swap3A_111] {strides = array<i32>} : memref<16x128xf32, #tpu.memory_space<vmem>>, vector<16xf32>,
    tpu.vector_store %arg10[%swap3A_110, %swap3A_111], %mul3A_109 {strides = array<i32>} : memref<16x128xf32, #tpu.memory_space<vmem>>, vector<16xf32>,
    %get3A_113 = arith.index_cast %add3A_77 : i32 to index
    %get3A_114 = arith.constant 80 : index
    %get3A_115 = tpu.vector_load %arg10[%get3A_113, %get3A_114] {strides = array<i32>} : memref<16x128xf32, #tpu.memory_space<vmem>>, vector<16xf32>,
    %mul3A_116 = arith.mulf %get3A_115, %broadcast_in_dim3A : vector<16xf32>
    %swap3A_117 = arith.index_cast %add3A_77 : i32 to index
    %swap3A_118 = arith.constant 80 : index
    %swap3A_119 = tpu.vector_load %arg10[%swap3A_117, %swap3A_118] {strides = array<i32>} : memref<16x128xf32, #tpu.memory_space<vmem>>, vector<16xf32>,
    tpu.vector_store %arg10[%swap3A_117, %swap3A_118], %mul3A_116 {strides = array<i32>} : memref<16x128xf32, #tpu.memory_space<vmem>>, vector<16xf32>,
    %get3A_120 = arith.index_cast %add3A_77 : i32 to index
    %get3A_121 = arith.constant 96 : index
    %get3A_122 = tpu.vector_load %arg10[%get3A_120, %get3A_121] {strides = array<i32>} : memref<16x128xf32, #tpu.memory_space<vmem>>, vector<16xf32>,
    %mul3A_123 = arith.mulf %get3A_122, %broadcast_in_dim3A : vector<16xf32>
    %swap3A_124 = arith.index_cast %add3A_77 : i32 to index
    %swap3A_125 = arith.constant 96 : index
    %swap3A_126 = tpu.vector_load %arg10[%swap3A_124, %swap3A_125] {strides = array<i32>} : memref<16x128xf32, #tpu.memory_space<vmem>>, vector<16xf32>,
    tpu.vector_store %arg10[%swap3A_124, %swap3A_125], %mul3A_123 {strides = array<i32>} : memref<16x128xf32, #tpu.memory_space<vmem>>, vector<16xf32>,
    %get3A_127 = arith.index_cast %add3A_77 : i32 to index
    %get3A_128 = arith.constant 112 : index
    %get3A_129 = tpu.vector_load %arg10[%get3A_127, %get3A_128] {strides = array<i32>} : memref<16x128xf32, #tpu.memory_space<vmem>>, vector<16xf32>,
    %mul3A_130 = arith.mulf %get3A_129, %broadcast_in_dim3A : vector<16xf32>
    %swap3A_131 = arith.index_cast %add3A_77 : i32 to index
    %swap3A_132 = arith.constant 112 : index
    %swap3A_133 = tpu.vector_load %arg10[%swap3A_131, %swap3A_132] {strides = array<i32>} : memref<16x128xf32, #tpu.memory_space<vmem>>, vector<16xf32>,
    tpu.vector_store %arg10[%swap3A_131, %swap3A_132], %mul3A_130 {strides = array<i32>} : memref<16x128xf32, #tpu.memory_space<vmem>>, vector<16xf32>,
    %slice3A_134 = vector.extract_strided_slice %bitcast3A {offsets = [1], sizes = [1], strides = [1]} : vector<16xf32> to vector<1xf32>
    %squeeze3A_135 = vector.extract %slice3A_134[0] : f32 from vector<1xf32>
    %broadcast_in_dim3A_136 = vector.broadcast %squeeze3A_135 : f32 to vector<16xf32>
    %mul3A_137 = arith.constant 16 : i32
    %mul3A_138 = arith.muli %scan3A_59, %mul3A_137 : i32
    %add3A_139 = arith.constant 1 : i32
    %add3A_140 = arith.addi %mul3A_138, %add3A_139 : i32
    %get3A_141 = arith.index_cast %add3A_140 : i32 to index
    %get3A_142 = arith.constant 0 : index
    %get3A_143 = tpu.vector_load %arg10[%get3A_141, %get3A_142] {strides = array<i32>} : memref<16x128xf32, #tpu.memory_space<vmem>>, vector<16xf32>,
    %mul3A_144 = arith.mulf %get3A_143, %broadcast_in_dim3A_136 : vector<16xf32>
    %swap3A_145 = arith.index_cast %add3A_140 : i32 to index
    %swap3A_146 = arith.constant 0 : index
    %swap3A_147 = tpu.vector_load %arg10[%swap3A_145, %swap3A_146] {strides = array<i32>} : memref<16x128xf32, #tpu.memory_space<vmem>>, vector<16xf32>,
    tpu.vector_store %arg10[%swap3A_145, %swap3A_146], %mul3A_144 {strides = array<i32>} : memref<16x128xf32, #tpu.memory_space<vmem>>, vector<16xf32>,
    %get3A_148 = arith.index_cast %add3A_140 : i32 to index
    %get3A_149 = arith.constant 16 : index
    %get3A_150 = tpu.vector_load %arg10[%get3A_148, %get3A_149] {strides = array<i32>} : memref<16x128xf32, #tpu.memory_space<vmem>>, vector<16xf32>,
    %mul3A_151 = arith.mulf %get3A_150, %broadcast_in_dim3A_136 : vector<16xf32>
    %swap3A_152 = arith.index_cast %add3A_140 : i32 to index
    %swap3A_153 = arith.constant 16 : index
    %swap3A_154 = tpu.vector_load %arg10[%swap3A_152, %swap3A_153] {strides = array<i32>} : memref<16x128xf32, #tpu.memory_space<vmem>>, vector<16xf32>,
    tpu.vector_store %arg10[%swap3A_152, %swap3A_153], %mul3A_151 {strides = array<i32>} : memref<16x128xf32, #tpu.memory_space<vmem>>, vector<16xf32>,
    %get3A_155 = arith.index_cast %add3A_140 : i32 to index
    %get3A_156 = arith.constant 32 : index
    %get3A_157 = tpu.vector_load %arg10[%get3A_155, %get3A_156] {strides = array<i32>} : memref<16x128xf32, #tpu.memory_space<vmem>>, vector<16xf32>,
    %mul3A_158 = arith.mulf %get3A_157, %broadcast_in_dim3A_136 : vector<16xf32>
    %swap3A_159 = arith.index_cast %add3A_140 : i32 to index
    %swap3A_160 = arith.constant 32 : index
    %swap3A_161 = tpu.vector_load %arg10[%swap3A_159, %swap3A_160] {strides = array<i32>} : memref<16x128xf32, #tpu.memory_space<vmem>>, vector<16xf32>,
    tpu.vector_store %arg10[%swap3A_159, %swap3A_160], %mul3A_158 {strides = array<i32>} : memref<16x128xf32, #tpu.memory_space<vmem>>, vector<16xf32>,
    %get3A_162 = arith.index_cast %add3A_140 : i32 to index
    %get3A_163 = arith.constant 48 : index
    %get3A_164 = tpu.vector_load %arg10[%get3A_162, %get3A_163] {strides = array<i32>} : memref<16x128xf32, #tpu.memory_space<vmem>>, vector<16xf32>,
    %mul3A_165 = arith.mulf %get3A_164, %broadcast_in_dim3A_136 : vector<16xf32>
    %swap3A_166 = arith.index_cast %add3A_140 : i32 to index
    %swap3A_167 = arith.constant 48 : index
    %swap3A_168 = tpu.vector_load %arg10[%swap3A_166, %swap3A_167] {strides = array<i32>} : memref<16x128xf32, #tpu.memory_space<vmem>>, vector<16xf32>,
    tpu.vector_store %arg10[%swap3A_166, %swap3A_167], %mul3A_165 {strides = array<i32>} : memref<16x128xf32, #tpu.memory_space<vmem>>, vector<16xf32>,
    %get3A_169 = arith.index_cast %add3A_140 : i32 to index
    %get3A_170 = arith.constant 64 : index
    %get3A_171 = tpu.vector_load %arg10[%get3A_169, %get3A_170] {strides = array<i32>} : memref<16x128xf32, #tpu.memory_space<vmem>>, vector<16xf32>,
    %mul3A_172 = arith.mulf %get3A_171, %broadcast_in_dim3A_136 : vector<16xf32>
    %swap3A_173 = arith.index_cast %add3A_140 : i32 to index
    %swap3A_174 = arith.constant 64 : index
    %swap3A_175 = tpu.vector_load %arg10[%swap3A_173, %swap3A_174] {strides = array<i32>} : memref<16x128xf32, #tpu.memory_space<vmem>>, vector<16xf32>,
    tpu.vector_store %arg10[%swap3A_173, %swap3A_174], %mul3A_172 {strides = array<i32>} : memref<16x128xf32, #tpu.memory_space<vmem>>, vector<16xf32>,
    %get3A_176 = arith.index_cast %add3A_140 : i32 to index
    %get3A_177 = arith.constant 80 : index
    %get3A_178 = tpu.vector_load %arg10[%get3A_176, %get3A_177] {strides = array<i32>} : memref<16x128xf32, #tpu.memory_space<vmem>>, vector<16xf32>,
    %mul3A_179 = arith.mulf %get3A_178, %broadcast_in_dim3A_136 : vector<16xf32>
    %swap3A_180 = arith.index_cast %add3A_140 : i32 to index
    %swap3A_181 = arith.constant 80 : index
    %swap3A_182 = tpu.vector_load %arg10[%swap3A_180, %swap3A_181] {strides = array<i32>} : memref<16x128xf32, #tpu.memory_space<vmem>>, vector<16xf32>,
    tpu.vector_store %arg10[%swap3A_180, %swap3A_181], %mul3A_179 {strides = array<i32>} : memref<16x128xf32, #tpu.memory_space<vmem>>, vector<16xf32>,
    %get3A_183 = arith.index_cast %add3A_140 : i32 to index
    %get3A_184 = arith.constant 96 : index
    %get3A_185 = tpu.vector_load %arg10[%get3A_183, %get3A_184] {strides = array<i32>} : memref<16x128xf32, #tpu.memory_space<vmem>>, vector<16xf32>,
    %mul3A_186 = arith.mulf %get3A_185, %broadcast_in_dim3A_136 : vector<16xf32>
    %swap3A_187 = arith.index_cast %add3A_140 : i32 to index
    %swap3A_188 = arith.constant 96 : index
    %swap3A_189 = tpu.vector_load %arg10[%swap3A_187, %swap3A_188] {strides = array<i32>} : memref<16x128xf32, #tpu.memory_space<vmem>>, vector<16xf32>,
    tpu.vector_store %arg10[%swap3A_187, %swap3A_188], %mul3A_186 {strides = array<i32>} : memref<16x128xf32, #tpu.memory_space<vmem>>, vector<16xf32>,
    %get3A_190 = arith.index_cast %add3A_140 : i32 to index
    %get3A_191 = arith.constant 112 : index
    %get3A_192 = tpu.vector_load %arg10[%get3A_190, %get3A_191] {strides = array<i32>} : memref<16x128xf32, #tpu.memory_space<vmem>>, vector<16xf32>,
    %mul3A_193 = arith.mulf %get3A_192, %broadcast_in_dim3A_136 : vector<16xf32>
    %swap3A_194 = arith.index_cast %add3A_140 : i32 to index
    %swap3A_195 = arith.constant 112 : index
    %swap3A_196 = tpu.vector_load %arg10[%swap3A_194, %swap3A_195] {strides = array<i32>} : memref<16x128xf32, #tpu.memory_space<vmem>>, vector<16xf32>,
    tpu.vector_store %arg10[%swap3A_194, %swap3A_195], %mul3A_193 {strides = array<i32>} : memref<16x128xf32, #tpu.memory_space<vmem>>, vector<16xf32>,
    %slice3A_197 = vector.extract_strided_slice %bitcast3A {offsets = [2], sizes = [1], strides = [1]} : vector<16xf32> to vector<1xf32>
    %squeeze3A_198 = vector.extract %slice3A_197[0] : f32 from vector<1xf32>
    %broadcast_in_dim3A_199 = vector.broadcast %squeeze3A_198 : f32 to vector<16xf32>
    %mul3A_200 = arith.constant 16 : i32
    %mul3A_201 = arith.muli %scan3A_59, %mul3A_200 : i32
    %add3A_202 = arith.constant 2 : i32
    %add3A_203 = arith.addi %mul3A_201, %add3A_202 : i32
    %get3A_204 = arith.index_cast %add3A_203 : i32 to index
    %get3A_205 = arith.constant 0 : index
    %get3A_206 = tpu.vector_load %arg10[%get3A_204, %get3A_205] {strides = array<i32>} : memref<16x128xf32, #tpu.memory_space<vmem>>, vector<16xf32>,
    %mul3A_207 = arith.mulf %get3A_206, %broadcast_in_dim3A_199 : vector<16xf32>
    %swap3A_208 = arith.index_cast %add3A_203 : i32 to index
    %swap3A_209 = arith.constant 0 : index
    %swap3A_210 = tpu.vector_load %arg10[%swap3A_208, %swap3A_209] {strides = array<i32>} : memref<16x128xf32, #tpu.memory_space<vmem>>, vector<16xf32>,
    tpu.vector_store %arg10[%swap3A_208, %swap3A_209], %mul3A_207 {strides = array<i32>} : memref<16x128xf32, #tpu.memory_space<vmem>>, vector<16xf32>,
    %get3A_211 = arith.index_cast %add3A_203 : i32 to index
    %get3A_212 = arith.constant 16 : index
    %get3A_213 = tpu.vector_load %arg10[%get3A_211, %get3A_212] {strides = array<i32>} : memref<16x128xf32, #tpu.memory_space<vmem>>, vector<16xf32>,
    %mul3A_214 = arith.mulf %get3A_213, %broadcast_in_dim3A_199 : vector<16xf32>
    %swap3A_215 = arith.index_cast %add3A_203 : i32 to index
    %swap3A_216 = arith.constant 16 : index
    %swap3A_217 = tpu.vector_load %arg10[%swap3A_215, %swap3A_216] {strides = array<i32>} : memref<16x128xf32, #tpu.memory_space<vmem>>, vector<16xf32>,
    tpu.vector_store %arg10[%swap3A_215, %swap3A_216], %mul3A_214 {strides = array<i32>} : memref<16x128xf32, #tpu.memory_space<vmem>>, vector<16xf32>,
    %get3A_218 = arith.index_cast %add3A_203 : i32 to index
    %get3A_219 = arith.constant 32 : index
    %get3A_220 = tpu.vector_load %arg10[%get3A_218, %get3A_219] {strides = array<i32>} : memref<16x128xf32, #tpu.memory_space<vmem>>, vector<16xf32>,
    %mul3A_221 = arith.mulf %get3A_220, %broadcast_in_dim3A_199 : vector<16xf32>
    %swap3A_222 = arith.index_cast %add3A_203 : i32 to index
    %swap3A_223 = arith.constant 32 : index
    %swap3A_224 = tpu.vector_load %arg10[%swap3A_222, %swap3A_223] {strides = array<i32>} : memref<16x128xf32, #tpu.memory_space<vmem>>, vector<16xf32>,
    tpu.vector_store %arg10[%swap3A_222, %swap3A_223], %mul3A_221 {strides = array<i32>} : memref<16x128xf32, #tpu.memory_space<vmem>>, vector<16xf32>,
    %get3A_225 = arith.index_cast %add3A_203 : i32 to index
    %get3A_226 = arith.constant 48 : index
    %get3A_227 = tpu.vector_load %arg10[%get3A_225, %get3A_226] {strides = array<i32>} : memref<16x128xf32, #tpu.memory_space<vmem>>, vector<16xf32>,
    %mul3A_228 = arith.mulf %get3A_227, %broadcast_in_dim3A_199 : vector<16xf32>
    %swap3A_229 = arith.index_cast %add3A_203 : i32 to index
    %swap3A_230 = arith.constant 48 : index
    %swap3A_231 = tpu.vector_load %arg10[%swap3A_229, %swap3A_230] {strides = array<i32>} : memref<16x128xf32, #tpu.memory_space<vmem>>, vector<16xf32>,
    tpu.vector_store %arg10[%swap3A_229, %swap3A_230], %mul3A_228 {strides = array<i32>} : memref<16x128xf32, #tpu.memory_space<vmem>>, vector<16xf32>,
    %get3A_232 = arith.index_cast %add3A_203 : i32 to index
    %get3A_233 = arith.constant 64 : index
    %get3A_234 = tpu.vector_load %arg10[%get3A_232, %get3A_233] {strides = array<i32>} : memref<16x128xf32, #tpu.memory_space<vmem>>, vector<16xf32>,
    %mul3A_235 = arith.mulf %get3A_234, %broadcast_in_dim3A_199 : vector<16xf32>
    %swap3A_236 = arith.index_cast %add3A_203 : i32 to index
    %swap3A_237 = arith.constant 64 : index
    %swap3A_238 = tpu.vector_load %arg10[%swap3A_236, %swap3A_237] {strides = array<i32>} : memref<16x128xf32, #tpu.memory_space<vmem>>, vector<16xf32>,
    tpu.vector_store %arg10[%swap3A_236, %swap3A_237], %mul3A_235 {strides = array<i32>} : memref<16x128xf32, #tpu.memory_space<vmem>>, vector<16xf32>,
    %get3A_239 = arith.index_cast %add3A_203 : i32 to index
    %get3A_240 = arith.constant 80 : index
    %get3A_241 = tpu.vector_load %arg10[%get3A_239, %get3A_240] {strides = array<i32>} : memref<16x128xf32, #tpu.memory_space<vmem>>, vector<16xf32>,
    %mul3A_242 = arith.mulf %get3A_241, %broadcast_in_dim3A_199 : vector<16xf32>
    %swap3A_243 = arith.index_cast %add3A_203 : i32 to index
    %swap3A_244 = arith.constant 80 : index
    %swap3A_245 = tpu.vector_load %arg10[%swap3A_243, %swap3A_244] {strides = array<i32>} : memref<16x128xf32, #tpu.memory_space<vmem>>, vector<16xf32>,
    tpu.vector_store %arg10[%swap3A_243, %swap3A_244], %mul3A_242 {strides = array<i32>} : memref<16x128xf32, #tpu.memory_space<vmem>>, vector<16xf32>,
    %get3A_246 = arith.index_cast %add3A_203 : i32 to index
    %get3A_247 = arith.constant 96 : index
    %get3A_248 = tpu.vector_load %arg10[%get3A_246, %get3A_247] {strides = array<i32>} : memref<16x128xf32, #tpu.memory_space<vmem>>, vector<16xf32>,
    %mul3A_249 = arith.mulf %get3A_248, %broadcast_in_dim3A_199 : vector<16xf32>
    %swap3A_250 = arith.index_cast %add3A_203 : i32 to index
    %swap3A_251 = arith.constant 96 : index
    %swap3A_252 = tpu.vector_load %arg10[%swap3A_250, %swap3A_251] {strides = array<i32>} : memref<16x128xf32, #tpu.memory_space<vmem>>, vector<16xf32>,
    tpu.vector_store %arg10[%swap3A_250, %swap3A_251], %mul3A_249 {strides = array<i32>} : memref<16x128xf32, #tpu.memory_space<vmem>>, vector<16xf32>,
    %get3A_253 = arith.index_cast %add3A_203 : i32 to index
    %get3A_254 = arith.constant 112 : index
    %get3A_255 = tpu.vector_load %arg10[%get3A_253, %get3A_254] {strides = array<i32>} : memref<16x128xf32, #tpu.memory_space<vmem>>, vector<16xf32>,
    %mul3A_256 = arith.mulf %get3A_255, %broadcast_in_dim3A_199 : vector<16xf32>
    %swap3A_257 = arith.index_cast %add3A_203 : i32 to index
    %swap3A_258 = arith.constant 112 : index
    %swap3A_259 = tpu.vector_load %arg10[%swap3A_257, %swap3A_258] {strides = array<i32>} : memref<16x128xf32, #tpu.memory_space<vmem>>, vector<16xf32>,
    tpu.vector_store %arg10[%swap3A_257, %swap3A_258], %mul3A_256 {strides = array<i32>} : memref<16x128xf32, #tpu.memory_space<vmem>>, vector<16xf32>,
    %slice3A_260 = vector.extract_strided_slice %bitcast3A {offsets = [3], sizes = [1], strides = [1]} : vector<16xf32> to vector<1xf32>
    %squeeze3A_261 = vector.extract %slice3A_260[0] : f32 from vector<1xf32>
    %broadcast_in_dim3A_262 = vector.broadcast %squeeze3A_261 : f32 to vector<16xf32>
    %mul3A_263 = arith.constant 16 : i32
    %mul3A_264 = arith.muli %scan3A_59, %mul3A_263 : i32
    %add3A_265 = arith.constant 3 : i32
    %add3A_266 = arith.addi %mul3A_264, %add3A_265 : i32
    %get3A_267 = arith.index_cast %add3A_266 : i32 to index
    %get3A_268 = arith.constant 0 : index
    %get3A_269 = tpu.vector_load %arg10[%get3A_267, %get3A_268] {strides = array<i32>} : memref<16x128xf32, #tpu.memory_space<vmem>>, vector<16xf32>,
    %mul3A_270 = arith.mulf %get3A_269, %broadcast_in_dim3A_262 : vector<16xf32>
    %swap3A_271 = arith.index_cast %add3A_266 : i32 to index
    %swap3A_272 = arith.constant 0 : index
    %swap3A_273 = tpu.vector_load %arg10[%swap3A_271, %swap3A_272] {strides = array<i32>} : memref<16x128xf32, #tpu.memory_space<vmem>>, vector<16xf32>,
    tpu.vector_store %arg10[%swap3A_271, %swap3A_272], %mul3A_270 {strides = array<i32>} : memref<16x128xf32, #tpu.memory_space<vmem>>, vector<16xf32>,
    %get3A_274 = arith.index_cast %add3A_266 : i32 to index
    %get3A_275 = arith.constant 16 : index
    %get3A_276 = tpu.vector_load %arg10[%get3A_274, %get3A_275] {strides = array<i32>} : memref<16x128xf32, #tpu.memory_space<vmem>>, vector<16xf32>,
    %mul3A_277 = arith.mulf %get3A_276, %broadcast_in_dim3A_262 : vector<16xf32>
    %swap3A_278 = arith.index_cast %add3A_266 : i32 to index
    %swap3A_279 = arith.constant 16 : index
    %swap3A_280 = tpu.vector_load %arg10[%swap3A_278, %swap3A_279] {strides = array<i32>} : memref<16x128xf32, #tpu.memory_space<vmem>>, vector<16xf32>,
    tpu.vector_store %arg10[%swap3A_278, %swap3A_279], %mul3A_277 {strides = array<i32>} : memref<16x128xf32, #tpu.memory_space<vmem>>, vector<16xf32>,
    %get3A_281 = arith.index_cast %add3A_266 : i32 to index
    %get3A_282 = arith.constant 32 : index
    %get3A_283 = tpu.vector_load %arg10[%get3A_281, %get3A_282] {strides = array<i32>} : memref<16x128xf32, #tpu.memory_space<vmem>>, vector<16xf32>,
    %mul3A_284 = arith.mulf %get3A_283, %broadcast_in_dim3A_262 : vector<16xf32>
    %swap3A_285 = arith.index_cast %add3A_266 : i32 to index
    %swap3A_286 = arith.constant 32 : index
    %swap3A_287 = tpu.vector_load %arg10[%swap3A_285, %swap3A_286] {strides = array<i32>} : memref<16x128xf32, #tpu.memory_space<vmem>>, vector<16xf32>,
    tpu.vector_store %arg10[%swap3A_285, %swap3A_286], %mul3A_284 {strides = array<i32>} : memref<16x128xf32, #tpu.memory_space<vmem>>, vector<16xf32>,
    %get3A_288 = arith.index_cast %add3A_266 : i32 to index
    %get3A_289 = arith.constant 48 : index
    %get3A_290 = tpu.vector_load %arg10[%get3A_288, %get3A_289] {strides = array<i32>} : memref<16x128xf32, #tpu.memory_space<vmem>>, vector<16xf32>,
    %mul3A_291 = arith.mulf %get3A_290, %broadcast_in_dim3A_262 : vector<16xf32>
    %swap3A_292 = arith.index_cast %add3A_266 : i32 to index
    %swap3A_293 = arith.constant 48 : index
    %swap3A_294 = tpu.vector_load %arg10[%swap3A_292, %swap3A_293] {strides = array<i32>} : memref<16x128xf32, #tpu.memory_space<vmem>>, vector<16xf32>,
    tpu.vector_store %arg10[%swap3A_292, %swap3A_293], %mul3A_291 {strides = array<i32>} : memref<16x128xf32, #tpu.memory_space<vmem>>, vector<16xf32>,
    %get3A_295 = arith.index_cast %add3A_266 : i32 to index
    %get3A_296 = arith.constant 64 : index
    %get3A_297 = tpu.vector_load %arg10[%get3A_295, %get3A_296] {strides = array<i32>} : memref<16x128xf32, #tpu.memory_space<vmem>>, vector<16xf32>,
    %mul3A_298 = arith.mulf %get3A_297, %broadcast_in_dim3A_262 : vector<16xf32>
    %swap3A_299 = arith.index_cast %add3A_266 : i32 to index
    %swap3A_300 = arith.constant 64 : index
    %swap3A_301 = tpu.vector_load %arg10[%swap3A_299, %swap3A_300] {strides = array<i32>} : memref<16x128xf32, #tpu.memory_space<vmem>>, vector<16xf32>,
    tpu.vector_store %arg10[%swap3A_299, %swap3A_300], %mul3A_298 {strides = array<i32>} : memref<16x128xf32, #tpu.memory_space<vmem>>, vector<16xf32>,
    %get3A_302 = arith.index_cast %add3A_266 : i32 to index
    %get3A_303 = arith.constant 80 : index
    %get3A_304 = tpu.vector_load %arg10[%get3A_302, %get3A_303] {strides = array<i32>} : memref<16x128xf32, #tpu.memory_space<vmem>>, vector<16xf32>,
    %mul3A_305 = arith.mulf %get3A_304, %broadcast_in_dim3A_262 : vector<16xf32>
    %swap3A_306 = arith.index_cast %add3A_266 : i32 to index
    %swap3A_307 = arith.constant 80 : index
    %swap3A_308 = tpu.vector_load %arg10[%swap3A_306, %swap3A_307] {strides = array<i32>} : memref<16x128xf32, #tpu.memory_space<vmem>>, vector<16xf32>,
    tpu.vector_store %arg10[%swap3A_306, %swap3A_307], %mul3A_305 {strides = array<i32>} : memref<16x128xf32, #tpu.memory_space<vmem>>, vector<16xf32>,
    %get3A_309 = arith.index_cast %add3A_266 : i32 to index
    %get3A_310 = arith.constant 96 : index
    %get3A_311 = tpu.vector_load %arg10[%get3A_309, %get3A_310] {strides = array<i32>} : memref<16x128xf32, #tpu.memory_space<vmem>>, vector<16xf32>,
    %mul3A_312 = arith.mulf %get3A_311, %broadcast_in_dim3A_262 : vector<16xf32>
    %swap3A_313 = arith.index_cast %add3A_266 : i32 to index
    %swap3A_314 = arith.constant 96 : index
    %swap3A_315 = tpu.vector_load %arg10[%swap3A_313, %swap3A_314] {strides = array<i32>} : memref<16x128xf32, #tpu.memory_space<vmem>>, vector<16xf32>,
    tpu.vector_store %arg10[%swap3A_313, %swap3A_314], %mul3A_312 {strides = array<i32>} : memref<16x128xf32, #tpu.memory_space<vmem>>, vector<16xf32>,
    %get3A_316 = arith.index_cast %add3A_266 : i32 to index
    %get3A_317 = arith.constant 112 : index
    %get3A_318 = tpu.vector_load %arg10[%get3A_316, %get3A_317] {strides = array<i32>} : memref<16x128xf32, #tpu.memory_space<vmem>>, vector<16xf32>,
    %mul3A_319 = arith.mulf %get3A_318, %broadcast_in_dim3A_262 : vector<16xf32>
    %swap3A_320 = arith.index_cast %add3A_266 : i32 to index
    %swap3A_321 = arith.constant 112 : index
    %swap3A_322 = tpu.vector_load %arg10[%swap3A_320, %swap3A_321] {strides = array<i32>} : memref<16x128xf32, #tpu.memory_space<vmem>>, vector<16xf32>,
    tpu.vector_store %arg10[%swap3A_320, %swap3A_321], %mul3A_319 {strides = array<i32>} : memref<16x128xf32, #tpu.memory_space<vmem>>, vector<16xf32>,
    %slice3A_323 = vector.extract_strided_slice %bitcast3A {offsets = [4], sizes = [1], strides = [1]} : vector<16xf32> to vector<1xf32>
    %squeeze3A_324 = vector.extract %slice3A_323[0] : f32 from vector<1xf32>
    %broadcast_in_dim3A_325 = vector.broadcast %squeeze3A_324 : f32 to vector<16xf32>
    %mul3A_326 = arith.constant 16 : i32
    %mul3A_327 = arith.muli %scan3A_59, %mul3A_326 : i32
    %add3A_328 = arith.constant 4 : i32
    %add3A_329 = arith.addi %mul3A_327, %add3A_328 : i32
    %get3A_330 = arith.index_cast %add3A_329 : i32 to index
    %get3A_331 = arith.constant 0 : index
    %get3A_332 = tpu.vector_load %arg10[%get3A_330, %get3A_331] {strides = array<i32>} : memref<16x128xf32, #tpu.memory_space<vmem>>, vector<16xf32>,
    %mul3A_333 = arith.mulf %get3A_332, %broadcast_in_dim3A_325 : vector<16xf32>
    %swap3A_334 = arith.index_cast %add3A_329 : i32 to index
    %swap3A_335 = arith.constant 0 : index
    %swap3A_336 = tpu.vector_load %arg10[%swap3A_334, %swap3A_335] {strides = array<i32>} : memref<16x128xf32, #tpu.memory_space<vmem>>, vector<16xf32>,
    tpu.vector_store %arg10[%swap3A_334, %swap3A_335], %mul3A_333 {strides = array<i32>} : memref<16x128xf32, #tpu.memory_space<vmem>>, vector<16xf32>,
    %get3A_337 = arith.index_cast %add3A_329 : i32 to index
    %get3A_338 = arith.constant 16 : index
    %get3A_339 = tpu.vector_load %arg10[%get3A_337, %get3A_338] {strides = array<i32>} : memref<16x128xf32, #tpu.memory_space<vmem>>, vector<16xf32>,
    %mul3A_340 = arith.mulf %get3A_339, %broadcast_in_dim3A_325 : vector<16xf32>
    %swap3A_341 = arith.index_cast %add3A_329 : i32 to index
    %swap3A_342 = arith.constant 16 : index
    %swap3A_343 = tpu.vector_load %arg10[%swap3A_341, %swap3A_342] {strides = array<i32>} : memref<16x128xf32, #tpu.memory_space<vmem>>, vector<16xf32>,
    tpu.vector_store %arg10[%swap3A_341, %swap3A_342], %mul3A_340 {strides = array<i32>} : memref<16x128xf32, #tpu.memory_space<vmem>>, vector<16xf32>,
    %get3A_344 = arith.index_cast %add3A_329 : i32 to index
    %get3A_345 = arith.constant 32 : index
    %get3A_346 = tpu.vector_load %arg10[%get3A_344, %get3A_345] {strides = array<i32>} : memref<16x128xf32, #tpu.memory_space<vmem>>, vector<16xf32>,
    %mul3A_347 = arith.mulf %get3A_346, %broadcast_in_dim3A_325 : vector<16xf32>
    %swap3A_348 = arith.index_cast %add3A_329 : i32 to index
    %swap3A_349 = arith.constant 32 : index
    %swap3A_350 = tpu.vector_load %arg10[%swap3A_348, %swap3A_349] {strides = array<i32>} : memref<16x128xf32, #tpu.memory_space<vmem>>, vector<16xf32>,
    tpu.vector_store %arg10[%swap3A_348, %swap3A_349], %mul3A_347 {strides = array<i32>} : memref<16x128xf32, #tpu.memory_space<vmem>>, vector<16xf32>,
    %get3A_351 = arith.index_cast %add3A_329 : i32 to index
    %get3A_352 = arith.constant 48 : index
    %get3A_353 = tpu.vector_load %arg10[%get3A_351, %get3A_352] {strides = array<i32>} : memref<16x128xf32, #tpu.memory_space<vmem>>, vector<16xf32>,
    %mul3A_354 = arith.mulf %get3A_353, %broadcast_in_dim3A_325 : vector<16xf32>
    %swap3A_355 = arith.index_cast %add3A_329 : i32 to index
    %swap3A_356 = arith.constant 48 : index
    %swap3A_357 = tpu.vector_load %arg10[%swap3A_355, %swap3A_356] {strides = array<i32>} : memref<16x128xf32, #tpu.memory_space<vmem>>, vector<16xf32>,
    tpu.vector_store %arg10[%swap3A_355, %swap3A_356], %mul3A_354 {strides = array<i32>} : memref<16x128xf32, #tpu.memory_space<vmem>>, vector<16xf32>,
    %get3A_358 = arith.index_cast %add3A_329 : i32 to index
    %get3A_359 = arith.constant 64 : index
    %get3A_360 = tpu.vector_load %arg10[%get3A_358, %get3A_359] {strides = array<i32>} : memref<16x128xf32, #tpu.memory_space<vmem>>, vector<16xf32>,
    %mul3A_361 = arith.mulf %get3A_360, %broadcast_in_dim3A_325 : vector<16xf32>
    %swap3A_362 = arith.index_cast %add3A_329 : i32 to index
    %swap3A_363 = arith.constant 64 : index
    %swap3A_364 = tpu.vector_load %arg10[%swap3A_362, %swap3A_363] {strides = array<i32>} : memref<16x128xf32, #tpu.memory_space<vmem>>, vector<16xf32>,
    tpu.vector_store %arg10[%swap3A_362, %swap3A_363], %mul3A_361 {strides = array<i32>} : memref<16x128xf32, #tpu.memory_space<vmem>>, vector<16xf32>,
    %get3A_365 = arith.index_cast %add3A_329 : i32 to index
    %get3A_366 = arith.constant 80 : index
    %get3A_367 = tpu.vector_load %arg10[%get3A_365, %get3A_366] {strides = array<i32>} : memref<16x128xf32, #tpu.memory_space<vmem>>, vector<16xf32>,
    %mul3A_368 = arith.mulf %get3A_367, %broadcast_in_dim3A_325 : vector<16xf32>
    %swap3A_369 = arith.index_cast %add3A_329 : i32 to index
    %swap3A_370 = arith.constant 80 : index
    %swap3A_371 = tpu.vector_load %arg10[%swap3A_369, %swap3A_370] {strides = array<i32>} : memref<16x128xf32, #tpu.memory_space<vmem>>, vector<16xf32>,
    tpu.vector_store %arg10[%swap3A_369, %swap3A_370], %mul3A_368 {strides = array<i32>} : memref<16x128xf32, #tpu.memory_space<vmem>>, vector<16xf32>,
    %get3A_372 = arith.index_cast %add3A_329 : i32 to index
    %get3A_373 = arith.constant 96 : index
    %get3A_374 = tpu.vector_load %arg10[%get3A_372, %get3A_373] {strides = array<i32>} : memref<16x128xf32, #tpu.memory_space<vmem>>, vector<16xf32>,
    %mul3A_375 = arith.mulf %get3A_374, %broadcast_in_dim3A_325 : vector<16xf32>
    %swap3A_376 = arith.index_cast %add3A_329 : i32 to index
    %swap3A_377 = arith.constant 96 : index
    %swap3A_378 = tpu.vector_load %arg10[%swap3A_376, %swap3A_377] {strides = array<i32>} : memref<16x128xf32, #tpu.memory_space<vmem>>, vector<16xf32>,
    tpu.vector_store %arg10[%swap3A_376, %swap3A_377], %mul3A_375 {strides = array<i32>} : memref<16x128xf32, #tpu.memory_space<vmem>>, vector<16xf32>,
    %get3A_379 = arith.index_cast %add3A_329 : i32 to index
    %get3A_380 = arith.constant 112 : index
    %get3A_381 = tpu.vector_load %arg10[%get3A_379, %get3A_380] {strides = array<i32>} : memref<16x128xf32, #tpu.memory_space<vmem>>, vector<16xf32>,
    %mul3A_382 = arith.mulf %get3A_381, %broadcast_in_dim3A_325 : vector<16xf32>
    %swap3A_383 = arith.index_cast %add3A_329 : i32 to index
    %swap3A_384 = arith.constant 112 : index
    %swap3A_385 = tpu.vector_load %arg10[%swap3A_383, %swap3A_384] {strides = array<i32>} : memref<16x128xf32, #tpu.memory_space<vmem>>, vector<16xf32>,
    tpu.vector_store %arg10[%swap3A_383, %swap3A_384], %mul3A_382 {strides = array<i32>} : memref<16x128xf32, #tpu.memory_space<vmem>>, vector<16xf32>,
    %slice3A_386 = vector.extract_strided_slice %bitcast3A {offsets = [5], sizes = [1], strides = [1]} : vector<16xf32> to vector<1xf32>
    %squeeze3A_387 = vector.extract %slice3A_386[0] : f32 from vector<1xf32>
    %broadcast_in_dim3A_388 = vector.broadcast %squeeze3A_387 : f32 to vector<16xf32>
    %mul3A_389 = arith.constant 16 : i32
    %mul3A_390 = arith.muli %scan3A_59, %mul3A_389 : i32
    %add3A_391 = arith.constant 5 : i32
    %add3A_392 = arith.addi %mul3A_390, %add3A_391 : i32
    %get3A_393 = arith.index_cast %add3A_392 : i32 to index
    %get3A_394 = arith.constant 0 : index
    %get3A_395 = tpu.vector_load %arg10[%get3A_393, %get3A_394] {strides = array<i32>} : memref<16x128xf32, #tpu.memory_space<vmem>>, vector<16xf32>,
    %mul3A_396 = arith.mulf %get3A_395, %broadcast_in_dim3A_388 : vector<16xf32>
    %swap3A_397 = arith.index_cast %add3A_392 : i32 to index
    %swap3A_398 = arith.constant 0 : index
    %swap3A_399 = tpu.vector_load %arg10[%swap3A_397, %swap3A_398] {strides = array<i32>} : memref<16x128xf32, #tpu.memory_space<vmem>>, vector<16xf32>,
    tpu.vector_store %arg10[%swap3A_397, %swap3A_398], %mul3A_396 {strides = array<i32>} : memref<16x128xf32, #tpu.memory_space<vmem>>, vector<16xf32>,
    %get3A_400 = arith.index_cast %add3A_392 : i32 to index
    %get3A_401 = arith.constant 16 : index
    %get3A_402 = tpu.vector_load %arg10[%get3A_400, %get3A_401] {strides = array<i32>} : memref<16x128xf32, #tpu.memory_space<vmem>>, vector<16xf32>,
    %mul3A_403 = arith.mulf %get3A_402, %broadcast_in_dim3A_388 : vector<16xf32>
    %swap3A_404 = arith.index_cast %add3A_392 : i32 to index
    %swap3A_405 = arith.constant 16 : index
    %swap3A_406 = tpu.vector_load %arg10[%swap3A_404, %swap3A_405] {strides = array<i32>} : memref<16x128xf32, #tpu.memory_space<vmem>>, vector<16xf32>,
    tpu.vector_store %arg10[%swap3A_404, %swap3A_405], %mul3A_403 {strides = array<i32>} : memref<16x128xf32, #tpu.memory_space<vmem>>, vector<16xf32>,
    %get3A_407 = arith.index_cast %add3A_392 : i32 to index
    %get3A_408 = arith.constant 32 : index
    %get3A_409 = tpu.vector_load %arg10[%get3A_407, %get3A_408] {strides = array<i32>} : memref<16x128xf32, #tpu.memory_space<vmem>>, vector<16xf32>,
    %mul3A_410 = arith.mulf %get3A_409, %broadcast_in_dim3A_388 : vector<16xf32>
    %swap3A_411 = arith.index_cast %add3A_392 : i32 to index
    %swap3A_412 = arith.constant 32 : index
    %swap3A_413 = tpu.vector_load %arg10[%swap3A_411, %swap3A_412] {strides = array<i32>} : memref<16x128xf32, #tpu.memory_space<vmem>>, vector<16xf32>,
    tpu.vector_store %arg10[%swap3A_411, %swap3A_412], %mul3A_410 {strides = array<i32>} : memref<16x128xf32, #tpu.memory_space<vmem>>, vector<16xf32>,
    %get3A_414 = arith.index_cast %add3A_392 : i32 to index
    %get3A_415 = arith.constant 48 : index
    %get3A_416 = tpu.vector_load %arg10[%get3A_414, %get3A_415] {strides = array<i32>} : memref<16x128xf32, #tpu.memory_space<vmem>>, vector<16xf32>,
    %mul3A_417 = arith.mulf %get3A_416, %broadcast_in_dim3A_388 : vector<16xf32>
    %swap3A_418 = arith.index_cast %add3A_392 : i32 to index
    %swap3A_419 = arith.constant 48 : index
    %swap3A_420 = tpu.vector_load %arg10[%swap3A_418, %swap3A_419] {strides = array<i32>} : memref<16x128xf32, #tpu.memory_space<vmem>>, vector<16xf32>,
    tpu.vector_store %arg10[%swap3A_418, %swap3A_419], %mul3A_417 {strides = array<i32>} : memref<16x128xf32, #tpu.memory_space<vmem>>, vector<16xf32>,
    %get3A_421 = arith.index_cast %add3A_392 : i32 to index
    %get3A_422 = arith.constant 64 : index
    %get3A_423 = tpu.vector_load %arg10[%get3A_421, %get3A_422] {strides = array<i32>} : memref<16x128xf32, #tpu.memory_space<vmem>>, vector<16xf32>,
    %mul3A_424 = arith.mulf %get3A_423, %broadcast_in_dim3A_388 : vector<16xf32>
    %swap3A_425 = arith.index_cast %add3A_392 : i32 to index
    %swap3A_426 = arith.constant 64 : index
    %swap3A_427 = tpu.vector_load %arg10[%swap3A_425, %swap3A_426] {strides = array<i32>} : memref<16x128xf32, #tpu.memory_space<vmem>>, vector<16xf32>,
    tpu.vector_store %arg10[%swap3A_425, %swap3A_426], %mul3A_424 {strides = array<i32>} : memref<16x128xf32, #tpu.memory_space<vmem>>, vector<16xf32>,
    %get3A_428 = arith.index_cast %add3A_392 : i32 to index
    %get3A_429 = arith.constant 80 : index
    %get3A_430 = tpu.vector_load %arg10[%get3A_428, %get3A_429] {strides = array<i32>} : memref<16x128xf32, #tpu.memory_space<vmem>>, vector<16xf32>,
    %mul3A_431 = arith.mulf %get3A_430, %broadcast_in_dim3A_388 : vector<16xf32>
    %swap3A_432 = arith.index_cast %add3A_392 : i32 to index
    %swap3A_433 = arith.constant 80 : index
    %swap3A_434 = tpu.vector_load %arg10[%swap3A_432, %swap3A_433] {strides = array<i32>} : memref<16x128xf32, #tpu.memory_space<vmem>>, vector<16xf32>,
    tpu.vector_store %arg10[%swap3A_432, %swap3A_433], %mul3A_431 {strides = array<i32>} : memref<16x128xf32, #tpu.memory_space<vmem>>, vector<16xf32>,
    %get3A_435 = arith.index_cast %add3A_392 : i32 to index
    %get3A_436 = arith.constant 96 : index
    %get3A_437 = tpu.vector_load %arg10[%get3A_435, %get3A_436] {strides = array<i32>} : memref<16x128xf32, #tpu.memory_space<vmem>>, vector<16xf32>,
    %mul3A_438 = arith.mulf %get3A_437, %broadcast_in_dim3A_388 : vector<16xf32>
    %swap3A_439 = arith.index_cast %add3A_392 : i32 to index
    %swap3A_440 = arith.constant 96 : index
    %swap3A_441 = tpu.vector_load %arg10[%swap3A_439, %swap3A_440] {strides = array<i32>} : memref<16x128xf32, #tpu.memory_space<vmem>>, vector<16xf32>,
    tpu.vector_store %arg10[%swap3A_439, %swap3A_440], %mul3A_438 {strides = array<i32>} : memref<16x128xf32, #tpu.memory_space<vmem>>, vector<16xf32>,
    %get3A_442 = arith.index_cast %add3A_392 : i32 to index
    %get3A_443 = arith.constant 112 : index
    %get3A_444 = tpu.vector_load %arg10[%get3A_442, %get3A_443] {strides = array<i32>} : memref<16x128xf32, #tpu.memory_space<vmem>>, vector<16xf32>,
    %mul3A_445 = arith.mulf %get3A_444, %broadcast_in_dim3A_388 : vector<16xf32>
    %swap3A_446 = arith.index_cast %add3A_392 : i32 to index
    %swap3A_447 = arith.constant 112 : index
    %swap3A_448 = tpu.vector_load %arg10[%swap3A_446, %swap3A_447] {strides = array<i32>} : memref<16x128xf32, #tpu.memory_space<vmem>>, vector<16xf32>,
    tpu.vector_store %arg10[%swap3A_446, %swap3A_447], %mul3A_445 {strides = array<i32>} : memref<16x128xf32, #tpu.memory_space<vmem>>, vector<16xf32>,
    %slice3A_449 = vector.extract_strided_slice %bitcast3A {offsets = [6], sizes = [1], strides = [1]} : vector<16xf32> to vector<1xf32>
    %squeeze3A_450 = vector.extract %slice3A_449[0] : f32 from vector<1xf32>
    %broadcast_in_dim3A_451 = vector.broadcast %squeeze3A_450 : f32 to vector<16xf32>
    %mul3A_452 = arith.constant 16 : i32
    %mul3A_453 = arith.muli %scan3A_59, %mul3A_452 : i32
    %add3A_454 = arith.constant 6 : i32
    %add3A_455 = arith.addi %mul3A_453, %add3A_454 : i32
    %get3A_456 = arith.index_cast %add3A_455 : i32 to index
    %get3A_457 = arith.constant 0 : index
    %get3A_458 = tpu.vector_load %arg10[%get3A_456, %get3A_457] {strides = array<i32>} : memref<16x128xf32, #tpu.memory_space<vmem>>, vector<16xf32>,
    %mul3A_459 = arith.mulf %get3A_458, %broadcast_in_dim3A_451 : vector<16xf32>
    %swap3A_460 = arith.index_cast %add3A_455 : i32 to index
    %swap3A_461 = arith.constant 0 : index
    %swap3A_462 = tpu.vector_load %arg10[%swap3A_460, %swap3A_461] {strides = array<i32>} : memref<16x128xf32, #tpu.memory_space<vmem>>, vector<16xf32>,
    tpu.vector_store %arg10[%swap3A_460, %swap3A_461], %mul3A_459 {strides = array<i32>} : memref<16x128xf32, #tpu.memory_space<vmem>>, vector<16xf32>,
    %get3A_463 = arith.index_cast %add3A_455 : i32 to index
    %get3A_464 = arith.constant 16 : index
    %get3A_465 = tpu.vector_load %arg10[%get3A_463, %get3A_464] {strides = array<i32>} : memref<16x128xf32, #tpu.memory_space<vmem>>, vector<16xf32>,
    %mul3A_466 = arith.mulf %get3A_465, %broadcast_in_dim3A_451 : vector<16xf32>
    %swap3A_467 = arith.index_cast %add3A_455 : i32 to index
    %swap3A_468 = arith.constant 16 : index
    %swap3A_469 = tpu.vector_load %arg10[%swap3A_467, %swap3A_468] {strides = array<i32>} : memref<16x128xf32, #tpu.memory_space<vmem>>, vector<16xf32>,
    tpu.vector_store %arg10[%swap3A_467, %swap3A_468], %mul3A_466 {strides = array<i32>} : memref<16x128xf32, #tpu.memory_space<vmem>>, vector<16xf32>,
    %get3A_470 = arith.index_cast %add3A_455 : i32 to index
    %get3A_471 = arith.constant 32 : index
    %get3A_472 = tpu.vector_load %arg10[%get3A_470, %get3A_471] {strides = array<i32>} : memref<16x128xf32, #tpu.memory_space<vmem>>, vector<16xf32>,
    %mul3A_473 = arith.mulf %get3A_472, %broadcast_in_dim3A_451 : vector<16xf32>
    %swap3A_474 = arith.index_cast %add3A_455 : i32 to index
    %swap3A_475 = arith.constant 32 : index
    %swap3A_476 = tpu.vector_load %arg10[%swap3A_474, %swap3A_475] {strides = array<i32>} : memref<16x128xf32, #tpu.memory_space<vmem>>, vector<16xf32>,
    tpu.vector_store %arg10[%swap3A_474, %swap3A_475], %mul3A_473 {strides = array<i32>} : memref<16x128xf32, #tpu.memory_space<vmem>>, vector<16xf32>,
    %get3A_477 = arith.index_cast %add3A_455 : i32 to index
    %get3A_478 = arith.constant 48 : index
    %get3A_479 = tpu.vector_load %arg10[%get3A_477, %get3A_478] {strides = array<i32>} : memref<16x128xf32, #tpu.memory_space<vmem>>, vector<16xf32>,
    %mul3A_480 = arith.mulf %get3A_479, %broadcast_in_dim3A_451 : vector<16xf32>
    %swap3A_481 = arith.index_cast %add3A_455 : i32 to index
    %swap3A_482 = arith.constant 48 : index
    %swap3A_483 = tpu.vector_load %arg10[%swap3A_481, %swap3A_482] {strides = array<i32>} : memref<16x128xf32, #tpu.memory_space<vmem>>, vector<16xf32>,
    tpu.vector_store %arg10[%swap3A_481, %swap3A_482], %mul3A_480 {strides = array<i32>} : memref<16x128xf32, #tpu.memory_space<vmem>>, vector<16xf32>,
    %get3A_484 = arith.index_cast %add3A_455 : i32 to index
    %get3A_485 = arith.constant 64 : index
    %get3A_486 = tpu.vector_load %arg10[%get3A_484, %get3A_485] {strides = array<i32>} : memref<16x128xf32, #tpu.memory_space<vmem>>, vector<16xf32>,
    %mul3A_487 = arith.mulf %get3A_486, %broadcast_in_dim3A_451 : vector<16xf32>
    %swap3A_488 = arith.index_cast %add3A_455 : i32 to index
    %swap3A_489 = arith.constant 64 : index
    %swap3A_490 = tpu.vector_load %arg10[%swap3A_488, %swap3A_489] {strides = array<i32>} : memref<16x128xf32, #tpu.memory_space<vmem>>, vector<16xf32>,
    tpu.vector_store %arg10[%swap3A_488, %swap3A_489], %mul3A_487 {strides = array<i32>} : memref<16x128xf32, #tpu.memory_space<vmem>>, vector<16xf32>,
    %get3A_491 = arith.index_cast %add3A_455 : i32 to index
    %get3A_492 = arith.constant 80 : index
    %get3A_493 = tpu.vector_load %arg10[%get3A_491, %get3A_492] {strides = array<i32>} : memref<16x128xf32, #tpu.memory_space<vmem>>, vector<16xf32>,
    %mul3A_494 = arith.mulf %get3A_493, %broadcast_in_dim3A_451 : vector<16xf32>
    %swap3A_495 = arith.index_cast %add3A_455 : i32 to index
    %swap3A_496 = arith.constant 80 : index
    %swap3A_497 = tpu.vector_load %arg10[%swap3A_495, %swap3A_496] {strides = array<i32>} : memref<16x128xf32, #tpu.memory_space<vmem>>, vector<16xf32>,
    tpu.vector_store %arg10[%swap3A_495, %swap3A_496], %mul3A_494 {strides = array<i32>} : memref<16x128xf32, #tpu.memory_space<vmem>>, vector<16xf32>,
    %get3A_498 = arith.index_cast %add3A_455 : i32 to index
    %get3A_499 = arith.constant 96 : index
    %get3A_500 = tpu.vector_load %arg10[%get3A_498, %get3A_499] {strides = array<i32>} : memref<16x128xf32, #tpu.memory_space<vmem>>, vector<16xf32>,
    %mul3A_501 = arith.mulf %get3A_500, %broadcast_in_dim3A_451 : vector<16xf32>
    %swap3A_502 = arith.index_cast %add3A_455 : i32 to index
    %swap3A_503 = arith.constant 96 : index
    %swap3A_504 = tpu.vector_load %arg10[%swap3A_502, %swap3A_503] {strides = array<i32>} : memref<16x128xf32, #tpu.memory_space<vmem>>, vector<16xf32>,
    tpu.vector_store %arg10[%swap3A_502, %swap3A_503], %mul3A_501 {strides = array<i32>} : memref<16x128xf32, #tpu.memory_space<vmem>>, vector<16xf32>,
    %get3A_505 = arith.index_cast %add3A_455 : i32 to index
    %get3A_506 = arith.constant 112 : index
    %get3A_507 = tpu.vector_load %arg10[%get3A_505, %get3A_506] {strides = array<i32>} : memref<16x128xf32, #tpu.memory_space<vmem>>, vector<16xf32>,
    %mul3A_508 = arith.mulf %get3A_507, %broadcast_in_dim3A_451 : vector<16xf32>
    %swap3A_509 = arith.index_cast %add3A_455 : i32 to index
    %swap3A_510 = arith.constant 112 : index
    %swap3A_511 = tpu.vector_load %arg10[%swap3A_509, %swap3A_510] {strides = array<i32>} : memref<16x128xf32, #tpu.memory_space<vmem>>, vector<16xf32>,
    tpu.vector_store %arg10[%swap3A_509, %swap3A_510], %mul3A_508 {strides = array<i32>} : memref<16x128xf32, #tpu.memory_space<vmem>>, vector<16xf32>,
    %slice3A_512 = vector.extract_strided_slice %bitcast3A {offsets = [7], sizes = [1], strides = [1]} : vector<16xf32> to vector<1xf32>
    %squeeze3A_513 = vector.extract %slice3A_512[0] : f32 from vector<1xf32>
    %broadcast_in_dim3A_514 = vector.broadcast %squeeze3A_513 : f32 to vector<16xf32>
    %mul3A_515 = arith.constant 16 : i32
    %mul3A_516 = arith.muli %scan3A_59, %mul3A_515 : i32
    %add3A_517 = arith.constant 7 : i32
    %add3A_518 = arith.addi %mul3A_516, %add3A_517 : i32
    %get3A_519 = arith.index_cast %add3A_518 : i32 to index
    %get3A_520 = arith.constant 0 : index
    %get3A_521 = tpu.vector_load %arg10[%get3A_519, %get3A_520] {strides = array<i32>} : memref<16x128xf32, #tpu.memory_space<vmem>>, vector<16xf32>,
    %mul3A_522 = arith.mulf %get3A_521, %broadcast_in_dim3A_514 : vector<16xf32>
    %swap3A_523 = arith.index_cast %add3A_518 : i32 to index
    %swap3A_524 = arith.constant 0 : index
    %swap3A_525 = tpu.vector_load %arg10[%swap3A_523, %swap3A_524] {strides = array<i32>} : memref<16x128xf32, #tpu.memory_space<vmem>>, vector<16xf32>,
    tpu.vector_store %arg10[%swap3A_523, %swap3A_524], %mul3A_522 {strides = array<i32>} : memref<16x128xf32, #tpu.memory_space<vmem>>, vector<16xf32>,
    %get3A_526 = arith.index_cast %add3A_518 : i32 to index
    %get3A_527 = arith.constant 16 : index
    %get3A_528 = tpu.vector_load %arg10[%get3A_526, %get3A_527] {strides = array<i32>} : memref<16x128xf32, #tpu.memory_space<vmem>>, vector<16xf32>,
    %mul3A_529 = arith.mulf %get3A_528, %broadcast_in_dim3A_514 : vector<16xf32>
    %swap3A_530 = arith.index_cast %add3A_518 : i32 to index
    %swap3A_531 = arith.constant 16 : index
    %swap3A_532 = tpu.vector_load %arg10[%swap3A_530, %swap3A_531] {strides = array<i32>} : memref<16x128xf32, #tpu.memory_space<vmem>>, vector<16xf32>,
    tpu.vector_store %arg10[%swap3A_530, %swap3A_531], %mul3A_529 {strides = array<i32>} : memref<16x128xf32, #tpu.memory_space<vmem>>, vector<16xf32>,
    %get3A_533 = arith.index_cast %add3A_518 : i32 to index
    %get3A_534 = arith.constant 32 : index
    %get3A_535 = tpu.vector_load %arg10[%get3A_533, %get3A_534] {strides = array<i32>} : memref<16x128xf32, #tpu.memory_space<vmem>>, vector<16xf32>,
    %mul3A_536 = arith.mulf %get3A_535, %broadcast_in_dim3A_514 : vector<16xf32>
    %swap3A_537 = arith.index_cast %add3A_518 : i32 to index
    %swap3A_538 = arith.constant 32 : index
    %swap3A_539 = tpu.vector_load %arg10[%swap3A_537, %swap3A_538] {strides = array<i32>} : memref<16x128xf32, #tpu.memory_space<vmem>>, vector<16xf32>,
    tpu.vector_store %arg10[%swap3A_537, %swap3A_538], %mul3A_536 {strides = array<i32>} : memref<16x128xf32, #tpu.memory_space<vmem>>, vector<16xf32>,
    %get3A_540 = arith.index_cast %add3A_518 : i32 to index
    %get3A_541 = arith.constant 48 : index
    %get3A_542 = tpu.vector_load %arg10[%get3A_540, %get3A_541] {strides = array<i32>} : memref<16x128xf32, #tpu.memory_space<vmem>>, vector<16xf32>,
    %mul3A_543 = arith.mulf %get3A_542, %broadcast_in_dim3A_514 : vector<16xf32>
    %swap3A_544 = arith.index_cast %add3A_518 : i32 to index
    %swap3A_545 = arith.constant 48 : index
    %swap3A_546 = tpu.vector_load %arg10[%swap3A_544, %swap3A_545] {strides = array<i32>} : memref<16x128xf32, #tpu.memory_space<vmem>>, vector<16xf32>,
    tpu.vector_store %arg10[%swap3A_544, %swap3A_545], %mul3A_543 {strides = array<i32>} : memref<16x128xf32, #tpu.memory_space<vmem>>, vector<16xf32>,
    %get3A_547 = arith.index_cast %add3A_518 : i32 to index
    %get3A_548 = arith.constant 64 : index
    %get3A_549 = tpu.vector_load %arg10[%get3A_547, %get3A_548] {strides = array<i32>} : memref<16x128xf32, #tpu.memory_space<vmem>>, vector<16xf32>,
    %mul3A_550 = arith.mulf %get3A_549, %broadcast_in_dim3A_514 : vector<16xf32>
    %swap3A_551 = arith.index_cast %add3A_518 : i32 to index
    %swap3A_552 = arith.constant 64 : index
    %swap3A_553 = tpu.vector_load %arg10[%swap3A_551, %swap3A_552] {strides = array<i32>} : memref<16x128xf32, #tpu.memory_space<vmem>>, vector<16xf32>,
    tpu.vector_store %arg10[%swap3A_551, %swap3A_552], %mul3A_550 {strides = array<i32>} : memref<16x128xf32, #tpu.memory_space<vmem>>, vector<16xf32>,
    %get3A_554 = arith.index_cast %add3A_518 : i32 to index
    %get3A_555 = arith.constant 80 : index
    %get3A_556 = tpu.vector_load %arg10[%get3A_554, %get3A_555] {strides = array<i32>} : memref<16x128xf32, #tpu.memory_space<vmem>>, vector<16xf32>,
    %mul3A_557 = arith.mulf %get3A_556, %broadcast_in_dim3A_514 : vector<16xf32>
    %swap3A_558 = arith.index_cast %add3A_518 : i32 to index
    %swap3A_559 = arith.constant 80 : index
    %swap3A_560 = tpu.vector_load %arg10[%swap3A_558, %swap3A_559] {strides = array<i32>} : memref<16x128xf32, #tpu.memory_space<vmem>>, vector<16xf32>,
    tpu.vector_store %arg10[%swap3A_558, %swap3A_559], %mul3A_557 {strides = array<i32>} : memref<16x128xf32, #tpu.memory_space<vmem>>, vector<16xf32>,
    %get3A_561 = arith.index_cast %add3A_518 : i32 to index
    %get3A_562 = arith.constant 96 : index
    %get3A_563 = tpu.vector_load %arg10[%get3A_561, %get3A_562] {strides = array<i32>} : memref<16x128xf32, #tpu.memory_space<vmem>>, vector<16xf32>,
    %mul3A_564 = arith.mulf %get3A_563, %broadcast_in_dim3A_514 : vector<16xf32>
    %swap3A_565 = arith.index_cast %add3A_518 : i32 to index
    %swap3A_566 = arith.constant 96 : index
    %swap3A_567 = tpu.vector_load %arg10[%swap3A_565, %swap3A_566] {strides = array<i32>} : memref<16x128xf32, #tpu.memory_space<vmem>>, vector<16xf32>,
    tpu.vector_store %arg10[%swap3A_565, %swap3A_566], %mul3A_564 {strides = array<i32>} : memref<16x128xf32, #tpu.memory_space<vmem>>, vector<16xf32>,
    %get3A_568 = arith.index_cast %add3A_518 : i32 to index
    %get3A_569 = arith.constant 112 : index
    %get3A_570 = tpu.vector_load %arg10[%get3A_568, %get3A_569] {strides = array<i32>} : memref<16x128xf32, #tpu.memory_space<vmem>>, vector<16xf32>,
    %mul3A_571 = arith.mulf %get3A_570, %broadcast_in_dim3A_514 : vector<16xf32>
    %swap3A_572 = arith.index_cast %add3A_518 : i32 to index
    %swap3A_573 = arith.constant 112 : index
    %swap3A_574 = tpu.vector_load %arg10[%swap3A_572, %swap3A_573] {strides = array<i32>} : memref<16x128xf32, #tpu.memory_space<vmem>>, vector<16xf32>,
    tpu.vector_store %arg10[%swap3A_572, %swap3A_573], %mul3A_571 {strides = array<i32>} : memref<16x128xf32, #tpu.memory_space<vmem>>, vector<16xf32>,
    %slice3A_575 = vector.extract_strided_slice %bitcast3A {offsets = [8], sizes = [1], strides = [1]} : vector<16xf32> to vector<1xf32>
    %squeeze3A_576 = vector.extract %slice3A_575[0] : f32 from vector<1xf32>
    %broadcast_in_dim3A_577 = vector.broadcast %squeeze3A_576 : f32 to vector<16xf32>
    %mul3A_578 = arith.constant 16 : i32
    %mul3A_579 = arith.muli %scan3A_59, %mul3A_578 : i32
    %add3A_580 = arith.constant 8 : i32
    %add3A_581 = arith.addi %mul3A_579, %add3A_580 : i32
    %get3A_582 = arith.index_cast %add3A_581 : i32 to index
    %get3A_583 = arith.constant 0 : index
    %get3A_584 = tpu.vector_load %arg10[%get3A_582, %get3A_583] {strides = array<i32>} : memref<16x128xf32, #tpu.memory_space<vmem>>, vector<16xf32>,
    %mul3A_585 = arith.mulf %get3A_584, %broadcast_in_dim3A_577 : vector<16xf32>
    %swap3A_586 = arith.index_cast %add3A_581 : i32 to index
    %swap3A_587 = arith.constant 0 : index
    %swap3A_588 = tpu.vector_load %arg10[%swap3A_586, %swap3A_587] {strides = array<i32>} : memref<16x128xf32, #tpu.memory_space<vmem>>, vector<16xf32>,
    tpu.vector_store %arg10[%swap3A_586, %swap3A_587], %mul3A_585 {strides = array<i32>} : memref<16x128xf32, #tpu.memory_space<vmem>>, vector<16xf32>,
    %get3A_589 = arith.index_cast %add3A_581 : i32 to index
    %get3A_590 = arith.constant 16 : index
    %get3A_591 = tpu.vector_load %arg10[%get3A_589, %get3A_590] {strides = array<i32>} : memref<16x128xf32, #tpu.memory_space<vmem>>, vector<16xf32>,
    %mul3A_592 = arith.mulf %get3A_591, %broadcast_in_dim3A_577 : vector<16xf32>
    %swap3A_593 = arith.index_cast %add3A_581 : i32 to index
    %swap3A_594 = arith.constant 16 : index
    %swap3A_595 = tpu.vector_load %arg10[%swap3A_593, %swap3A_594] {strides = array<i32>} : memref<16x128xf32, #tpu.memory_space<vmem>>, vector<16xf32>,
    tpu.vector_store %arg10[%swap3A_593, %swap3A_594], %mul3A_592 {strides = array<i32>} : memref<16x128xf32, #tpu.memory_space<vmem>>, vector<16xf32>,
    %get3A_596 = arith.index_cast %add3A_581 : i32 to index
    %get3A_597 = arith.constant 32 : index
    %get3A_598 = tpu.vector_load %arg10[%get3A_596, %get3A_597] {strides = array<i32>} : memref<16x128xf32, #tpu.memory_space<vmem>>, vector<16xf32>,
    %mul3A_599 = arith.mulf %get3A_598, %broadcast_in_dim3A_577 : vector<16xf32>
    %swap3A_600 = arith.index_cast %add3A_581 : i32 to index
    %swap3A_601 = arith.constant 32 : index
    %swap3A_602 = tpu.vector_load %arg10[%swap3A_600, %swap3A_601] {strides = array<i32>} : memref<16x128xf32, #tpu.memory_space<vmem>>, vector<16xf32>,
    tpu.vector_store %arg10[%swap3A_600, %swap3A_601], %mul3A_599 {strides = array<i32>} : memref<16x128xf32, #tpu.memory_space<vmem>>, vector<16xf32>,
    %get3A_603 = arith.index_cast %add3A_581 : i32 to index
    %get3A_604 = arith.constant 48 : index
    %get3A_605 = tpu.vector_load %arg10[%get3A_603, %get3A_604] {strides = array<i32>} : memref<16x128xf32, #tpu.memory_space<vmem>>, vector<16xf32>,
    %mul3A_606 = arith.mulf %get3A_605, %broadcast_in_dim3A_577 : vector<16xf32>
    %swap3A_607 = arith.index_cast %add3A_581 : i32 to index
    %swap3A_608 = arith.constant 48 : index
    %swap3A_609 = tpu.vector_load %arg10[%swap3A_607, %swap3A_608] {strides = array<i32>} : memref<16x128xf32, #tpu.memory_space<vmem>>, vector<16xf32>,
    tpu.vector_store %arg10[%swap3A_607, %swap3A_608], %mul3A_606 {strides = array<i32>} : memref<16x128xf32, #tpu.memory_space<vmem>>, vector<16xf32>,
    %get3A_610 = arith.index_cast %add3A_581 : i32 to index
    %get3A_611 = arith.constant 64 : index
    %get3A_612 = tpu.vector_load %arg10[%get3A_610, %get3A_611] {strides = array<i32>} : memref<16x128xf32, #tpu.memory_space<vmem>>, vector<16xf32>,
    %mul3A_613 = arith.mulf %get3A_612, %broadcast_in_dim3A_577 : vector<16xf32>
    %swap3A_614 = arith.index_cast %add3A_581 : i32 to index
    %swap3A_615 = arith.constant 64 : index
    %swap3A_616 = tpu.vector_load %arg10[%swap3A_614, %swap3A_615] {strides = array<i32>} : memref<16x128xf32, #tpu.memory_space<vmem>>, vector<16xf32>,
    tpu.vector_store %arg10[%swap3A_614, %swap3A_615], %mul3A_613 {strides = array<i32>} : memref<16x128xf32, #tpu.memory_space<vmem>>, vector<16xf32>,
    %get3A_617 = arith.index_cast %add3A_581 : i32 to index
    %get3A_618 = arith.constant 80 : index
    %get3A_619 = tpu.vector_load %arg10[%get3A_617, %get3A_618] {strides = array<i32>} : memref<16x128xf32, #tpu.memory_space<vmem>>, vector<16xf32>,
    %mul3A_620 = arith.mulf %get3A_619, %broadcast_in_dim3A_577 : vector<16xf32>
    %swap3A_621 = arith.index_cast %add3A_581 : i32 to index
    %swap3A_622 = arith.constant 80 : index
    %swap3A_623 = tpu.vector_load %arg10[%swap3A_621, %swap3A_622] {strides = array<i32>} : memref<16x128xf32, #tpu.memory_space<vmem>>, vector<16xf32>,
    tpu.vector_store %arg10[%swap3A_621, %swap3A_622], %mul3A_620 {strides = array<i32>} : memref<16x128xf32, #tpu.memory_space<vmem>>, vector<16xf32>,
    %get3A_624 = arith.index_cast %add3A_581 : i32 to index
    %get3A_625 = arith.constant 96 : index
    %get3A_626 = tpu.vector_load %arg10[%get3A_624, %get3A_625] {strides = array<i32>} : memref<16x128xf32, #tpu.memory_space<vmem>>, vector<16xf32>,
    %mul3A_627 = arith.mulf %get3A_626, %broadcast_in_dim3A_577 : vector<16xf32>
    %swap3A_628 = arith.index_cast %add3A_581 : i32 to index
    %swap3A_629 = arith.constant 96 : index
    %swap3A_630 = tpu.vector_load %arg10[%swap3A_628, %swap3A_629] {strides = array<i32>} : memref<16x128xf32, #tpu.memory_space<vmem>>, vector<16xf32>,
    tpu.vector_store %arg10[%swap3A_628, %swap3A_629], %mul3A_627 {strides = array<i32>} : memref<16x128xf32, #tpu.memory_space<vmem>>, vector<16xf32>,
    %get3A_631 = arith.index_cast %add3A_581 : i32 to index
    %get3A_632 = arith.constant 112 : index
    %get3A_633 = tpu.vector_load %arg10[%get3A_631, %get3A_632] {strides = array<i32>} : memref<16x128xf32, #tpu.memory_space<vmem>>, vector<16xf32>,
    %mul3A_634 = arith.mulf %get3A_633, %broadcast_in_dim3A_577 : vector<16xf32>
    %swap3A_635 = arith.index_cast %add3A_581 : i32 to index
    %swap3A_636 = arith.constant 112 : index
    %swap3A_637 = tpu.vector_load %arg10[%swap3A_635, %swap3A_636] {strides = array<i32>} : memref<16x128xf32, #tpu.memory_space<vmem>>, vector<16xf32>,
    tpu.vector_store %arg10[%swap3A_635, %swap3A_636], %mul3A_634 {strides = array<i32>} : memref<16x128xf32, #tpu.memory_space<vmem>>, vector<16xf32>,
    %slice3A_638 = vector.extract_strided_slice %bitcast3A {offsets = [9], sizes = [1], strides = [1]} : vector<16xf32> to vector<1xf32>
    %squeeze3A_639 = vector.extract %slice3A_638[0] : f32 from vector<1xf32>
    %broadcast_in_dim3A_640 = vector.broadcast %squeeze3A_639 : f32 to vector<16xf32>
    %mul3A_641 = arith.constant 16 : i32
    %mul3A_642 = arith.muli %scan3A_59, %mul3A_641 : i32
    %add3A_643 = arith.constant 9 : i32
    %add3A_644 = arith.addi %mul3A_642, %add3A_643 : i32
    %get3A_645 = arith.index_cast %add3A_644 : i32 to index
    %get3A_646 = arith.constant 0 : index
    %get3A_647 = tpu.vector_load %arg10[%get3A_645, %get3A_646] {strides = array<i32>} : memref<16x128xf32, #tpu.memory_space<vmem>>, vector<16xf32>,
    %mul3A_648 = arith.mulf %get3A_647, %broadcast_in_dim3A_640 : vector<16xf32>
    %swap3A_649 = arith.index_cast %add3A_644 : i32 to index
    %swap3A_650 = arith.constant 0 : index
    %swap3A_651 = tpu.vector_load %arg10[%swap3A_649, %swap3A_650] {strides = array<i32>} : memref<16x128xf32, #tpu.memory_space<vmem>>, vector<16xf32>,
    tpu.vector_store %arg10[%swap3A_649, %swap3A_650], %mul3A_648 {strides = array<i32>} : memref<16x128xf32, #tpu.memory_space<vmem>>, vector<16xf32>,
    %get3A_652 = arith.index_cast %add3A_644 : i32 to index
    %get3A_653 = arith.constant 16 : index
    %get3A_654 = tpu.vector_load %arg10[%get3A_652, %get3A_653] {strides = array<i32>} : memref<16x128xf32, #tpu.memory_space<vmem>>, vector<16xf32>,
    %mul3A_655 = arith.mulf %get3A_654, %broadcast_in_dim3A_640 : vector<16xf32>
    %swap3A_656 = arith.index_cast %add3A_644 : i32 to index
    %swap3A_657 = arith.constant 16 : index
    %swap3A_658 = tpu.vector_load %arg10[%swap3A_656, %swap3A_657] {strides = array<i32>} : memref<16x128xf32, #tpu.memory_space<vmem>>, vector<16xf32>,
    tpu.vector_store %arg10[%swap3A_656, %swap3A_657], %mul3A_655 {strides = array<i32>} : memref<16x128xf32, #tpu.memory_space<vmem>>, vector<16xf32>,
    %get3A_659 = arith.index_cast %add3A_644 : i32 to index
    %get3A_660 = arith.constant 32 : index
    %get3A_661 = tpu.vector_load %arg10[%get3A_659, %get3A_660] {strides = array<i32>} : memref<16x128xf32, #tpu.memory_space<vmem>>, vector<16xf32>,
    %mul3A_662 = arith.mulf %get3A_661, %broadcast_in_dim3A_640 : vector<16xf32>
    %swap3A_663 = arith.index_cast %add3A_644 : i32 to index
    %swap3A_664 = arith.constant 32 : index
    %swap3A_665 = tpu.vector_load %arg10[%swap3A_663, %swap3A_664] {strides = array<i32>} : memref<16x128xf32, #tpu.memory_space<vmem>>, vector<16xf32>,
    tpu.vector_store %arg10[%swap3A_663, %swap3A_664], %mul3A_662 {strides = array<i32>} : memref<16x128xf32, #tpu.memory_space<vmem>>, vector<16xf32>,
    %get3A_666 = arith.index_cast %add3A_644 : i32 to index
    %get3A_667 = arith.constant 48 : index
    %get3A_668 = tpu.vector_load %arg10[%get3A_666, %get3A_667] {strides = array<i32>} : memref<16x128xf32, #tpu.memory_space<vmem>>, vector<16xf32>,
    %mul3A_669 = arith.mulf %get3A_668, %broadcast_in_dim3A_640 : vector<16xf32>
    %swap3A_670 = arith.index_cast %add3A_644 : i32 to index
    %swap3A_671 = arith.constant 48 : index
    %swap3A_672 = tpu.vector_load %arg10[%swap3A_670, %swap3A_671] {strides = array<i32>} : memref<16x128xf32, #tpu.memory_space<vmem>>, vector<16xf32>,
    tpu.vector_store %arg10[%swap3A_670, %swap3A_671], %mul3A_669 {strides = array<i32>} : memref<16x128xf32, #tpu.memory_space<vmem>>, vector<16xf32>,
    %get3A_673 = arith.index_cast %add3A_644 : i32 to index
    %get3A_674 = arith.constant 64 : index
    %get3A_675 = tpu.vector_load %arg10[%get3A_673, %get3A_674] {strides = array<i32>} : memref<16x128xf32, #tpu.memory_space<vmem>>, vector<16xf32>,
    %mul3A_676 = arith.mulf %get3A_675, %broadcast_in_dim3A_640 : vector<16xf32>
    %swap3A_677 = arith.index_cast %add3A_644 : i32 to index
    %swap3A_678 = arith.constant 64 : index
    %swap3A_679 = tpu.vector_load %arg10[%swap3A_677, %swap3A_678] {strides = array<i32>} : memref<16x128xf32, #tpu.memory_space<vmem>>, vector<16xf32>,
    tpu.vector_store %arg10[%swap3A_677, %swap3A_678], %mul3A_676 {strides = array<i32>} : memref<16x128xf32, #tpu.memory_space<vmem>>, vector<16xf32>,
    %get3A_680 = arith.index_cast %add3A_644 : i32 to index
    %get3A_681 = arith.constant 80 : index
    %get3A_682 = tpu.vector_load %arg10[%get3A_680, %get3A_681] {strides = array<i32>} : memref<16x128xf32, #tpu.memory_space<vmem>>, vector<16xf32>,
    %mul3A_683 = arith.mulf %get3A_682, %broadcast_in_dim3A_640 : vector<16xf32>
    %swap3A_684 = arith.index_cast %add3A_644 : i32 to index
    %swap3A_685 = arith.constant 80 : index
    %swap3A_686 = tpu.vector_load %arg10[%swap3A_684, %swap3A_685] {strides = array<i32>} : memref<16x128xf32, #tpu.memory_space<vmem>>, vector<16xf32>,
    tpu.vector_store %arg10[%swap3A_684, %swap3A_685], %mul3A_683 {strides = array<i32>} : memref<16x128xf32, #tpu.memory_space<vmem>>, vector<16xf32>,
    %get3A_687 = arith.index_cast %add3A_644 : i32 to index
    %get3A_688 = arith.constant 96 : index
    %get3A_689 = tpu.vector_load %arg10[%get3A_687, %get3A_688] {strides = array<i32>} : memref<16x128xf32, #tpu.memory_space<vmem>>, vector<16xf32>,
    %mul3A_690 = arith.mulf %get3A_689, %broadcast_in_dim3A_640 : vector<16xf32>
    %swap3A_691 = arith.index_cast %add3A_644 : i32 to index
    %swap3A_692 = arith.constant 96 : index
    %swap3A_693 = tpu.vector_load %arg10[%swap3A_691, %swap3A_692] {strides = array<i32>} : memref<16x128xf32, #tpu.memory_space<vmem>>, vector<16xf32>,
    tpu.vector_store %arg10[%swap3A_691, %swap3A_692], %mul3A_690 {strides = array<i32>} : memref<16x128xf32, #tpu.memory_space<vmem>>, vector<16xf32>,
    %get3A_694 = arith.index_cast %add3A_644 : i32 to index
    %get3A_695 = arith.constant 112 : index
    %get3A_696 = tpu.vector_load %arg10[%get3A_694, %get3A_695] {strides = array<i32>} : memref<16x128xf32, #tpu.memory_space<vmem>>, vector<16xf32>,
    %mul3A_697 = arith.mulf %get3A_696, %broadcast_in_dim3A_640 : vector<16xf32>
    %swap3A_698 = arith.index_cast %add3A_644 : i32 to index
    %swap3A_699 = arith.constant 112 : index
    %swap3A_700 = tpu.vector_load %arg10[%swap3A_698, %swap3A_699] {strides = array<i32>} : memref<16x128xf32, #tpu.memory_space<vmem>>, vector<16xf32>,
    tpu.vector_store %arg10[%swap3A_698, %swap3A_699], %mul3A_697 {strides = array<i32>} : memref<16x128xf32, #tpu.memory_space<vmem>>, vector<16xf32>,
    %slice3A_701 = vector.extract_strided_slice %bitcast3A {offsets = [10], sizes = [1], strides = [1]} : vector<16xf32> to vector<1xf32>
    %squeeze3A_702 = vector.extract %slice3A_701[0] : f32 from vector<1xf32>
    %broadcast_in_dim3A_703 = vector.broadcast %squeeze3A_702 : f32 to vector<16xf32>
    %mul3A_704 = arith.constant 16 : i32
    %mul3A_705 = arith.muli %scan3A_59, %mul3A_704 : i32
    %add3A_706 = arith.constant 10 : i32
    %add3A_707 = arith.addi %mul3A_705, %add3A_706 : i32
    %get3A_708 = arith.index_cast %add3A_707 : i32 to index
    %get3A_709 = arith.constant 0 : index
    %get3A_710 = tpu.vector_load %arg10[%get3A_708, %get3A_709] {strides = array<i32>} : memref<16x128xf32, #tpu.memory_space<vmem>>, vector<16xf32>,
    %mul3A_711 = arith.mulf %get3A_710, %broadcast_in_dim3A_703 : vector<16xf32>
    %swap3A_712 = arith.index_cast %add3A_707 : i32 to index
    %swap3A_713 = arith.constant 0 : index
    %swap3A_714 = tpu.vector_load %arg10[%swap3A_712, %swap3A_713] {strides = array<i32>} : memref<16x128xf32, #tpu.memory_space<vmem>>, vector<16xf32>,
    tpu.vector_store %arg10[%swap3A_712, %swap3A_713], %mul3A_711 {strides = array<i32>} : memref<16x128xf32, #tpu.memory_space<vmem>>, vector<16xf32>,
    %get3A_715 = arith.index_cast %add3A_707 : i32 to index
    %get3A_716 = arith.constant 16 : index
    %get3A_717 = tpu.vector_load %arg10[%get3A_715, %get3A_716] {strides = array<i32>} : memref<16x128xf32, #tpu.memory_space<vmem>>, vector<16xf32>,
    %mul3A_718 = arith.mulf %get3A_717, %broadcast_in_dim3A_703 : vector<16xf32>
    %swap3A_719 = arith.index_cast %add3A_707 : i32 to index
    %swap3A_720 = arith.constant 16 : index
    %swap3A_721 = tpu.vector_load %arg10[%swap3A_719, %swap3A_720] {strides = array<i32>} : memref<16x128xf32, #tpu.memory_space<vmem>>, vector<16xf32>,
    tpu.vector_store %arg10[%swap3A_719, %swap3A_720], %mul3A_718 {strides = array<i32>} : memref<16x128xf32, #tpu.memory_space<vmem>>, vector<16xf32>,
    %get3A_722 = arith.index_cast %add3A_707 : i32 to index
    %get3A_723 = arith.constant 32 : index
    %get3A_724 = tpu.vector_load %arg10[%get3A_722, %get3A_723] {strides = array<i32>} : memref<16x128xf32, #tpu.memory_space<vmem>>, vector<16xf32>,
    %mul3A_725 = arith.mulf %get3A_724, %broadcast_in_dim3A_703 : vector<16xf32>
    %swap3A_726 = arith.index_cast %add3A_707 : i32 to index
    %swap3A_727 = arith.constant 32 : index
    %swap3A_728 = tpu.vector_load %arg10[%swap3A_726, %swap3A_727] {strides = array<i32>} : memref<16x128xf32, #tpu.memory_space<vmem>>, vector<16xf32>,
    tpu.vector_store %arg10[%swap3A_726, %swap3A_727], %mul3A_725 {strides = array<i32>} : memref<16x128xf32, #tpu.memory_space<vmem>>, vector<16xf32>,
    %get3A_729 = arith.index_cast %add3A_707 : i32 to index
    %get3A_730 = arith.constant 48 : index
    %get3A_731 = tpu.vector_load %arg10[%get3A_729, %get3A_730] {strides = array<i32>} : memref<16x128xf32, #tpu.memory_space<vmem>>, vector<16xf32>,
    %mul3A_732 = arith.mulf %get3A_731, %broadcast_in_dim3A_703 : vector<16xf32>
    %swap3A_733 = arith.index_cast %add3A_707 : i32 to index
    %swap3A_734 = arith.constant 48 : index
    %swap3A_735 = tpu.vector_load %arg10[%swap3A_733, %swap3A_734] {strides = array<i32>} : memref<16x128xf32, #tpu.memory_space<vmem>>, vector<16xf32>,
    tpu.vector_store %arg10[%swap3A_733, %swap3A_734], %mul3A_732 {strides = array<i32>} : memref<16x128xf32, #tpu.memory_space<vmem>>, vector<16xf32>,
    %get3A_736 = arith.index_cast %add3A_707 : i32 to index
    %get3A_737 = arith.constant 64 : index
    %get3A_738 = tpu.vector_load %arg10[%get3A_736, %get3A_737] {strides = array<i32>} : memref<16x128xf32, #tpu.memory_space<vmem>>, vector<16xf32>,
    %mul3A_739 = arith.mulf %get3A_738, %broadcast_in_dim3A_703 : vector<16xf32>
    %swap3A_740 = arith.index_cast %add3A_707 : i32 to index
    %swap3A_741 = arith.constant 64 : index
    %swap3A_742 = tpu.vector_load %arg10[%swap3A_740, %swap3A_741] {strides = array<i32>} : memref<16x128xf32, #tpu.memory_space<vmem>>, vector<16xf32>,
    tpu.vector_store %arg10[%swap3A_740, %swap3A_741], %mul3A_739 {strides = array<i32>} : memref<16x128xf32, #tpu.memory_space<vmem>>, vector<16xf32>,
    %get3A_743 = arith.index_cast %add3A_707 : i32 to index
    %get3A_744 = arith.constant 80 : index
    %get3A_745 = tpu.vector_load %arg10[%get3A_743, %get3A_744] {strides = array<i32>} : memref<16x128xf32, #tpu.memory_space<vmem>>, vector<16xf32>,
    %mul3A_746 = arith.mulf %get3A_745, %broadcast_in_dim3A_703 : vector<16xf32>
    %swap3A_747 = arith.index_cast %add3A_707 : i32 to index
    %swap3A_748 = arith.constant 80 : index
    %swap3A_749 = tpu.vector_load %arg10[%swap3A_747, %swap3A_748] {strides = array<i32>} : memref<16x128xf32, #tpu.memory_space<vmem>>, vector<16xf32>,
    tpu.vector_store %arg10[%swap3A_747, %swap3A_748], %mul3A_746 {strides = array<i32>} : memref<16x128xf32, #tpu.memory_space<vmem>>, vector<16xf32>,
    %get3A_750 = arith.index_cast %add3A_707 : i32 to index
    %get3A_751 = arith.constant 96 : index
    %get3A_752 = tpu.vector_load %arg10[%get3A_750, %get3A_751] {strides = array<i32>} : memref<16x128xf32, #tpu.memory_space<vmem>>, vector<16xf32>,
    %mul3A_753 = arith.mulf %get3A_752, %broadcast_in_dim3A_703 : vector<16xf32>
    %swap3A_754 = arith.index_cast %add3A_707 : i32 to index
    %swap3A_755 = arith.constant 96 : index
    %swap3A_756 = tpu.vector_load %arg10[%swap3A_754, %swap3A_755] {strides = array<i32>} : memref<16x128xf32, #tpu.memory_space<vmem>>, vector<16xf32>,
    tpu.vector_store %arg10[%swap3A_754, %swap3A_755], %mul3A_753 {strides = array<i32>} : memref<16x128xf32, #tpu.memory_space<vmem>>, vector<16xf32>,
    %get3A_757 = arith.index_cast %add3A_707 : i32 to index
    %get3A_758 = arith.constant 112 : index
    %get3A_759 = tpu.vector_load %arg10[%get3A_757, %get3A_758] {strides = array<i32>} : memref<16x128xf32, #tpu.memory_space<vmem>>, vector<16xf32>,
    %mul3A_760 = arith.mulf %get3A_759, %broadcast_in_dim3A_703 : vector<16xf32>
    %swap3A_761 = arith.index_cast %add3A_707 : i32 to index
    %swap3A_762 = arith.constant 112 : index
    %swap3A_763 = tpu.vector_load %arg10[%swap3A_761, %swap3A_762] {strides = array<i32>} : memref<16x128xf32, #tpu.memory_space<vmem>>, vector<16xf32>,
    tpu.vector_store %arg10[%swap3A_761, %swap3A_762], %mul3A_760 {strides = array<i32>} : memref<16x128xf32, #tpu.memory_space<vmem>>, vector<16xf32>,
    %slice3A_764 = vector.extract_strided_slice %bitcast3A {offsets = [11], sizes = [1], strides = [1]} : vector<16xf32> to vector<1xf32>
    %squeeze3A_765 = vector.extract %slice3A_764[0] : f32 from vector<1xf32>
    %broadcast_in_dim3A_766 = vector.broadcast %squeeze3A_765 : f32 to vector<16xf32>
    %mul3A_767 = arith.constant 16 : i32
    %mul3A_768 = arith.muli %scan3A_59, %mul3A_767 : i32
    %add3A_769 = arith.constant 11 : i32
    %add3A_770 = arith.addi %mul3A_768, %add3A_769 : i32
    %get3A_771 = arith.index_cast %add3A_770 : i32 to index
    %get3A_772 = arith.constant 0 : index
    %get3A_773 = tpu.vector_load %arg10[%get3A_771, %get3A_772] {strides = array<i32>} : memref<16x128xf32, #tpu.memory_space<vmem>>, vector<16xf32>,
    %mul3A_774 = arith.mulf %get3A_773, %broadcast_in_dim3A_766 : vector<16xf32>
    %swap3A_775 = arith.index_cast %add3A_770 : i32 to index
    %swap3A_776 = arith.constant 0 : index
    %swap3A_777 = tpu.vector_load %arg10[%swap3A_775, %swap3A_776] {strides = array<i32>} : memref<16x128xf32, #tpu.memory_space<vmem>>, vector<16xf32>,
    tpu.vector_store %arg10[%swap3A_775, %swap3A_776], %mul3A_774 {strides = array<i32>} : memref<16x128xf32, #tpu.memory_space<vmem>>, vector<16xf32>,
    %get3A_778 = arith.index_cast %add3A_770 : i32 to index
    %get3A_779 = arith.constant 16 : index
    %get3A_780 = tpu.vector_load %arg10[%get3A_778, %get3A_779] {strides = array<i32>} : memref<16x128xf32, #tpu.memory_space<vmem>>, vector<16xf32>,
    %mul3A_781 = arith.mulf %get3A_780, %broadcast_in_dim3A_766 : vector<16xf32>
    %swap3A_782 = arith.index_cast %add3A_770 : i32 to index
    %swap3A_783 = arith.constant 16 : index
    %swap3A_784 = tpu.vector_load %arg10[%swap3A_782, %swap3A_783] {strides = array<i32>} : memref<16x128xf32, #tpu.memory_space<vmem>>, vector<16xf32>,
    tpu.vector_store %arg10[%swap3A_782, %swap3A_783], %mul3A_781 {strides = array<i32>} : memref<16x128xf32, #tpu.memory_space<vmem>>, vector<16xf32>,
    %get3A_785 = arith.index_cast %add3A_770 : i32 to index
    %get3A_786 = arith.constant 32 : index
    %get3A_787 = tpu.vector_load %arg10[%get3A_785, %get3A_786] {strides = array<i32>} : memref<16x128xf32, #tpu.memory_space<vmem>>, vector<16xf32>,
    %mul3A_788 = arith.mulf %get3A_787, %broadcast_in_dim3A_766 : vector<16xf32>
    %swap3A_789 = arith.index_cast %add3A_770 : i32 to index
    %swap3A_790 = arith.constant 32 : index
    %swap3A_791 = tpu.vector_load %arg10[%swap3A_789, %swap3A_790] {strides = array<i32>} : memref<16x128xf32, #tpu.memory_space<vmem>>, vector<16xf32>,
    tpu.vector_store %arg10[%swap3A_789, %swap3A_790], %mul3A_788 {strides = array<i32>} : memref<16x128xf32, #tpu.memory_space<vmem>>, vector<16xf32>,
    %get3A_792 = arith.index_cast %add3A_770 : i32 to index
    %get3A_793 = arith.constant 48 : index
    %get3A_794 = tpu.vector_load %arg10[%get3A_792, %get3A_793] {strides = array<i32>} : memref<16x128xf32, #tpu.memory_space<vmem>>, vector<16xf32>,
    %mul3A_795 = arith.mulf %get3A_794, %broadcast_in_dim3A_766 : vector<16xf32>
    %swap3A_796 = arith.index_cast %add3A_770 : i32 to index
    %swap3A_797 = arith.constant 48 : index
    %swap3A_798 = tpu.vector_load %arg10[%swap3A_796, %swap3A_797] {strides = array<i32>} : memref<16x128xf32, #tpu.memory_space<vmem>>, vector<16xf32>,
    tpu.vector_store %arg10[%swap3A_796, %swap3A_797], %mul3A_795 {strides = array<i32>} : memref<16x128xf32, #tpu.memory_space<vmem>>, vector<16xf32>,
    %get3A_799 = arith.index_cast %add3A_770 : i32 to index
    %get3A_800 = arith.constant 64 : index
    %get3A_801 = tpu.vector_load %arg10[%get3A_799, %get3A_800] {strides = array<i32>} : memref<16x128xf32, #tpu.memory_space<vmem>>, vector<16xf32>,
    %mul3A_802 = arith.mulf %get3A_801, %broadcast_in_dim3A_766 : vector<16xf32>
    %swap3A_803 = arith.index_cast %add3A_770 : i32 to index
    %swap3A_804 = arith.constant 64 : index
    %swap3A_805 = tpu.vector_load %arg10[%swap3A_803, %swap3A_804] {strides = array<i32>} : memref<16x128xf32, #tpu.memory_space<vmem>>, vector<16xf32>,
    tpu.vector_store %arg10[%swap3A_803, %swap3A_804], %mul3A_802 {strides = array<i32>} : memref<16x128xf32, #tpu.memory_space<vmem>>, vector<16xf32>,
    %get3A_806 = arith.index_cast %add3A_770 : i32 to index
    %get3A_807 = arith.constant 80 : index
    %get3A_808 = tpu.vector_load %arg10[%get3A_806, %get3A_807] {strides = array<i32>} : memref<16x128xf32, #tpu.memory_space<vmem>>, vector<16xf32>,
    %mul3A_809 = arith.mulf %get3A_808, %broadcast_in_dim3A_766 : vector<16xf32>
    %swap3A_810 = arith.index_cast %add3A_770 : i32 to index
    %swap3A_811 = arith.constant 80 : index
    %swap3A_812 = tpu.vector_load %arg10[%swap3A_810, %swap3A_811] {strides = array<i32>} : memref<16x128xf32, #tpu.memory_space<vmem>>, vector<16xf32>,
    tpu.vector_store %arg10[%swap3A_810, %swap3A_811], %mul3A_809 {strides = array<i32>} : memref<16x128xf32, #tpu.memory_space<vmem>>, vector<16xf32>,
    %get3A_813 = arith.index_cast %add3A_770 : i32 to index
    %get3A_814 = arith.constant 96 : index
    %get3A_815 = tpu.vector_load %arg10[%get3A_813, %get3A_814] {strides = array<i32>} : memref<16x128xf32, #tpu.memory_space<vmem>>, vector<16xf32>,
    %mul3A_816 = arith.mulf %get3A_815, %broadcast_in_dim3A_766 : vector<16xf32>
    %swap3A_817 = arith.index_cast %add3A_770 : i32 to index
    %swap3A_818 = arith.constant 96 : index
    %swap3A_819 = tpu.vector_load %arg10[%swap3A_817, %swap3A_818] {strides = array<i32>} : memref<16x128xf32, #tpu.memory_space<vmem>>, vector<16xf32>,
    tpu.vector_store %arg10[%swap3A_817, %swap3A_818], %mul3A_816 {strides = array<i32>} : memref<16x128xf32, #tpu.memory_space<vmem>>, vector<16xf32>,
    %get3A_820 = arith.index_cast %add3A_770 : i32 to index
    %get3A_821 = arith.constant 112 : index
    %get3A_822 = tpu.vector_load %arg10[%get3A_820, %get3A_821] {strides = array<i32>} : memref<16x128xf32, #tpu.memory_space<vmem>>, vector<16xf32>,
    %mul3A_823 = arith.mulf %get3A_822, %broadcast_in_dim3A_766 : vector<16xf32>
    %swap3A_824 = arith.index_cast %add3A_770 : i32 to index
    %swap3A_825 = arith.constant 112 : index
    %swap3A_826 = tpu.vector_load %arg10[%swap3A_824, %swap3A_825] {strides = array<i32>} : memref<16x128xf32, #tpu.memory_space<vmem>>, vector<16xf32>,
    tpu.vector_store %arg10[%swap3A_824, %swap3A_825], %mul3A_823 {strides = array<i32>} : memref<16x128xf32, #tpu.memory_space<vmem>>, vector<16xf32>,
    %slice3A_827 = vector.extract_strided_slice %bitcast3A {offsets = [12], sizes = [1], strides = [1]} : vector<16xf32> to vector<1xf32>
    %squeeze3A_828 = vector.extract %slice3A_827[0] : f32 from vector<1xf32>
    %broadcast_in_dim3A_829 = vector.broadcast %squeeze3A_828 : f32 to vector<16xf32>
    %mul3A_830 = arith.constant 16 : i32
    %mul3A_831 = arith.muli %scan3A_59, %mul3A_830 : i32
    %add3A_832 = arith.constant 12 : i32
    %add3A_833 = arith.addi %mul3A_831, %add3A_832 : i32
    %get3A_834 = arith.index_cast %add3A_833 : i32 to index
    %get3A_835 = arith.constant 0 : index
    %get3A_836 = tpu.vector_load %arg10[%get3A_834, %get3A_835] {strides = array<i32>} : memref<16x128xf32, #tpu.memory_space<vmem>>, vector<16xf32>,
    %mul3A_837 = arith.mulf %get3A_836, %broadcast_in_dim3A_829 : vector<16xf32>
    %swap3A_838 = arith.index_cast %add3A_833 : i32 to index
    %swap3A_839 = arith.constant 0 : index
    %swap3A_840 = tpu.vector_load %arg10[%swap3A_838, %swap3A_839] {strides = array<i32>} : memref<16x128xf32, #tpu.memory_space<vmem>>, vector<16xf32>,
    tpu.vector_store %arg10[%swap3A_838, %swap3A_839], %mul3A_837 {strides = array<i32>} : memref<16x128xf32, #tpu.memory_space<vmem>>, vector<16xf32>,
    %get3A_841 = arith.index_cast %add3A_833 : i32 to index
    %get3A_842 = arith.constant 16 : index
    %get3A_843 = tpu.vector_load %arg10[%get3A_841, %get3A_842] {strides = array<i32>} : memref<16x128xf32, #tpu.memory_space<vmem>>, vector<16xf32>,
    %mul3A_844 = arith.mulf %get3A_843, %broadcast_in_dim3A_829 : vector<16xf32>
    %swap3A_845 = arith.index_cast %add3A_833 : i32 to index
    %swap3A_846 = arith.constant 16 : index
    %swap3A_847 = tpu.vector_load %arg10[%swap3A_845, %swap3A_846] {strides = array<i32>} : memref<16x128xf32, #tpu.memory_space<vmem>>, vector<16xf32>,
    tpu.vector_store %arg10[%swap3A_845, %swap3A_846], %mul3A_844 {strides = array<i32>} : memref<16x128xf32, #tpu.memory_space<vmem>>, vector<16xf32>,
    %get3A_848 = arith.index_cast %add3A_833 : i32 to index
    %get3A_849 = arith.constant 32 : index
    %get3A_850 = tpu.vector_load %arg10[%get3A_848, %get3A_849] {strides = array<i32>} : memref<16x128xf32, #tpu.memory_space<vmem>>, vector<16xf32>,
    %mul3A_851 = arith.mulf %get3A_850, %broadcast_in_dim3A_829 : vector<16xf32>
    %swap3A_852 = arith.index_cast %add3A_833 : i32 to index
    %swap3A_853 = arith.constant 32 : index
    %swap3A_854 = tpu.vector_load %arg10[%swap3A_852, %swap3A_853] {strides = array<i32>} : memref<16x128xf32, #tpu.memory_space<vmem>>, vector<16xf32>,
    tpu.vector_store %arg10[%swap3A_852, %swap3A_853], %mul3A_851 {strides = array<i32>} : memref<16x128xf32, #tpu.memory_space<vmem>>, vector<16xf32>,
    %get3A_855 = arith.index_cast %add3A_833 : i32 to index
    %get3A_856 = arith.constant 48 : index
    %get3A_857 = tpu.vector_load %arg10[%get3A_855, %get3A_856] {strides = array<i32>} : memref<16x128xf32, #tpu.memory_space<vmem>>, vector<16xf32>,
    %mul3A_858 = arith.mulf %get3A_857, %broadcast_in_dim3A_829 : vector<16xf32>
    %swap3A_859 = arith.index_cast %add3A_833 : i32 to index
    %swap3A_860 = arith.constant 48 : index
    %swap3A_861 = tpu.vector_load %arg10[%swap3A_859, %swap3A_860] {strides = array<i32>} : memref<16x128xf32, #tpu.memory_space<vmem>>, vector<16xf32>,
    tpu.vector_store %arg10[%swap3A_859, %swap3A_860], %mul3A_858 {strides = array<i32>} : memref<16x128xf32, #tpu.memory_space<vmem>>, vector<16xf32>,
    %get3A_862 = arith.index_cast %add3A_833 : i32 to index
    %get3A_863 = arith.constant 64 : index
    %get3A_864 = tpu.vector_load %arg10[%get3A_862, %get3A_863] {strides = array<i32>} : memref<16x128xf32, #tpu.memory_space<vmem>>, vector<16xf32>,
    %mul3A_865 = arith.mulf %get3A_864, %broadcast_in_dim3A_829 : vector<16xf32>
    %swap3A_866 = arith.index_cast %add3A_833 : i32 to index
    %swap3A_867 = arith.constant 64 : index
    %swap3A_868 = tpu.vector_load %arg10[%swap3A_866, %swap3A_867] {strides = array<i32>} : memref<16x128xf32, #tpu.memory_space<vmem>>, vector<16xf32>,
    tpu.vector_store %arg10[%swap3A_866, %swap3A_867], %mul3A_865 {strides = array<i32>} : memref<16x128xf32, #tpu.memory_space<vmem>>, vector<16xf32>,
    %get3A_869 = arith.index_cast %add3A_833 : i32 to index
    %get3A_870 = arith.constant 80 : index
    %get3A_871 = tpu.vector_load %arg10[%get3A_869, %get3A_870] {strides = array<i32>} : memref<16x128xf32, #tpu.memory_space<vmem>>, vector<16xf32>,
    %mul3A_872 = arith.mulf %get3A_871, %broadcast_in_dim3A_829 : vector<16xf32>
    %swap3A_873 = arith.index_cast %add3A_833 : i32 to index
    %swap3A_874 = arith.constant 80 : index
    %swap3A_875 = tpu.vector_load %arg10[%swap3A_873, %swap3A_874] {strides = array<i32>} : memref<16x128xf32, #tpu.memory_space<vmem>>, vector<16xf32>,
    tpu.vector_store %arg10[%swap3A_873, %swap3A_874], %mul3A_872 {strides = array<i32>} : memref<16x128xf32, #tpu.memory_space<vmem>>, vector<16xf32>,
    %get3A_876 = arith.index_cast %add3A_833 : i32 to index
    %get3A_877 = arith.constant 96 : index
    %get3A_878 = tpu.vector_load %arg10[%get3A_876, %get3A_877] {strides = array<i32>} : memref<16x128xf32, #tpu.memory_space<vmem>>, vector<16xf32>,
    %mul3A_879 = arith.mulf %get3A_878, %broadcast_in_dim3A_829 : vector<16xf32>
    %swap3A_880 = arith.index_cast %add3A_833 : i32 to index
    %swap3A_881 = arith.constant 96 : index
    %swap3A_882 = tpu.vector_load %arg10[%swap3A_880, %swap3A_881] {strides = array<i32>} : memref<16x128xf32, #tpu.memory_space<vmem>>, vector<16xf32>,
    tpu.vector_store %arg10[%swap3A_880, %swap3A_881], %mul3A_879 {strides = array<i32>} : memref<16x128xf32, #tpu.memory_space<vmem>>, vector<16xf32>,
    %get3A_883 = arith.index_cast %add3A_833 : i32 to index
    %get3A_884 = arith.constant 112 : index
    %get3A_885 = tpu.vector_load %arg10[%get3A_883, %get3A_884] {strides = array<i32>} : memref<16x128xf32, #tpu.memory_space<vmem>>, vector<16xf32>,
    %mul3A_886 = arith.mulf %get3A_885, %broadcast_in_dim3A_829 : vector<16xf32>
    %swap3A_887 = arith.index_cast %add3A_833 : i32 to index
    %swap3A_888 = arith.constant 112 : index
    %swap3A_889 = tpu.vector_load %arg10[%swap3A_887, %swap3A_888] {strides = array<i32>} : memref<16x128xf32, #tpu.memory_space<vmem>>, vector<16xf32>,
    tpu.vector_store %arg10[%swap3A_887, %swap3A_888], %mul3A_886 {strides = array<i32>} : memref<16x128xf32, #tpu.memory_space<vmem>>, vector<16xf32>,
    %slice3A_890 = vector.extract_strided_slice %bitcast3A {offsets = [13], sizes = [1], strides = [1]} : vector<16xf32> to vector<1xf32>
    %squeeze3A_891 = vector.extract %slice3A_890[0] : f32 from vector<1xf32>
    %broadcast_in_dim3A_892 = vector.broadcast %squeeze3A_891 : f32 to vector<16xf32>
    %mul3A_893 = arith.constant 16 : i32
    %mul3A_894 = arith.muli %scan3A_59, %mul3A_893 : i32
    %add3A_895 = arith.constant 13 : i32
    %add3A_896 = arith.addi %mul3A_894, %add3A_895 : i32
    %get3A_897 = arith.index_cast %add3A_896 : i32 to index
    %get3A_898 = arith.constant 0 : index
    %get3A_899 = tpu.vector_load %arg10[%get3A_897, %get3A_898] {strides = array<i32>} : memref<16x128xf32, #tpu.memory_space<vmem>>, vector<16xf32>,
    %mul3A_900 = arith.mulf %get3A_899, %broadcast_in_dim3A_892 : vector<16xf32>
    %swap3A_901 = arith.index_cast %add3A_896 : i32 to index
    %swap3A_902 = arith.constant 0 : index
    %swap3A_903 = tpu.vector_load %arg10[%swap3A_901, %swap3A_902] {strides = array<i32>} : memref<16x128xf32, #tpu.memory_space<vmem>>, vector<16xf32>,
    tpu.vector_store %arg10[%swap3A_901, %swap3A_902], %mul3A_900 {strides = array<i32>} : memref<16x128xf32, #tpu.memory_space<vmem>>, vector<16xf32>,
    %get3A_904 = arith.index_cast %add3A_896 : i32 to index
    %get3A_905 = arith.constant 16 : index
    %get3A_906 = tpu.vector_load %arg10[%get3A_904, %get3A_905] {strides = array<i32>} : memref<16x128xf32, #tpu.memory_space<vmem>>, vector<16xf32>,
    %mul3A_907 = arith.mulf %get3A_906, %broadcast_in_dim3A_892 : vector<16xf32>
    %swap3A_908 = arith.index_cast %add3A_896 : i32 to index
    %swap3A_909 = arith.constant 16 : index
    %swap3A_910 = tpu.vector_load %arg10[%swap3A_908, %swap3A_909] {strides = array<i32>} : memref<16x128xf32, #tpu.memory_space<vmem>>, vector<16xf32>,
    tpu.vector_store %arg10[%swap3A_908, %swap3A_909], %mul3A_907 {strides = array<i32>} : memref<16x128xf32, #tpu.memory_space<vmem>>, vector<16xf32>,
    %get3A_911 = arith.index_cast %add3A_896 : i32 to index
    %get3A_912 = arith.constant 32 : index
    %get3A_913 = tpu.vector_load %arg10[%get3A_911, %get3A_912] {strides = array<i32>} : memref<16x128xf32, #tpu.memory_space<vmem>>, vector<16xf32>,
    %mul3A_914 = arith.mulf %get3A_913, %broadcast_in_dim3A_892 : vector<16xf32>
    %swap3A_915 = arith.index_cast %add3A_896 : i32 to index
    %swap3A_916 = arith.constant 32 : index
    %swap3A_917 = tpu.vector_load %arg10[%swap3A_915, %swap3A_916] {strides = array<i32>} : memref<16x128xf32, #tpu.memory_space<vmem>>, vector<16xf32>,
    tpu.vector_store %arg10[%swap3A_915, %swap3A_916], %mul3A_914 {strides = array<i32>} : memref<16x128xf32, #tpu.memory_space<vmem>>, vector<16xf32>,
    %get3A_918 = arith.index_cast %add3A_896 : i32 to index
    %get3A_919 = arith.constant 48 : index
    %get3A_920 = tpu.vector_load %arg10[%get3A_918, %get3A_919] {strides = array<i32>} : memref<16x128xf32, #tpu.memory_space<vmem>>, vector<16xf32>,
    %mul3A_921 = arith.mulf %get3A_920, %broadcast_in_dim3A_892 : vector<16xf32>
    %swap3A_922 = arith.index_cast %add3A_896 : i32 to index
    %swap3A_923 = arith.constant 48 : index
    %swap3A_924 = tpu.vector_load %arg10[%swap3A_922, %swap3A_923] {strides = array<i32>} : memref<16x128xf32, #tpu.memory_space<vmem>>, vector<16xf32>,
    tpu.vector_store %arg10[%swap3A_922, %swap3A_923], %mul3A_921 {strides = array<i32>} : memref<16x128xf32, #tpu.memory_space<vmem>>, vector<16xf32>,
    %get3A_925 = arith.index_cast %add3A_896 : i32 to index
    %get3A_926 = arith.constant 64 : index
    %get3A_927 = tpu.vector_load %arg10[%get3A_925, %get3A_926] {strides = array<i32>} : memref<16x128xf32, #tpu.memory_space<vmem>>, vector<16xf32>,
    %mul3A_928 = arith.mulf %get3A_927, %broadcast_in_dim3A_892 : vector<16xf32>
    %swap3A_929 = arith.index_cast %add3A_896 : i32 to index
    %swap3A_930 = arith.constant 64 : index
    %swap3A_931 = tpu.vector_load %arg10[%swap3A_929, %swap3A_930] {strides = array<i32>} : memref<16x128xf32, #tpu.memory_space<vmem>>, vector<16xf32>,
    tpu.vector_store %arg10[%swap3A_929, %swap3A_930], %mul3A_928 {strides = array<i32>} : memref<16x128xf32, #tpu.memory_space<vmem>>, vector<16xf32>,
    %get3A_932 = arith.index_cast %add3A_896 : i32 to index
    %get3A_933 = arith.constant 80 : index
    %get3A_934 = tpu.vector_load %arg10[%get3A_932, %get3A_933] {strides = array<i32>} : memref<16x128xf32, #tpu.memory_space<vmem>>, vector<16xf32>,
    %mul3A_935 = arith.mulf %get3A_934, %broadcast_in_dim3A_892 : vector<16xf32>
    %swap3A_936 = arith.index_cast %add3A_896 : i32 to index
    %swap3A_937 = arith.constant 80 : index
    %swap3A_938 = tpu.vector_load %arg10[%swap3A_936, %swap3A_937] {strides = array<i32>} : memref<16x128xf32, #tpu.memory_space<vmem>>, vector<16xf32>,
    tpu.vector_store %arg10[%swap3A_936, %swap3A_937], %mul3A_935 {strides = array<i32>} : memref<16x128xf32, #tpu.memory_space<vmem>>, vector<16xf32>,
    %get3A_939 = arith.index_cast %add3A_896 : i32 to index
    %get3A_940 = arith.constant 96 : index
    %get3A_941 = tpu.vector_load %arg10[%get3A_939, %get3A_940] {strides = array<i32>} : memref<16x128xf32, #tpu.memory_space<vmem>>, vector<16xf32>,
    %mul3A_942 = arith.mulf %get3A_941, %broadcast_in_dim3A_892 : vector<16xf32>
    %swap3A_943 = arith.index_cast %add3A_896 : i32 to index
    %swap3A_944 = arith.constant 96 : index
    %swap3A_945 = tpu.vector_load %arg10[%swap3A_943, %swap3A_944] {strides = array<i32>} : memref<16x128xf32, #tpu.memory_space<vmem>>, vector<16xf32>,
    tpu.vector_store %arg10[%swap3A_943, %swap3A_944], %mul3A_942 {strides = array<i32>} : memref<16x128xf32, #tpu.memory_space<vmem>>, vector<16xf32>,
    %get3A_946 = arith.index_cast %add3A_896 : i32 to index
    %get3A_947 = arith.constant 112 : index
    %get3A_948 = tpu.vector_load %arg10[%get3A_946, %get3A_947] {strides = array<i32>} : memref<16x128xf32, #tpu.memory_space<vmem>>, vector<16xf32>,
    %mul3A_949 = arith.mulf %get3A_948, %broadcast_in_dim3A_892 : vector<16xf32>
    %swap3A_950 = arith.index_cast %add3A_896 : i32 to index
    %swap3A_951 = arith.constant 112 : index
    %swap3A_952 = tpu.vector_load %arg10[%swap3A_950, %swap3A_951] {strides = array<i32>} : memref<16x128xf32, #tpu.memory_space<vmem>>, vector<16xf32>,
    tpu.vector_store %arg10[%swap3A_950, %swap3A_951], %mul3A_949 {strides = array<i32>} : memref<16x128xf32, #tpu.memory_space<vmem>>, vector<16xf32>,
    %slice3A_953 = vector.extract_strided_slice %bitcast3A {offsets = [14], sizes = [1], strides = [1]} : vector<16xf32> to vector<1xf32>
    %squeeze3A_954 = vector.extract %slice3A_953[0] : f32 from vector<1xf32>
    %broadcast_in_dim3A_955 = vector.broadcast %squeeze3A_954 : f32 to vector<16xf32>
    %mul3A_956 = arith.constant 16 : i32
    %mul3A_957 = arith.muli %scan3A_59, %mul3A_956 : i32
    %add3A_958 = arith.constant 14 : i32
    %add3A_959 = arith.addi %mul3A_957, %add3A_958 : i32
    %get3A_960 = arith.index_cast %add3A_959 : i32 to index
    %get3A_961 = arith.constant 0 : index
    %get3A_962 = tpu.vector_load %arg10[%get3A_960, %get3A_961] {strides = array<i32>} : memref<16x128xf32, #tpu.memory_space<vmem>>, vector<16xf32>,
    %mul3A_963 = arith.mulf %get3A_962, %broadcast_in_dim3A_955 : vector<16xf32>
    %swap3A_964 = arith.index_cast %add3A_959 : i32 to index
    %swap3A_965 = arith.constant 0 : index
    %swap3A_966 = tpu.vector_load %arg10[%swap3A_964, %swap3A_965] {strides = array<i32>} : memref<16x128xf32, #tpu.memory_space<vmem>>, vector<16xf32>,
    tpu.vector_store %arg10[%swap3A_964, %swap3A_965], %mul3A_963 {strides = array<i32>} : memref<16x128xf32, #tpu.memory_space<vmem>>, vector<16xf32>,
    %get3A_967 = arith.index_cast %add3A_959 : i32 to index
    %get3A_968 = arith.constant 16 : index
    %get3A_969 = tpu.vector_load %arg10[%get3A_967, %get3A_968] {strides = array<i32>} : memref<16x128xf32, #tpu.memory_space<vmem>>, vector<16xf32>,
    %mul3A_970 = arith.mulf %get3A_969, %broadcast_in_dim3A_955 : vector<16xf32>
    %swap3A_971 = arith.index_cast %add3A_959 : i32 to index
    %swap3A_972 = arith.constant 16 : index
    %swap3A_973 = tpu.vector_load %arg10[%swap3A_971, %swap3A_972] {strides = array<i32>} : memref<16x128xf32, #tpu.memory_space<vmem>>, vector<16xf32>,
    tpu.vector_store %arg10[%swap3A_971, %swap3A_972], %mul3A_970 {strides = array<i32>} : memref<16x128xf32, #tpu.memory_space<vmem>>, vector<16xf32>,
    %get3A_974 = arith.index_cast %add3A_959 : i32 to index
    %get3A_975 = arith.constant 32 : index
    %get3A_976 = tpu.vector_load %arg10[%get3A_974, %get3A_975] {strides = array<i32>} : memref<16x128xf32, #tpu.memory_space<vmem>>, vector<16xf32>,
    %mul3A_977 = arith.mulf %get3A_976, %broadcast_in_dim3A_955 : vector<16xf32>
    %swap3A_978 = arith.index_cast %add3A_959 : i32 to index
    %swap3A_979 = arith.constant 32 : index
    %swap3A_980 = tpu.vector_load %arg10[%swap3A_978, %swap3A_979] {strides = array<i32>} : memref<16x128xf32, #tpu.memory_space<vmem>>, vector<16xf32>,
    tpu.vector_store %arg10[%swap3A_978, %swap3A_979], %mul3A_977 {strides = array<i32>} : memref<16x128xf32, #tpu.memory_space<vmem>>, vector<16xf32>,
    %get3A_981 = arith.index_cast %add3A_959 : i32 to index
    %get3A_982 = arith.constant 48 : index
    %get3A_983 = tpu.vector_load %arg10[%get3A_981, %get3A_982] {strides = array<i32>} : memref<16x128xf32, #tpu.memory_space<vmem>>, vector<16xf32>,
    %mul3A_984 = arith.mulf %get3A_983, %broadcast_in_dim3A_955 : vector<16xf32>
    %swap3A_985 = arith.index_cast %add3A_959 : i32 to index
    %swap3A_986 = arith.constant 48 : index
    %swap3A_987 = tpu.vector_load %arg10[%swap3A_985, %swap3A_986] {strides = array<i32>} : memref<16x128xf32, #tpu.memory_space<vmem>>, vector<16xf32>,
    tpu.vector_store %arg10[%swap3A_985, %swap3A_986], %mul3A_984 {strides = array<i32>} : memref<16x128xf32, #tpu.memory_space<vmem>>, vector<16xf32>,
    %get3A_988 = arith.index_cast %add3A_959 : i32 to index
    %get3A_989 = arith.constant 64 : index
    %get3A_990 = tpu.vector_load %arg10[%get3A_988, %get3A_989] {strides = array<i32>} : memref<16x128xf32, #tpu.memory_space<vmem>>, vector<16xf32>,
    %mul3A_991 = arith.mulf %get3A_990, %broadcast_in_dim3A_955 : vector<16xf32>
    %swap3A_992 = arith.index_cast %add3A_959 : i32 to index
    %swap3A_993 = arith.constant 64 : index
    %swap3A_994 = tpu.vector_load %arg10[%swap3A_992, %swap3A_993] {strides = array<i32>} : memref<16x128xf32, #tpu.memory_space<vmem>>, vector<16xf32>,
    tpu.vector_store %arg10[%swap3A_992, %swap3A_993], %mul3A_991 {strides = array<i32>} : memref<16x128xf32, #tpu.memory_space<vmem>>, vector<16xf32>,
    %get3A_995 = arith.index_cast %add3A_959 : i32 to index
    %get3A_996 = arith.constant 80 : index
    %get3A_997 = tpu.vector_load %arg10[%get3A_995, %get3A_996] {strides = array<i32>} : memref<16x128xf32, #tpu.memory_space<vmem>>, vector<16xf32>,
    %mul3A_998 = arith.mulf %get3A_997, %broadcast_in_dim3A_955 : vector<16xf32>
    %swap3A_999 = arith.index_cast %add3A_959 : i32 to index
    %swap3A_1000 = arith.constant 80 : index
    %swap3A_1001 = tpu.vector_load %arg10[%swap3A_999, %swap3A_1000] {strides = array<i32>} : memref<16x128xf32, #tpu.memory_space<vmem>>, vector<16xf32>,
    tpu.vector_store %arg10[%swap3A_999, %swap3A_1000], %mul3A_998 {strides = array<i32>} : memref<16x128xf32, #tpu.memory_space<vmem>>, vector<16xf32>,
    %get3A_1002 = arith.index_cast %add3A_959 : i32 to index
    %get3A_1003 = arith.constant 96 : index
    %get3A_1004 = tpu.vector_load %arg10[%get3A_1002, %get3A_1003] {strides = array<i32>} : memref<16x128xf32, #tpu.memory_space<vmem>>, vector<16xf32>,
    %mul3A_1005 = arith.mulf %get3A_1004, %broadcast_in_dim3A_955 : vector<16xf32>
    %swap3A_1006 = arith.index_cast %add3A_959 : i32 to index
    %swap3A_1007 = arith.constant 96 : index
    %swap3A_1008 = tpu.vector_load %arg10[%swap3A_1006, %swap3A_1007] {strides = array<i32>} : memref<16x128xf32, #tpu.memory_space<vmem>>, vector<16xf32>,
    tpu.vector_store %arg10[%swap3A_1006, %swap3A_1007], %mul3A_1005 {strides = array<i32>} : memref<16x128xf32, #tpu.memory_space<vmem>>, vector<16xf32>,
    %get3A_1009 = arith.index_cast %add3A_959 : i32 to index
    %get3A_1010 = arith.constant 112 : index
    %get3A_1011 = tpu.vector_load %arg10[%get3A_1009, %get3A_1010] {strides = array<i32>} : memref<16x128xf32, #tpu.memory_space<vmem>>, vector<16xf32>,
    %mul3A_1012 = arith.mulf %get3A_1011, %broadcast_in_dim3A_955 : vector<16xf32>
    %swap3A_1013 = arith.index_cast %add3A_959 : i32 to index
    %swap3A_1014 = arith.constant 112 : index
    %swap3A_1015 = tpu.vector_load %arg10[%swap3A_1013, %swap3A_1014] {strides = array<i32>} : memref<16x128xf32, #tpu.memory_space<vmem>>, vector<16xf32>,
    tpu.vector_store %arg10[%swap3A_1013, %swap3A_1014], %mul3A_1012 {strides = array<i32>} : memref<16x128xf32, #tpu.memory_space<vmem>>, vector<16xf32>,
    %slice3A_1016 = vector.extract_strided_slice %bitcast3A {offsets = [15], sizes = [1], strides = [1]} : vector<16xf32> to vector<1xf32>
    %squeeze3A_1017 = vector.extract %slice3A_1016[0] : f32 from vector<1xf32>
    %broadcast_in_dim3A_1018 = vector.broadcast %squeeze3A_1017 : f32 to vector<16xf32>
    %mul3A_1019 = arith.constant 16 : i32
    %mul3A_1020 = arith.muli %scan3A_59, %mul3A_1019 : i32
    %add3A_1021 = arith.constant 15 : i32
    %add3A_1022 = arith.addi %mul3A_1020, %add3A_1021 : i32
    %get3A_1023 = arith.index_cast %add3A_1022 : i32 to index
    %get3A_1024 = arith.constant 0 : index
    %get3A_1025 = tpu.vector_load %arg10[%get3A_1023, %get3A_1024] {strides = array<i32>} : memref<16x128xf32, #tpu.memory_space<vmem>>, vector<16xf32>,
    %mul3A_1026 = arith.mulf %get3A_1025, %broadcast_in_dim3A_1018 : vector<16xf32>
    %swap3A_1027 = arith.index_cast %add3A_1022 : i32 to index
    %swap3A_1028 = arith.constant 0 : index
    %swap3A_1029 = tpu.vector_load %arg10[%swap3A_1027, %swap3A_1028] {strides = array<i32>} : memref<16x128xf32, #tpu.memory_space<vmem>>, vector<16xf32>,
    tpu.vector_store %arg10[%swap3A_1027, %swap3A_1028], %mul3A_1026 {strides = array<i32>} : memref<16x128xf32, #tpu.memory_space<vmem>>, vector<16xf32>,
    %get3A_1030 = arith.index_cast %add3A_1022 : i32 to index
    %get3A_1031 = arith.constant 16 : index
    %get3A_1032 = tpu.vector_load %arg10[%get3A_1030, %get3A_1031] {strides = array<i32>} : memref<16x128xf32, #tpu.memory_space<vmem>>, vector<16xf32>,
    %mul3A_1033 = arith.mulf %get3A_1032, %broadcast_in_dim3A_1018 : vector<16xf32>
    %swap3A_1034 = arith.index_cast %add3A_1022 : i32 to index
    %swap3A_1035 = arith.constant 16 : index
    %swap3A_1036 = tpu.vector_load %arg10[%swap3A_1034, %swap3A_1035] {strides = array<i32>} : memref<16x128xf32, #tpu.memory_space<vmem>>, vector<16xf32>,
    tpu.vector_store %arg10[%swap3A_1034, %swap3A_1035], %mul3A_1033 {strides = array<i32>} : memref<16x128xf32, #tpu.memory_space<vmem>>, vector<16xf32>,
    %get3A_1037 = arith.index_cast %add3A_1022 : i32 to index
    %get3A_1038 = arith.constant 32 : index
    %get3A_1039 = tpu.vector_load %arg10[%get3A_1037, %get3A_1038] {strides = array<i32>} : memref<16x128xf32, #tpu.memory_space<vmem>>, vector<16xf32>,
    %mul3A_1040 = arith.mulf %get3A_1039, %broadcast_in_dim3A_1018 : vector<16xf32>
    %swap3A_1041 = arith.index_cast %add3A_1022 : i32 to index
    %swap3A_1042 = arith.constant 32 : index
    %swap3A_1043 = tpu.vector_load %arg10[%swap3A_1041, %swap3A_1042] {strides = array<i32>} : memref<16x128xf32, #tpu.memory_space<vmem>>, vector<16xf32>,
    tpu.vector_store %arg10[%swap3A_1041, %swap3A_1042], %mul3A_1040 {strides = array<i32>} : memref<16x128xf32, #tpu.memory_space<vmem>>, vector<16xf32>,
    %get3A_1044 = arith.index_cast %add3A_1022 : i32 to index
    %get3A_1045 = arith.constant 48 : index
    %get3A_1046 = tpu.vector_load %arg10[%get3A_1044, %get3A_1045] {strides = array<i32>} : memref<16x128xf32, #tpu.memory_space<vmem>>, vector<16xf32>,
    %mul3A_1047 = arith.mulf %get3A_1046, %broadcast_in_dim3A_1018 : vector<16xf32>
    %swap3A_1048 = arith.index_cast %add3A_1022 : i32 to index
    %swap3A_1049 = arith.constant 48 : index
    %swap3A_1050 = tpu.vector_load %arg10[%swap3A_1048, %swap3A_1049] {strides = array<i32>} : memref<16x128xf32, #tpu.memory_space<vmem>>, vector<16xf32>,
    tpu.vector_store %arg10[%swap3A_1048, %swap3A_1049], %mul3A_1047 {strides = array<i32>} : memref<16x128xf32, #tpu.memory_space<vmem>>, vector<16xf32>,
    %get3A_1051 = arith.index_cast %add3A_1022 : i32 to index
    %get3A_1052 = arith.constant 64 : index
    %get3A_1053 = tpu.vector_load %arg10[%get3A_1051, %get3A_1052] {strides = array<i32>} : memref<16x128xf32, #tpu.memory_space<vmem>>, vector<16xf32>,
    %mul3A_1054 = arith.mulf %get3A_1053, %broadcast_in_dim3A_1018 : vector<16xf32>
    %swap3A_1055 = arith.index_cast %add3A_1022 : i32 to index
    %swap3A_1056 = arith.constant 64 : index
    %swap3A_1057 = tpu.vector_load %arg10[%swap3A_1055, %swap3A_1056] {strides = array<i32>} : memref<16x128xf32, #tpu.memory_space<vmem>>, vector<16xf32>,
    tpu.vector_store %arg10[%swap3A_1055, %swap3A_1056], %mul3A_1054 {strides = array<i32>} : memref<16x128xf32, #tpu.memory_space<vmem>>, vector<16xf32>,
    %get3A_1058 = arith.index_cast %add3A_1022 : i32 to index
    %get3A_1059 = arith.constant 80 : index
    %get3A_1060 = tpu.vector_load %arg10[%get3A_1058, %get3A_1059] {strides = array<i32>} : memref<16x128xf32, #tpu.memory_space<vmem>>, vector<16xf32>,
    %mul3A_1061 = arith.mulf %get3A_1060, %broadcast_in_dim3A_1018 : vector<16xf32>
    %swap3A_1062 = arith.index_cast %add3A_1022 : i32 to index
    %swap3A_1063 = arith.constant 80 : index
    %swap3A_1064 = tpu.vector_load %arg10[%swap3A_1062, %swap3A_1063] {strides = array<i32>} : memref<16x128xf32, #tpu.memory_space<vmem>>, vector<16xf32>,
    tpu.vector_store %arg10[%swap3A_1062, %swap3A_1063], %mul3A_1061 {strides = array<i32>} : memref<16x128xf32, #tpu.memory_space<vmem>>, vector<16xf32>,
    %get3A_1065 = arith.index_cast %add3A_1022 : i32 to index
    %get3A_1066 = arith.constant 96 : index
    %get3A_1067 = tpu.vector_load %arg10[%get3A_1065, %get3A_1066] {strides = array<i32>} : memref<16x128xf32, #tpu.memory_space<vmem>>, vector<16xf32>,
    %mul3A_1068 = arith.mulf %get3A_1067, %broadcast_in_dim3A_1018 : vector<16xf32>
    %swap3A_1069 = arith.index_cast %add3A_1022 : i32 to index
    %swap3A_1070 = arith.constant 96 : index
    %swap3A_1071 = tpu.vector_load %arg10[%swap3A_1069, %swap3A_1070] {strides = array<i32>} : memref<16x128xf32, #tpu.memory_space<vmem>>, vector<16xf32>,
    tpu.vector_store %arg10[%swap3A_1069, %swap3A_1070], %mul3A_1068 {strides = array<i32>} : memref<16x128xf32, #tpu.memory_space<vmem>>, vector<16xf32>,
    %get3A_1072 = arith.index_cast %add3A_1022 : i32 to index
    %get3A_1073 = arith.constant 112 : index
    %get3A_1074 = tpu.vector_load %arg10[%get3A_1072, %get3A_1073] {strides = array<i32>} : memref<16x128xf32, #tpu.memory_space<vmem>>, vector<16xf32>,
    %mul3A_1075 = arith.mulf %get3A_1074, %broadcast_in_dim3A_1018 : vector<16xf32>
    %swap3A_1076 = arith.index_cast %add3A_1022 : i32 to index
    %swap3A_1077 = arith.constant 112 : index
    %swap3A_1078 = tpu.vector_load %arg10[%swap3A_1076, %swap3A_1077] {strides = array<i32>} : memref<16x128xf32, #tpu.memory_space<vmem>>, vector<16xf32>,
    tpu.vector_store %arg10[%swap3A_1076, %swap3A_1077], %mul3A_1075 {strides = array<i32>} : memref<16x128xf32, #tpu.memory_space<vmem>>, vector<16xf32>,
    %scan3A_1079 = arith.constant 0 : i32
    %scan3A_1080 = arith.constant 1 : i32
    %dma_start3A_1081 = arith.constant 0 : i32
    %dma_start3A_1082 = arith.constant 0 : i32
    %dma_start3A_1083 = tpu.memref_slice %arg14[%dma_start3A_1081, %dma_start3A_1082] : memref<10000x128xf32, #tpu.memory_space<vmem_shared>> -> memref<10000x128xf32, #tpu.memory_space<vmem_shared>>
    tpu.enqueue_indirect_dma source(%arg10 : memref<16x128xf32, #tpu.memory_space<vmem>>) target(%dma_start3A_1083 : memref<10000x128xf32, #tpu.memory_space<vmem_shared>>) offsets(%arg13 : memref<16xi32, #tpu.memory_space<vmem>>) semaphore(%arg18 : memref<!tpu.dma_semaphore, #tpu.memory_space<semaphore_mem>>) {add = true}
    %dma_wait3A_1084 = arith.constant 0 : i32
    %dma_wait3A_1085 = arith.constant 0 : i32
    %dma_wait3A_1086 = tpu.memref_slice %arg14[%dma_wait3A_1084, %dma_wait3A_1085] : memref<10000x128xf32, #tpu.memory_space<vmem_shared>> -> memref<10000x128xf32, #tpu.memory_space<vmem_shared>>
    tpu.wait_indirect_dma semaphore(%arg19 : memref<!tpu.dma_semaphore, #tpu.memory_space<semaphore_mem>>) src(%arg9 : memref<128x128xf32, #tpu.memory_space<vmem>>) dst(%dma_wait3A_1086 : memref<10000x128xf32, #tpu.memory_space<vmem_shared>>)
    %dma_wait3A_1087 = arith.constant 0 : i32
    %dma_wait3A_1088 = arith.constant 0 : i32
    %dma_wait3A_1089 = tpu.memref_slice %arg14[%dma_wait3A_1087, %dma_wait3A_1088] : memref<10000x128xf32, #tpu.memory_space<vmem_shared>> -> memref<10000x128xf32, #tpu.memory_space<vmem_shared>>
    tpu.wait_indirect_dma semaphore(%arg18 : memref<!tpu.dma_semaphore, #tpu.memory_space<semaphore_mem>>) src(%arg10 : memref<16x128xf32, #tpu.memory_space<vmem>>) dst(%dma_wait3A_1089 : memref<10000x128xf32, #tpu.memory_space<vmem_shared>>)
    %barrier3A_1090 = arith.constant 0 : index
    tpu.barrier barrier_id(%barrier3A_1090)
    "tpu.region"() ({
      %run_scoped3A = tpu.sem_alloc : memref<!tpu.dma_semaphore, #tpu.memory_space<semaphore_mem>>
      %dma_start3A_1096 = arith.constant 0 : i32
      %dma_start3A_1097 = tpu.memref_slice %arg5[%arg0, %mul3A_17, %dma_start3A_1096] : memref<2x10000x128xf32, #tpu.memory_space<hbm>> -> memref<1x624x128xf32, #tpu.memory_space<hbm>>
      %dma_start3A_1098 = tpu.memref_squeeze %dma_start3A_1097 : memref<1x624x128xf32, #tpu.memory_space<hbm>> -> memref<624x128xf32, #tpu.memory_space<hbm>>
      %dma_start3A_1099 = arith.constant 0 : i32
      %dma_start3A_1100 = tpu.memref_slice %arg14[%mul3A_17, %dma_start3A_1099] : memref<10000x128xf32, #tpu.memory_space<vmem_shared>> -> memref<624x128xf32, #tpu.memory_space<vmem_shared>>
      tpu.enqueue_dma source(%dma_start3A_1100 : memref<624x128xf32, #tpu.memory_space<vmem_shared>>) target(%dma_start3A_1098 : memref<624x128xf32, #tpu.memory_space<hbm>>) target_semaphore(%run_scoped3A : memref<!tpu.dma_semaphore, #tpu.memory_space<semaphore_mem>>)
      %dma_wait3A_1101 = arith.constant 0 : i32
      %dma_wait3A_1102 = tpu.memref_slice %arg5[%arg0, %mul3A_17, %dma_wait3A_1101] : memref<2x10000x128xf32, #tpu.memory_space<hbm>> -> memref<1x624x128xf32, #tpu.memory_space<hbm>>
      %dma_wait3A_1103 = tpu.memref_squeeze %dma_wait3A_1102 : memref<1x624x128xf32, #tpu.memory_space<hbm>> -> memref<624x128xf32, #tpu.memory_space<hbm>>
      %dma_wait3A_1104 = arith.constant 0 : i32
      %dma_wait3A_1105 = tpu.memref_slice %arg14[%mul3A_17, %dma_wait3A_1104] : memref<10000x128xf32, #tpu.memory_space<vmem_shared>> -> memref<624x128xf32, #tpu.memory_space<vmem_shared>>
      tpu.wait_dma2 semaphore(%run_scoped3A : memref<!tpu.dma_semaphore, #tpu.memory_space<semaphore_mem>>) src(%dma_wait3A_1105 : memref<624x128xf32, #tpu.memory_space<vmem_shared>>) dst(%dma_wait3A_1103 : memref<624x128xf32, #tpu.memory_space<hbm>>)
      tpu.yield
    }) : () -> ()
    %eq3A_1091 = arith.constant 15 : i32
    %eq3A_1092 = arith.cmpi eq, %arg1, %eq3A_1091 : i32
    %convert_element_type3A_1093 = arith.extui %eq3A_1092 : i1 to i32
    %cond3A_1094 = arith.constant 0 : i32
    %cond3A_1095 = arith.cmpi ne, %convert_element_type3A_1093, %cond3A_1094 : i32
    scf.if %cond3A_1095 {
      "tpu.region"() ({
        %run_scoped3A = tpu.sem_alloc : memref<!tpu.dma_semaphore, #tpu.memory_space<semaphore_mem>>
        %dma_start3A_1096 = arith.constant 9984 : i32
        %dma_start3A_1097 = arith.constant 0 : i32
        %dma_start3A_1098 = tpu.memref_slice %arg5[%arg0, %dma_start3A_1096, %dma_start3A_1097] : memref<2x10000x128xf32, #tpu.memory_space<hbm>> -> memref<1x16x128xf32, #tpu.memory_space<hbm>>
        %dma_start3A_1099 = tpu.memref_squeeze %dma_start3A_1098 : memref<1x16x128xf32, #tpu.memory_space<hbm>> -> memref<16x128xf32, #tpu.memory_space<hbm>>
        %dma_start3A_1100 = arith.constant 9984 : i32
        %dma_start3A_1101 = arith.constant 0 : i32
        %dma_start3A_1102 = tpu.memref_slice %arg14[%dma_start3A_1100, %dma_start3A_1101] : memref<10000x128xf32, #tpu.memory_space<vmem_shared>> -> memref<16x128xf32, #tpu.memory_space<vmem_shared>>
        tpu.enqueue_dma source(%dma_start3A_1102 : memref<16x128xf32, #tpu.memory_space<vmem_shared>>) target(%dma_start3A_1099 : memref<16x128xf32, #tpu.memory_space<hbm>>) target_semaphore(%run_scoped3A : memref<!tpu.dma_semaphore, #tpu.memory_space<semaphore_mem>>)
        %dma_wait3A_1103 = arith.constant 9984 : i32
        %dma_wait3A_1104 = arith.constant 0 : i32
        %dma_wait3A_1105 = tpu.memref_slice %arg5[%arg0, %dma_wait3A_1103, %dma_wait3A_1104] : memref<2x10000x128xf32, #tpu.memory_space<hbm>> -> memref<1x16x128xf32, #tpu.memory_space<hbm>>
        %dma_wait3A_1106 = tpu.memref_squeeze %dma_wait3A_1105 : memref<1x16x128xf32, #tpu.memory_space<hbm>> -> memref<16x128xf32, #tpu.memory_space<hbm>>
        %dma_wait3A_1107 = arith.constant 9984 : i32
        %dma_wait3A_1108 = arith.constant 0 : i32
        %dma_wait3A_1109 = tpu.memref_slice %arg14[%dma_wait3A_1107, %dma_wait3A_1108] : memref<10000x128xf32, #tpu.memory_space<vmem_shared>> -> memref<16x128xf32, #tpu.memory_space<vmem_shared>>
        tpu.wait_dma2 semaphore(%run_scoped3A : memref<!tpu.dma_semaphore, #tpu.memory_space<semaphore_mem>>) src(%dma_wait3A_1109 : memref<16x128xf32, #tpu.memory_space<vmem_shared>>) dst(%dma_wait3A_1106 : memref<16x128xf32, #tpu.memory_space<hbm>>)
        tpu.yield
      }) : () -> ()
    } else {
    }
    return
  }
}

module attributes {stable_mosaic.version = 14 : i64} {
  func.func @_mm_body(%arg0: i32, %arg1: memref<2x1000x128xf32, #tpu.memory_space<vmem>>, %arg2: memref<128x128xf32, #tpu.memory_space<vmem>>, %arg3: memref<1x128xf32, #tpu.memory_space<vmem>>, %arg4: memref<1000x128xf32, #tpu.memory_space<vmem>>) attributes {dimension_semantics = [#tpu.dimension_semantics<arbitrary>], iteration_bounds = array<i64: 10>, scalar_prefetch = 0 : i64, scratch_operands = 0 : i64, tpu.core_type = #tpu.core_type<tc>, window_params = [{transform_indices = @transform_0, window_bounds = array<i64: 2, 1000, 128>}, {pipeline_mode = #tpu.pipeline_mode<synchronous>, transform_indices = @transform_1, window_bounds = array<i64: 128, 128>}, {pipeline_mode = #tpu.pipeline_mode<synchronous>, transform_indices = @transform_2, window_bounds = array<i64: 1, 128>}, {transform_indices = @transform_3, window_bounds = array<i64: 1000, 128>}]} {
    %get3A = arith.constant 0 : index
    %get3A_0 = arith.constant 0 : index
    %get3A_1 = arith.constant 0 : index
    %get3A_2 = vector.load %arg1[%get3A, %get3A_0, %get3A_1] : memref<2x1000x128xf32, #tpu.memory_space<vmem>>, vector<1x1000x128xf32>
    %get3A_3 = vector.shape_cast %get3A_2 : vector<1x1000x128xf32> to vector<1000x128xf32>
    %get3A_4 = arith.constant 1 : index
    %get3A_5 = arith.constant 0 : index
    %get3A_6 = arith.constant 0 : index
    %get3A_7 = vector.load %arg1[%get3A_4, %get3A_5, %get3A_6] : memref<2x1000x128xf32, #tpu.memory_space<vmem>>, vector<1x1000x128xf32>
    %get3A_8 = vector.shape_cast %get3A_7 : vector<1x1000x128xf32> to vector<1000x128xf32>
    %add3A = arith.addf %get3A_3, %get3A_8 : vector<1000x128xf32>
    %get3A_9 = arith.constant 0 : index
    %get3A_10 = arith.constant 0 : index
    %get3A_11 = vector.load %arg2[%get3A_9, %get3A_10] : memref<128x128xf32, #tpu.memory_space<vmem>>, vector<128x128xf32>
    %dot_general3A = arith.constant dense<0.000000e+00> : vector<1000x128xf32>
    %dot_general3A_12 = tpu.matmul %add3A, %get3A_11, %dot_general3A {dimension_numbers = #tpu.dot_dimension_numbers<[1], [0], [0], [1], [0, 0, 1, 1], [], []>, transpose_lhs_hint = false} : vector<1000x128xf32>, vector<128x128xf32>, vector<1000x128xf32> -> vector<1000x128xf32>
    %get3A_13 = arith.constant 0 : index
    %get3A_14 = arith.constant 0 : index
    %get3A_15 = vector.load %arg3[%get3A_13, %get3A_14] : memref<1x128xf32, #tpu.memory_space<vmem>>, vector<1x128xf32>
    %add3A_16 = vector.broadcast %get3A_15 : vector<1x128xf32> to vector<1000x128xf32>
    %add3A_17 = arith.addf %dot_general3A_12, %add3A_16 : vector<1000x128xf32>
    %swap3A = arith.constant 0 : index
    %swap3A_18 = arith.constant 0 : index
    %swap3A_19 = vector.load %arg4[%swap3A, %swap3A_18] : memref<1000x128xf32, #tpu.memory_space<vmem>>, vector<1000x128xf32>
    tpu.vector_store %arg4[%swap3A, %swap3A_18], %add3A_17 {strides = array<i32>} : memref<1000x128xf32, #tpu.memory_space<vmem>>, vector<1000x128xf32>,
    return
  }
  func.func @transform_0(%arg0: i32) -> (i32, i32, i32) {
    %c0_i32 = arith.constant 0 : i32
    %c0_i32_0 = arith.constant 0 : i32
    %c0_i32_1 = arith.constant 0 : i32
    return %c0_i32, %arg0, %c0_i32_0 : i32, i32, i32
  }
  func.func @transform_1(%arg0: i32) -> (i32, i32) {
    %c0_i32 = arith.constant 0 : i32
    %c0_i32_0 = arith.constant 0 : i32
    %c0_i32_1 = arith.constant 0 : i32
    return %c0_i32, %c0_i32_0 : i32, i32
  }
  func.func @transform_2(%arg0: i32) -> (i32, i32) {
    %c0_i32 = arith.constant 0 : i32
    %c0_i32_0 = arith.constant 0 : i32
    %c0_i32_1 = arith.constant 0 : i32
    return %c0_i32, %c0_i32_0 : i32, i32
  }
  func.func @transform_3(%arg0: i32) -> (i32, i32) {
    %c0_i32 = arith.constant 0 : i32
    %c0_i32_0 = arith.constant 0 : i32
    return %arg0, %c0_i32 : i32, i32
  }
}

</mosaic_0001>

<sc_bundles>
// kernel: kernel.4.cloned.1.call-start
scs
__scs_entry_jumppad:
0x0: {  	(pc) =	sbr.rel $0x88, $3  }
0x1: {  	(tag) =	ssettag $0x0;
	lr =	simm.s32 $0x1  }
0x2: {  	[smem:$0x3F9C] =	sst lr;
	_ =	strace $0xD0000000  }
0x3: {  	_ = 	snop  }
0x4: {  	_ = 	snop  }
0x5: {  	_ = 	snop  }
0x6: {  	_ = 	snop  }
0x7: {  	_ = 	snop  }
__scs_overlays_trampoline_lowered:
0x8: {  	[smem:$0x3FAB] =	sst s0  }
0x9: {  	[smem:$0x3FAC] =	sst s1  }
0xa: {  	[smem:$0x3FAD] =	sst s2  }
0xb: {  	[smem:$0x3FAE] =	sst s3  }
0xc: {  	[smem:$0x3FAF] =	sst s4  }
0xd: {  	[smem:$0x3FB0] =	sst s5  }
0xe: {  	[smem:$0x3FB1] =	sst s6  }
0xf: {  	[smem:$0x3FB2] =	sst s7  }
0x10: {  	[smem:$0x3FB3] =	sst s8  }
0x11: {  	[smem:$0x3FB4] =	sst s9;
	s0 =	simm.s32 @!p0 $0x0  }
0x12: {  	s1 =	sld [smem:$0x3F9A];
	s0 =	simm.s32 @p0 $0x1  }
0x13: {  	[smem:$0x3FB5] =	sst s0;
	s0 =	simm.s32 @!p1 $0x0  }
0x14: {  	s2 =	sld [smem:$0x3F99];
	s0 =	simm.s32 @p1 $0x1  }
0x15: {  	[smem:$0x3FB6] =	sst s0;
	s0 =	simm.s32 @!p2 $0x0  }
0x16: {  	s3 =	sld [smem:$0x3FDB];
	s0 =	simm.s32 @p2 $0x1  }
0x17: {  	s4 =	simm.s32 $0x1BF5;
	[smem:$0x3FB8] =	sst s0  }
0x18: {  	s0 =	sld [smem:$0x3F9B];
	_ =	swait.ge [sflag:s4], $0x0  }
0x19: {  	s7 =	sld [smem:$0x3F9C]  }
0x1a: {  	s8 =	sadd.s32 $0xFFFFE003, lr  }
0x1b: {  	s9 =	sadd.s32 $0xFFFFFEF7, lr;
	s5 =	simm.s32 $0xFFFFFFFF;
	p2 =	slt.u32 s8, $0xFFFFF086  }
0x1c: {  	p1 =	slt.u32 s9, $0xF7A;
	s5 =	simm.s32 @!p2 $0x0  }
0x1d: {  	s5 =	simm.s32 @p1 $0x1;
	p0 =	seq.s32 s7, s2  }
0x1e: {  	s7 =	smul.u32 @!p0 $0xF7A, s2;
	p2 =	seq.s32 @!p0 s5, $0x0  }
0x1f: {  	s9 =	smul.u32 $0xF7A, s1;
	s8 =	simm.s32 @!p0 $0x1BF5;
	p2 =	por !p2, p0  }
0x20: {  	[sflag:s8] =	ssyncset.s32 @!p0 $0xFFFFF086;
	s6 =	sadd.s32 @!p0 s3, s7;
	s7 =	simm.s32 @!p0 $0x108  }
0x21: {  	s3 =	sadd.s32 s3, s9;
	s6 =	sadd.s32 @!p0 $0x88, s6;
	s7 =	simm.s32 @p2 $0x1082  }
0x22: {  	[simem:s7], [sflag:s8] =	dma.local @!p0 [hbm:s6], $0xF7A  }
0x23: {  	s9 =	sor.u32 $0xD0000000, s2;
	s6 =	simm.s32 $0x108;
	_ =	swait.ge @!p0 [sflag:s8], $0x0  }
0x24: {  	s3 =	sadd.s32 $0x88, s3;
	s6 =	simm.s32 @!p1 $0x1082;
	[sflag:s4] =	ssyncset.s32 $0xFFFFF086  }
0x25: {  	[simem:s6], [sflag:s4] =	dma.local [hbm:s3], $0xF7A  }
0x26: {  	[smem:$0x3F9C] =	sst s1;
	(tag) =	ssettag s2;
	_ =	strace s9  }
0x27: {  	s1 =	sld [smem:$0x3FAC]  }
0x28: {  	s2 =	sld [smem:$0x3FAD]  }
0x29: {  	s4 =	sld [smem:$0x3FAF]  }
0x2a: {  	p0 =	seq.s32 s5, $0x0;
	s5 =	sld [smem:$0x3FB0]  }
0x2b: {  	s6 =	sld [smem:$0x3FB1]  }
0x2c: {  	s7 =	sld [smem:$0x3FB2]  }
0x2d: {  	s3 =	simm.s32 $0x108;
	s8 =	sld [smem:$0x3FB3]  }
0x2e: {  	s3 =	simm.s32 @!p0 $0x1082;
	s9 =	sld [smem:$0x3FB4]  }
0x2f: {  	lr =	sadd.s32 s0, s3;
	s0 =	sld [smem:$0x3FAB]  }
0x30: {  	s3 =	sld [smem:$0x3FAE]  }
0x31: {  	[smem:$0x3FB7] =	sst s10  }
0x32: {  	s10 =	sld [smem:$0x3FB5];
	_ =	sdelay $0x3  }
0x33: {  	p0 =	seq.s32 s10, $0x1;
	s10 =	sld [smem:$0x3FB7];
	_ =	sdelay $0x3  }
0x34: {  	[smem:$0x3FB7] =	sst s10  }
0x35: {  	s10 =	sld [smem:$0x3FB6];
	_ =	sdelay $0x3  }
0x36: {  	p1 =	seq.s32 s10, $0x1;
	s10 =	sld [smem:$0x3FB7];
	_ =	sdelay $0x3  }
0x37: {  	[smem:$0x3FB7] =	sst s10  }
0x38: {  	s10 =	sld [smem:$0x3FB8]  }
0x39: {  	_ = 	snop;
	(pc) =	sbr.ind lr, $3  }
0x3a: {  	_ = 	snop  }
0x3b: {  	_ = 	snop  }
0x3c: {  	p2 =	seq.s32 s10, $0x1;
	s10 =	sld [smem:$0x3FB7]  }
0x3d: {  	_ =	shalt  }
0x3e: {  	_ =	shalt  }
0x3f: {  	_ =	shalt  }
0x40: {  	_ =	shalt  }
0x41: {  	_ =	shalt  }
0x42: {  	_ =	shalt  }
0x43: {  	_ =	shalt  }
0x44: {  	_ =	shalt  }
0x45: {  	_ =	shalt  }
0x46: {  	_ =	shalt  }
0x47: {  	_ =	shalt  }
0x48: {  	_ =	shalt  }
0x49: {  	_ =	shalt  }
0x4a: {  	_ =	shalt  }
0x4b: {  	_ =	shalt  }
0x4c: {  	_ =	shalt  }
0x4d: {  	_ =	shalt  }
0x4e: {  	_ =	shalt  }
0x4f: {  	_ =	shalt  }
0x50: {  	_ =	shalt  }
0x51: {  	_ =	shalt  }
0x52: {  	_ =	shalt  }
0x53: {  	_ =	shalt  }
0x54: {  	_ =	shalt  }
0x55: {  	_ =	shalt  }
0x56: {  	_ =	shalt  }
0x57: {  	_ =	shalt  }
0x58: {  	_ =	shalt  }
0x59: {  	_ =	shalt  }
0x5a: {  	_ =	shalt  }
0x5b: {  	_ =	shalt  }
0x5c: {  	_ =	shalt  }
0x5d: {  	_ =	shalt  }
0x5e: {  	_ =	shalt  }
0x5f: {  	_ =	shalt  }
0x60: {  	_ =	shalt  }
0x61: {  	_ =	shalt  }
0x62: {  	_ =	shalt  }
0x63: {  	_ =	shalt  }
0x64: {  	_ =	shalt  }
0x65: {  	_ =	shalt  }
0x66: {  	_ =	shalt  }
0x67: {  	_ =	shalt  }
0x68: {  	_ =	shalt  }
0x69: {  	_ =	shalt  }
0x6a: {  	_ =	shalt  }
0x6b: {  	_ =	shalt  }
0x6c: {  	_ =	shalt  }
0x6d: {  	_ =	shalt  }
0x6e: {  	_ =	shalt  }
0x6f: {  	_ =	shalt  }
0x70: {  	_ =	shalt  }
0x71: {  	_ =	shalt  }
0x72: {  	_ =	shalt  }
0x73: {  	_ =	shalt  }
0x74: {  	_ =	shalt  }
0x75: {  	_ =	shalt  }
0x76: {  	_ =	shalt  }
0x77: {  	_ =	shalt  }
0x78: {  	_ =	shalt  }
0x79: {  	_ =	shalt  }
0x7a: {  	_ =	shalt  }
0x7b: {  	_ =	shalt  }
0x7c: {  	_ =	shalt  }
0x7d: {  	_ =	shalt  }
0x7e: {  	_ =	shalt  }
0x7f: {  	_ =	shalt  }
0x80: {  	_ =	shalt  }
0x81: {  	_ =	shalt  }
0x82: {  	_ =	shalt  }
0x83: {  	_ =	shalt  }
0x84: {  	_ =	shalt  }
0x85: {  	_ =	shalt  }
0x86: {  	_ =	shalt  }
0x87: {  	_ =	shalt  }
.Lfunc_end0:
.L_simem_size_0:
called_computation_lowered:
.L_overlay_start_0:
0x88: {  	s2 =	sld [smem:$0x3FD9]  }
0x89: {  	s3 =	sld [smem:$0x3FFE];
	_ =	sdelay $0x1  }
0x8a: {  	s1 =	srdreg.scid  }
0x8b: {  	s0 =	sand.u32 $0x1, s1  }
0x8c: {  	s17 =	sshll.u32 s0, $0xA;
	s2 =	sadd.s32 s3, s2  }
0x8d: {  	s2 =	sadd.s32 s2, s17  }
0x8e: {  	[smem:$0x3FC3] =	sst s2  }
0x8f: {  	_ = 	snop  }
0x90: {  	s2 =	sld [smem:$0x3FC9]  }
0x91: {  	s18 =	sld [smem:$0x3FD0];
	(tm) =	ssettm $0x1  }
0x92: {  	s4 =	sld [smem:$0x3FFB];
	_ =	sdelay $0x3  }
0x93: {  	_ =	strace s4  }
0x94: {  	s4 =	sld [smem:$0x3FFC];
	_ =	sdelay $0x3  }
0x95: {  	_ =	strace s4  }
0x96: {  	s4 =	sld [smem:$0x3FFD];
	_ =	sdelay $0x3  }
0x97: {  	_ =	strace s4  }
0x98: {  	_ =	strace $0x8FFFFFFF  }
0x99: {  	s19 =	sld [smem:$0x3FDB];
	_ =	sdelay $0x1  }
0x9a: {  	s5 =	simm.s32 $_scs_section_size  }
0x9b: {  	s6 =	simm.s32 $_size__tile_overlayer_lowered;
	s7 =	simm.s32 $_tile_overlayer_lowered  }
0x9c: {  	s22 =	simm.s32 $0x1BFF;
	s21 =	sshll.u32 s7, $0x1;
	s4 =	sadd.s32 s5, s19  }
0x9d: {  	s8 =	simm.s32 $0x0;
	s20 =	sshll.u32 s6, $0x1;
	s6 =	sadd.s32 s21, s4  }
0x9e: {  	[timem:s8], [sflag:s22] =	dma.local [hbm:s6], s20  }
0x9f: {  	_ =	swait.ge [sflag:s22], s20  }
0xa0: {  	s5 =	ssub.s32 $0x0, s20;
	[sflag:s22] =	ssyncset.done $0x0  }
0xa1: {  	[sflag:s22] =	ssyncadd.s32 s5;
	_ =	sdelay $0x1  }
0xa2: {  	s23 =	simm.s32 $0x1B8B  }
0xa3: {  	_ =	swait.ge [sflag:s23], $0x1  }
0xa4: {  	[sflag:s23] =	ssyncset.done $0x0  }
0xa5: {  	s25 =	simm.s32 $0x1B8E;
	s24 =	sld [smem:$0x3FFE];
	[sflag:s23] =	ssyncadd.s32 $0xFFFFFFFF  }
0xa6: {  	s26 =	simm.s32 $execute0_lowered;
	[smem:$0x3FD2] =	sst s25  }
0xa7: {  	s6 =	sshll.u32 s26, $0x1;
	_ =	strace $0x80000046;
	[dreg:$0x1] =	wrdreg $0xFFFFFFFF  }
0xa8: {  	s28 =	simm.s32 $_size_execute0_lowered;
	s4 =	sadd.s32 s4, s6;
	[dreg:$0x0] =	wrdreg $0x0  }
0xa9: {  	s6 =	sshll.u32 s28, $0x1;
	[dreg:$0x2] =	wrdreg s4  }
0xaa: {  	[dreg:$0x3] =	wrdreg s6  }
0xab: {  	[dreg:$0x4] =	wrdreg $0xC0  }
0xac: {  	_ =	task [dreg:s8], $0x5FFFF  }
0xad: {  	[dreg:$0x1] =	wrdreg $0xFFFFFFFF  }
0xae: {  	[dreg:$0x0] =	wrdreg $0x60  }
0xaf: {  	[dreg:$0x2] =	wrdreg s2  }
0xb0: {  	[dreg:$0x3] =	wrdreg s18  }
0xb1: {  	[dreg:$0x4] =	wrdreg s24  }
0xb2: {  	[dreg:$0x5] =	wrdreg $0xC5000  }
0xb3: {  	[dreg:$0x6] =	wrdreg $0x9  }
0xb4: {  	_ =	task.clear_ibuf [dreg:s8], $0x7FFFF;
	_ =	strace $0x90000046  }
0xb5: {  	s29 =	simm.s32 $0x9;
	_ =	strace $0x80000048  }
0xb6: {  	_ =	swait.ge [sflag:s29], $0x1  }
0xb7: {  	[sflag:s29] =	ssyncadd.s32 $0xFFFFFFFF  }
0xb8: {  	_ =	strace $0x90000048  }
0xb9: {  	_ =	sfence  }
0xba: {  	s30 =	sld [smem:$0x0];
	_ =	sdelay $0x2  }
0xbb: {  	s31 =	sshll.u32 s1, $0xD;
	s1 =	sshrl.u32 s1, $0x2  }
0xbc: {  	s3 =	sand.u32 $0x4000, s31;
	s1 =	sadd.s32 s1, s30  }
0xbd: {  	s0 =	sor.u32 s3, s0;
	s1 =	sshll.u32 s1, $0x11  }
0xbe: {  	s0 =	sor.u32 s1, s0  }
0xbf: {  	s0 =	sadd.s32 $0x8F2B, s0  }
0xc0: {  	[sflag:s0] =	ssyncadd.remote.s32 $0x1  }
0xc1: {  	_ =	sfence.sel $0xFFFF  }
0xc2: {  	[dreg:$0x0] =	wrdreg $0xFFFFFFFF;
	(pc) =	sbr.abs _section_cstart, $3  }
0xc3: {  	[dreg:$0x1] =	wrdreg $0xFFFFFFFF  }
0xc4: {  	_ =	task.clear_ibuf [dreg:s8], $0x2FFFF;
	_ =	strace $0x9FFFFFFF  }
0xc5: {  	(tm) =	ssettm $0x7FFFFFFF  }
tec
execute0_lowered:
.L_overlay_start_1:
0x0: {  	(tag) =	ssettag $0x1  }
0x1: {  	s0 =	rddreg [dreg:$0x0]  }
0x2: {  	s2 =	rddreg [dreg:$0x1]  }
0x3: {  	s1 =	srdreg.scid;
	s4 =	rddreg [dreg:$0x2]  }
0x4: {  	s17 =	stileid.u32;
	s3 =	rddreg [dreg:$0x3]  }
0x5: {  	s6 =	simm.s32 $0x0;
	s18 =	simm.s32 $0x3B80;
	s19 =	simm.s32 $0x6  }
0x6: {  	s20 =	simm.s32 $0x1;
	s21 =	simm.s32 $0x80;
	s28 =	simm.s32 $0xC400  }
0x7: {  	s29 =	simm.s32 $0x10;
	s31 =	simm.s32 $0xBB80;
	s30 =	simm.s32 $0x0  }
0x8: {  	s1 =	sand.u32 $0x1, s1;
	[smem:$0x7FF] =	sst s6;
	s23 =	smul.u32 $0x4E000, s17  }
0x9: {  	s10 =	smul.u32 $0x13800, s17;
	p0 =	sne.s32 s17, $0xF;
	s5 =	sshll.u32 s1, $0x4  }
0xa: {  	_ =	strace $0x80000047;
	s8 =	ssub.s32 $0x2, s1;
	s1 =	smul.u32 $0x138800, s1  }
0xb: {  	s5 =	sor.u32 s17, s5;
	s9 =	sshrl.u32 s8, $0x1;
	s17 =	simm.s32 $0x5  }
0xc: {  	s5 =	smul.u32 $0x2710, s5;
	s13 =	ssub.s32 s8, s9;
	s9 =	sadd.s32 $0x138000, s3  }
0xd: {  	s26 =	sadd.s32 s10, s1;
	s1 =	sshrl.u32 s1, $0x3;
	s13 =	smax.u32 s13, $0x1  }
0xe: {  	s22 =	sshrl.u32 s5, $0x3;
	s5 =	sshrl.u32 s23, $0x2;
	s23 =	simm.s32 $0x7B80  }
0xf: {  	s7 =	sadd.s32 s22, s4;
	s4 =	sadd.s32 $0xA200, s4;
	s2 =	sadd.s32 s2, s22  }
0x10: {  	s5 =	sadd.s32 s5, s3;
	s22 =	simm.s32 $0x2;
	[dreg:$0x5] =	wrdreg s2  }
0x11: {  	s24 =	sadd.s32 $0x400, s7;
	s25 =	sadd.s32 $0x10000, s5;
	s10 =	sadd.s32 $0x670, s7  }
0x12: {  	s2 =	sshrl.u32 s26, $0x3;
	s1 =	sadd.s32 s4, s1;
	s14 =	sadd.s32 $0x4000, s5  }
0x13: {  	s15 =	sadd.s32 $0x8000, s5;
	s16 =	sadd.s32 $0xC000, s5;
	[dreg:$0x6] =	wrdreg s24  }
0x14: {  	s26 =	simm.s32 $0x4;
	[dreg:$0x7] =	wrdreg s25;
	s11 =	sadd.s32 s4, s2  }
0x15: {  	v0 =	vimm.f32 $0.0e+00;
	s12 =	sadd.s32 $0x27000, s1;
	s24 =	simm.s32 $0xC380;
	s25 =	simm.s32 $0x3  }
.LBB2_1:
0x16: {  	s1 =	simm.s32 $0x0;
	s2 =	rddreg [dreg:$0x5]  }
0x17: {  	[tilespmem:s1], [sflag:$0x1] =	stream.linear.gather [hbm4b:s2+s1], $0x2710, $0x38;
	[tilespmem:$0x1FD80] =	vst v63  }
0x18: {  	s8 =	rddreg [dreg:$0x6];
	s4 =	simm.s32 $0x2780  }
0x19: {  	[tilespmem:s4], [sflag:$0x1] =	stream.linear.gather [hbm4b:s8+s1], $0x1380, $0x38;
	[tilespmem:$0x1FD80] =	vst v63  }
0x1a: {  	s2 =	simm.s32 $0x200;
	s1 =	simm.s32 $0x0  }
.LBB2_2:
0x1b: {  	p1 =	sne.s32 s2, $0xFE00;
	[tilespmem:s1+$0x3BF0] =	vst v0  }
0x1c: {  	[tilespmem:s1+$0x3B80] =	vst v0  }
0x1d: {  	[tilespmem:s1+$0x3B90] =	vst v0  }
.Ltmp0:
0x1e: {  	[tilespmem:s1+$0x3BA0] =	vst v0;
	(pc) =	sbr.rel @p1 .LBB2_2-.Ltmp0, $4  }
0x1f: {  	[tilespmem:s1+$0x3BB0] =	vst v0  }
0x20: {  	[tilespmem:s1+$0x3BC0] =	vst v0  }
0x21: {  	[tilespmem:s1+$0x3BD0] =	vst v0  }
0x22: {  	[tilespmem:s1+$0x3BE0] =	vst v0;
	s1 =	sshra.s32 s2, $0x2;
	s2 =	sadd.s32 $0x200, s2  }
0x23: {  	[tilespmem:s1+$0x3BF0] =	vst v0  }
0x24: {  	[tilespmem:s1+$0x3B80] =	vst v0  }
0x25: {  	[tilespmem:s1+$0x3B90] =	vst v0  }
0x26: {  	[tilespmem:s1+$0x3BA0] =	vst v0  }
0x27: {  	[tilespmem:s1+$0x3BB0] =	vst v0  }
0x28: {  	[tilespmem:s1+$0x3BC0] =	vst v0  }
0x29: {  	[tilespmem:s1+$0x3BD0] =	vst v0  }
0x2a: {  	[tilespmem:s1+$0x3BE0] =	vst v0  }
0x2b: {  	[spmem:s5] =	stream.linear.scatter [tilespmem:s18], [sflag:$0x6], $0x4000, $0x38;
	[tilespmem:$0x1FD80] =	vst v63  }
0x2c: {  	_ =	swait.ge [sflag:s19], $0x4000  }
0x2d: {  	[sflag:s19] =	ssyncset.done $0x0  }
0x2e: {  	[sflag:s19] =	ssyncadd.s32 $0xFFFFC000  }
0x2f: {  	[spmem:s14] =	stream.linear.scatter [tilespmem:s18], [sflag:$0x6], $0x4000, $0x38;
	[tilespmem:$0x1FD80] =	vst v63  }
0x30: {  	_ =	swait.ge [sflag:s19], $0x4000  }
0x31: {  	[sflag:s19] =	ssyncset.done $0x0  }
0x32: {  	[sflag:s19] =	ssyncadd.s32 $0xFFFFC000  }
0x33: {  	[spmem:s15] =	stream.linear.scatter [tilespmem:s18], [sflag:$0x6], $0x4000, $0x38;
	[tilespmem:$0x1FD80] =	vst v63  }
0x34: {  	_ =	swait.ge [sflag:s19], $0x4000  }
0x35: {  	[sflag:s19] =	ssyncset.done $0x0  }
0x36: {  	[sflag:s19] =	ssyncadd.s32 $0xFFFFC000  }
0x37: {  	[spmem:s16] =	stream.linear.scatter [tilespmem:s18], [sflag:$0x6], $0x4000, $0x38;
	[tilespmem:$0x1FD80] =	vst v63  }
0x38: {  	_ =	swait.ge [sflag:s19], $0x4000  }
0x39: {  	[sflag:s19] =	ssyncset.done $0x0  }
0x3a: {  	s8 =	rddreg [dreg:$0x7];
	[sflag:s19] =	ssyncadd.s32 $0xFFFFC000  }
0x3b: {  	[spmem:s8] =	stream.linear.scatter [tilespmem:s18], [sflag:$0x6], $0x3800, $0x38;
	[tilespmem:$0x1FD80] =	vst v63  }
0x3c: {  	_ =	swait.ge [sflag:s19], $0x3800  }
0x3d: {  	[sflag:s19] =	ssyncset.done $0x0  }
0x3e: {  	s1 =	simm.s32 @!p0 $0x3B80;
	[sflag:s19] =	ssyncadd.s32 $0xFFFFC800  }
0x3f: {  	[spmem:s9] =	stream.linear.scatter @!p0 [tilespmem:s1], [sflag:$0x6], $0x800, $0x38;
	[tilespmem:$0x1FD80] =	vst v63  }
0x40: {  	s1 =	simm.s32 @!p0 $0x6  }
0x41: {  	_ =	swait.ge @!p0 [sflag:s1], $0x800  }
0x42: {  	[sflag:s1] =	ssyncset.done @!p0 $0x0  }
0x43: {  	[sflag:s1] =	ssyncadd.s32 @!p0 $0xFFFFF800  }
0x44: {  	[bflag:$0x0] =	sbarrier.arrive $0xFFFF  }
0x45: {  	_ =	swait.ge [sflag:s20], $0x2710  }
0x46: {  	[sflag:s20] =	ssyncset.done $0x0  }
0x47: {  	[sflag:s20] =	ssyncadd.s32 $0xFFFFD8F0  }
0x48: {  	_ =	swait.ge [sflag:s20], $0x1380  }
0x49: {  	[sflag:s20] =	ssyncset.done $0x0  }
0x4a: {  	s2 =	simm.s32 $0x0;
	[sflag:s20] =	ssyncadd.s32 $0xFFFFEC80  }
0x4b: {  	[tilespmem:s18], [sflag:$0x2] =	stream.indirect.gather [hbm4b:s0+s21], $0x80, s2, s21, $0xb8;
	[tilespmem:$0x1FD80] =	vst v63  }
.LBB2_4:
0x4c: {  	_ =	swait.ge [sflag:s22], $0x4000  }
0x4d: {  	p1 =	seq.s32 s2, $0x0;
	[sflag:s22] =	ssyncset.done $0x0  }
0x4e: {  	s4 =	simm.s32 @!p1 $0x5;
	[sflag:s22] =	ssyncadd.s32 $0xFFFFC000  }
0x4f: {  	_ =	swait.ge @!p1 [sflag:s4], $0x4000  }
0x50: {  	s1 =	sshllo.u32 s2, $0x1;
	[sflag:s4] =	ssyncset.done @!p1 $0x0  }
0x51: {  	s6 =	sshll.u32 s1, $0x7;
	[sflag:s4] =	ssyncadd.s32 @!p1 $0xFFFFC000;
	s4 =	sshll.u32 s2, $0x8  }
0x52: {  	s8 =	sand.u32 $0x3FFFFF80, s6;
	p1 =	sgt.u32 s2, $0x13;
	s6 =	sadd.s32 $0xFFFFEC80, s4  }
0x53: {  	s4 =	smov.u32 @p1 s6  }
0x54: {  	s6 =	sadd.s32 $0x2780, s4  }
0x55: {  	v1 =	vmov s6;
	_ =	sdelay $0x1  }
0x56: {  	[tilespmem:s23], [sflag:$0x3] =	stream.indirect.gather [hbm4b:s0+s21], $0x80, s8, s21, $0xb8;
	[tilespmem:$0x1FD80] =	vst v63  }
0x57: {  	s4 =	sshll.u32 s2, $0x1;
	s6 =	simm.s32 $0x0  }
.LBB2_5:
0x58: {  	s7 =	sshll.u32 s6, $0x4  }
0x59: {  	v2 =	vld.idx.msk [tilespmem:v1+s7+$0x0 ss:$0x1], $0xffff;
	_ =	sdelay $0x4  }
0x5a: {  	s8 =	sshll.u32 s6, $0xB;
	v3 =	vand.u32 $0xFFFF, v2  }
0x5b: {  	s8 =	sand.u32 $0x3FFFF800, s8;
	[tilespmem:s7+$0xC380] =	vst v3  }
0x5c: {  	v3 =	vld [tilespmem:s8+$0x3B80]  }
0x5d: {  	v4 =	vld [tilespmem:s8+$0x3B90]  }
0x5e: {  	v2 =	vand.u32 $0xFFFF0000, v2;
	v5 =	vld [tilespmem:s8+$0x3BA0]  }
0x5f: {  	v6 =	vbroadcast v2, $0x0;
	v7 =	vld [tilespmem:s8+$0x3BB0]  }
0x60: {  	v8 =	vld [tilespmem:s8+$0x3BC0]  }
0x61: {  	v9 =	vld [tilespmem:s8+$0x3BD0];
	v3 =	vmul.f32 v6, v3  }
0x62: {  	v10 =	vld [tilespmem:s8+$0x3BE0];
	v4 =	vmul.f32 v4, v6  }
0x63: {  	v24 =	vld [tilespmem:s8+$0x3BF0];
	[tilespmem:s8+$0x3B80] =	vst v3;
	v3 =	vmul.f32 v5, v6  }
0x64: {  	v26 =	vld [tilespmem:s8+$0x3C00];
	v25 =	vmul.f32 v7, v6;
	[tilespmem:s8+$0x3B90] =	vst v4  }
0x65: {  	v27 =	vld [tilespmem:s8+$0x3C10];
	[tilespmem:s8+$0x3BA0] =	vst v3;
	v3 =	vmul.f32 v8, v6  }
0x66: {  	v29 =	vld [tilespmem:s8+$0x3C20];
	v28 =	vmul.f32 v9, v6;
	[tilespmem:s8+$0x3BB0] =	vst v25  }
0x67: {  	v30 =	vbroadcast v2, $0x1;
	v11 =	vld [tilespmem:s8+$0x3C30];
	[tilespmem:s8+$0x3BC0] =	vst v3;
	v3 =	vmul.f32 v10, v6  }
0x68: {  	v32 =	vld [tilespmem:s8+$0x3C40];
	v31 =	vmul.f32 v24, v6;
	[tilespmem:s8+$0x3BD0] =	vst v28  }
0x69: {  	v33 =	vld [tilespmem:s8+$0x3C50];
	[tilespmem:s8+$0x3BE0] =	vst v3;
	v3 =	vmul.f32 v26, v30  }
0x6a: {  	v35 =	vld [tilespmem:s8+$0x3C60];
	v34 =	vmul.f32 v27, v30;
	[tilespmem:s8+$0x3BF0] =	vst v31  }
0x6b: {  	v36 =	vld [tilespmem:s8+$0x3C70];
	[tilespmem:s8+$0x3C00] =	vst v3;
	v3 =	vmul.f32 v29, v30  }
0x6c: {  	v38 =	vld [tilespmem:s8+$0x3C80];
	v37 =	vmul.f32 v11, v30;
	[tilespmem:s8+$0x3C10] =	vst v34  }
0x6d: {  	v39 =	vld [tilespmem:s8+$0x3C90];
	[tilespmem:s8+$0x3C20] =	vst v3;
	v3 =	vmul.f32 v32, v30  }
0x6e: {  	v41 =	vld [tilespmem:s8+$0x3CA0];
	v40 =	vmul.f32 v33, v30;
	[tilespmem:s8+$0x3C30] =	vst v37  }
0x6f: {  	v42 =	vbroadcast v2, $0x2;
	v43 =	vld [tilespmem:s8+$0x3CB0];
	[tilespmem:s8+$0x3C40] =	vst v3;
	v3 =	vmul.f32 v35, v30  }
0x70: {  	v45 =	vld [tilespmem:s8+$0x3CC0];
	v44 =	vmul.f32 v36, v30;
	[tilespmem:s8+$0x3C50] =	vst v40  }
0x71: {  	v46 =	vld [tilespmem:s8+$0x3CD0];
	[tilespmem:s8+$0x3C60] =	vst v3;
	v3 =	vmul.f32 v38, v42  }
0x72: {  	v48 =	vld [tilespmem:s8+$0x3CE0];
	v47 =	vmul.f32 v39, v42;
	[tilespmem:s8+$0x3C70] =	vst v44  }
0x73: {  	v49 =	vld [tilespmem:s8+$0x3CF0];
	[tilespmem:s8+$0x3C80] =	vst v3;
	v3 =	vmul.f32 v41, v42  }
0x74: {  	v51 =	vld [tilespmem:s8+$0x3D00];
	v50 =	vmul.f32 v43, v42;
	[tilespmem:s8+$0x3C90] =	vst v47  }
0x75: {  	v52 =	vld [tilespmem:s8+$0x3D10];
	[tilespmem:s8+$0x3CA0] =	vst v3;
	v3 =	vmul.f32 v45, v42  }
0x76: {  	v54 =	vld [tilespmem:s8+$0x3D20];
	v53 =	vmul.f32 v46, v42;
	[tilespmem:s8+$0x3CB0] =	vst v50  }
0x77: {  	v55 =	vbroadcast v2, $0x3;
	v56 =	vld [tilespmem:s8+$0x3D30];
	[tilespmem:s8+$0x3CC0] =	vst v3;
	v3 =	vmul.f32 v48, v42  }
0x78: {  	v58 =	vld [tilespmem:s8+$0x3D40];
	v57 =	vmul.f32 v49, v42;
	[tilespmem:s8+$0x3CD0] =	vst v53  }
0x79: {  	v59 =	vld [tilespmem:s8+$0x3D50];
	[tilespmem:s8+$0x3CE0] =	vst v3;
	v3 =	vmul.f32 v51, v55  }
0x7a: {  	v61 =	vld [tilespmem:s8+$0x3D60];
	v60 =	vmul.f32 v52, v55;
	[tilespmem:s8+$0x3CF0] =	vst v57  }
0x7b: {  	v62 =	vld [tilespmem:s8+$0x3D70];
	[tilespmem:s8+$0x3D00] =	vst v3;
	v3 =	vmul.f32 v54, v55  }
0x7c: {  	v12 =	vld [tilespmem:s8+$0x3D80];
	v63 =	vmul.f32 v56, v55;
	[tilespmem:s8+$0x3D10] =	vst v60  }
0x7d: {  	v13 =	vld [tilespmem:s8+$0x3D90];
	[tilespmem:s8+$0x3D20] =	vst v3;
	v3 =	vmul.f32 v58, v55  }
0x7e: {  	v15 =	vld [tilespmem:s8+$0x3DA0];
	v14 =	vmul.f32 v59, v55;
	[tilespmem:s8+$0x3D30] =	vst v63  }
0x7f: {  	v16 =	vbroadcast v2, $0x4;
	v17 =	vld [tilespmem:s8+$0x3DB0];
	[tilespmem:s8+$0x3D40] =	vst v3;
	v3 =	vmul.f32 v61, v55  }
0x80: {  	v19 =	vld [tilespmem:s8+$0x3DC0];
	v18 =	vmul.f32 v62, v55;
	[tilespmem:s8+$0x3D50] =	vst v14  }
0x81: {  	v20 =	vld [tilespmem:s8+$0x3DD0];
	[tilespmem:s8+$0x3D60] =	vst v3;
	v3 =	vmul.f32 v12, v16  }
0x82: {  	v22 =	vld [tilespmem:s8+$0x3DE0];
	v21 =	vmul.f32 v13, v16;
	[tilespmem:s8+$0x3D70] =	vst v18  }
0x83: {  	v23 =	vld [tilespmem:s8+$0x3DF0];
	[tilespmem:s8+$0x3D80] =	vst v3;
	v3 =	vmul.f32 v15, v16  }
0x84: {  	v24 =	vmul.f32 v17, v16;
	[tilespmem:s8+$0x3D90] =	vst v21;
	v25 =	vld [tilespmem:s8+$0x3E00]  }
0x85: {  	v33 =	vld [tilespmem:s8+$0x3E50];
	[tilespmem:s8+$0x3DA0] =	vst v3;
	v3 =	vmul.f32 v19, v16  }
0x86: {  	v27 =	vmul.f32 v20, v16;
	[tilespmem:s8+$0x3DB0] =	vst v24;
	v28 =	vld [tilespmem:s8+$0x3E20]  }
0x87: {  	v36 =	vld [tilespmem:s8+$0x3E70];
	v29 =	vbroadcast v2, $0x5;
	[tilespmem:s8+$0x3DC0] =	vst v3;
	v3 =	vmul.f32 v22, v16  }
0x88: {  	[tilespmem:s8+$0x3DD0] =	vst v27;
	v31 =	vmul.f32 v23, v16;
	v32 =	vld [tilespmem:s8+$0x3E40]  }
0x89: {  	v26 =	vld [tilespmem:s8+$0x3E10];
	[tilespmem:s8+$0x3DE0] =	vst v3;
	v3 =	vmul.f32 v25, v29  }
0x8a: {  	[tilespmem:s8+$0x3DF0] =	vst v31;
	v40 =	vmul.f32 v33, v29;
	v35 =	vld [tilespmem:s8+$0x3E60]  }
0x8b: {  	v30 =	vld [tilespmem:s8+$0x3E30];
	[tilespmem:s8+$0x3E00] =	vst v3;
	v3 =	vmul.f32 v28, v29  }
0x8c: {  	v44 =	vmul.f32 v36, v29;
	[tilespmem:s8+$0x3E50] =	vst v40;
	v38 =	vld [tilespmem:s8+$0x3E80]  }
0x8d: {  	v39 =	vld [tilespmem:s8+$0x3E90];
	[tilespmem:s8+$0x3E20] =	vst v3;
	v3 =	vmul.f32 v32, v29  }
0x8e: {  	v34 =	vmul.f32 v26, v29;
	[tilespmem:s8+$0x3E70] =	vst v44;
	v41 =	vld [tilespmem:s8+$0x3EA0]  }
0x8f: {  	v43 =	vld [tilespmem:s8+$0x3EB0];
	v42 =	vbroadcast v2, $0x6;
	[tilespmem:s8+$0x3E40] =	vst v3;
	v3 =	vmul.f32 v35, v29  }
0x90: {  	[tilespmem:s8+$0x3E10] =	vst v34;
	v37 =	vmul.f32 v30, v29;
	v45 =	vld [tilespmem:s8+$0x3EC0]  }
0x91: {  	v46 =	vld [tilespmem:s8+$0x3ED0];
	[tilespmem:s8+$0x3E60] =	vst v3;
	v3 =	vmul.f32 v38, v42  }
0x92: {  	[tilespmem:s8+$0x3E30] =	vst v37;
	v48 =	vld [tilespmem:s8+$0x3EE0];
	v47 =	vmul.f32 v39, v42  }
0x93: {  	v49 =	vld [tilespmem:s8+$0x3EF0];
	[tilespmem:s8+$0x3E80] =	vst v3;
	v3 =	vmul.f32 v41, v42  }
0x94: {  	v50 =	vmul.f32 v43, v42;
	v51 =	vld [tilespmem:s8+$0x3F00];
	[tilespmem:s8+$0x3E90] =	vst v47  }
0x95: {  	v52 =	vld [tilespmem:s8+$0x3F10];
	[tilespmem:s8+$0x3EA0] =	vst v3;
	v3 =	vmul.f32 v45, v42  }
0x96: {  	v53 =	vmul.f32 v46, v42;
	[tilespmem:s8+$0x3EB0] =	vst v50;
	v54 =	vld [tilespmem:s8+$0x3F20]  }
0x97: {  	v56 =	vld [tilespmem:s8+$0x3F30];
	v55 =	vbroadcast v2, $0x7;
	[tilespmem:s8+$0x3EC0] =	vst v3;
	v3 =	vmul.f32 v48, v42  }
0x98: {  	v57 =	vmul.f32 v49, v42;
	[tilespmem:s8+$0x3ED0] =	vst v53;
	v58 =	vld [tilespmem:s8+$0x3F40]  }
0x99: {  	v59 =	vld [tilespmem:s8+$0x3F50];
	[tilespmem:s8+$0x3EE0] =	vst v3;
	v3 =	vmul.f32 v51, v55  }
0x9a: {  	[tilespmem:s8+$0x3EF0] =	vst v57;
	v61 =	vld [tilespmem:s8+$0x3F60];
	v60 =	vmul.f32 v52, v55  }
0x9b: {  	v62 =	vld [tilespmem:s8+$0x3F70];
	[tilespmem:s8+$0x3F00] =	vst v3;
	v3 =	vmul.f32 v54, v55  }
0x9c: {  	v63 =	vmul.f32 v56, v55;
	v12 =	vld [tilespmem:s8+$0x3F80];
	[tilespmem:s8+$0x3F10] =	vst v60  }
0x9d: {  	v13 =	vld [tilespmem:s8+$0x3F90];
	[tilespmem:s8+$0x3F20] =	vst v3;
	v3 =	vmul.f32 v58, v55  }
0x9e: {  	v14 =	vmul.f32 v59, v55;
	[tilespmem:s8+$0x3F30] =	vst v63;
	v15 =	vld [tilespmem:s8+$0x3FA0]  }
0x9f: {  	v17 =	vld [tilespmem:s8+$0x3FB0];
	v16 =	vbroadcast v2, $0x8;
	[tilespmem:s8+$0x3F40] =	vst v3;
	v3 =	vmul.f32 v61, v55  }
0xa0: {  	v18 =	vmul.f32 v62, v55;
	[tilespmem:s8+$0x3F50] =	vst v14;
	v19 =	vld [tilespmem:s8+$0x3FC0]  }
0xa1: {  	v20 =	vld [tilespmem:s8+$0x3FD0];
	[tilespmem:s8+$0x3F60] =	vst v3;
	v3 =	vmul.f32 v12, v16  }
0xa2: {  	[tilespmem:s8+$0x3F70] =	vst v18;
	v22 =	vld [tilespmem:s8+$0x3FE0];
	v21 =	vmul.f32 v13, v16  }
0xa3: {  	v23 =	vld [tilespmem:s8+$0x3FF0];
	[tilespmem:s8+$0x3F80] =	vst v3;
	v3 =	vmul.f32 v15, v16  }
0xa4: {  	v24 =	vmul.f32 v17, v16;
	v25 =	vld [tilespmem:s8+$0x4000];
	[tilespmem:s8+$0x3F90] =	vst v21  }
0xa5: {  	v26 =	vld [tilespmem:s8+$0x4010];
	[tilespmem:s8+$0x3FA0] =	vst v3;
	v3 =	vmul.f32 v19, v16  }
0xa6: {  	v27 =	vmul.f32 v20, v16;
	[tilespmem:s8+$0x3FB0] =	vst v24;
	v28 =	vld [tilespmem:s8+$0x4020]  }
0xa7: {  	v30 =	vld [tilespmem:s8+$0x4030];
	v29 =	vbroadcast v2, $0x9;
	[tilespmem:s8+$0x3FC0] =	vst v3;
	v3 =	vmul.f32 v22, v16  }
0xa8: {  	v31 =	vmul.f32 v23, v16;
	[tilespmem:s8+$0x3FD0] =	vst v27;
	v32 =	vld [tilespmem:s8+$0x4040]  }
0xa9: {  	v33 =	vld [tilespmem:s8+$0x4050];
	[tilespmem:s8+$0x3FE0] =	vst v3;
	v3 =	vmul.f32 v25, v29  }
0xaa: {  	[tilespmem:s8+$0x3FF0] =	vst v31;
	v35 =	vld [tilespmem:s8+$0x4060];
	v34 =	vmul.f32 v26, v29  }
0xab: {  	v36 =	vld [tilespmem:s8+$0x4070];
	[tilespmem:s8+$0x4000] =	vst v3;
	v3 =	vmul.f32 v28, v29  }
0xac: {  	v37 =	vmul.f32 v30, v29;
	v38 =	vld [tilespmem:s8+$0x4080];
	[tilespmem:s8+$0x4010] =	vst v34  }
0xad: {  	v39 =	vld [tilespmem:s8+$0x4090];
	[tilespmem:s8+$0x4020] =	vst v3;
	v3 =	vmul.f32 v32, v29  }
0xae: {  	v40 =	vmul.f32 v33, v29;
	[tilespmem:s8+$0x4030] =	vst v37;
	v41 =	vld [tilespmem:s8+$0x40A0]  }
0xaf: {  	v43 =	vld [tilespmem:s8+$0x40B0];
	v42 =	vbroadcast v2, $0xA;
	[tilespmem:s8+$0x4040] =	vst v3;
	v3 =	vmul.f32 v35, v29  }
0xb0: {  	v44 =	vmul.f32 v36, v29;
	[tilespmem:s8+$0x4050] =	vst v40;
	v45 =	vld [tilespmem:s8+$0x40C0]  }
0xb1: {  	v46 =	vld [tilespmem:s8+$0x40D0];
	[tilespmem:s8+$0x4060] =	vst v3;
	v3 =	vmul.f32 v38, v42  }
0xb2: {  	[tilespmem:s8+$0x4070] =	vst v44;
	v48 =	vld [tilespmem:s8+$0x40E0];
	v47 =	vmul.f32 v39, v42  }
0xb3: {  	v49 =	vld [tilespmem:s8+$0x40F0];
	[tilespmem:s8+$0x4080] =	vst v3;
	v3 =	vmul.f32 v41, v42  }
0xb4: {  	v50 =	vmul.f32 v43, v42;
	v51 =	vld [tilespmem:s8+$0x4100];
	[tilespmem:s8+$0x4090] =	vst v47  }
0xb5: {  	v52 =	vld [tilespmem:s8+$0x4110];
	[tilespmem:s8+$0x40A0] =	vst v3;
	v3 =	vmul.f32 v45, v42  }
0xb6: {  	v53 =	vmul.f32 v46, v42;
	[tilespmem:s8+$0x40B0] =	vst v50;
	v54 =	vld [tilespmem:s8+$0x4120]  }
0xb7: {  	v56 =	vld [tilespmem:s8+$0x4130];
	v55 =	vbroadcast v2, $0xB;
	[tilespmem:s8+$0x40C0] =	vst v3;
	v3 =	vmul.f32 v48, v42  }
0xb8: {  	v57 =	vmul.f32 v49, v42;
	[tilespmem:s8+$0x40D0] =	vst v53;
	v58 =	vld [tilespmem:s8+$0x4140]  }
0xb9: {  	v59 =	vld [tilespmem:s8+$0x4150];
	[tilespmem:s8+$0x40E0] =	vst v3;
	v3 =	vmul.f32 v51, v55  }
0xba: {  	[tilespmem:s8+$0x40F0] =	vst v57;
	v61 =	vld [tilespmem:s8+$0x4160];
	v60 =	vmul.f32 v52, v55  }
0xbb: {  	v62 =	vld [tilespmem:s8+$0x4170];
	[tilespmem:s8+$0x4100] =	vst v3;
	v3 =	vmul.f32 v54, v55  }
0xbc: {  	v63 =	vmul.f32 v56, v55;
	v12 =	vld [tilespmem:s8+$0x4180];
	[tilespmem:s8+$0x4110] =	vst v60  }
0xbd: {  	v13 =	vld [tilespmem:s8+$0x4190];
	[tilespmem:s8+$0x4120] =	vst v3;
	v3 =	vmul.f32 v58, v55  }
0xbe: {  	v14 =	vmul.f32 v59, v55;
	[tilespmem:s8+$0x4130] =	vst v63;
	v15 =	vld [tilespmem:s8+$0x41A0]  }
0xbf: {  	v17 =	vld [tilespmem:s8+$0x41B0];
	v16 =	vbroadcast v2, $0xC;
	[tilespmem:s8+$0x4140] =	vst v3;
	v3 =	vmul.f32 v61, v55  }
0xc0: {  	v18 =	vmul.f32 v62, v55;
	[tilespmem:s8+$0x4150] =	vst v14;
	v19 =	vld [tilespmem:s8+$0x41C0]  }
0xc1: {  	v20 =	vld [tilespmem:s8+$0x41D0];
	[tilespmem:s8+$0x4160] =	vst v3;
	v3 =	vmul.f32 v12, v16  }
0xc2: {  	[tilespmem:s8+$0x4170] =	vst v18;
	v22 =	vld [tilespmem:s8+$0x41E0];
	v21 =	vmul.f32 v13, v16  }
0xc3: {  	v23 =	vld [tilespmem:s8+$0x41F0];
	[tilespmem:s8+$0x4180] =	vst v3;
	v3 =	vmul.f32 v15, v16  }
0xc4: {  	v24 =	vmul.f32 v17, v16;
	v25 =	vld [tilespmem:s8+$0x4200];
	[tilespmem:s8+$0x4190] =	vst v21  }
0xc5: {  	v26 =	vld [tilespmem:s8+$0x4210];
	[tilespmem:s8+$0x41A0] =	vst v3;
	v3 =	vmul.f32 v19, v16  }
0xc6: {  	v27 =	vmul.f32 v20, v16;
	[tilespmem:s8+$0x41B0] =	vst v24;
	v28 =	vld [tilespmem:s8+$0x4220]  }
0xc7: {  	v30 =	vld [tilespmem:s8+$0x4230];
	v29 =	vbroadcast v2, $0xD;
	[tilespmem:s8+$0x41C0] =	vst v3;
	v3 =	vmul.f32 v22, v16  }
0xc8: {  	v31 =	vmul.f32 v23, v16;
	[tilespmem:s8+$0x41D0] =	vst v27;
	v32 =	vld [tilespmem:s8+$0x4240]  }
0xc9: {  	v33 =	vld [tilespmem:s8+$0x4250];
	[tilespmem:s8+$0x41E0] =	vst v3;
	v3 =	vmul.f32 v25, v29  }
0xca: {  	[tilespmem:s8+$0x41F0] =	vst v31;
	v35 =	vld [tilespmem:s8+$0x4260];
	v34 =	vmul.f32 v26, v29  }
0xcb: {  	v36 =	vld [tilespmem:s8+$0x4270];
	[tilespmem:s8+$0x4200] =	vst v3;
	v3 =	vmul.f32 v28, v29  }
0xcc: {  	v37 =	vmul.f32 v30, v29;
	v38 =	vld [tilespmem:s8+$0x4280];
	[tilespmem:s8+$0x4210] =	vst v34  }
0xcd: {  	v39 =	vld [tilespmem:s8+$0x4290];
	[tilespmem:s8+$0x4220] =	vst v3;
	v3 =	vmul.f32 v32, v29  }
0xce: {  	v40 =	vmul.f32 v33, v29;
	[tilespmem:s8+$0x4230] =	vst v37;
	v41 =	vld [tilespmem:s8+$0x42A0]  }
0xcf: {  	v43 =	vld [tilespmem:s8+$0x42B0];
	v42 =	vbroadcast v2, $0xE;
	[tilespmem:s8+$0x4240] =	vst v3;
	v3 =	vmul.f32 v35, v29  }
0xd0: {  	v44 =	vmul.f32 v36, v29;
	[tilespmem:s8+$0x4250] =	vst v40;
	v45 =	vld [tilespmem:s8+$0x42C0]  }
0xd1: {  	v46 =	vld [tilespmem:s8+$0x42D0];
	[tilespmem:s8+$0x4260] =	vst v3;
	v3 =	vmul.f32 v38, v42  }
0xd2: {  	[tilespmem:s8+$0x4270] =	vst v44;
	v48 =	vld [tilespmem:s8+$0x42E0];
	v47 =	vmul.f32 v39, v42  }
0xd3: {  	v49 =	vld [tilespmem:s8+$0x42F0];
	[tilespmem:s8+$0x4280] =	vst v3;
	v3 =	vmul.f32 v41, v42  }
0xd4: {  	v50 =	vmul.f32 v43, v42;
	v51 =	vld [tilespmem:s8+$0x4300];
	[tilespmem:s8+$0x4290] =	vst v47  }
0xd5: {  	v52 =	vld [tilespmem:s8+$0x4310];
	[tilespmem:s8+$0x42A0] =	vst v3;
	v3 =	vmul.f32 v45, v42  }
0xd6: {  	v53 =	vmul.f32 v46, v42;
	[tilespmem:s8+$0x42B0] =	vst v50;
	v54 =	vld [tilespmem:s8+$0x4320]  }
0xd7: {  	v2 =	vbroadcast v2, $0xF;
	v58 =	vld [tilespmem:s8+$0x4350];
	[tilespmem:s8+$0x42C0] =	vst v3;
	v3 =	vmul.f32 v48, v42  }
0xd8: {  	v57 =	vld [tilespmem:s8+$0x4340];
	v56 =	vmul.f32 v49, v42;
	[tilespmem:s8+$0x42D0] =	vst v53  }
0xd9: {  	v55 =	vld [tilespmem:s8+$0x4330];
	[tilespmem:s8+$0x42E0] =	vst v3;
	v3 =	vmul.f32 v51, v2  }
0xda: {  	v60 =	vld [tilespmem:s8+$0x4360];
	v59 =	vmul.f32 v52, v2;
	[tilespmem:s8+$0x42F0] =	vst v56  }
0xdb: {  	v61 =	vld [tilespmem:s8+$0x4370];
	[tilespmem:s8+$0x4300] =	vst v3;
	v3 =	vmul.f32 v54, v2  }
0xdc: {  	[tilespmem:s8+$0x4310] =	vst v59;
	v63 =	vmul.f32 v58, v2  }
0xdd: {  	p1 =	sne.s32 s6, $0x7;
	[tilespmem:s8+$0x4320] =	vst v3;
	v3 =	vmul.f32 v57, v2  }
.Ltmp1:
0xde: {  	v62 =	vmul.f32 v55, v2;
	[tilespmem:s8+$0x4350] =	vst v63;
	(pc) =	sbr.rel @p1 .LBB2_5-.Ltmp1, $4  }
0xdf: {  	[tilespmem:s8+$0x4340] =	vst v3;
	v3 =	vmul.f32 v60, v2  }
0xe0: {  	[tilespmem:s8+$0x4330] =	vst v62;
	v2 =	vmul.f32 v61, v2  }
0xe1: {  	[tilespmem:s8+$0x4360] =	vst v3  }
0xe2: {  	s6 =	sadd.s32 $0x1, s6;
	[tilespmem:s8+$0x4370] =	vst v2  }
0xe3: {  	[spmem:s3] =	stream.indirect.scatter.add.f32 [tilespmem:s18], [sflag:$0x4], $0x80, s24, s21, $0xb8;
	[tilespmem:$0x1FD80] =	vst v63  }
0xe4: {  	p1 =	sne.s32 s2, $0x13  }
0xe5: {  	s6 =	simm.s32 @!p1 $0x0;
	s7 =	simm.s32 @!p1 $0x2780  }
0xe6: {  	[tilespmem:s7], [sflag:$0x6] =	stream.linear.gather @!p1 [hbm4b:s10+s6], $0x1390, $0x38;
	[tilespmem:$0x1FD80] =	vst v63  }
0xe7: {  	s6 =	simm.s32 @!p1 $0x6  }
0xe8: {  	_ =	swait.ge @!p1 [sflag:s6], $0x1390  }
0xe9: {  	[sflag:s6] =	ssyncset.done @!p1 $0x0  }
0xea: {  	[sflag:s6] =	ssyncadd.s32 @!p1 $0xFFFFEC70  }
0xeb: {  	_ =	swait.ge [sflag:s25], $0x4000  }
0xec: {  	[sflag:s25] =	ssyncset.done $0x0  }
0xed: {  	p1 =	seq.s32 s2, $0x26;
	[sflag:s25] =	ssyncadd.s32 $0xFFFFC000  }
0xee: {  	s6 =	sshll.u32 @!p1 s2, $0x8;
	_ =	swait.ge [sflag:s26], $0x4000  }
0xef: {  	s7 =	simm.s32 @!p1 $0x80;
	s6 =	sand.u32 @!p1 $0x3FFFFF00, s6;
	[sflag:s26] =	ssyncset.done $0x0  }
0xf0: {  	s8 =	simm.s32 @!p1 $0x3B80;
	s6 =	sadd.s32 @!p1 $0x100, s6;
	[sflag:s26] =	ssyncadd.s32 $0xFFFFC000  }
0xf1: {  	[tilespmem:s8], [sflag:$0x2] =	stream.indirect.gather @!p1 [hbm4b:s0+s7], $0x80, s6, s7, $0xb8;
	[tilespmem:$0x1FD80] =	vst v63  }
0xf2: {  	s4 =	sadd.s32 $0x7FFFDA, s4;
	p1 =	sgt.u32 s2, $0x12  }
0xf3: {  	s1 =	smov.u32 @p1 s4  }
0xf4: {  	s1 =	sshll.u32 s1, $0x9  }
0xf5: {  	s1 =	sshra.s32 s1, $0x2  }
0xf6: {  	s8 =	sadd.s32 $0x2780, s1  }
0xf7: {  	v1 =	vmov s8;
	_ =	sdelay $0x2  }
0xf8: {  	s1 =	simm.s32 $0x0  }
.LBB2_7:
0xf9: {  	s4 =	sshll.u32 s1, $0x4  }
0xfa: {  	v2 =	vld.idx.msk [tilespmem:v1+s4+$0x0 ss:$0x1], $0xffff;
	_ =	sdelay $0x4  }
0xfb: {  	s6 =	sshll.u32 s1, $0xB;
	v3 =	vand.u32 $0xFFFF, v2  }
0xfc: {  	s8 =	sand.u32 $0x3FFFF800, s6;
	[tilespmem:s4+$0xC400] =	vst v3  }
0xfd: {  	v3 =	vld [tilespmem:s8+$0x7B80]  }
0xfe: {  	v4 =	vld [tilespmem:s8+$0x7B90]  }
0xff: {  	v2 =	vand.u32 $0xFFFF0000, v2;
	v5 =	vld [tilespmem:s8+$0x7BA0]  }
0x100: {  	v6 =	vbroadcast v2, $0x0;
	v7 =	vld [tilespmem:s8+$0x7BB0]  }
0x101: {  	v8 =	vld [tilespmem:s8+$0x7BC0]  }
0x102: {  	v9 =	vld [tilespmem:s8+$0x7BD0];
	v3 =	vmul.f32 v6, v3  }
0x103: {  	v10 =	vld [tilespmem:s8+$0x7BE0];
	v4 =	vmul.f32 v4, v6  }
0x104: {  	v24 =	vld [tilespmem:s8+$0x7BF0];
	[tilespmem:s8+$0x7B80] =	vst v3;
	v3 =	vmul.f32 v5, v6  }
0x105: {  	v26 =	vld [tilespmem:s8+$0x7C00];
	v25 =	vmul.f32 v7, v6;
	[tilespmem:s8+$0x7B90] =	vst v4  }
0x106: {  	v27 =	vld [tilespmem:s8+$0x7C10];
	[tilespmem:s8+$0x7BA0] =	vst v3;
	v3 =	vmul.f32 v8, v6  }
0x107: {  	v29 =	vld [tilespmem:s8+$0x7C20];
	v28 =	vmul.f32 v9, v6;
	[tilespmem:s8+$0x7BB0] =	vst v25  }
0x108: {  	v30 =	vbroadcast v2, $0x1;
	v11 =	vld [tilespmem:s8+$0x7C30];
	[tilespmem:s8+$0x7BC0] =	vst v3;
	v3 =	vmul.f32 v10, v6  }
0x109: {  	v32 =	vld [tilespmem:s8+$0x7C40];
	v31 =	vmul.f32 v24, v6;
	[tilespmem:s8+$0x7BD0] =	vst v28  }
0x10a: {  	v33 =	vld [tilespmem:s8+$0x7C50];
	[tilespmem:s8+$0x7BE0] =	vst v3;
	v3 =	vmul.f32 v26, v30  }
0x10b: {  	v35 =	vld [tilespmem:s8+$0x7C60];
	v34 =	vmul.f32 v27, v30;
	[tilespmem:s8+$0x7BF0] =	vst v31  }
0x10c: {  	v36 =	vld [tilespmem:s8+$0x7C70];
	[tilespmem:s8+$0x7C00] =	vst v3;
	v3 =	vmul.f32 v29, v30  }
0x10d: {  	v38 =	vld [tilespmem:s8+$0x7C80];
	v37 =	vmul.f32 v11, v30;
	[tilespmem:s8+$0x7C10] =	vst v34  }
0x10e: {  	v39 =	vld [tilespmem:s8+$0x7C90];
	[tilespmem:s8+$0x7C20] =	vst v3;
	v3 =	vmul.f32 v32, v30  }
0x10f: {  	v41 =	vld [tilespmem:s8+$0x7CA0];
	v40 =	vmul.f32 v33, v30;
	[tilespmem:s8+$0x7C30] =	vst v37  }
0x110: {  	v42 =	vbroadcast v2, $0x2;
	v43 =	vld [tilespmem:s8+$0x7CB0];
	[tilespmem:s8+$0x7C40] =	vst v3;
	v3 =	vmul.f32 v35, v30  }
0x111: {  	v45 =	vld [tilespmem:s8+$0x7CC0];
	v44 =	vmul.f32 v36, v30;
	[tilespmem:s8+$0x7C50] =	vst v40  }
0x112: {  	v46 =	vld [tilespmem:s8+$0x7CD0];
	[tilespmem:s8+$0x7C60] =	vst v3;
	v3 =	vmul.f32 v38, v42  }
0x113: {  	v48 =	vld [tilespmem:s8+$0x7CE0];
	v47 =	vmul.f32 v39, v42;
	[tilespmem:s8+$0x7C70] =	vst v44  }
0x114: {  	v49 =	vld [tilespmem:s8+$0x7CF0];
	[tilespmem:s8+$0x7C80] =	vst v3;
	v3 =	vmul.f32 v41, v42  }
0x115: {  	v51 =	vld [tilespmem:s8+$0x7D00];
	v50 =	vmul.f32 v43, v42;
	[tilespmem:s8+$0x7C90] =	vst v47  }
0x116: {  	v52 =	vld [tilespmem:s8+$0x7D10];
	[tilespmem:s8+$0x7CA0] =	vst v3;
	v3 =	vmul.f32 v45, v42  }
0x117: {  	v54 =	vld [tilespmem:s8+$0x7D20];
	v53 =	vmul.f32 v46, v42;
	[tilespmem:s8+$0x7CB0] =	vst v50  }
0x118: {  	v55 =	vbroadcast v2, $0x3;
	v56 =	vld [tilespmem:s8+$0x7D30];
	[tilespmem:s8+$0x7CC0] =	vst v3;
	v3 =	vmul.f32 v48, v42  }
0x119: {  	v58 =	vld [tilespmem:s8+$0x7D40];
	v57 =	vmul.f32 v49, v42;
	[tilespmem:s8+$0x7CD0] =	vst v53  }
0x11a: {  	v59 =	vld [tilespmem:s8+$0x7D50];
	[tilespmem:s8+$0x7CE0] =	vst v3;
	v3 =	vmul.f32 v51, v55  }
0x11b: {  	v61 =	vld [tilespmem:s8+$0x7D60];
	v60 =	vmul.f32 v52, v55;
	[tilespmem:s8+$0x7CF0] =	vst v57  }
0x11c: {  	v62 =	vld [tilespmem:s8+$0x7D70];
	[tilespmem:s8+$0x7D00] =	vst v3;
	v3 =	vmul.f32 v54, v55  }
0x11d: {  	v12 =	vld [tilespmem:s8+$0x7D80];
	v63 =	vmul.f32 v56, v55;
	[tilespmem:s8+$0x7D10] =	vst v60  }
0x11e: {  	v13 =	vld [tilespmem:s8+$0x7D90];
	[tilespmem:s8+$0x7D20] =	vst v3;
	v3 =	vmul.f32 v58, v55  }
0x11f: {  	v15 =	vld [tilespmem:s8+$0x7DA0];
	v14 =	vmul.f32 v59, v55;
	[tilespmem:s8+$0x7D30] =	vst v63  }
0x120: {  	v16 =	vbroadcast v2, $0x4;
	v17 =	vld [tilespmem:s8+$0x7DB0];
	[tilespmem:s8+$0x7D40] =	vst v3;
	v3 =	vmul.f32 v61, v55  }
0x121: {  	v19 =	vld [tilespmem:s8+$0x7DC0];
	v18 =	vmul.f32 v62, v55;
	[tilespmem:s8+$0x7D50] =	vst v14  }
0x122: {  	v20 =	vld [tilespmem:s8+$0x7DD0];
	[tilespmem:s8+$0x7D60] =	vst v3;
	v3 =	vmul.f32 v12, v16  }
0x123: {  	v22 =	vld [tilespmem:s8+$0x7DE0];
	v21 =	vmul.f32 v13, v16;
	[tilespmem:s8+$0x7D70] =	vst v18  }
0x124: {  	v23 =	vld [tilespmem:s8+$0x7DF0];
	[tilespmem:s8+$0x7D80] =	vst v3;
	v3 =	vmul.f32 v15, v16  }
0x125: {  	v24 =	vmul.f32 v17, v16;
	[tilespmem:s8+$0x7D90] =	vst v21;
	v25 =	vld [tilespmem:s8+$0x7E00]  }
0x126: {  	v33 =	vld [tilespmem:s8+$0x7E50];
	[tilespmem:s8+$0x7DA0] =	vst v3;
	v3 =	vmul.f32 v19, v16  }
0x127: {  	v27 =	vmul.f32 v20, v16;
	[tilespmem:s8+$0x7DB0] =	vst v24;
	v28 =	vld [tilespmem:s8+$0x7E20]  }
0x128: {  	v36 =	vld [tilespmem:s8+$0x7E70];
	v29 =	vbroadcast v2, $0x5;
	[tilespmem:s8+$0x7DC0] =	vst v3;
	v3 =	vmul.f32 v22, v16  }
0x129: {  	[tilespmem:s8+$0x7DD0] =	vst v27;
	v31 =	vmul.f32 v23, v16;
	v32 =	vld [tilespmem:s8+$0x7E40]  }
0x12a: {  	v26 =	vld [tilespmem:s8+$0x7E10];
	[tilespmem:s8+$0x7DE0] =	vst v3;
	v3 =	vmul.f32 v25, v29  }
0x12b: {  	[tilespmem:s8+$0x7DF0] =	vst v31;
	v40 =	vmul.f32 v33, v29;
	v35 =	vld [tilespmem:s8+$0x7E60]  }
0x12c: {  	v30 =	vld [tilespmem:s8+$0x7E30];
	[tilespmem:s8+$0x7E00] =	vst v3;
	v3 =	vmul.f32 v28, v29  }
0x12d: {  	v44 =	vmul.f32 v36, v29;
	[tilespmem:s8+$0x7E50] =	vst v40;
	v38 =	vld [tilespmem:s8+$0x7E80]  }
0x12e: {  	v39 =	vld [tilespmem:s8+$0x7E90];
	[tilespmem:s8+$0x7E20] =	vst v3;
	v3 =	vmul.f32 v32, v29  }
0x12f: {  	v34 =	vmul.f32 v26, v29;
	[tilespmem:s8+$0x7E70] =	vst v44;
	v41 =	vld [tilespmem:s8+$0x7EA0]  }
0x130: {  	v43 =	vld [tilespmem:s8+$0x7EB0];
	v42 =	vbroadcast v2, $0x6;
	[tilespmem:s8+$0x7E40] =	vst v3;
	v3 =	vmul.f32 v35, v29  }
0x131: {  	[tilespmem:s8+$0x7E10] =	vst v34;
	v37 =	vmul.f32 v30, v29;
	v45 =	vld [tilespmem:s8+$0x7EC0]  }
0x132: {  	v46 =	vld [tilespmem:s8+$0x7ED0];
	[tilespmem:s8+$0x7E60] =	vst v3;
	v3 =	vmul.f32 v38, v42  }
0x133: {  	[tilespmem:s8+$0x7E30] =	vst v37;
	v48 =	vld [tilespmem:s8+$0x7EE0];
	v47 =	vmul.f32 v39, v42  }
0x134: {  	v49 =	vld [tilespmem:s8+$0x7EF0];
	[tilespmem:s8+$0x7E80] =	vst v3;
	v3 =	vmul.f32 v41, v42  }
0x135: {  	v50 =	vmul.f32 v43, v42;
	v51 =	vld [tilespmem:s8+$0x7F00];
	[tilespmem:s8+$0x7E90] =	vst v47  }
0x136: {  	v52 =	vld [tilespmem:s8+$0x7F10];
	[tilespmem:s8+$0x7EA0] =	vst v3;
	v3 =	vmul.f32 v45, v42  }
0x137: {  	v53 =	vmul.f32 v46, v42;
	[tilespmem:s8+$0x7EB0] =	vst v50;
	v54 =	vld [tilespmem:s8+$0x7F20]  }
0x138: {  	v56 =	vld [tilespmem:s8+$0x7F30];
	v55 =	vbroadcast v2, $0x7;
	[tilespmem:s8+$0x7EC0] =	vst v3;
	v3 =	vmul.f32 v48, v42  }
0x139: {  	v57 =	vmul.f32 v49, v42;
	[tilespmem:s8+$0x7ED0] =	vst v53;
	v58 =	vld [tilespmem:s8+$0x7F40]  }
0x13a: {  	v59 =	vld [tilespmem:s8+$0x7F50];
	[tilespmem:s8+$0x7EE0] =	vst v3;
	v3 =	vmul.f32 v51, v55  }
0x13b: {  	[tilespmem:s8+$0x7EF0] =	vst v57;
	v61 =	vld [tilespmem:s8+$0x7F60];
	v60 =	vmul.f32 v52, v55  }
0x13c: {  	v62 =	vld [tilespmem:s8+$0x7F70];
	[tilespmem:s8+$0x7F00] =	vst v3;
	v3 =	vmul.f32 v54, v55  }
0x13d: {  	v63 =	vmul.f32 v56, v55;
	v12 =	vld [tilespmem:s8+$0x7F80];
	[tilespmem:s8+$0x7F10] =	vst v60  }
0x13e: {  	v13 =	vld [tilespmem:s8+$0x7F90];
	[tilespmem:s8+$0x7F20] =	vst v3;
	v3 =	vmul.f32 v58, v55  }
0x13f: {  	v14 =	vmul.f32 v59, v55;
	[tilespmem:s8+$0x7F30] =	vst v63;
	v15 =	vld [tilespmem:s8+$0x7FA0]  }
0x140: {  	v17 =	vld [tilespmem:s8+$0x7FB0];
	v16 =	vbroadcast v2, $0x8;
	[tilespmem:s8+$0x7F40] =	vst v3;
	v3 =	vmul.f32 v61, v55  }
0x141: {  	v18 =	vmul.f32 v62, v55;
	[tilespmem:s8+$0x7F50] =	vst v14;
	v19 =	vld [tilespmem:s8+$0x7FC0]  }
0x142: {  	v20 =	vld [tilespmem:s8+$0x7FD0];
	[tilespmem:s8+$0x7F60] =	vst v3;
	v3 =	vmul.f32 v12, v16  }
0x143: {  	[tilespmem:s8+$0x7F70] =	vst v18;
	v22 =	vld [tilespmem:s8+$0x7FE0];
	v21 =	vmul.f32 v13, v16  }
0x144: {  	v23 =	vld [tilespmem:s8+$0x7FF0];
	[tilespmem:s8+$0x7F80] =	vst v3;
	v3 =	vmul.f32 v15, v16  }
0x145: {  	v24 =	vmul.f32 v17, v16;
	v25 =	vld [tilespmem:s8+$0x8000];
	[tilespmem:s8+$0x7F90] =	vst v21  }
0x146: {  	v26 =	vld [tilespmem:s8+$0x8010];
	[tilespmem:s8+$0x7FA0] =	vst v3;
	v3 =	vmul.f32 v19, v16  }
0x147: {  	v27 =	vmul.f32 v20, v16;
	[tilespmem:s8+$0x7FB0] =	vst v24;
	v28 =	vld [tilespmem:s8+$0x8020]  }
0x148: {  	v30 =	vld [tilespmem:s8+$0x8030];
	v29 =	vbroadcast v2, $0x9;
	[tilespmem:s8+$0x7FC0] =	vst v3;
	v3 =	vmul.f32 v22, v16  }
0x149: {  	v31 =	vmul.f32 v23, v16;
	[tilespmem:s8+$0x7FD0] =	vst v27;
	v32 =	vld [tilespmem:s8+$0x8040]  }
0x14a: {  	v33 =	vld [tilespmem:s8+$0x8050];
	[tilespmem:s8+$0x7FE0] =	vst v3;
	v3 =	vmul.f32 v25, v29  }
0x14b: {  	[tilespmem:s8+$0x7FF0] =	vst v31;
	v35 =	vld [tilespmem:s8+$0x8060];
	v34 =	vmul.f32 v26, v29  }
0x14c: {  	v36 =	vld [tilespmem:s8+$0x8070];
	[tilespmem:s8+$0x8000] =	vst v3;
	v3 =	vmul.f32 v28, v29  }
0x14d: {  	v37 =	vmul.f32 v30, v29;
	v38 =	vld [tilespmem:s8+$0x8080];
	[tilespmem:s8+$0x8010] =	vst v34  }
0x14e: {  	v39 =	vld [tilespmem:s8+$0x8090];
	[tilespmem:s8+$0x8020] =	vst v3;
	v3 =	vmul.f32 v32, v29  }
0x14f: {  	v40 =	vmul.f32 v33, v29;
	[tilespmem:s8+$0x8030] =	vst v37;
	v41 =	vld [tilespmem:s8+$0x80A0]  }
0x150: {  	v43 =	vld [tilespmem:s8+$0x80B0];
	v42 =	vbroadcast v2, $0xA;
	[tilespmem:s8+$0x8040] =	vst v3;
	v3 =	vmul.f32 v35, v29  }
0x151: {  	v44 =	vmul.f32 v36, v29;
	[tilespmem:s8+$0x8050] =	vst v40;
	v45 =	vld [tilespmem:s8+$0x80C0]  }
0x152: {  	v46 =	vld [tilespmem:s8+$0x80D0];
	[tilespmem:s8+$0x8060] =	vst v3;
	v3 =	vmul.f32 v38, v42  }
0x153: {  	[tilespmem:s8+$0x8070] =	vst v44;
	v48 =	vld [tilespmem:s8+$0x80E0];
	v47 =	vmul.f32 v39, v42  }
0x154: {  	v49 =	vld [tilespmem:s8+$0x80F0];
	[tilespmem:s8+$0x8080] =	vst v3;
	v3 =	vmul.f32 v41, v42  }
0x155: {  	v50 =	vmul.f32 v43, v42;
	v51 =	vld [tilespmem:s8+$0x8100];
	[tilespmem:s8+$0x8090] =	vst v47  }
0x156: {  	v52 =	vld [tilespmem:s8+$0x8110];
	[tilespmem:s8+$0x80A0] =	vst v3;
	v3 =	vmul.f32 v45, v42  }
0x157: {  	v53 =	vmul.f32 v46, v42;
	[tilespmem:s8+$0x80B0] =	vst v50;
	v54 =	vld [tilespmem:s8+$0x8120]  }
0x158: {  	v56 =	vld [tilespmem:s8+$0x8130];
	v55 =	vbroadcast v2, $0xB;
	[tilespmem:s8+$0x80C0] =	vst v3;
	v3 =	vmul.f32 v48, v42  }
0x159: {  	v57 =	vmul.f32 v49, v42;
	[tilespmem:s8+$0x80D0] =	vst v53;
	v58 =	vld [tilespmem:s8+$0x8140]  }
0x15a: {  	v59 =	vld [tilespmem:s8+$0x8150];
	[tilespmem:s8+$0x80E0] =	vst v3;
	v3 =	vmul.f32 v51, v55  }
0x15b: {  	[tilespmem:s8+$0x80F0] =	vst v57;
	v61 =	vld [tilespmem:s8+$0x8160];
	v60 =	vmul.f32 v52, v55  }
0x15c: {  	v62 =	vld [tilespmem:s8+$0x8170];
	[tilespmem:s8+$0x8100] =	vst v3;
	v3 =	vmul.f32 v54, v55  }
0x15d: {  	v63 =	vmul.f32 v56, v55;
	v12 =	vld [tilespmem:s8+$0x8180];
	[tilespmem:s8+$0x8110] =	vst v60  }
0x15e: {  	v13 =	vld [tilespmem:s8+$0x8190];
	[tilespmem:s8+$0x8120] =	vst v3;
	v3 =	vmul.f32 v58, v55  }
0x15f: {  	v14 =	vmul.f32 v59, v55;
	[tilespmem:s8+$0x8130] =	vst v63;
	v15 =	vld [tilespmem:s8+$0x81A0]  }
0x160: {  	v17 =	vld [tilespmem:s8+$0x81B0];
	v16 =	vbroadcast v2, $0xC;
	[tilespmem:s8+$0x8140] =	vst v3;
	v3 =	vmul.f32 v61, v55  }
0x161: {  	v18 =	vmul.f32 v62, v55;
	[tilespmem:s8+$0x8150] =	vst v14;
	v19 =	vld [tilespmem:s8+$0x81C0]  }
0x162: {  	v20 =	vld [tilespmem:s8+$0x81D0];
	[tilespmem:s8+$0x8160] =	vst v3;
	v3 =	vmul.f32 v12, v16  }
0x163: {  	[tilespmem:s8+$0x8170] =	vst v18;
	v22 =	vld [tilespmem:s8+$0x81E0];
	v21 =	vmul.f32 v13, v16  }
0x164: {  	v23 =	vld [tilespmem:s8+$0x81F0];
	[tilespmem:s8+$0x8180] =	vst v3;
	v3 =	vmul.f32 v15, v16  }
0x165: {  	v24 =	vmul.f32 v17, v16;
	v25 =	vld [tilespmem:s8+$0x8200];
	[tilespmem:s8+$0x8190] =	vst v21  }
0x166: {  	v26 =	vld [tilespmem:s8+$0x8210];
	[tilespmem:s8+$0x81A0] =	vst v3;
	v3 =	vmul.f32 v19, v16  }
0x167: {  	v27 =	vmul.f32 v20, v16;
	[tilespmem:s8+$0x81B0] =	vst v24;
	v28 =	vld [tilespmem:s8+$0x8220]  }
0x168: {  	v30 =	vld [tilespmem:s8+$0x8230];
	v29 =	vbroadcast v2, $0xD;
	[tilespmem:s8+$0x81C0] =	vst v3;
	v3 =	vmul.f32 v22, v16  }
0x169: {  	v31 =	vmul.f32 v23, v16;
	[tilespmem:s8+$0x81D0] =	vst v27;
	v32 =	vld [tilespmem:s8+$0x8240]  }
0x16a: {  	v33 =	vld [tilespmem:s8+$0x8250];
	[tilespmem:s8+$0x81E0] =	vst v3;
	v3 =	vmul.f32 v25, v29  }
0x16b: {  	[tilespmem:s8+$0x81F0] =	vst v31;
	v35 =	vld [tilespmem:s8+$0x8260];
	v34 =	vmul.f32 v26, v29  }
0x16c: {  	v36 =	vld [tilespmem:s8+$0x8270];
	[tilespmem:s8+$0x8200] =	vst v3;
	v3 =	vmul.f32 v28, v29  }
0x16d: {  	v37 =	vmul.f32 v30, v29;
	v38 =	vld [tilespmem:s8+$0x8280];
	[tilespmem:s8+$0x8210] =	vst v34  }
0x16e: {  	v39 =	vld [tilespmem:s8+$0x8290];
	[tilespmem:s8+$0x8220] =	vst v3;
	v3 =	vmul.f32 v32, v29  }
0x16f: {  	v40 =	vmul.f32 v33, v29;
	[tilespmem:s8+$0x8230] =	vst v37;
	v41 =	vld [tilespmem:s8+$0x82A0]  }
0x170: {  	v43 =	vld [tilespmem:s8+$0x82B0];
	v42 =	vbroadcast v2, $0xE;
	[tilespmem:s8+$0x8240] =	vst v3;
	v3 =	vmul.f32 v35, v29  }
0x171: {  	v44 =	vmul.f32 v36, v29;
	[tilespmem:s8+$0x8250] =	vst v40;
	v45 =	vld [tilespmem:s8+$0x82C0]  }
0x172: {  	v46 =	vld [tilespmem:s8+$0x82D0];
	[tilespmem:s8+$0x8260] =	vst v3;
	v3 =	vmul.f32 v38, v42  }
0x173: {  	[tilespmem:s8+$0x8270] =	vst v44;
	v48 =	vld [tilespmem:s8+$0x82E0];
	v47 =	vmul.f32 v39, v42  }
0x174: {  	v49 =	vld [tilespmem:s8+$0x82F0];
	[tilespmem:s8+$0x8280] =	vst v3;
	v3 =	vmul.f32 v41, v42  }
0x175: {  	v50 =	vmul.f32 v43, v42;
	v51 =	vld [tilespmem:s8+$0x8300];
	[tilespmem:s8+$0x8290] =	vst v47  }
0x176: {  	v52 =	vld [tilespmem:s8+$0x8310];
	[tilespmem:s8+$0x82A0] =	vst v3;
	v3 =	vmul.f32 v45, v42  }
0x177: {  	v53 =	vmul.f32 v46, v42;
	[tilespmem:s8+$0x82B0] =	vst v50;
	v54 =	vld [tilespmem:s8+$0x8320]  }
0x178: {  	v2 =	vbroadcast v2, $0xF;
	v58 =	vld [tilespmem:s8+$0x8350];
	[tilespmem:s8+$0x82C0] =	vst v3;
	v3 =	vmul.f32 v48, v42  }
0x179: {  	v57 =	vld [tilespmem:s8+$0x8340];
	v56 =	vmul.f32 v49, v42;
	[tilespmem:s8+$0x82D0] =	vst v53  }
0x17a: {  	v55 =	vld [tilespmem:s8+$0x8330];
	[tilespmem:s8+$0x82E0] =	vst v3;
	v3 =	vmul.f32 v51, v2  }
0x17b: {  	v60 =	vld [tilespmem:s8+$0x8360];
	v59 =	vmul.f32 v52, v2;
	[tilespmem:s8+$0x82F0] =	vst v56  }
0x17c: {  	v61 =	vld [tilespmem:s8+$0x8370];
	[tilespmem:s8+$0x8300] =	vst v3;
	v3 =	vmul.f32 v54, v2  }
0x17d: {  	[tilespmem:s8+$0x8310] =	vst v59;
	v63 =	vmul.f32 v58, v2  }
0x17e: {  	p1 =	sne.s32 s1, $0x7;
	[tilespmem:s8+$0x8320] =	vst v3;
	v3 =	vmul.f32 v57, v2  }
.Ltmp2:
0x17f: {  	v62 =	vmul.f32 v55, v2;
	[tilespmem:s8+$0x8350] =	vst v63;
	(pc) =	sbr.rel @p1 .LBB2_7-.Ltmp2, $4  }
0x180: {  	[tilespmem:s8+$0x8340] =	vst v3;
	v3 =	vmul.f32 v60, v2  }
0x181: {  	[tilespmem:s8+$0x8330] =	vst v62;
	v2 =	vmul.f32 v61, v2  }
0x182: {  	[tilespmem:s8+$0x8360] =	vst v3  }
0x183: {  	s1 =	sadd.s32 $0x1, s1;
	[tilespmem:s8+$0x8370] =	vst v2  }
0x184: {  	s2 =	sadd.s32 $0x1, s2  }
0x185: {  	p1 =	sne.s32 s2, $0x27  }
.Ltmp3:
0x186: {  	_ = 	snop;
	(pc) =	sbr.rel @p1 .LBB2_4-.Ltmp3, $2  }
0x187: {  	_ =	sdelay $0x2  }
0x188: {  	[spmem:s3] =	stream.indirect.scatter.add.f32 [tilespmem:s23], [sflag:$0x5], $0x80, s28, s21, $0xb8;
	[tilespmem:$0x1FD80] =	vst v63  }
0x189: {  	s1 =	simm.s32 $0x2700  }
0x18a: {  	[tilespmem:s31], [sflag:$0x2] =	stream.indirect.gather [hbm4b:s0+s29], $0x80, s1, s29, $0xb8;
	[tilespmem:$0x1FD80] =	vst v63  }
0x18b: {  	_ =	swait.ge [sflag:s22], $0x800  }
0x18c: {  	[sflag:s22] =	ssyncset.done $0x0  }
0x18d: {  	[sflag:s22] =	ssyncadd.s32 $0xFFFFF800  }
0x18e: {  	v2 =	vld [tilespmem:$0x3B00];
	_ =	sdelay $0x2  }
0x18f: {  	v3 =	vld [tilespmem:$0xBB80]  }
0x190: {  	v4 =	vld [tilespmem:$0xBB90]  }
0x191: {  	v5 =	vld [tilespmem:$0xBBA0];
	v1 =	vand.u32 $0xFFFF0000, v2  }
0x192: {  	v7 =	vld [tilespmem:$0xBBB0];
	v6 =	vbroadcast v1, $0x0  }
0x193: {  	v8 =	vld [tilespmem:$0xBBC0]  }
0x194: {  	v9 =	vld [tilespmem:$0xBBD0];
	v2 =	vand.u32 $0xFFFF, v2;
	v3 =	vmul.f32 v6, v3  }
0x195: {  	v33 =	vld [tilespmem:$0xBBE0];
	[tilespmem:$0xC480] =	vst v2;
	v2 =	vmul.f32 v4, v6  }
0x196: {  	v34 =	vld [tilespmem:$0xBBF0];
	[tilespmem:$0xBB80] =	vst v3;
	v3 =	vmul.f32 v5, v6  }
0x197: {  	v35 =	vld [tilespmem:$0xBC00];
	[tilespmem:$0xBB90] =	vst v2;
	v2 =	vmul.f32 v7, v6  }
0x198: {  	v36 =	vld [tilespmem:$0xBC10];
	[tilespmem:$0xBBA0] =	vst v3;
	v3 =	vmul.f32 v8, v6  }
0x199: {  	v37 =	vld [tilespmem:$0xBC20];
	[tilespmem:$0xBBB0] =	vst v2;
	v2 =	vmul.f32 v9, v6  }
0x19a: {  	v10 =	vld [tilespmem:$0xBC30];
	v38 =	vbroadcast v1, $0x1;
	[tilespmem:$0xBBC0] =	vst v3;
	v3 =	vmul.f32 v33, v6  }
0x19b: {  	v39 =	vld [tilespmem:$0xBC40];
	[tilespmem:$0xBBD0] =	vst v2;
	v2 =	vmul.f32 v34, v6  }
0x19c: {  	v40 =	vld [tilespmem:$0xBC50];
	[tilespmem:$0xBBE0] =	vst v3;
	v3 =	vmul.f32 v35, v38  }
0x19d: {  	v41 =	vld [tilespmem:$0xBC60];
	[tilespmem:$0xBBF0] =	vst v2;
	v2 =	vmul.f32 v36, v38  }
0x19e: {  	v42 =	vld [tilespmem:$0xBC70];
	[tilespmem:$0xBC00] =	vst v3;
	v3 =	vmul.f32 v37, v38  }
0x19f: {  	v43 =	vld [tilespmem:$0xBC80];
	[tilespmem:$0xBC10] =	vst v2;
	v2 =	vmul.f32 v10, v38  }
0x1a0: {  	v44 =	vld [tilespmem:$0xBC90];
	[tilespmem:$0xBC20] =	vst v3;
	v3 =	vmul.f32 v39, v38  }
0x1a1: {  	v45 =	vld [tilespmem:$0xBCA0];
	[tilespmem:$0xBC30] =	vst v2;
	v2 =	vmul.f32 v40, v38  }
0x1a2: {  	v47 =	vld [tilespmem:$0xBCB0];
	v46 =	vbroadcast v1, $0x2;
	[tilespmem:$0xBC40] =	vst v3;
	v3 =	vmul.f32 v41, v38  }
0x1a3: {  	v48 =	vld [tilespmem:$0xBCC0];
	[tilespmem:$0xBC50] =	vst v2;
	v2 =	vmul.f32 v42, v38  }
0x1a4: {  	v49 =	vld [tilespmem:$0xBCD0];
	[tilespmem:$0xBC60] =	vst v3;
	v3 =	vmul.f32 v43, v46  }
0x1a5: {  	v50 =	vld [tilespmem:$0xBCE0];
	[tilespmem:$0xBC70] =	vst v2;
	v2 =	vmul.f32 v44, v46  }
0x1a6: {  	v51 =	vld [tilespmem:$0xBCF0];
	[tilespmem:$0xBC80] =	vst v3;
	v3 =	vmul.f32 v45, v46  }
0x1a7: {  	v52 =	vld [tilespmem:$0xBD00];
	[tilespmem:$0xBC90] =	vst v2;
	v2 =	vmul.f32 v47, v46  }
0x1a8: {  	v53 =	vld [tilespmem:$0xBD10];
	[tilespmem:$0xBCA0] =	vst v3;
	v3 =	vmul.f32 v48, v46  }
0x1a9: {  	v54 =	vld [tilespmem:$0xBD20];
	[tilespmem:$0xBCB0] =	vst v2;
	v2 =	vmul.f32 v49, v46  }
0x1aa: {  	v56 =	vld [tilespmem:$0xBD30];
	v55 =	vbroadcast v1, $0x3;
	[tilespmem:$0xBCC0] =	vst v3;
	v3 =	vmul.f32 v50, v46  }
0x1ab: {  	v57 =	vld [tilespmem:$0xBD40];
	[tilespmem:$0xBCD0] =	vst v2;
	v2 =	vmul.f32 v51, v46  }
0x1ac: {  	v58 =	vld [tilespmem:$0xBD50];
	[tilespmem:$0xBCE0] =	vst v3;
	v3 =	vmul.f32 v52, v55  }
0x1ad: {  	v59 =	vld [tilespmem:$0xBD60];
	[tilespmem:$0xBCF0] =	vst v2;
	v2 =	vmul.f32 v53, v55  }
0x1ae: {  	v60 =	vld [tilespmem:$0xBD70];
	[tilespmem:$0xBD00] =	vst v3;
	v3 =	vmul.f32 v54, v55  }
0x1af: {  	v61 =	vld [tilespmem:$0xBD80];
	[tilespmem:$0xBD10] =	vst v2;
	v2 =	vmul.f32 v56, v55  }
0x1b0: {  	v62 =	vld [tilespmem:$0xBD90];
	[tilespmem:$0xBD20] =	vst v3;
	v3 =	vmul.f32 v57, v55  }
0x1b1: {  	v63 =	vld [tilespmem:$0xBDA0];
	[tilespmem:$0xBD30] =	vst v2;
	v2 =	vmul.f32 v58, v55  }
0x1b2: {  	v13 =	vld [tilespmem:$0xBDB0];
	v12 =	vbroadcast v1, $0x4;
	[tilespmem:$0xBD40] =	vst v3;
	v3 =	vmul.f32 v59, v55  }
0x1b3: {  	v14 =	vld [tilespmem:$0xBDC0];
	[tilespmem:$0xBD50] =	vst v2;
	v2 =	vmul.f32 v60, v55  }
0x1b4: {  	v15 =	vld [tilespmem:$0xBDD0];
	[tilespmem:$0xBD60] =	vst v3;
	v3 =	vmul.f32 v61, v12  }
0x1b5: {  	v16 =	vld [tilespmem:$0xBDE0];
	[tilespmem:$0xBD70] =	vst v2;
	v2 =	vmul.f32 v62, v12  }
0x1b6: {  	v17 =	vld [tilespmem:$0xBDF0];
	[tilespmem:$0xBD80] =	vst v3;
	v3 =	vmul.f32 v63, v12  }
0x1b7: {  	v18 =	vld [tilespmem:$0xBE00];
	[tilespmem:$0xBD90] =	vst v2;
	v2 =	vmul.f32 v13, v12  }
0x1b8: {  	v19 =	vld [tilespmem:$0xBE10];
	[tilespmem:$0xBDA0] =	vst v3;
	v3 =	vmul.f32 v14, v12  }
0x1b9: {  	v20 =	vld [tilespmem:$0xBE20];
	[tilespmem:$0xBDB0] =	vst v2;
	v2 =	vmul.f32 v15, v12  }
0x1ba: {  	v22 =	vld [tilespmem:$0xBE30];
	v21 =	vbroadcast v1, $0x5;
	[tilespmem:$0xBDC0] =	vst v3;
	v3 =	vmul.f32 v16, v12  }
0x1bb: {  	v23 =	vld [tilespmem:$0xBE40];
	[tilespmem:$0xBDD0] =	vst v2;
	v2 =	vmul.f32 v17, v12  }
0x1bc: {  	v24 =	vld [tilespmem:$0xBE50];
	[tilespmem:$0xBDE0] =	vst v3;
	v3 =	vmul.f32 v18, v21  }
0x1bd: {  	v25 =	vld [tilespmem:$0xBE60];
	[tilespmem:$0xBDF0] =	vst v2;
	v2 =	vmul.f32 v19, v21  }
0x1be: {  	v26 =	vld [tilespmem:$0xBE70];
	[tilespmem:$0xBE00] =	vst v3;
	v3 =	vmul.f32 v20, v21  }
0x1bf: {  	v27 =	vld [tilespmem:$0xBE80];
	[tilespmem:$0xBE10] =	vst v2;
	v2 =	vmul.f32 v22, v21  }
0x1c0: {  	v28 =	vld [tilespmem:$0xBE90];
	[tilespmem:$0xBE20] =	vst v3;
	v3 =	vmul.f32 v23, v21  }
0x1c1: {  	v29 =	vld [tilespmem:$0xBEA0];
	[tilespmem:$0xBE30] =	vst v2;
	v2 =	vmul.f32 v24, v21  }
0x1c2: {  	v31 =	vld [tilespmem:$0xBEB0];
	v30 =	vbroadcast v1, $0x6;
	[tilespmem:$0xBE40] =	vst v3;
	v3 =	vmul.f32 v25, v21  }
0x1c3: {  	v32 =	vld [tilespmem:$0xBEC0];
	[tilespmem:$0xBE50] =	vst v2;
	v2 =	vmul.f32 v26, v21  }
0x1c4: {  	v33 =	vld [tilespmem:$0xBED0];
	[tilespmem:$0xBE60] =	vst v3;
	v3 =	vmul.f32 v27, v30  }
0x1c5: {  	v34 =	vld [tilespmem:$0xBEE0];
	[tilespmem:$0xBE70] =	vst v2;
	v2 =	vmul.f32 v28, v30  }
0x1c6: {  	v35 =	vld [tilespmem:$0xBEF0];
	[tilespmem:$0xBE80] =	vst v3;
	v3 =	vmul.f32 v29, v30  }
0x1c7: {  	v36 =	vld [tilespmem:$0xBF00];
	[tilespmem:$0xBE90] =	vst v2;
	v2 =	vmul.f32 v31, v30  }
0x1c8: {  	v37 =	vld [tilespmem:$0xBF10];
	[tilespmem:$0xBEA0] =	vst v3;
	v3 =	vmul.f32 v32, v30  }
0x1c9: {  	v38 =	vld [tilespmem:$0xBF20];
	[tilespmem:$0xBEB0] =	vst v2;
	v2 =	vmul.f32 v33, v30  }
0x1ca: {  	v39 =	vbroadcast v1, $0x7;
	v40 =	vld [tilespmem:$0xBF30];
	[tilespmem:$0xBEC0] =	vst v3;
	v3 =	vmul.f32 v34, v30  }
0x1cb: {  	v41 =	vld [tilespmem:$0xBF40];
	[tilespmem:$0xBED0] =	vst v2;
	v2 =	vmul.f32 v35, v30  }
0x1cc: {  	v42 =	vld [tilespmem:$0xBF50];
	[tilespmem:$0xBEE0] =	vst v3;
	v3 =	vmul.f32 v36, v39  }
0x1cd: {  	v43 =	vld [tilespmem:$0xBF60];
	[tilespmem:$0xBEF0] =	vst v2;
	v2 =	vmul.f32 v37, v39  }
0x1ce: {  	v44 =	vld [tilespmem:$0xBF70];
	[tilespmem:$0xBF00] =	vst v3;
	v3 =	vmul.f32 v38, v39  }
0x1cf: {  	v45 =	vld [tilespmem:$0xBF80];
	[tilespmem:$0xBF10] =	vst v2;
	v2 =	vmul.f32 v40, v39  }
0x1d0: {  	v46 =	vld [tilespmem:$0xBF90];
	[tilespmem:$0xBF20] =	vst v3;
	v3 =	vmul.f32 v41, v39  }
0x1d1: {  	v47 =	vld [tilespmem:$0xBFA0];
	[tilespmem:$0xBF30] =	vst v2;
	v2 =	vmul.f32 v42, v39  }
0x1d2: {  	v48 =	vbroadcast v1, $0x8;
	v49 =	vld [tilespmem:$0xBFB0];
	[tilespmem:$0xBF40] =	vst v3;
	v3 =	vmul.f32 v43, v39  }
0x1d3: {  	v50 =	vld [tilespmem:$0xBFC0];
	[tilespmem:$0xBF50] =	vst v2;
	v2 =	vmul.f32 v44, v39  }
0x1d4: {  	v51 =	vld [tilespmem:$0xBFD0];
	[tilespmem:$0xBF60] =	vst v3;
	v3 =	vmul.f32 v45, v48  }
0x1d5: {  	v52 =	vld [tilespmem:$0xBFE0];
	[tilespmem:$0xBF70] =	vst v2;
	v2 =	vmul.f32 v46, v48  }
0x1d6: {  	v53 =	vld [tilespmem:$0xBFF0];
	[tilespmem:$0xBF80] =	vst v3;
	v3 =	vmul.f32 v47, v48  }
0x1d7: {  	v54 =	vld [tilespmem:$0xC000];
	[tilespmem:$0xBF90] =	vst v2;
	v2 =	vmul.f32 v49, v48  }
0x1d8: {  	v55 =	vld [tilespmem:$0xC010];
	[tilespmem:$0xBFA0] =	vst v3;
	v3 =	vmul.f32 v50, v48  }
0x1d9: {  	v56 =	vld [tilespmem:$0xC020];
	[tilespmem:$0xBFB0] =	vst v2;
	v2 =	vmul.f32 v51, v48  }
0x1da: {  	v57 =	vbroadcast v1, $0x9;
	v58 =	vld [tilespmem:$0xC030];
	[tilespmem:$0xBFC0] =	vst v3;
	v3 =	vmul.f32 v52, v48  }
0x1db: {  	v59 =	vld [tilespmem:$0xC040];
	[tilespmem:$0xBFD0] =	vst v2;
	v2 =	vmul.f32 v53, v48  }
0x1dc: {  	v60 =	vld [tilespmem:$0xC050];
	[tilespmem:$0xBFE0] =	vst v3;
	v3 =	vmul.f32 v54, v57  }
0x1dd: {  	v61 =	vld [tilespmem:$0xC060];
	[tilespmem:$0xBFF0] =	vst v2;
	v2 =	vmul.f32 v55, v57  }
0x1de: {  	v62 =	vld [tilespmem:$0xC070];
	[tilespmem:$0xC000] =	vst v3;
	v3 =	vmul.f32 v56, v57  }
0x1df: {  	v63 =	vld [tilespmem:$0xC080];
	[tilespmem:$0xC010] =	vst v2;
	v2 =	vmul.f32 v58, v57  }
0x1e0: {  	v12 =	vld [tilespmem:$0xC090];
	[tilespmem:$0xC020] =	vst v3;
	v3 =	vmul.f32 v59, v57  }
0x1e1: {  	v13 =	vld [tilespmem:$0xC0A0];
	[tilespmem:$0xC030] =	vst v2;
	v2 =	vmul.f32 v60, v57  }
0x1e2: {  	v14 =	vbroadcast v1, $0xA;
	v15 =	vld [tilespmem:$0xC0B0];
	[tilespmem:$0xC040] =	vst v3;
	v3 =	vmul.f32 v61, v57  }
0x1e3: {  	v16 =	vld [tilespmem:$0xC0C0];
	[tilespmem:$0xC050] =	vst v2;
	v2 =	vmul.f32 v62, v57  }
0x1e4: {  	v17 =	vld [tilespmem:$0xC0D0];
	[tilespmem:$0xC060] =	vst v3;
	v3 =	vmul.f32 v63, v14  }
0x1e5: {  	v18 =	vld [tilespmem:$0xC0E0];
	[tilespmem:$0xC070] =	vst v2;
	v2 =	vmul.f32 v12, v14  }
0x1e6: {  	v19 =	vld [tilespmem:$0xC0F0];
	[tilespmem:$0xC080] =	vst v3;
	v3 =	vmul.f32 v13, v14  }
0x1e7: {  	v20 =	vld [tilespmem:$0xC100];
	[tilespmem:$0xC090] =	vst v2;
	v2 =	vmul.f32 v15, v14  }
0x1e8: {  	v21 =	vld [tilespmem:$0xC110];
	[tilespmem:$0xC0A0] =	vst v3;
	v3 =	vmul.f32 v16, v14  }
0x1e9: {  	v22 =	vld [tilespmem:$0xC120];
	[tilespmem:$0xC0B0] =	vst v2;
	v2 =	vmul.f32 v17, v14  }
0x1ea: {  	v23 =	vbroadcast v1, $0xB;
	v24 =	vld [tilespmem:$0xC130];
	[tilespmem:$0xC0C0] =	vst v3;
	v3 =	vmul.f32 v18, v14  }
0x1eb: {  	v25 =	vld [tilespmem:$0xC140];
	[tilespmem:$0xC0D0] =	vst v2;
	v2 =	vmul.f32 v19, v14  }
0x1ec: {  	v26 =	vld [tilespmem:$0xC150];
	[tilespmem:$0xC0E0] =	vst v3;
	v3 =	vmul.f32 v20, v23  }
0x1ed: {  	v27 =	vld [tilespmem:$0xC160];
	[tilespmem:$0xC0F0] =	vst v2;
	v2 =	vmul.f32 v21, v23  }
0x1ee: {  	v28 =	vld [tilespmem:$0xC170];
	[tilespmem:$0xC100] =	vst v3;
	v3 =	vmul.f32 v22, v23  }
0x1ef: {  	v29 =	vld [tilespmem:$0xC180];
	[tilespmem:$0xC110] =	vst v2;
	v2 =	vmul.f32 v24, v23  }
0x1f0: {  	v30 =	vld [tilespmem:$0xC190];
	[tilespmem:$0xC120] =	vst v3;
	v3 =	vmul.f32 v25, v23  }
0x1f1: {  	v31 =	vld [tilespmem:$0xC1A0];
	[tilespmem:$0xC130] =	vst v2;
	v2 =	vmul.f32 v26, v23  }
0x1f2: {  	v32 =	vbroadcast v1, $0xC;
	v33 =	vld [tilespmem:$0xC1B0];
	[tilespmem:$0xC140] =	vst v3;
	v3 =	vmul.f32 v27, v23  }
0x1f3: {  	v34 =	vld [tilespmem:$0xC1C0];
	[tilespmem:$0xC150] =	vst v2;
	v2 =	vmul.f32 v28, v23  }
0x1f4: {  	v35 =	vld [tilespmem:$0xC1D0];
	[tilespmem:$0xC160] =	vst v3;
	v3 =	vmul.f32 v29, v32  }
0x1f5: {  	v36 =	vld [tilespmem:$0xC1E0];
	[tilespmem:$0xC170] =	vst v2;
	v2 =	vmul.f32 v30, v32  }
0x1f6: {  	v37 =	vld [tilespmem:$0xC1F0];
	[tilespmem:$0xC180] =	vst v3;
	v3 =	vmul.f32 v31, v32  }
0x1f7: {  	v38 =	vld [tilespmem:$0xC200];
	[tilespmem:$0xC190] =	vst v2;
	v2 =	vmul.f32 v33, v32  }
0x1f8: {  	v39 =	vld [tilespmem:$0xC210];
	[tilespmem:$0xC1A0] =	vst v3;
	v3 =	vmul.f32 v34, v32  }
0x1f9: {  	v40 =	vld [tilespmem:$0xC220];
	[tilespmem:$0xC1B0] =	vst v2;
	v2 =	vmul.f32 v35, v32  }
0x1fa: {  	v41 =	vbroadcast v1, $0xD;
	v42 =	vld [tilespmem:$0xC230];
	[tilespmem:$0xC1C0] =	vst v3;
	v3 =	vmul.f32 v36, v32  }
0x1fb: {  	v43 =	vld [tilespmem:$0xC240];
	[tilespmem:$0xC1D0] =	vst v2;
	v2 =	vmul.f32 v37, v32  }
0x1fc: {  	v44 =	vld [tilespmem:$0xC250];
	[tilespmem:$0xC1E0] =	vst v3;
	v3 =	vmul.f32 v38, v41  }
0x1fd: {  	v45 =	vld [tilespmem:$0xC260];
	[tilespmem:$0xC1F0] =	vst v2;
	v2 =	vmul.f32 v39, v41  }
0x1fe: {  	v46 =	vld [tilespmem:$0xC270];
	[tilespmem:$0xC200] =	vst v3;
	v3 =	vmul.f32 v40, v41  }
0x1ff: {  	v47 =	vld [tilespmem:$0xC280];
	[tilespmem:$0xC210] =	vst v2;
	v2 =	vmul.f32 v42, v41  }
0x200: {  	v48 =	vld [tilespmem:$0xC290];
	[tilespmem:$0xC220] =	vst v3;
	v3 =	vmul.f32 v43, v41  }
0x201: {  	v49 =	vld [tilespmem:$0xC2A0];
	[tilespmem:$0xC230] =	vst v2;
	v2 =	vmul.f32 v44, v41  }
0x202: {  	v50 =	vbroadcast v1, $0xE;
	v51 =	vld [tilespmem:$0xC2B0];
	[tilespmem:$0xC240] =	vst v3;
	v3 =	vmul.f32 v45, v41  }
0x203: {  	v52 =	vld [tilespmem:$0xC2C0];
	[tilespmem:$0xC250] =	vst v2;
	v2 =	vmul.f32 v46, v41  }
0x204: {  	v53 =	vld [tilespmem:$0xC2D0];
	[tilespmem:$0xC260] =	vst v3;
	v3 =	vmul.f32 v47, v50  }
0x205: {  	v54 =	vld [tilespmem:$0xC2E0];
	[tilespmem:$0xC270] =	vst v2;
	v2 =	vmul.f32 v48, v50  }
0x206: {  	v55 =	vld [tilespmem:$0xC2F0];
	[tilespmem:$0xC280] =	vst v3;
	v3 =	vmul.f32 v49, v50  }
0x207: {  	v56 =	vld [tilespmem:$0xC300];
	[tilespmem:$0xC290] =	vst v2;
	v2 =	vmul.f32 v51, v50  }
0x208: {  	v57 =	vld [tilespmem:$0xC310];
	[tilespmem:$0xC2A0] =	vst v3;
	v3 =	vmul.f32 v52, v50  }
0x209: {  	v58 =	vld [tilespmem:$0xC320];
	[tilespmem:$0xC2B0] =	vst v2;
	v2 =	vmul.f32 v53, v50  }
0x20a: {  	v1 =	vbroadcast v1, $0xF;
	v59 =	vld [tilespmem:$0xC330];
	[tilespmem:$0xC2C0] =	vst v3;
	v3 =	vmul.f32 v54, v50  }
0x20b: {  	v60 =	vld [tilespmem:$0xC340];
	[tilespmem:$0xC2D0] =	vst v2;
	v2 =	vmul.f32 v55, v50  }
0x20c: {  	v61 =	vld [tilespmem:$0xC350];
	[tilespmem:$0xC2E0] =	vst v3;
	v3 =	vmul.f32 v56, v1  }
0x20d: {  	v62 =	vld [tilespmem:$0xC360];
	[tilespmem:$0xC2F0] =	vst v2;
	v2 =	vmul.f32 v57, v1  }
0x20e: {  	v63 =	vld [tilespmem:$0xC370];
	[tilespmem:$0xC300] =	vst v3;
	v3 =	vmul.f32 v58, v1  }
0x20f: {  	[tilespmem:$0xC310] =	vst v2;
	v2 =	vmul.f32 v59, v1  }
0x210: {  	[tilespmem:$0xC320] =	vst v3;
	v3 =	vmul.f32 v60, v1  }
0x211: {  	[tilespmem:$0xC330] =	vst v2;
	v2 =	vmul.f32 v61, v1  }
0x212: {  	[tilespmem:$0xC340] =	vst v3;
	v3 =	vmul.f32 v62, v1  }
0x213: {  	[tilespmem:$0xC350] =	vst v2;
	v1 =	vmul.f32 v63, v1  }
0x214: {  	[tilespmem:$0xC360] =	vst v3  }
0x215: {  	s7 =	simm.s32 $0xC480;
	[tilespmem:$0xC370] =	vst v1  }
0x216: {  	[spmem:s3] =	stream.indirect.scatter.add.f32 [tilespmem:s31], [sflag:$0x4], $0x80, s7, s29, $0xb8;
	[tilespmem:$0x1FD80] =	vst v63  }
0x217: {  	_ =	swait.ge [sflag:s17], $0x4000  }
0x218: {  	[sflag:s17] =	ssyncset.done $0x0  }
0x219: {  	[sflag:s17] =	ssyncadd.s32 $0xFFFFC000  }
0x21a: {  	_ =	swait.ge [sflag:s26], $0x800  }
0x21b: {  	s8 =	stileid.u32;
	[sflag:s26] =	ssyncset.done $0x0  }
0x21c: {  	s1 =	sshll.u32 s8, $0x6;
	[sflag:s26] =	ssyncadd.s32 $0xFFFFF800  }
0x21d: {  	s2 =	sshrl.u32 s5, $0x3;
	s1 =	sor.u32 $0x1C06, s1;
	[bflag:$0x0] =	sbarrier.arrive $0xFFFF  }
0x21e: {  	[hbm:s11], [sflag:s1] =	dma.local [spmem:s2], $0x2700  }
0x21f: {  	_ =	swait.ge [sflag:s19], $0x2700  }
0x220: {  	s30 =	sadd.s32 $0x1, s30;
	[sflag:s19] =	ssyncset.done $0x0  }
0x221: {  	p1 =	sne.s32 s30, s13;
	s2 =	sshrl.u32 @!p0 s9, $0x3;
	[sflag:s19] =	ssyncadd.s32 $0xFFFFD900  }
0x222: {  	[hbm:s12], [sflag:s1] =	dma.local @!p0 [spmem:s2], $0x100  }
.Ltmp4:
0x223: {  	_ = 	snop;
	(pc) =	sbr.rel @p1 .LBB2_1-.Ltmp4, $4  }
0x224: {  	s1 =	simm.s32 @!p0 $0x6  }
0x225: {  	_ =	swait.ge @!p0 [sflag:s1], $0x100  }
0x226: {  	[sflag:s1] =	ssyncset.done @!p0 $0x0  }
0x227: {  	[sflag:s1] =	ssyncadd.s32 @!p0 $0xFFFFFF00  }
0x228: {  	_ =	sfence.sel $0x180000  }
0x229: {  	[bflag:$0x0] =	sbarrier.arrive $0xFFFF  }
0x22a: {  	_ =	strace $0x90000047  }
0x22b: {  	s0 =	stileid.u32;
	[bflag:$0x2] =	sbarrier.arrive $0xFFFF  }
0x22c: {  	p0 =	sne.s32 s0, $0x0;
	s0 =	rddreg [dreg:$0x4]  }
0x22d: {  	s0 =	sadd.s32 @!p0 $0x100000, s0  }
0x22e: {  	[sflag:s0] =	ssyncadd.tile.s32 @!p0 $0x1;
	_ =	shalt  }
.Lfunc_end2:
_tile_overlayer_lowered:
.L_overlay_start_2:
0x22f: {  	(tag) =	ssettag $0x2  }
0x230: {  	s0 =	rddreg [dreg:$0x0];
	s2 =	stileid.u32  }
0x231: {  	s1 =	rddreg [dreg:$0x1];
	p0 =	sne.s32 s2, $0x0  }
0x232: {  	s3 =	rddreg [dreg:$0x2];
	[bflag:$0x3] =	sbarrier.arrive $0xFFFF;
	s2 =	simm.s32 @!p0 $0x1C06  }
0x233: {  	[timem:s3], [sflag:s2] =	dma.local @!p0 [hbm:s0], s1  }
0x234: {  	s0 =	simm.s32 @!p0 $0x6  }
0x235: {  	_ =	swait.ge @!p0 [sflag:s0], s1  }
0x236: {  	s1 =	ssub.s32 @!p0 $0x0, s1;
	[sflag:s0] =	ssyncset.done @!p0 $0x0  }
0x237: {  	[sflag:s0] =	ssyncadd.s32 @!p0 s1  }
0x238: {  	[bflag:$0x3] =	sbarrier.arrive $0xFFFF  }
0x239: {  	_ =	shalt  }

</sc_bundles>
